<compile_context>
chip_gen: v7x
topology: tpu7x:2x2x1
jax: 0.10.2.dev20260603
libtpu: 0.0.44.dev20260713+nightly
codegen_flags: <defaults>
</compile_context>

<pallas_src>
import jax
import jax.numpy as jnp
from jax import lax
from jax.experimental import pallas as pl
from jax.experimental.pallas import tpu as pltpu
from jax.experimental.pallas import tpu_sc as plsc

N_NODES = 10000
N_EDGES = 320000
D = 128
L = 16
NC = 2
NS = 16
NW = NC * NS
PER_W = N_EDGES // NW
C_E = 64
R = 2 * C_E
NCHUNK = 160
PER_W_PAD = NCHUNK * C_E
NBUF = 4


def _lane_take(x, idx):
    dnums = lax.GatherDimensionNumbers(
        offset_dims=(), collapsed_slice_dims=(0,), start_index_map=(0,))
    return lax.gather(x, idx[:, None], dnums, slice_sizes=(1,),
                      mode=lax.GatherScatterMode.PROMISE_IN_BOUNDS)


def _body(h_hbm, ei_hbm, out_hbm, idx, w0, w1, w2, w3, outall,
          s0, s1, s2, s3):
    wid = lax.axis_index("s") * NC + lax.axis_index("c")
    lane = lax.iota(jnp.int32, L)
    perms = [lane ^ sh for sh in (1, 2, 4, 8)]
    masks = [(lane & sh) == 0 for sh in (1, 2, 4, 8)]
    sems = (s0, s1, s2, s3)
    wrows = (w0, w1, w2, w3)

    def hsum16(ps):
        for li in range(4):
            perm, mask = perms[li], masks[li]
            ps = [(jnp.where(mask, a, _lane_take(b, perm))
                   + jnp.where(mask, _lane_take(a, perm), b))
                  for a, b in zip(ps[0::2], ps[1::2])]
        return ps[0]

    pltpu.sync_copy(ei_hbm.at[wid], idx)
    for b in range(NBUF):
        pltpu.async_copy(h_hbm.at[idx.at[b]], wrows[b], sems[b])

    def make_group(b, c):
        def group_body(t, carry):
            ps = []
            for e in range(L):
                rowu = t * 32 + 2 * e
                p = jnp.zeros((L,), jnp.float32)
                for k in range(D // 32):
                    ub = wrows[b][rowu, pl.ds(k * 32, 32)]
                    vb = wrows[b][rowu + 1, pl.ds(k * 32, 32)]
                    pb = ub * vb
                    p0, p1 = plsc.unpack(pb, format=plsc.PackFormat.INTERLEAVED)
                    p = p + p0
                    p = p + p1
                ps.append(p)
            res = hsum16(ps)
            outall[pl.ds(c * C_E + t * L, L)] = 1.0 / (1.0 + jnp.exp(-res))
            return carry
        return group_body

    def quad_body(i, carry):
        for b in range(NBUF):
            c = i * NBUF + b
            pltpu.make_async_copy(h_hbm.at[idx.at[c]], wrows[b], sems[b]).wait()
            lax.fori_loop(0, C_E // L, make_group(b, c), 0)

            @pl.when(c + NBUF < NCHUNK)
            def _():
                pltpu.async_copy(h_hbm.at[idx.at[c + NBUF]], wrows[b], sems[b])
        return carry

    lax.fori_loop(0, NCHUNK // NBUF, quad_body, 0)
    pltpu.sync_copy(outall.at[pl.ds(0, PER_W)],
                    out_hbm.at[pl.ds(wid * PER_W, PER_W)])


@jax.jit
def _decode(hb, ei3):
    mesh = plsc.VectorSubcoreMesh(core_axis_name="c", subcore_axis_name="s")
    return pl.kernel(
        _body,
        mesh=mesh,
        compiler_params=pltpu.CompilerParams(
            needs_layout_passes=False, use_tc_tiling_on_sc=False),
        out_type=jax.ShapeDtypeStruct((N_EDGES,), jnp.float32),
        scratch_types=[
            pltpu.VMEM((NCHUNK, R), jnp.int32),
            pltpu.VMEM((R, D), jnp.bfloat16),
            pltpu.VMEM((R, D), jnp.bfloat16),
            pltpu.VMEM((R, D), jnp.bfloat16),
            pltpu.VMEM((R, D), jnp.bfloat16),
            pltpu.VMEM((PER_W_PAD,), jnp.float32),
            pltpu.SemaphoreType.DMA,
            pltpu.SemaphoreType.DMA,
            pltpu.SemaphoreType.DMA,
            pltpu.SemaphoreType.DMA,
        ],
    )(hb, ei3)


def _prep(u, v):
    npad = PER_W_PAD - PER_W
    pad = (jnp.arange(npad, dtype=u.dtype)[None, :]
           + 311 * jnp.arange(NW, dtype=u.dtype)[:, None]) % N_NODES
    uw = jnp.concatenate([u.reshape(NW, PER_W), pad], axis=1)
    vw = jnp.concatenate([v.reshape(NW, PER_W), pad], axis=1)
    return jnp.stack([uw, vw], axis=2).reshape(NW, NCHUNK, R)


def kernel(h, edge_index):
    ei = edge_index.astype(jnp.int32)
    return _decode(h.astype(jnp.bfloat16), _prep(ei[0], ei[1]))

# --- scband reference (transcript-rebuilt; emitter-appended) ---
"""Pipeline reference for scband-link-decoder-17815524343863 (READ-ONLY COPY).

The authoritative reference and input builder live on the scoring server;
editing this copy changes nothing except your own understanding.
"""

import jax, jax.numpy as jnp
import numpy as np

N_NODES = 10000
N_EDGES = 320000
D_FEAT = 128

def setup_inputs(seed: int = 0) -> dict:
    key = jax.random.key(seed)
    k1, k2 = jax.random.split(key)
    h = jax.random.normal(k1, (N_NODES, D_FEAT), dtype=jnp.float32)
    edge_index = jax.random.randint(k2, (2, N_EDGES), 0, N_NODES, dtype=jnp.int64)
    return {"h": h, "edge_index": edge_index}

def reference(h, edge_index):
    # LinkDecoder with method='ip', asymmetric=False, norm=False, activation=sigmoid
    u = edge_index[0]
    v = edge_index[1]
    emb_u = jnp.take(h, u, axis=0)
    emb_v = jnp.take(h, v, axis=0)
    res = jnp.sum(emb_u * emb_v, axis=1, keepdims=True)  # [E, 1]
    res = jax.nn.sigmoid(res)
    return jnp.squeeze(res)

if __name__ == "__main__":
    import jax
    _d = setup_inputs()
    print(jax.jit(kernel)(*tuple(_d.values())))

</pallas_src>

<mosaic_0001>
#map = affine_map<(d0, d1) -> (0, 0)>
#map1 = affine_map<(d0, d1) -> (0, 0, 0)>
#map2 = affine_map<(d0, d1) -> (0)>
module attributes {stable_mosaic.version = 14 : i64} {
  func.func @_body(%arg0: i32, %arg1: i32, %arg2: memref<10000x128xbf16, #tpu.memory_space<hbm>>, %arg3: memref<32x160x128xi32, #tpu.memory_space<hbm>>, %arg4: memref<320000xf32, #tpu.memory_space<hbm>>, %arg5: memref<160x128xi32, #tpu.memory_space<vmem>>, %arg6: memref<128x128xbf16, #tpu.memory_space<vmem>>, %arg7: memref<128x128xbf16, #tpu.memory_space<vmem>>, %arg8: memref<128x128xbf16, #tpu.memory_space<vmem>>, %arg9: memref<128x128xbf16, #tpu.memory_space<vmem>>, %arg10: memref<10240xf32, #tpu.memory_space<vmem>>, %arg11: memref<!tpu.dma_semaphore, #tpu.memory_space<semaphore_mem>>, %arg12: memref<!tpu.dma_semaphore, #tpu.memory_space<semaphore_mem>>, %arg13: memref<!tpu.dma_semaphore, #tpu.memory_space<semaphore_mem>>, %arg14: memref<!tpu.dma_semaphore, #tpu.memory_space<semaphore_mem>>) attributes {dimension_semantics = [#tpu.dimension_semantics<core_parallel>, #tpu.dimension_semantics<subcore_parallel>], iteration_bounds = array<i64: 2, 16>, scalar_prefetch = 0 : i64, scratch_operands = 10 : i64, tpu.core_type = #tpu.core_type<sc_vector_subcore>, window_params = [{transform_indices = #map}, {transform_indices = #map1}, {transform_indices = #map2}]} {
    %mul3A = arith.constant 2 : i32
    %mul3A_0 = arith.muli %arg1, %mul3A : i32
    %add3A = arith.addi %mul3A_0, %arg0 : i32
    %iota3A = tpu.iota {dimensions = array<i32: 0>} : vector<16xi32>
    %xor3A = arith.constant 1 : i32
    %xor3A_1 = vector.broadcast %xor3A : i32 to vector<16xi32>
    %xor3A_2 = arith.xori %iota3A, %xor3A_1 : vector<16xi32>
    %xor3A_3 = arith.constant 2 : i32
    %xor3A_4 = vector.broadcast %xor3A_3 : i32 to vector<16xi32>
    %xor3A_5 = arith.xori %iota3A, %xor3A_4 : vector<16xi32>
    %xor3A_6 = arith.constant 4 : i32
    %xor3A_7 = vector.broadcast %xor3A_6 : i32 to vector<16xi32>
    %xor3A_8 = arith.xori %iota3A, %xor3A_7 : vector<16xi32>
    %xor3A_9 = arith.constant 8 : i32
    %xor3A_10 = vector.broadcast %xor3A_9 : i32 to vector<16xi32>
    %xor3A_11 = arith.xori %iota3A, %xor3A_10 : vector<16xi32>
    %and3A = arith.constant 1 : i32
    %and3A_12 = vector.broadcast %and3A : i32 to vector<16xi32>
    %and3A_13 = arith.andi %iota3A, %and3A_12 : vector<16xi32>
    %eq3A = arith.constant 0 : i32
    %eq3A_14 = vector.broadcast %eq3A : i32 to vector<16xi32>
    %eq3A_15 = arith.cmpi eq, %and3A_13, %eq3A_14 : vector<16xi32>
    %and3A_16 = arith.constant 2 : i32
    %and3A_17 = vector.broadcast %and3A_16 : i32 to vector<16xi32>
    %and3A_18 = arith.andi %iota3A, %and3A_17 : vector<16xi32>
    %eq3A_19 = arith.constant 0 : i32
    %eq3A_20 = vector.broadcast %eq3A_19 : i32 to vector<16xi32>
    %eq3A_21 = arith.cmpi eq, %and3A_18, %eq3A_20 : vector<16xi32>
    %and3A_22 = arith.constant 4 : i32
    %and3A_23 = vector.broadcast %and3A_22 : i32 to vector<16xi32>
    %and3A_24 = arith.andi %iota3A, %and3A_23 : vector<16xi32>
    %eq3A_25 = arith.constant 0 : i32
    %eq3A_26 = vector.broadcast %eq3A_25 : i32 to vector<16xi32>
    %eq3A_27 = arith.cmpi eq, %and3A_24, %eq3A_26 : vector<16xi32>
    %and3A_28 = arith.constant 8 : i32
    %and3A_29 = vector.broadcast %and3A_28 : i32 to vector<16xi32>
    %and3A_30 = arith.andi %iota3A, %and3A_29 : vector<16xi32>
    %eq3A_31 = arith.constant 0 : i32
    %eq3A_32 = vector.broadcast %eq3A_31 : i32 to vector<16xi32>
    %eq3A_33 = arith.cmpi eq, %and3A_30, %eq3A_32 : vector<16xi32>
    "tpu.region"() ({
      %run_scoped3A = tpu.sem_alloc : memref<!tpu.dma_semaphore, #tpu.memory_space<semaphore_mem>>
      %dma_start3A_68 = arith.constant 0 : i32
      %dma_start3A_69 = arith.constant 0 : i32
      %dma_start3A_70 = tpu.memref_slice %arg3[%add3A, %dma_start3A_68, %dma_start3A_69] : memref<32x160x128xi32, #tpu.memory_space<hbm>> -> memref<1x160x128xi32, #tpu.memory_space<hbm>>
      %dma_start3A_71 = tpu.memref_squeeze %dma_start3A_70 : memref<1x160x128xi32, #tpu.memory_space<hbm>> -> memref<160x128xi32, #tpu.memory_space<hbm>>
      %dma_start3A_72 = arith.constant 0 : i32
      %dma_start3A_73 = arith.constant 0 : i32
      %dma_start3A_74 = tpu.memref_slice %arg3[%add3A, %dma_start3A_72, %dma_start3A_73] : memref<32x160x128xi32, #tpu.memory_space<hbm>> -> memref<1x160x128xi32, #tpu.memory_space<hbm>>
      %dma_start3A_75 = tpu.memref_squeeze %dma_start3A_74 : memref<1x160x128xi32, #tpu.memory_space<hbm>> -> memref<160x128xi32, #tpu.memory_space<hbm>>
      tpu.enqueue_dma source(%dma_start3A_75 : memref<160x128xi32, #tpu.memory_space<hbm>>) target(%arg5 : memref<160x128xi32, #tpu.memory_space<vmem>>) target_semaphore(%run_scoped3A : memref<!tpu.dma_semaphore, #tpu.memory_space<semaphore_mem>>)
      %dma_wait3A = arith.constant 0 : i32
      %dma_wait3A_76 = arith.constant 0 : i32
      %dma_wait3A_77 = tpu.memref_slice %arg3[%add3A, %dma_wait3A, %dma_wait3A_76] : memref<32x160x128xi32, #tpu.memory_space<hbm>> -> memref<1x160x128xi32, #tpu.memory_space<hbm>>
      %dma_wait3A_78 = tpu.memref_squeeze %dma_wait3A_77 : memref<1x160x128xi32, #tpu.memory_space<hbm>> -> memref<160x128xi32, #tpu.memory_space<hbm>>
      %dma_wait3A_79 = arith.constant 0 : i32
      %dma_wait3A_80 = arith.constant 0 : i32
      %dma_wait3A_81 = tpu.memref_slice %arg3[%add3A, %dma_wait3A_79, %dma_wait3A_80] : memref<32x160x128xi32, #tpu.memory_space<hbm>> -> memref<1x160x128xi32, #tpu.memory_space<hbm>>
      %dma_wait3A_82 = tpu.memref_squeeze %dma_wait3A_81 : memref<1x160x128xi32, #tpu.memory_space<hbm>> -> memref<160x128xi32, #tpu.memory_space<hbm>>
      tpu.wait_dma2 semaphore(%run_scoped3A : memref<!tpu.dma_semaphore, #tpu.memory_space<semaphore_mem>>) src(%dma_wait3A_82 : memref<160x128xi32, #tpu.memory_space<hbm>>) dst(%arg5 : memref<160x128xi32, #tpu.memory_space<vmem>>)
      tpu.yield
    }) : () -> ()
    %dma_start3A = arith.constant 0 : i32
    %dma_start3A_34 = arith.constant 0 : i32
    %dma_start3A_35 = tpu.memref_slice %arg5[%dma_start3A, %dma_start3A_34] : memref<160x128xi32, #tpu.memory_space<vmem>> -> memref<1x128xi32, #tpu.memory_space<vmem>>
    %dma_start3A_36 = tpu.memref_squeeze %dma_start3A_35 : memref<1x128xi32, #tpu.memory_space<vmem>> -> memref<128xi32, #tpu.memory_space<vmem>>
    %dma_start3A_37 = arith.constant 0 : i32
    %dma_start3A_38 = arith.constant 0 : i32
    %dma_start3A_39 = tpu.memref_slice %arg2[%dma_start3A_37, %dma_start3A_38] : memref<10000x128xbf16, #tpu.memory_space<hbm>> -> memref<10000x128xbf16, #tpu.memory_space<hbm>>
    tpu.enqueue_indirect_dma source(%dma_start3A_39 : memref<10000x128xbf16, #tpu.memory_space<hbm>>) target(%arg6 : memref<128x128xbf16, #tpu.memory_space<vmem>>) offsets(%dma_start3A_36 : memref<128xi32, #tpu.memory_space<vmem>>) semaphore(%arg11 : memref<!tpu.dma_semaphore, #tpu.memory_space<semaphore_mem>>)
    %dma_start3A_40 = arith.constant 1 : i32
    %dma_start3A_41 = arith.constant 0 : i32
    %dma_start3A_42 = tpu.memref_slice %arg5[%dma_start3A_40, %dma_start3A_41] : memref<160x128xi32, #tpu.memory_space<vmem>> -> memref<1x128xi32, #tpu.memory_space<vmem>>
    %dma_start3A_43 = tpu.memref_squeeze %dma_start3A_42 : memref<1x128xi32, #tpu.memory_space<vmem>> -> memref<128xi32, #tpu.memory_space<vmem>>
    %dma_start3A_44 = arith.constant 0 : i32
    %dma_start3A_45 = arith.constant 0 : i32
    %dma_start3A_46 = tpu.memref_slice %arg2[%dma_start3A_44, %dma_start3A_45] : memref<10000x128xbf16, #tpu.memory_space<hbm>> -> memref<10000x128xbf16, #tpu.memory_space<hbm>>
    tpu.enqueue_indirect_dma source(%dma_start3A_46 : memref<10000x128xbf16, #tpu.memory_space<hbm>>) target(%arg7 : memref<128x128xbf16, #tpu.memory_space<vmem>>) offsets(%dma_start3A_43 : memref<128xi32, #tpu.memory_space<vmem>>) semaphore(%arg12 : memref<!tpu.dma_semaphore, #tpu.memory_space<semaphore_mem>>)
    %dma_start3A_47 = arith.constant 2 : i32
    %dma_start3A_48 = arith.constant 0 : i32
    %dma_start3A_49 = tpu.memref_slice %arg5[%dma_start3A_47, %dma_start3A_48] : memref<160x128xi32, #tpu.memory_space<vmem>> -> memref<1x128xi32, #tpu.memory_space<vmem>>
    %dma_start3A_50 = tpu.memref_squeeze %dma_start3A_49 : memref<1x128xi32, #tpu.memory_space<vmem>> -> memref<128xi32, #tpu.memory_space<vmem>>
    %dma_start3A_51 = arith.constant 0 : i32
    %dma_start3A_52 = arith.constant 0 : i32
    %dma_start3A_53 = tpu.memref_slice %arg2[%dma_start3A_51, %dma_start3A_52] : memref<10000x128xbf16, #tpu.memory_space<hbm>> -> memref<10000x128xbf16, #tpu.memory_space<hbm>>
    tpu.enqueue_indirect_dma source(%dma_start3A_53 : memref<10000x128xbf16, #tpu.memory_space<hbm>>) target(%arg8 : memref<128x128xbf16, #tpu.memory_space<vmem>>) offsets(%dma_start3A_50 : memref<128xi32, #tpu.memory_space<vmem>>) semaphore(%arg13 : memref<!tpu.dma_semaphore, #tpu.memory_space<semaphore_mem>>)
    %dma_start3A_54 = arith.constant 3 : i32
    %dma_start3A_55 = arith.constant 0 : i32
    %dma_start3A_56 = tpu.memref_slice %arg5[%dma_start3A_54, %dma_start3A_55] : memref<160x128xi32, #tpu.memory_space<vmem>> -> memref<1x128xi32, #tpu.memory_space<vmem>>
    %dma_start3A_57 = tpu.memref_squeeze %dma_start3A_56 : memref<1x128xi32, #tpu.memory_space<vmem>> -> memref<128xi32, #tpu.memory_space<vmem>>
    %dma_start3A_58 = arith.constant 0 : i32
    %dma_start3A_59 = arith.constant 0 : i32
    %dma_start3A_60 = tpu.memref_slice %arg2[%dma_start3A_58, %dma_start3A_59] : memref<10000x128xbf16, #tpu.memory_space<hbm>> -> memref<10000x128xbf16, #tpu.memory_space<hbm>>
    tpu.enqueue_indirect_dma source(%dma_start3A_60 : memref<10000x128xbf16, #tpu.memory_space<hbm>>) target(%arg9 : memref<128x128xbf16, #tpu.memory_space<vmem>>) offsets(%dma_start3A_57 : memref<128xi32, #tpu.memory_space<vmem>>) semaphore(%arg14 : memref<!tpu.dma_semaphore, #tpu.memory_space<semaphore_mem>>)
    %scan3A = arith.constant 0 : i32
    %scan3A_61 = arith.constant 0 : i32
    %scan3A_62 = arith.constant 40 : i32
    %scan3A_63 = arith.addi %scan3A_61, %scan3A_62 : i32
    %scan3A_64 = arith.constant 1 : i32
    scf.for %scan3A_68 = %scan3A_61 to %scan3A_63 step %scan3A_64  : i32 {
      %mul3A_69 = arith.constant 4 : i32
      %mul3A_70 = arith.muli %scan3A_68, %mul3A_69 : i32
      %add3A_71 = arith.constant 0 : i32
      %add3A_72 = arith.addi %mul3A_70, %add3A_71 : i32
      %dma_wait3A = arith.constant 0 : i32
      %dma_wait3A_73 = tpu.memref_slice %arg5[%add3A_72, %dma_wait3A] : memref<160x128xi32, #tpu.memory_space<vmem>> -> memref<1x128xi32, #tpu.memory_space<vmem>>
      %dma_wait3A_74 = tpu.memref_squeeze %dma_wait3A_73 : memref<1x128xi32, #tpu.memory_space<vmem>> -> memref<128xi32, #tpu.memory_space<vmem>>
      %dma_wait3A_75 = arith.constant 0 : i32
      %dma_wait3A_76 = arith.constant 0 : i32
      %dma_wait3A_77 = tpu.memref_slice %arg2[%dma_wait3A_75, %dma_wait3A_76] : memref<10000x128xbf16, #tpu.memory_space<hbm>> -> memref<10000x128xbf16, #tpu.memory_space<hbm>>
      tpu.wait_indirect_dma semaphore(%arg11 : memref<!tpu.dma_semaphore, #tpu.memory_space<semaphore_mem>>) src(%dma_wait3A_77 : memref<10000x128xbf16, #tpu.memory_space<hbm>>) dst(%arg6 : memref<128x128xbf16, #tpu.memory_space<vmem>>)
      %scan3A_78 = arith.constant 0 : i32
      %scan3A_79 = arith.constant 0 : i32
      %scan3A_80 = arith.constant 4 : i32
      %scan3A_81 = arith.addi %scan3A_79, %scan3A_80 : i32
      %scan3A_82 = arith.constant 1 : i32
      scf.for %scan3A_157 = %scan3A_79 to %scan3A_81 step %scan3A_82  : i32 {
        %mul3A_158 = arith.constant 32 : i32
        %mul3A_159 = arith.muli %scan3A_157, %mul3A_158 : i32
        %add3A_160 = arith.constant 0 : i32
        %add3A_161 = arith.addi %mul3A_159, %add3A_160 : i32
        %broadcast_in_dim3A = arith.constant 0.000000e+00 : f32
        %broadcast_in_dim3A_162 = vector.broadcast %broadcast_in_dim3A : f32 to vector<16xf32>
        %get3A = arith.index_cast %add3A_161 : i32 to index
        %get3A_163 = arith.constant 0 : index
        %get3A_164 = tpu.vector_load %arg6[%get3A, %get3A_163] {strides = array<i32>} : memref<128x128xbf16, #tpu.memory_space<vmem>>, vector<32xbf16>,
        %add3A_165 = arith.constant 1 : i32
        %add3A_166 = arith.addi %add3A_161, %add3A_165 : i32
        %get3A_167 = arith.index_cast %add3A_166 : i32 to index
        %get3A_168 = arith.constant 0 : index
        %get3A_169 = tpu.vector_load %arg6[%get3A_167, %get3A_168] {strides = array<i32>} : memref<128x128xbf16, #tpu.memory_space<vmem>>, vector<32xbf16>,
        %mul3A_170 = arith.mulf %get3A_164, %get3A_169 : vector<32xbf16>
        %unpack3A = tpu.unpack_subelements %mul3A_170, 0 {pack_format = #tpu.pack_format<interleaved>} : vector<32xbf16> -> vector<16xf32>
        %unpack3A_171 = tpu.unpack_subelements %mul3A_170, 1 {pack_format = #tpu.pack_format<interleaved>} : vector<32xbf16> -> vector<16xf32>
        %add3A_172 = arith.addf %broadcast_in_dim3A_162, %unpack3A : vector<16xf32>
        %add3A_173 = arith.addf %add3A_172, %unpack3A_171 : vector<16xf32>
        %get3A_174 = arith.index_cast %add3A_161 : i32 to index
        %get3A_175 = arith.constant 32 : index
        %get3A_176 = tpu.vector_load %arg6[%get3A_174, %get3A_175] {strides = array<i32>} : memref<128x128xbf16, #tpu.memory_space<vmem>>, vector<32xbf16>,
        %add3A_177 = arith.constant 1 : i32
        %add3A_178 = arith.addi %add3A_161, %add3A_177 : i32
        %get3A_179 = arith.index_cast %add3A_178 : i32 to index
        %get3A_180 = arith.constant 32 : index
        %get3A_181 = tpu.vector_load %arg6[%get3A_179, %get3A_180] {strides = array<i32>} : memref<128x128xbf16, #tpu.memory_space<vmem>>, vector<32xbf16>,
        %mul3A_182 = arith.mulf %get3A_176, %get3A_181 : vector<32xbf16>
        %unpack3A_183 = tpu.unpack_subelements %mul3A_182, 0 {pack_format = #tpu.pack_format<interleaved>} : vector<32xbf16> -> vector<16xf32>
        %unpack3A_184 = tpu.unpack_subelements %mul3A_182, 1 {pack_format = #tpu.pack_format<interleaved>} : vector<32xbf16> -> vector<16xf32>
        %add3A_185 = arith.addf %add3A_173, %unpack3A_183 : vector<16xf32>
        %add3A_186 = arith.addf %add3A_185, %unpack3A_184 : vector<16xf32>
        %get3A_187 = arith.index_cast %add3A_161 : i32 to index
        %get3A_188 = arith.constant 64 : index
        %get3A_189 = tpu.vector_load %arg6[%get3A_187, %get3A_188] {strides = array<i32>} : memref<128x128xbf16, #tpu.memory_space<vmem>>, vector<32xbf16>,
        %add3A_190 = arith.constant 1 : i32
        %add3A_191 = arith.addi %add3A_161, %add3A_190 : i32
        %get3A_192 = arith.index_cast %add3A_191 : i32 to index
        %get3A_193 = arith.constant 64 : index
        %get3A_194 = tpu.vector_load %arg6[%get3A_192, %get3A_193] {strides = array<i32>} : memref<128x128xbf16, #tpu.memory_space<vmem>>, vector<32xbf16>,
        %mul3A_195 = arith.mulf %get3A_189, %get3A_194 : vector<32xbf16>
        %unpack3A_196 = tpu.unpack_subelements %mul3A_195, 0 {pack_format = #tpu.pack_format<interleaved>} : vector<32xbf16> -> vector<16xf32>
        %unpack3A_197 = tpu.unpack_subelements %mul3A_195, 1 {pack_format = #tpu.pack_format<interleaved>} : vector<32xbf16> -> vector<16xf32>
        %add3A_198 = arith.addf %add3A_186, %unpack3A_196 : vector<16xf32>
        %add3A_199 = arith.addf %add3A_198, %unpack3A_197 : vector<16xf32>
        %get3A_200 = arith.index_cast %add3A_161 : i32 to index
        %get3A_201 = arith.constant 96 : index
        %get3A_202 = tpu.vector_load %arg6[%get3A_200, %get3A_201] {strides = array<i32>} : memref<128x128xbf16, #tpu.memory_space<vmem>>, vector<32xbf16>,
        %add3A_203 = arith.constant 1 : i32
        %add3A_204 = arith.addi %add3A_161, %add3A_203 : i32
        %get3A_205 = arith.index_cast %add3A_204 : i32 to index
        %get3A_206 = arith.constant 96 : index
        %get3A_207 = tpu.vector_load %arg6[%get3A_205, %get3A_206] {strides = array<i32>} : memref<128x128xbf16, #tpu.memory_space<vmem>>, vector<32xbf16>,
        %mul3A_208 = arith.mulf %get3A_202, %get3A_207 : vector<32xbf16>
        %unpack3A_209 = tpu.unpack_subelements %mul3A_208, 0 {pack_format = #tpu.pack_format<interleaved>} : vector<32xbf16> -> vector<16xf32>
        %unpack3A_210 = tpu.unpack_subelements %mul3A_208, 1 {pack_format = #tpu.pack_format<interleaved>} : vector<32xbf16> -> vector<16xf32>
        %add3A_211 = arith.addf %add3A_199, %unpack3A_209 : vector<16xf32>
        %add3A_212 = arith.addf %add3A_211, %unpack3A_210 : vector<16xf32>
        %mul3A_213 = arith.constant 32 : i32
        %mul3A_214 = arith.muli %scan3A_157, %mul3A_213 : i32
        %add3A_215 = arith.constant 2 : i32
        %add3A_216 = arith.addi %mul3A_214, %add3A_215 : i32
        %broadcast_in_dim3A_217 = arith.constant 0.000000e+00 : f32
        %broadcast_in_dim3A_218 = vector.broadcast %broadcast_in_dim3A_217 : f32 to vector<16xf32>
        %get3A_219 = arith.index_cast %add3A_216 : i32 to index
        %get3A_220 = arith.constant 0 : index
        %get3A_221 = tpu.vector_load %arg6[%get3A_219, %get3A_220] {strides = array<i32>} : memref<128x128xbf16, #tpu.memory_space<vmem>>, vector<32xbf16>,
        %add3A_222 = arith.constant 1 : i32
        %add3A_223 = arith.addi %add3A_216, %add3A_222 : i32
        %get3A_224 = arith.index_cast %add3A_223 : i32 to index
        %get3A_225 = arith.constant 0 : index
        %get3A_226 = tpu.vector_load %arg6[%get3A_224, %get3A_225] {strides = array<i32>} : memref<128x128xbf16, #tpu.memory_space<vmem>>, vector<32xbf16>,
        %mul3A_227 = arith.mulf %get3A_221, %get3A_226 : vector<32xbf16>
        %unpack3A_228 = tpu.unpack_subelements %mul3A_227, 0 {pack_format = #tpu.pack_format<interleaved>} : vector<32xbf16> -> vector<16xf32>
        %unpack3A_229 = tpu.unpack_subelements %mul3A_227, 1 {pack_format = #tpu.pack_format<interleaved>} : vector<32xbf16> -> vector<16xf32>
        %add3A_230 = arith.addf %broadcast_in_dim3A_218, %unpack3A_228 : vector<16xf32>
        %add3A_231 = arith.addf %add3A_230, %unpack3A_229 : vector<16xf32>
        %get3A_232 = arith.index_cast %add3A_216 : i32 to index
        %get3A_233 = arith.constant 32 : index
        %get3A_234 = tpu.vector_load %arg6[%get3A_232, %get3A_233] {strides = array<i32>} : memref<128x128xbf16, #tpu.memory_space<vmem>>, vector<32xbf16>,
        %add3A_235 = arith.constant 1 : i32
        %add3A_236 = arith.addi %add3A_216, %add3A_235 : i32
        %get3A_237 = arith.index_cast %add3A_236 : i32 to index
        %get3A_238 = arith.constant 32 : index
        %get3A_239 = tpu.vector_load %arg6[%get3A_237, %get3A_238] {strides = array<i32>} : memref<128x128xbf16, #tpu.memory_space<vmem>>, vector<32xbf16>,
        %mul3A_240 = arith.mulf %get3A_234, %get3A_239 : vector<32xbf16>
        %unpack3A_241 = tpu.unpack_subelements %mul3A_240, 0 {pack_format = #tpu.pack_format<interleaved>} : vector<32xbf16> -> vector<16xf32>
        %unpack3A_242 = tpu.unpack_subelements %mul3A_240, 1 {pack_format = #tpu.pack_format<interleaved>} : vector<32xbf16> -> vector<16xf32>
        %add3A_243 = arith.addf %add3A_231, %unpack3A_241 : vector<16xf32>
        %add3A_244 = arith.addf %add3A_243, %unpack3A_242 : vector<16xf32>
        %get3A_245 = arith.index_cast %add3A_216 : i32 to index
        %get3A_246 = arith.constant 64 : index
        %get3A_247 = tpu.vector_load %arg6[%get3A_245, %get3A_246] {strides = array<i32>} : memref<128x128xbf16, #tpu.memory_space<vmem>>, vector<32xbf16>,
        %add3A_248 = arith.constant 1 : i32
        %add3A_249 = arith.addi %add3A_216, %add3A_248 : i32
        %get3A_250 = arith.index_cast %add3A_249 : i32 to index
        %get3A_251 = arith.constant 64 : index
        %get3A_252 = tpu.vector_load %arg6[%get3A_250, %get3A_251] {strides = array<i32>} : memref<128x128xbf16, #tpu.memory_space<vmem>>, vector<32xbf16>,
        %mul3A_253 = arith.mulf %get3A_247, %get3A_252 : vector<32xbf16>
        %unpack3A_254 = tpu.unpack_subelements %mul3A_253, 0 {pack_format = #tpu.pack_format<interleaved>} : vector<32xbf16> -> vector<16xf32>
        %unpack3A_255 = tpu.unpack_subelements %mul3A_253, 1 {pack_format = #tpu.pack_format<interleaved>} : vector<32xbf16> -> vector<16xf32>
        %add3A_256 = arith.addf %add3A_244, %unpack3A_254 : vector<16xf32>
        %add3A_257 = arith.addf %add3A_256, %unpack3A_255 : vector<16xf32>
        %get3A_258 = arith.index_cast %add3A_216 : i32 to index
        %get3A_259 = arith.constant 96 : index
        %get3A_260 = tpu.vector_load %arg6[%get3A_258, %get3A_259] {strides = array<i32>} : memref<128x128xbf16, #tpu.memory_space<vmem>>, vector<32xbf16>,
        %add3A_261 = arith.constant 1 : i32
        %add3A_262 = arith.addi %add3A_216, %add3A_261 : i32
        %get3A_263 = arith.index_cast %add3A_262 : i32 to index
        %get3A_264 = arith.constant 96 : index
        %get3A_265 = tpu.vector_load %arg6[%get3A_263, %get3A_264] {strides = array<i32>} : memref<128x128xbf16, #tpu.memory_space<vmem>>, vector<32xbf16>,
        %mul3A_266 = arith.mulf %get3A_260, %get3A_265 : vector<32xbf16>
        %unpack3A_267 = tpu.unpack_subelements %mul3A_266, 0 {pack_format = #tpu.pack_format<interleaved>} : vector<32xbf16> -> vector<16xf32>
        %unpack3A_268 = tpu.unpack_subelements %mul3A_266, 1 {pack_format = #tpu.pack_format<interleaved>} : vector<32xbf16> -> vector<16xf32>
        %add3A_269 = arith.addf %add3A_257, %unpack3A_267 : vector<16xf32>
        %add3A_270 = arith.addf %add3A_269, %unpack3A_268 : vector<16xf32>
        %mul3A_271 = arith.constant 32 : i32
        %mul3A_272 = arith.muli %scan3A_157, %mul3A_271 : i32
        %add3A_273 = arith.constant 4 : i32
        %add3A_274 = arith.addi %mul3A_272, %add3A_273 : i32
        %broadcast_in_dim3A_275 = arith.constant 0.000000e+00 : f32
        %broadcast_in_dim3A_276 = vector.broadcast %broadcast_in_dim3A_275 : f32 to vector<16xf32>
        %get3A_277 = arith.index_cast %add3A_274 : i32 to index
        %get3A_278 = arith.constant 0 : index
        %get3A_279 = tpu.vector_load %arg6[%get3A_277, %get3A_278] {strides = array<i32>} : memref<128x128xbf16, #tpu.memory_space<vmem>>, vector<32xbf16>,
        %add3A_280 = arith.constant 1 : i32
        %add3A_281 = arith.addi %add3A_274, %add3A_280 : i32
        %get3A_282 = arith.index_cast %add3A_281 : i32 to index
        %get3A_283 = arith.constant 0 : index
        %get3A_284 = tpu.vector_load %arg6[%get3A_282, %get3A_283] {strides = array<i32>} : memref<128x128xbf16, #tpu.memory_space<vmem>>, vector<32xbf16>,
        %mul3A_285 = arith.mulf %get3A_279, %get3A_284 : vector<32xbf16>
        %unpack3A_286 = tpu.unpack_subelements %mul3A_285, 0 {pack_format = #tpu.pack_format<interleaved>} : vector<32xbf16> -> vector<16xf32>
        %unpack3A_287 = tpu.unpack_subelements %mul3A_285, 1 {pack_format = #tpu.pack_format<interleaved>} : vector<32xbf16> -> vector<16xf32>
        %add3A_288 = arith.addf %broadcast_in_dim3A_276, %unpack3A_286 : vector<16xf32>
        %add3A_289 = arith.addf %add3A_288, %unpack3A_287 : vector<16xf32>
        %get3A_290 = arith.index_cast %add3A_274 : i32 to index
        %get3A_291 = arith.constant 32 : index
        %get3A_292 = tpu.vector_load %arg6[%get3A_290, %get3A_291] {strides = array<i32>} : memref<128x128xbf16, #tpu.memory_space<vmem>>, vector<32xbf16>,
        %add3A_293 = arith.constant 1 : i32
        %add3A_294 = arith.addi %add3A_274, %add3A_293 : i32
        %get3A_295 = arith.index_cast %add3A_294 : i32 to index
        %get3A_296 = arith.constant 32 : index
        %get3A_297 = tpu.vector_load %arg6[%get3A_295, %get3A_296] {strides = array<i32>} : memref<128x128xbf16, #tpu.memory_space<vmem>>, vector<32xbf16>,
        %mul3A_298 = arith.mulf %get3A_292, %get3A_297 : vector<32xbf16>
        %unpack3A_299 = tpu.unpack_subelements %mul3A_298, 0 {pack_format = #tpu.pack_format<interleaved>} : vector<32xbf16> -> vector<16xf32>
        %unpack3A_300 = tpu.unpack_subelements %mul3A_298, 1 {pack_format = #tpu.pack_format<interleaved>} : vector<32xbf16> -> vector<16xf32>
        %add3A_301 = arith.addf %add3A_289, %unpack3A_299 : vector<16xf32>
        %add3A_302 = arith.addf %add3A_301, %unpack3A_300 : vector<16xf32>
        %get3A_303 = arith.index_cast %add3A_274 : i32 to index
        %get3A_304 = arith.constant 64 : index
        %get3A_305 = tpu.vector_load %arg6[%get3A_303, %get3A_304] {strides = array<i32>} : memref<128x128xbf16, #tpu.memory_space<vmem>>, vector<32xbf16>,
        %add3A_306 = arith.constant 1 : i32
        %add3A_307 = arith.addi %add3A_274, %add3A_306 : i32
        %get3A_308 = arith.index_cast %add3A_307 : i32 to index
        %get3A_309 = arith.constant 64 : index
        %get3A_310 = tpu.vector_load %arg6[%get3A_308, %get3A_309] {strides = array<i32>} : memref<128x128xbf16, #tpu.memory_space<vmem>>, vector<32xbf16>,
        %mul3A_311 = arith.mulf %get3A_305, %get3A_310 : vector<32xbf16>
        %unpack3A_312 = tpu.unpack_subelements %mul3A_311, 0 {pack_format = #tpu.pack_format<interleaved>} : vector<32xbf16> -> vector<16xf32>
        %unpack3A_313 = tpu.unpack_subelements %mul3A_311, 1 {pack_format = #tpu.pack_format<interleaved>} : vector<32xbf16> -> vector<16xf32>
        %add3A_314 = arith.addf %add3A_302, %unpack3A_312 : vector<16xf32>
        %add3A_315 = arith.addf %add3A_314, %unpack3A_313 : vector<16xf32>
        %get3A_316 = arith.index_cast %add3A_274 : i32 to index
        %get3A_317 = arith.constant 96 : index
        %get3A_318 = tpu.vector_load %arg6[%get3A_316, %get3A_317] {strides = array<i32>} : memref<128x128xbf16, #tpu.memory_space<vmem>>, vector<32xbf16>,
        %add3A_319 = arith.constant 1 : i32
        %add3A_320 = arith.addi %add3A_274, %add3A_319 : i32
        %get3A_321 = arith.index_cast %add3A_320 : i32 to index
        %get3A_322 = arith.constant 96 : index
        %get3A_323 = tpu.vector_load %arg6[%get3A_321, %get3A_322] {strides = array<i32>} : memref<128x128xbf16, #tpu.memory_space<vmem>>, vector<32xbf16>,
        %mul3A_324 = arith.mulf %get3A_318, %get3A_323 : vector<32xbf16>
        %unpack3A_325 = tpu.unpack_subelements %mul3A_324, 0 {pack_format = #tpu.pack_format<interleaved>} : vector<32xbf16> -> vector<16xf32>
        %unpack3A_326 = tpu.unpack_subelements %mul3A_324, 1 {pack_format = #tpu.pack_format<interleaved>} : vector<32xbf16> -> vector<16xf32>
        %add3A_327 = arith.addf %add3A_315, %unpack3A_325 : vector<16xf32>
        %add3A_328 = arith.addf %add3A_327, %unpack3A_326 : vector<16xf32>
        %mul3A_329 = arith.constant 32 : i32
        %mul3A_330 = arith.muli %scan3A_157, %mul3A_329 : i32
        %add3A_331 = arith.constant 6 : i32
        %add3A_332 = arith.addi %mul3A_330, %add3A_331 : i32
        %broadcast_in_dim3A_333 = arith.constant 0.000000e+00 : f32
        %broadcast_in_dim3A_334 = vector.broadcast %broadcast_in_dim3A_333 : f32 to vector<16xf32>
        %get3A_335 = arith.index_cast %add3A_332 : i32 to index
        %get3A_336 = arith.constant 0 : index
        %get3A_337 = tpu.vector_load %arg6[%get3A_335, %get3A_336] {strides = array<i32>} : memref<128x128xbf16, #tpu.memory_space<vmem>>, vector<32xbf16>,
        %add3A_338 = arith.constant 1 : i32
        %add3A_339 = arith.addi %add3A_332, %add3A_338 : i32
        %get3A_340 = arith.index_cast %add3A_339 : i32 to index
        %get3A_341 = arith.constant 0 : index
        %get3A_342 = tpu.vector_load %arg6[%get3A_340, %get3A_341] {strides = array<i32>} : memref<128x128xbf16, #tpu.memory_space<vmem>>, vector<32xbf16>,
        %mul3A_343 = arith.mulf %get3A_337, %get3A_342 : vector<32xbf16>
        %unpack3A_344 = tpu.unpack_subelements %mul3A_343, 0 {pack_format = #tpu.pack_format<interleaved>} : vector<32xbf16> -> vector<16xf32>
        %unpack3A_345 = tpu.unpack_subelements %mul3A_343, 1 {pack_format = #tpu.pack_format<interleaved>} : vector<32xbf16> -> vector<16xf32>
        %add3A_346 = arith.addf %broadcast_in_dim3A_334, %unpack3A_344 : vector<16xf32>
        %add3A_347 = arith.addf %add3A_346, %unpack3A_345 : vector<16xf32>
        %get3A_348 = arith.index_cast %add3A_332 : i32 to index
        %get3A_349 = arith.constant 32 : index
        %get3A_350 = tpu.vector_load %arg6[%get3A_348, %get3A_349] {strides = array<i32>} : memref<128x128xbf16, #tpu.memory_space<vmem>>, vector<32xbf16>,
        %add3A_351 = arith.constant 1 : i32
        %add3A_352 = arith.addi %add3A_332, %add3A_351 : i32
        %get3A_353 = arith.index_cast %add3A_352 : i32 to index
        %get3A_354 = arith.constant 32 : index
        %get3A_355 = tpu.vector_load %arg6[%get3A_353, %get3A_354] {strides = array<i32>} : memref<128x128xbf16, #tpu.memory_space<vmem>>, vector<32xbf16>,
        %mul3A_356 = arith.mulf %get3A_350, %get3A_355 : vector<32xbf16>
        %unpack3A_357 = tpu.unpack_subelements %mul3A_356, 0 {pack_format = #tpu.pack_format<interleaved>} : vector<32xbf16> -> vector<16xf32>
        %unpack3A_358 = tpu.unpack_subelements %mul3A_356, 1 {pack_format = #tpu.pack_format<interleaved>} : vector<32xbf16> -> vector<16xf32>
        %add3A_359 = arith.addf %add3A_347, %unpack3A_357 : vector<16xf32>
        %add3A_360 = arith.addf %add3A_359, %unpack3A_358 : vector<16xf32>
        %get3A_361 = arith.index_cast %add3A_332 : i32 to index
        %get3A_362 = arith.constant 64 : index
        %get3A_363 = tpu.vector_load %arg6[%get3A_361, %get3A_362] {strides = array<i32>} : memref<128x128xbf16, #tpu.memory_space<vmem>>, vector<32xbf16>,
        %add3A_364 = arith.constant 1 : i32
        %add3A_365 = arith.addi %add3A_332, %add3A_364 : i32
        %get3A_366 = arith.index_cast %add3A_365 : i32 to index
        %get3A_367 = arith.constant 64 : index
        %get3A_368 = tpu.vector_load %arg6[%get3A_366, %get3A_367] {strides = array<i32>} : memref<128x128xbf16, #tpu.memory_space<vmem>>, vector<32xbf16>,
        %mul3A_369 = arith.mulf %get3A_363, %get3A_368 : vector<32xbf16>
        %unpack3A_370 = tpu.unpack_subelements %mul3A_369, 0 {pack_format = #tpu.pack_format<interleaved>} : vector<32xbf16> -> vector<16xf32>
        %unpack3A_371 = tpu.unpack_subelements %mul3A_369, 1 {pack_format = #tpu.pack_format<interleaved>} : vector<32xbf16> -> vector<16xf32>
        %add3A_372 = arith.addf %add3A_360, %unpack3A_370 : vector<16xf32>
        %add3A_373 = arith.addf %add3A_372, %unpack3A_371 : vector<16xf32>
        %get3A_374 = arith.index_cast %add3A_332 : i32 to index
        %get3A_375 = arith.constant 96 : index
        %get3A_376 = tpu.vector_load %arg6[%get3A_374, %get3A_375] {strides = array<i32>} : memref<128x128xbf16, #tpu.memory_space<vmem>>, vector<32xbf16>,
        %add3A_377 = arith.constant 1 : i32
        %add3A_378 = arith.addi %add3A_332, %add3A_377 : i32
        %get3A_379 = arith.index_cast %add3A_378 : i32 to index
        %get3A_380 = arith.constant 96 : index
        %get3A_381 = tpu.vector_load %arg6[%get3A_379, %get3A_380] {strides = array<i32>} : memref<128x128xbf16, #tpu.memory_space<vmem>>, vector<32xbf16>,
        %mul3A_382 = arith.mulf %get3A_376, %get3A_381 : vector<32xbf16>
        %unpack3A_383 = tpu.unpack_subelements %mul3A_382, 0 {pack_format = #tpu.pack_format<interleaved>} : vector<32xbf16> -> vector<16xf32>
        %unpack3A_384 = tpu.unpack_subelements %mul3A_382, 1 {pack_format = #tpu.pack_format<interleaved>} : vector<32xbf16> -> vector<16xf32>
        %add3A_385 = arith.addf %add3A_373, %unpack3A_383 : vector<16xf32>
        %add3A_386 = arith.addf %add3A_385, %unpack3A_384 : vector<16xf32>
        %mul3A_387 = arith.constant 32 : i32
        %mul3A_388 = arith.muli %scan3A_157, %mul3A_387 : i32
        %add3A_389 = arith.constant 8 : i32
        %add3A_390 = arith.addi %mul3A_388, %add3A_389 : i32
        %broadcast_in_dim3A_391 = arith.constant 0.000000e+00 : f32
        %broadcast_in_dim3A_392 = vector.broadcast %broadcast_in_dim3A_391 : f32 to vector<16xf32>
        %get3A_393 = arith.index_cast %add3A_390 : i32 to index
        %get3A_394 = arith.constant 0 : index
        %get3A_395 = tpu.vector_load %arg6[%get3A_393, %get3A_394] {strides = array<i32>} : memref<128x128xbf16, #tpu.memory_space<vmem>>, vector<32xbf16>,
        %add3A_396 = arith.constant 1 : i32
        %add3A_397 = arith.addi %add3A_390, %add3A_396 : i32
        %get3A_398 = arith.index_cast %add3A_397 : i32 to index
        %get3A_399 = arith.constant 0 : index
        %get3A_400 = tpu.vector_load %arg6[%get3A_398, %get3A_399] {strides = array<i32>} : memref<128x128xbf16, #tpu.memory_space<vmem>>, vector<32xbf16>,
        %mul3A_401 = arith.mulf %get3A_395, %get3A_400 : vector<32xbf16>
        %unpack3A_402 = tpu.unpack_subelements %mul3A_401, 0 {pack_format = #tpu.pack_format<interleaved>} : vector<32xbf16> -> vector<16xf32>
        %unpack3A_403 = tpu.unpack_subelements %mul3A_401, 1 {pack_format = #tpu.pack_format<interleaved>} : vector<32xbf16> -> vector<16xf32>
        %add3A_404 = arith.addf %broadcast_in_dim3A_392, %unpack3A_402 : vector<16xf32>
        %add3A_405 = arith.addf %add3A_404, %unpack3A_403 : vector<16xf32>
        %get3A_406 = arith.index_cast %add3A_390 : i32 to index
        %get3A_407 = arith.constant 32 : index
        %get3A_408 = tpu.vector_load %arg6[%get3A_406, %get3A_407] {strides = array<i32>} : memref<128x128xbf16, #tpu.memory_space<vmem>>, vector<32xbf16>,
        %add3A_409 = arith.constant 1 : i32
        %add3A_410 = arith.addi %add3A_390, %add3A_409 : i32
        %get3A_411 = arith.index_cast %add3A_410 : i32 to index
        %get3A_412 = arith.constant 32 : index
        %get3A_413 = tpu.vector_load %arg6[%get3A_411, %get3A_412] {strides = array<i32>} : memref<128x128xbf16, #tpu.memory_space<vmem>>, vector<32xbf16>,
        %mul3A_414 = arith.mulf %get3A_408, %get3A_413 : vector<32xbf16>
        %unpack3A_415 = tpu.unpack_subelements %mul3A_414, 0 {pack_format = #tpu.pack_format<interleaved>} : vector<32xbf16> -> vector<16xf32>
        %unpack3A_416 = tpu.unpack_subelements %mul3A_414, 1 {pack_format = #tpu.pack_format<interleaved>} : vector<32xbf16> -> vector<16xf32>
        %add3A_417 = arith.addf %add3A_405, %unpack3A_415 : vector<16xf32>
        %add3A_418 = arith.addf %add3A_417, %unpack3A_416 : vector<16xf32>
        %get3A_419 = arith.index_cast %add3A_390 : i32 to index
        %get3A_420 = arith.constant 64 : index
        %get3A_421 = tpu.vector_load %arg6[%get3A_419, %get3A_420] {strides = array<i32>} : memref<128x128xbf16, #tpu.memory_space<vmem>>, vector<32xbf16>,
        %add3A_422 = arith.constant 1 : i32
        %add3A_423 = arith.addi %add3A_390, %add3A_422 : i32
        %get3A_424 = arith.index_cast %add3A_423 : i32 to index
        %get3A_425 = arith.constant 64 : index
        %get3A_426 = tpu.vector_load %arg6[%get3A_424, %get3A_425] {strides = array<i32>} : memref<128x128xbf16, #tpu.memory_space<vmem>>, vector<32xbf16>,
        %mul3A_427 = arith.mulf %get3A_421, %get3A_426 : vector<32xbf16>
        %unpack3A_428 = tpu.unpack_subelements %mul3A_427, 0 {pack_format = #tpu.pack_format<interleaved>} : vector<32xbf16> -> vector<16xf32>
        %unpack3A_429 = tpu.unpack_subelements %mul3A_427, 1 {pack_format = #tpu.pack_format<interleaved>} : vector<32xbf16> -> vector<16xf32>
        %add3A_430 = arith.addf %add3A_418, %unpack3A_428 : vector<16xf32>
        %add3A_431 = arith.addf %add3A_430, %unpack3A_429 : vector<16xf32>
        %get3A_432 = arith.index_cast %add3A_390 : i32 to index
        %get3A_433 = arith.constant 96 : index
        %get3A_434 = tpu.vector_load %arg6[%get3A_432, %get3A_433] {strides = array<i32>} : memref<128x128xbf16, #tpu.memory_space<vmem>>, vector<32xbf16>,
        %add3A_435 = arith.constant 1 : i32
        %add3A_436 = arith.addi %add3A_390, %add3A_435 : i32
        %get3A_437 = arith.index_cast %add3A_436 : i32 to index
        %get3A_438 = arith.constant 96 : index
        %get3A_439 = tpu.vector_load %arg6[%get3A_437, %get3A_438] {strides = array<i32>} : memref<128x128xbf16, #tpu.memory_space<vmem>>, vector<32xbf16>,
        %mul3A_440 = arith.mulf %get3A_434, %get3A_439 : vector<32xbf16>
        %unpack3A_441 = tpu.unpack_subelements %mul3A_440, 0 {pack_format = #tpu.pack_format<interleaved>} : vector<32xbf16> -> vector<16xf32>
        %unpack3A_442 = tpu.unpack_subelements %mul3A_440, 1 {pack_format = #tpu.pack_format<interleaved>} : vector<32xbf16> -> vector<16xf32>
        %add3A_443 = arith.addf %add3A_431, %unpack3A_441 : vector<16xf32>
        %add3A_444 = arith.addf %add3A_443, %unpack3A_442 : vector<16xf32>
        %mul3A_445 = arith.constant 32 : i32
        %mul3A_446 = arith.muli %scan3A_157, %mul3A_445 : i32
        %add3A_447 = arith.constant 10 : i32
        %add3A_448 = arith.addi %mul3A_446, %add3A_447 : i32
        %broadcast_in_dim3A_449 = arith.constant 0.000000e+00 : f32
        %broadcast_in_dim3A_450 = vector.broadcast %broadcast_in_dim3A_449 : f32 to vector<16xf32>
        %get3A_451 = arith.index_cast %add3A_448 : i32 to index
        %get3A_452 = arith.constant 0 : index
        %get3A_453 = tpu.vector_load %arg6[%get3A_451, %get3A_452] {strides = array<i32>} : memref<128x128xbf16, #tpu.memory_space<vmem>>, vector<32xbf16>,
        %add3A_454 = arith.constant 1 : i32
        %add3A_455 = arith.addi %add3A_448, %add3A_454 : i32
        %get3A_456 = arith.index_cast %add3A_455 : i32 to index
        %get3A_457 = arith.constant 0 : index
        %get3A_458 = tpu.vector_load %arg6[%get3A_456, %get3A_457] {strides = array<i32>} : memref<128x128xbf16, #tpu.memory_space<vmem>>, vector<32xbf16>,
        %mul3A_459 = arith.mulf %get3A_453, %get3A_458 : vector<32xbf16>
        %unpack3A_460 = tpu.unpack_subelements %mul3A_459, 0 {pack_format = #tpu.pack_format<interleaved>} : vector<32xbf16> -> vector<16xf32>
        %unpack3A_461 = tpu.unpack_subelements %mul3A_459, 1 {pack_format = #tpu.pack_format<interleaved>} : vector<32xbf16> -> vector<16xf32>
        %add3A_462 = arith.addf %broadcast_in_dim3A_450, %unpack3A_460 : vector<16xf32>
        %add3A_463 = arith.addf %add3A_462, %unpack3A_461 : vector<16xf32>
        %get3A_464 = arith.index_cast %add3A_448 : i32 to index
        %get3A_465 = arith.constant 32 : index
        %get3A_466 = tpu.vector_load %arg6[%get3A_464, %get3A_465] {strides = array<i32>} : memref<128x128xbf16, #tpu.memory_space<vmem>>, vector<32xbf16>,
        %add3A_467 = arith.constant 1 : i32
        %add3A_468 = arith.addi %add3A_448, %add3A_467 : i32
        %get3A_469 = arith.index_cast %add3A_468 : i32 to index
        %get3A_470 = arith.constant 32 : index
        %get3A_471 = tpu.vector_load %arg6[%get3A_469, %get3A_470] {strides = array<i32>} : memref<128x128xbf16, #tpu.memory_space<vmem>>, vector<32xbf16>,
        %mul3A_472 = arith.mulf %get3A_466, %get3A_471 : vector<32xbf16>
        %unpack3A_473 = tpu.unpack_subelements %mul3A_472, 0 {pack_format = #tpu.pack_format<interleaved>} : vector<32xbf16> -> vector<16xf32>
        %unpack3A_474 = tpu.unpack_subelements %mul3A_472, 1 {pack_format = #tpu.pack_format<interleaved>} : vector<32xbf16> -> vector<16xf32>
        %add3A_475 = arith.addf %add3A_463, %unpack3A_473 : vector<16xf32>
        %add3A_476 = arith.addf %add3A_475, %unpack3A_474 : vector<16xf32>
        %get3A_477 = arith.index_cast %add3A_448 : i32 to index
        %get3A_478 = arith.constant 64 : index
        %get3A_479 = tpu.vector_load %arg6[%get3A_477, %get3A_478] {strides = array<i32>} : memref<128x128xbf16, #tpu.memory_space<vmem>>, vector<32xbf16>,
        %add3A_480 = arith.constant 1 : i32
        %add3A_481 = arith.addi %add3A_448, %add3A_480 : i32
        %get3A_482 = arith.index_cast %add3A_481 : i32 to index
        %get3A_483 = arith.constant 64 : index
        %get3A_484 = tpu.vector_load %arg6[%get3A_482, %get3A_483] {strides = array<i32>} : memref<128x128xbf16, #tpu.memory_space<vmem>>, vector<32xbf16>,
        %mul3A_485 = arith.mulf %get3A_479, %get3A_484 : vector<32xbf16>
        %unpack3A_486 = tpu.unpack_subelements %mul3A_485, 0 {pack_format = #tpu.pack_format<interleaved>} : vector<32xbf16> -> vector<16xf32>
        %unpack3A_487 = tpu.unpack_subelements %mul3A_485, 1 {pack_format = #tpu.pack_format<interleaved>} : vector<32xbf16> -> vector<16xf32>
        %add3A_488 = arith.addf %add3A_476, %unpack3A_486 : vector<16xf32>
        %add3A_489 = arith.addf %add3A_488, %unpack3A_487 : vector<16xf32>
        %get3A_490 = arith.index_cast %add3A_448 : i32 to index
        %get3A_491 = arith.constant 96 : index
        %get3A_492 = tpu.vector_load %arg6[%get3A_490, %get3A_491] {strides = array<i32>} : memref<128x128xbf16, #tpu.memory_space<vmem>>, vector<32xbf16>,
        %add3A_493 = arith.constant 1 : i32
        %add3A_494 = arith.addi %add3A_448, %add3A_493 : i32
        %get3A_495 = arith.index_cast %add3A_494 : i32 to index
        %get3A_496 = arith.constant 96 : index
        %get3A_497 = tpu.vector_load %arg6[%get3A_495, %get3A_496] {strides = array<i32>} : memref<128x128xbf16, #tpu.memory_space<vmem>>, vector<32xbf16>,
        %mul3A_498 = arith.mulf %get3A_492, %get3A_497 : vector<32xbf16>
        %unpack3A_499 = tpu.unpack_subelements %mul3A_498, 0 {pack_format = #tpu.pack_format<interleaved>} : vector<32xbf16> -> vector<16xf32>
        %unpack3A_500 = tpu.unpack_subelements %mul3A_498, 1 {pack_format = #tpu.pack_format<interleaved>} : vector<32xbf16> -> vector<16xf32>
        %add3A_501 = arith.addf %add3A_489, %unpack3A_499 : vector<16xf32>
        %add3A_502 = arith.addf %add3A_501, %unpack3A_500 : vector<16xf32>
        %mul3A_503 = arith.constant 32 : i32
        %mul3A_504 = arith.muli %scan3A_157, %mul3A_503 : i32
        %add3A_505 = arith.constant 12 : i32
        %add3A_506 = arith.addi %mul3A_504, %add3A_505 : i32
        %broadcast_in_dim3A_507 = arith.constant 0.000000e+00 : f32
        %broadcast_in_dim3A_508 = vector.broadcast %broadcast_in_dim3A_507 : f32 to vector<16xf32>
        %get3A_509 = arith.index_cast %add3A_506 : i32 to index
        %get3A_510 = arith.constant 0 : index
        %get3A_511 = tpu.vector_load %arg6[%get3A_509, %get3A_510] {strides = array<i32>} : memref<128x128xbf16, #tpu.memory_space<vmem>>, vector<32xbf16>,
        %add3A_512 = arith.constant 1 : i32
        %add3A_513 = arith.addi %add3A_506, %add3A_512 : i32
        %get3A_514 = arith.index_cast %add3A_513 : i32 to index
        %get3A_515 = arith.constant 0 : index
        %get3A_516 = tpu.vector_load %arg6[%get3A_514, %get3A_515] {strides = array<i32>} : memref<128x128xbf16, #tpu.memory_space<vmem>>, vector<32xbf16>,
        %mul3A_517 = arith.mulf %get3A_511, %get3A_516 : vector<32xbf16>
        %unpack3A_518 = tpu.unpack_subelements %mul3A_517, 0 {pack_format = #tpu.pack_format<interleaved>} : vector<32xbf16> -> vector<16xf32>
        %unpack3A_519 = tpu.unpack_subelements %mul3A_517, 1 {pack_format = #tpu.pack_format<interleaved>} : vector<32xbf16> -> vector<16xf32>
        %add3A_520 = arith.addf %broadcast_in_dim3A_508, %unpack3A_518 : vector<16xf32>
        %add3A_521 = arith.addf %add3A_520, %unpack3A_519 : vector<16xf32>
        %get3A_522 = arith.index_cast %add3A_506 : i32 to index
        %get3A_523 = arith.constant 32 : index
        %get3A_524 = tpu.vector_load %arg6[%get3A_522, %get3A_523] {strides = array<i32>} : memref<128x128xbf16, #tpu.memory_space<vmem>>, vector<32xbf16>,
        %add3A_525 = arith.constant 1 : i32
        %add3A_526 = arith.addi %add3A_506, %add3A_525 : i32
        %get3A_527 = arith.index_cast %add3A_526 : i32 to index
        %get3A_528 = arith.constant 32 : index
        %get3A_529 = tpu.vector_load %arg6[%get3A_527, %get3A_528] {strides = array<i32>} : memref<128x128xbf16, #tpu.memory_space<vmem>>, vector<32xbf16>,
        %mul3A_530 = arith.mulf %get3A_524, %get3A_529 : vector<32xbf16>
        %unpack3A_531 = tpu.unpack_subelements %mul3A_530, 0 {pack_format = #tpu.pack_format<interleaved>} : vector<32xbf16> -> vector<16xf32>
        %unpack3A_532 = tpu.unpack_subelements %mul3A_530, 1 {pack_format = #tpu.pack_format<interleaved>} : vector<32xbf16> -> vector<16xf32>
        %add3A_533 = arith.addf %add3A_521, %unpack3A_531 : vector<16xf32>
        %add3A_534 = arith.addf %add3A_533, %unpack3A_532 : vector<16xf32>
        %get3A_535 = arith.index_cast %add3A_506 : i32 to index
        %get3A_536 = arith.constant 64 : index
        %get3A_537 = tpu.vector_load %arg6[%get3A_535, %get3A_536] {strides = array<i32>} : memref<128x128xbf16, #tpu.memory_space<vmem>>, vector<32xbf16>,
        %add3A_538 = arith.constant 1 : i32
        %add3A_539 = arith.addi %add3A_506, %add3A_538 : i32
        %get3A_540 = arith.index_cast %add3A_539 : i32 to index
        %get3A_541 = arith.constant 64 : index
        %get3A_542 = tpu.vector_load %arg6[%get3A_540, %get3A_541] {strides = array<i32>} : memref<128x128xbf16, #tpu.memory_space<vmem>>, vector<32xbf16>,
        %mul3A_543 = arith.mulf %get3A_537, %get3A_542 : vector<32xbf16>
        %unpack3A_544 = tpu.unpack_subelements %mul3A_543, 0 {pack_format = #tpu.pack_format<interleaved>} : vector<32xbf16> -> vector<16xf32>
        %unpack3A_545 = tpu.unpack_subelements %mul3A_543, 1 {pack_format = #tpu.pack_format<interleaved>} : vector<32xbf16> -> vector<16xf32>
        %add3A_546 = arith.addf %add3A_534, %unpack3A_544 : vector<16xf32>
        %add3A_547 = arith.addf %add3A_546, %unpack3A_545 : vector<16xf32>
        %get3A_548 = arith.index_cast %add3A_506 : i32 to index
        %get3A_549 = arith.constant 96 : index
        %get3A_550 = tpu.vector_load %arg6[%get3A_548, %get3A_549] {strides = array<i32>} : memref<128x128xbf16, #tpu.memory_space<vmem>>, vector<32xbf16>,
        %add3A_551 = arith.constant 1 : i32
        %add3A_552 = arith.addi %add3A_506, %add3A_551 : i32
        %get3A_553 = arith.index_cast %add3A_552 : i32 to index
        %get3A_554 = arith.constant 96 : index
        %get3A_555 = tpu.vector_load %arg6[%get3A_553, %get3A_554] {strides = array<i32>} : memref<128x128xbf16, #tpu.memory_space<vmem>>, vector<32xbf16>,
        %mul3A_556 = arith.mulf %get3A_550, %get3A_555 : vector<32xbf16>
        %unpack3A_557 = tpu.unpack_subelements %mul3A_556, 0 {pack_format = #tpu.pack_format<interleaved>} : vector<32xbf16> -> vector<16xf32>
        %unpack3A_558 = tpu.unpack_subelements %mul3A_556, 1 {pack_format = #tpu.pack_format<interleaved>} : vector<32xbf16> -> vector<16xf32>
        %add3A_559 = arith.addf %add3A_547, %unpack3A_557 : vector<16xf32>
        %add3A_560 = arith.addf %add3A_559, %unpack3A_558 : vector<16xf32>
        %mul3A_561 = arith.constant 32 : i32
        %mul3A_562 = arith.muli %scan3A_157, %mul3A_561 : i32
        %add3A_563 = arith.constant 14 : i32
        %add3A_564 = arith.addi %mul3A_562, %add3A_563 : i32
        %broadcast_in_dim3A_565 = arith.constant 0.000000e+00 : f32
        %broadcast_in_dim3A_566 = vector.broadcast %broadcast_in_dim3A_565 : f32 to vector<16xf32>
        %get3A_567 = arith.index_cast %add3A_564 : i32 to index
        %get3A_568 = arith.constant 0 : index
        %get3A_569 = tpu.vector_load %arg6[%get3A_567, %get3A_568] {strides = array<i32>} : memref<128x128xbf16, #tpu.memory_space<vmem>>, vector<32xbf16>,
        %add3A_570 = arith.constant 1 : i32
        %add3A_571 = arith.addi %add3A_564, %add3A_570 : i32
        %get3A_572 = arith.index_cast %add3A_571 : i32 to index
        %get3A_573 = arith.constant 0 : index
        %get3A_574 = tpu.vector_load %arg6[%get3A_572, %get3A_573] {strides = array<i32>} : memref<128x128xbf16, #tpu.memory_space<vmem>>, vector<32xbf16>,
        %mul3A_575 = arith.mulf %get3A_569, %get3A_574 : vector<32xbf16>
        %unpack3A_576 = tpu.unpack_subelements %mul3A_575, 0 {pack_format = #tpu.pack_format<interleaved>} : vector<32xbf16> -> vector<16xf32>
        %unpack3A_577 = tpu.unpack_subelements %mul3A_575, 1 {pack_format = #tpu.pack_format<interleaved>} : vector<32xbf16> -> vector<16xf32>
        %add3A_578 = arith.addf %broadcast_in_dim3A_566, %unpack3A_576 : vector<16xf32>
        %add3A_579 = arith.addf %add3A_578, %unpack3A_577 : vector<16xf32>
        %get3A_580 = arith.index_cast %add3A_564 : i32 to index
        %get3A_581 = arith.constant 32 : index
        %get3A_582 = tpu.vector_load %arg6[%get3A_580, %get3A_581] {strides = array<i32>} : memref<128x128xbf16, #tpu.memory_space<vmem>>, vector<32xbf16>,
        %add3A_583 = arith.constant 1 : i32
        %add3A_584 = arith.addi %add3A_564, %add3A_583 : i32
        %get3A_585 = arith.index_cast %add3A_584 : i32 to index
        %get3A_586 = arith.constant 32 : index
        %get3A_587 = tpu.vector_load %arg6[%get3A_585, %get3A_586] {strides = array<i32>} : memref<128x128xbf16, #tpu.memory_space<vmem>>, vector<32xbf16>,
        %mul3A_588 = arith.mulf %get3A_582, %get3A_587 : vector<32xbf16>
        %unpack3A_589 = tpu.unpack_subelements %mul3A_588, 0 {pack_format = #tpu.pack_format<interleaved>} : vector<32xbf16> -> vector<16xf32>
        %unpack3A_590 = tpu.unpack_subelements %mul3A_588, 1 {pack_format = #tpu.pack_format<interleaved>} : vector<32xbf16> -> vector<16xf32>
        %add3A_591 = arith.addf %add3A_579, %unpack3A_589 : vector<16xf32>
        %add3A_592 = arith.addf %add3A_591, %unpack3A_590 : vector<16xf32>
        %get3A_593 = arith.index_cast %add3A_564 : i32 to index
        %get3A_594 = arith.constant 64 : index
        %get3A_595 = tpu.vector_load %arg6[%get3A_593, %get3A_594] {strides = array<i32>} : memref<128x128xbf16, #tpu.memory_space<vmem>>, vector<32xbf16>,
        %add3A_596 = arith.constant 1 : i32
        %add3A_597 = arith.addi %add3A_564, %add3A_596 : i32
        %get3A_598 = arith.index_cast %add3A_597 : i32 to index
        %get3A_599 = arith.constant 64 : index
        %get3A_600 = tpu.vector_load %arg6[%get3A_598, %get3A_599] {strides = array<i32>} : memref<128x128xbf16, #tpu.memory_space<vmem>>, vector<32xbf16>,
        %mul3A_601 = arith.mulf %get3A_595, %get3A_600 : vector<32xbf16>
        %unpack3A_602 = tpu.unpack_subelements %mul3A_601, 0 {pack_format = #tpu.pack_format<interleaved>} : vector<32xbf16> -> vector<16xf32>
        %unpack3A_603 = tpu.unpack_subelements %mul3A_601, 1 {pack_format = #tpu.pack_format<interleaved>} : vector<32xbf16> -> vector<16xf32>
        %add3A_604 = arith.addf %add3A_592, %unpack3A_602 : vector<16xf32>
        %add3A_605 = arith.addf %add3A_604, %unpack3A_603 : vector<16xf32>
        %get3A_606 = arith.index_cast %add3A_564 : i32 to index
        %get3A_607 = arith.constant 96 : index
        %get3A_608 = tpu.vector_load %arg6[%get3A_606, %get3A_607] {strides = array<i32>} : memref<128x128xbf16, #tpu.memory_space<vmem>>, vector<32xbf16>,
        %add3A_609 = arith.constant 1 : i32
        %add3A_610 = arith.addi %add3A_564, %add3A_609 : i32
        %get3A_611 = arith.index_cast %add3A_610 : i32 to index
        %get3A_612 = arith.constant 96 : index
        %get3A_613 = tpu.vector_load %arg6[%get3A_611, %get3A_612] {strides = array<i32>} : memref<128x128xbf16, #tpu.memory_space<vmem>>, vector<32xbf16>,
        %mul3A_614 = arith.mulf %get3A_608, %get3A_613 : vector<32xbf16>
        %unpack3A_615 = tpu.unpack_subelements %mul3A_614, 0 {pack_format = #tpu.pack_format<interleaved>} : vector<32xbf16> -> vector<16xf32>
        %unpack3A_616 = tpu.unpack_subelements %mul3A_614, 1 {pack_format = #tpu.pack_format<interleaved>} : vector<32xbf16> -> vector<16xf32>
        %add3A_617 = arith.addf %add3A_605, %unpack3A_615 : vector<16xf32>
        %add3A_618 = arith.addf %add3A_617, %unpack3A_616 : vector<16xf32>
        %mul3A_619 = arith.constant 32 : i32
        %mul3A_620 = arith.muli %scan3A_157, %mul3A_619 : i32
        %add3A_621 = arith.constant 16 : i32
        %add3A_622 = arith.addi %mul3A_620, %add3A_621 : i32
        %broadcast_in_dim3A_623 = arith.constant 0.000000e+00 : f32
        %broadcast_in_dim3A_624 = vector.broadcast %broadcast_in_dim3A_623 : f32 to vector<16xf32>
        %get3A_625 = arith.index_cast %add3A_622 : i32 to index
        %get3A_626 = arith.constant 0 : index
        %get3A_627 = tpu.vector_load %arg6[%get3A_625, %get3A_626] {strides = array<i32>} : memref<128x128xbf16, #tpu.memory_space<vmem>>, vector<32xbf16>,
        %add3A_628 = arith.constant 1 : i32
        %add3A_629 = arith.addi %add3A_622, %add3A_628 : i32
        %get3A_630 = arith.index_cast %add3A_629 : i32 to index
        %get3A_631 = arith.constant 0 : index
        %get3A_632 = tpu.vector_load %arg6[%get3A_630, %get3A_631] {strides = array<i32>} : memref<128x128xbf16, #tpu.memory_space<vmem>>, vector<32xbf16>,
        %mul3A_633 = arith.mulf %get3A_627, %get3A_632 : vector<32xbf16>
        %unpack3A_634 = tpu.unpack_subelements %mul3A_633, 0 {pack_format = #tpu.pack_format<interleaved>} : vector<32xbf16> -> vector<16xf32>
        %unpack3A_635 = tpu.unpack_subelements %mul3A_633, 1 {pack_format = #tpu.pack_format<interleaved>} : vector<32xbf16> -> vector<16xf32>
        %add3A_636 = arith.addf %broadcast_in_dim3A_624, %unpack3A_634 : vector<16xf32>
        %add3A_637 = arith.addf %add3A_636, %unpack3A_635 : vector<16xf32>
        %get3A_638 = arith.index_cast %add3A_622 : i32 to index
        %get3A_639 = arith.constant 32 : index
        %get3A_640 = tpu.vector_load %arg6[%get3A_638, %get3A_639] {strides = array<i32>} : memref<128x128xbf16, #tpu.memory_space<vmem>>, vector<32xbf16>,
        %add3A_641 = arith.constant 1 : i32
        %add3A_642 = arith.addi %add3A_622, %add3A_641 : i32
        %get3A_643 = arith.index_cast %add3A_642 : i32 to index
        %get3A_644 = arith.constant 32 : index
        %get3A_645 = tpu.vector_load %arg6[%get3A_643, %get3A_644] {strides = array<i32>} : memref<128x128xbf16, #tpu.memory_space<vmem>>, vector<32xbf16>,
        %mul3A_646 = arith.mulf %get3A_640, %get3A_645 : vector<32xbf16>
        %unpack3A_647 = tpu.unpack_subelements %mul3A_646, 0 {pack_format = #tpu.pack_format<interleaved>} : vector<32xbf16> -> vector<16xf32>
        %unpack3A_648 = tpu.unpack_subelements %mul3A_646, 1 {pack_format = #tpu.pack_format<interleaved>} : vector<32xbf16> -> vector<16xf32>
        %add3A_649 = arith.addf %add3A_637, %unpack3A_647 : vector<16xf32>
        %add3A_650 = arith.addf %add3A_649, %unpack3A_648 : vector<16xf32>
        %get3A_651 = arith.index_cast %add3A_622 : i32 to index
        %get3A_652 = arith.constant 64 : index
        %get3A_653 = tpu.vector_load %arg6[%get3A_651, %get3A_652] {strides = array<i32>} : memref<128x128xbf16, #tpu.memory_space<vmem>>, vector<32xbf16>,
        %add3A_654 = arith.constant 1 : i32
        %add3A_655 = arith.addi %add3A_622, %add3A_654 : i32
        %get3A_656 = arith.index_cast %add3A_655 : i32 to index
        %get3A_657 = arith.constant 64 : index
        %get3A_658 = tpu.vector_load %arg6[%get3A_656, %get3A_657] {strides = array<i32>} : memref<128x128xbf16, #tpu.memory_space<vmem>>, vector<32xbf16>,
        %mul3A_659 = arith.mulf %get3A_653, %get3A_658 : vector<32xbf16>
        %unpack3A_660 = tpu.unpack_subelements %mul3A_659, 0 {pack_format = #tpu.pack_format<interleaved>} : vector<32xbf16> -> vector<16xf32>
        %unpack3A_661 = tpu.unpack_subelements %mul3A_659, 1 {pack_format = #tpu.pack_format<interleaved>} : vector<32xbf16> -> vector<16xf32>
        %add3A_662 = arith.addf %add3A_650, %unpack3A_660 : vector<16xf32>
        %add3A_663 = arith.addf %add3A_662, %unpack3A_661 : vector<16xf32>
        %get3A_664 = arith.index_cast %add3A_622 : i32 to index
        %get3A_665 = arith.constant 96 : index
        %get3A_666 = tpu.vector_load %arg6[%get3A_664, %get3A_665] {strides = array<i32>} : memref<128x128xbf16, #tpu.memory_space<vmem>>, vector<32xbf16>,
        %add3A_667 = arith.constant 1 : i32
        %add3A_668 = arith.addi %add3A_622, %add3A_667 : i32
        %get3A_669 = arith.index_cast %add3A_668 : i32 to index
        %get3A_670 = arith.constant 96 : index
        %get3A_671 = tpu.vector_load %arg6[%get3A_669, %get3A_670] {strides = array<i32>} : memref<128x128xbf16, #tpu.memory_space<vmem>>, vector<32xbf16>,
        %mul3A_672 = arith.mulf %get3A_666, %get3A_671 : vector<32xbf16>
        %unpack3A_673 = tpu.unpack_subelements %mul3A_672, 0 {pack_format = #tpu.pack_format<interleaved>} : vector<32xbf16> -> vector<16xf32>
        %unpack3A_674 = tpu.unpack_subelements %mul3A_672, 1 {pack_format = #tpu.pack_format<interleaved>} : vector<32xbf16> -> vector<16xf32>
        %add3A_675 = arith.addf %add3A_663, %unpack3A_673 : vector<16xf32>
        %add3A_676 = arith.addf %add3A_675, %unpack3A_674 : vector<16xf32>
        %mul3A_677 = arith.constant 32 : i32
        %mul3A_678 = arith.muli %scan3A_157, %mul3A_677 : i32
        %add3A_679 = arith.constant 18 : i32
        %add3A_680 = arith.addi %mul3A_678, %add3A_679 : i32
        %broadcast_in_dim3A_681 = arith.constant 0.000000e+00 : f32
        %broadcast_in_dim3A_682 = vector.broadcast %broadcast_in_dim3A_681 : f32 to vector<16xf32>
        %get3A_683 = arith.index_cast %add3A_680 : i32 to index
        %get3A_684 = arith.constant 0 : index
        %get3A_685 = tpu.vector_load %arg6[%get3A_683, %get3A_684] {strides = array<i32>} : memref<128x128xbf16, #tpu.memory_space<vmem>>, vector<32xbf16>,
        %add3A_686 = arith.constant 1 : i32
        %add3A_687 = arith.addi %add3A_680, %add3A_686 : i32
        %get3A_688 = arith.index_cast %add3A_687 : i32 to index
        %get3A_689 = arith.constant 0 : index
        %get3A_690 = tpu.vector_load %arg6[%get3A_688, %get3A_689] {strides = array<i32>} : memref<128x128xbf16, #tpu.memory_space<vmem>>, vector<32xbf16>,
        %mul3A_691 = arith.mulf %get3A_685, %get3A_690 : vector<32xbf16>
        %unpack3A_692 = tpu.unpack_subelements %mul3A_691, 0 {pack_format = #tpu.pack_format<interleaved>} : vector<32xbf16> -> vector<16xf32>
        %unpack3A_693 = tpu.unpack_subelements %mul3A_691, 1 {pack_format = #tpu.pack_format<interleaved>} : vector<32xbf16> -> vector<16xf32>
        %add3A_694 = arith.addf %broadcast_in_dim3A_682, %unpack3A_692 : vector<16xf32>
        %add3A_695 = arith.addf %add3A_694, %unpack3A_693 : vector<16xf32>
        %get3A_696 = arith.index_cast %add3A_680 : i32 to index
        %get3A_697 = arith.constant 32 : index
        %get3A_698 = tpu.vector_load %arg6[%get3A_696, %get3A_697] {strides = array<i32>} : memref<128x128xbf16, #tpu.memory_space<vmem>>, vector<32xbf16>,
        %add3A_699 = arith.constant 1 : i32
        %add3A_700 = arith.addi %add3A_680, %add3A_699 : i32
        %get3A_701 = arith.index_cast %add3A_700 : i32 to index
        %get3A_702 = arith.constant 32 : index
        %get3A_703 = tpu.vector_load %arg6[%get3A_701, %get3A_702] {strides = array<i32>} : memref<128x128xbf16, #tpu.memory_space<vmem>>, vector<32xbf16>,
        %mul3A_704 = arith.mulf %get3A_698, %get3A_703 : vector<32xbf16>
        %unpack3A_705 = tpu.unpack_subelements %mul3A_704, 0 {pack_format = #tpu.pack_format<interleaved>} : vector<32xbf16> -> vector<16xf32>
        %unpack3A_706 = tpu.unpack_subelements %mul3A_704, 1 {pack_format = #tpu.pack_format<interleaved>} : vector<32xbf16> -> vector<16xf32>
        %add3A_707 = arith.addf %add3A_695, %unpack3A_705 : vector<16xf32>
        %add3A_708 = arith.addf %add3A_707, %unpack3A_706 : vector<16xf32>
        %get3A_709 = arith.index_cast %add3A_680 : i32 to index
        %get3A_710 = arith.constant 64 : index
        %get3A_711 = tpu.vector_load %arg6[%get3A_709, %get3A_710] {strides = array<i32>} : memref<128x128xbf16, #tpu.memory_space<vmem>>, vector<32xbf16>,
        %add3A_712 = arith.constant 1 : i32
        %add3A_713 = arith.addi %add3A_680, %add3A_712 : i32
        %get3A_714 = arith.index_cast %add3A_713 : i32 to index
        %get3A_715 = arith.constant 64 : index
        %get3A_716 = tpu.vector_load %arg6[%get3A_714, %get3A_715] {strides = array<i32>} : memref<128x128xbf16, #tpu.memory_space<vmem>>, vector<32xbf16>,
        %mul3A_717 = arith.mulf %get3A_711, %get3A_716 : vector<32xbf16>
        %unpack3A_718 = tpu.unpack_subelements %mul3A_717, 0 {pack_format = #tpu.pack_format<interleaved>} : vector<32xbf16> -> vector<16xf32>
        %unpack3A_719 = tpu.unpack_subelements %mul3A_717, 1 {pack_format = #tpu.pack_format<interleaved>} : vector<32xbf16> -> vector<16xf32>
        %add3A_720 = arith.addf %add3A_708, %unpack3A_718 : vector<16xf32>
        %add3A_721 = arith.addf %add3A_720, %unpack3A_719 : vector<16xf32>
        %get3A_722 = arith.index_cast %add3A_680 : i32 to index
        %get3A_723 = arith.constant 96 : index
        %get3A_724 = tpu.vector_load %arg6[%get3A_722, %get3A_723] {strides = array<i32>} : memref<128x128xbf16, #tpu.memory_space<vmem>>, vector<32xbf16>,
        %add3A_725 = arith.constant 1 : i32
        %add3A_726 = arith.addi %add3A_680, %add3A_725 : i32
        %get3A_727 = arith.index_cast %add3A_726 : i32 to index
        %get3A_728 = arith.constant 96 : index
        %get3A_729 = tpu.vector_load %arg6[%get3A_727, %get3A_728] {strides = array<i32>} : memref<128x128xbf16, #tpu.memory_space<vmem>>, vector<32xbf16>,
        %mul3A_730 = arith.mulf %get3A_724, %get3A_729 : vector<32xbf16>
        %unpack3A_731 = tpu.unpack_subelements %mul3A_730, 0 {pack_format = #tpu.pack_format<interleaved>} : vector<32xbf16> -> vector<16xf32>
        %unpack3A_732 = tpu.unpack_subelements %mul3A_730, 1 {pack_format = #tpu.pack_format<interleaved>} : vector<32xbf16> -> vector<16xf32>
        %add3A_733 = arith.addf %add3A_721, %unpack3A_731 : vector<16xf32>
        %add3A_734 = arith.addf %add3A_733, %unpack3A_732 : vector<16xf32>
        %mul3A_735 = arith.constant 32 : i32
        %mul3A_736 = arith.muli %scan3A_157, %mul3A_735 : i32
        %add3A_737 = arith.constant 20 : i32
        %add3A_738 = arith.addi %mul3A_736, %add3A_737 : i32
        %broadcast_in_dim3A_739 = arith.constant 0.000000e+00 : f32
        %broadcast_in_dim3A_740 = vector.broadcast %broadcast_in_dim3A_739 : f32 to vector<16xf32>
        %get3A_741 = arith.index_cast %add3A_738 : i32 to index
        %get3A_742 = arith.constant 0 : index
        %get3A_743 = tpu.vector_load %arg6[%get3A_741, %get3A_742] {strides = array<i32>} : memref<128x128xbf16, #tpu.memory_space<vmem>>, vector<32xbf16>,
        %add3A_744 = arith.constant 1 : i32
        %add3A_745 = arith.addi %add3A_738, %add3A_744 : i32
        %get3A_746 = arith.index_cast %add3A_745 : i32 to index
        %get3A_747 = arith.constant 0 : index
        %get3A_748 = tpu.vector_load %arg6[%get3A_746, %get3A_747] {strides = array<i32>} : memref<128x128xbf16, #tpu.memory_space<vmem>>, vector<32xbf16>,
        %mul3A_749 = arith.mulf %get3A_743, %get3A_748 : vector<32xbf16>
        %unpack3A_750 = tpu.unpack_subelements %mul3A_749, 0 {pack_format = #tpu.pack_format<interleaved>} : vector<32xbf16> -> vector<16xf32>
        %unpack3A_751 = tpu.unpack_subelements %mul3A_749, 1 {pack_format = #tpu.pack_format<interleaved>} : vector<32xbf16> -> vector<16xf32>
        %add3A_752 = arith.addf %broadcast_in_dim3A_740, %unpack3A_750 : vector<16xf32>
        %add3A_753 = arith.addf %add3A_752, %unpack3A_751 : vector<16xf32>
        %get3A_754 = arith.index_cast %add3A_738 : i32 to index
        %get3A_755 = arith.constant 32 : index
        %get3A_756 = tpu.vector_load %arg6[%get3A_754, %get3A_755] {strides = array<i32>} : memref<128x128xbf16, #tpu.memory_space<vmem>>, vector<32xbf16>,
        %add3A_757 = arith.constant 1 : i32
        %add3A_758 = arith.addi %add3A_738, %add3A_757 : i32
        %get3A_759 = arith.index_cast %add3A_758 : i32 to index
        %get3A_760 = arith.constant 32 : index
        %get3A_761 = tpu.vector_load %arg6[%get3A_759, %get3A_760] {strides = array<i32>} : memref<128x128xbf16, #tpu.memory_space<vmem>>, vector<32xbf16>,
        %mul3A_762 = arith.mulf %get3A_756, %get3A_761 : vector<32xbf16>
        %unpack3A_763 = tpu.unpack_subelements %mul3A_762, 0 {pack_format = #tpu.pack_format<interleaved>} : vector<32xbf16> -> vector<16xf32>
        %unpack3A_764 = tpu.unpack_subelements %mul3A_762, 1 {pack_format = #tpu.pack_format<interleaved>} : vector<32xbf16> -> vector<16xf32>
        %add3A_765 = arith.addf %add3A_753, %unpack3A_763 : vector<16xf32>
        %add3A_766 = arith.addf %add3A_765, %unpack3A_764 : vector<16xf32>
        %get3A_767 = arith.index_cast %add3A_738 : i32 to index
        %get3A_768 = arith.constant 64 : index
        %get3A_769 = tpu.vector_load %arg6[%get3A_767, %get3A_768] {strides = array<i32>} : memref<128x128xbf16, #tpu.memory_space<vmem>>, vector<32xbf16>,
        %add3A_770 = arith.constant 1 : i32
        %add3A_771 = arith.addi %add3A_738, %add3A_770 : i32
        %get3A_772 = arith.index_cast %add3A_771 : i32 to index
        %get3A_773 = arith.constant 64 : index
        %get3A_774 = tpu.vector_load %arg6[%get3A_772, %get3A_773] {strides = array<i32>} : memref<128x128xbf16, #tpu.memory_space<vmem>>, vector<32xbf16>,
        %mul3A_775 = arith.mulf %get3A_769, %get3A_774 : vector<32xbf16>
        %unpack3A_776 = tpu.unpack_subelements %mul3A_775, 0 {pack_format = #tpu.pack_format<interleaved>} : vector<32xbf16> -> vector<16xf32>
        %unpack3A_777 = tpu.unpack_subelements %mul3A_775, 1 {pack_format = #tpu.pack_format<interleaved>} : vector<32xbf16> -> vector<16xf32>
        %add3A_778 = arith.addf %add3A_766, %unpack3A_776 : vector<16xf32>
        %add3A_779 = arith.addf %add3A_778, %unpack3A_777 : vector<16xf32>
        %get3A_780 = arith.index_cast %add3A_738 : i32 to index
        %get3A_781 = arith.constant 96 : index
        %get3A_782 = tpu.vector_load %arg6[%get3A_780, %get3A_781] {strides = array<i32>} : memref<128x128xbf16, #tpu.memory_space<vmem>>, vector<32xbf16>,
        %add3A_783 = arith.constant 1 : i32
        %add3A_784 = arith.addi %add3A_738, %add3A_783 : i32
        %get3A_785 = arith.index_cast %add3A_784 : i32 to index
        %get3A_786 = arith.constant 96 : index
        %get3A_787 = tpu.vector_load %arg6[%get3A_785, %get3A_786] {strides = array<i32>} : memref<128x128xbf16, #tpu.memory_space<vmem>>, vector<32xbf16>,
        %mul3A_788 = arith.mulf %get3A_782, %get3A_787 : vector<32xbf16>
        %unpack3A_789 = tpu.unpack_subelements %mul3A_788, 0 {pack_format = #tpu.pack_format<interleaved>} : vector<32xbf16> -> vector<16xf32>
        %unpack3A_790 = tpu.unpack_subelements %mul3A_788, 1 {pack_format = #tpu.pack_format<interleaved>} : vector<32xbf16> -> vector<16xf32>
        %add3A_791 = arith.addf %add3A_779, %unpack3A_789 : vector<16xf32>
        %add3A_792 = arith.addf %add3A_791, %unpack3A_790 : vector<16xf32>
        %mul3A_793 = arith.constant 32 : i32
        %mul3A_794 = arith.muli %scan3A_157, %mul3A_793 : i32
        %add3A_795 = arith.constant 22 : i32
        %add3A_796 = arith.addi %mul3A_794, %add3A_795 : i32
        %broadcast_in_dim3A_797 = arith.constant 0.000000e+00 : f32
        %broadcast_in_dim3A_798 = vector.broadcast %broadcast_in_dim3A_797 : f32 to vector<16xf32>
        %get3A_799 = arith.index_cast %add3A_796 : i32 to index
        %get3A_800 = arith.constant 0 : index
        %get3A_801 = tpu.vector_load %arg6[%get3A_799, %get3A_800] {strides = array<i32>} : memref<128x128xbf16, #tpu.memory_space<vmem>>, vector<32xbf16>,
        %add3A_802 = arith.constant 1 : i32
        %add3A_803 = arith.addi %add3A_796, %add3A_802 : i32
        %get3A_804 = arith.index_cast %add3A_803 : i32 to index
        %get3A_805 = arith.constant 0 : index
        %get3A_806 = tpu.vector_load %arg6[%get3A_804, %get3A_805] {strides = array<i32>} : memref<128x128xbf16, #tpu.memory_space<vmem>>, vector<32xbf16>,
        %mul3A_807 = arith.mulf %get3A_801, %get3A_806 : vector<32xbf16>
        %unpack3A_808 = tpu.unpack_subelements %mul3A_807, 0 {pack_format = #tpu.pack_format<interleaved>} : vector<32xbf16> -> vector<16xf32>
        %unpack3A_809 = tpu.unpack_subelements %mul3A_807, 1 {pack_format = #tpu.pack_format<interleaved>} : vector<32xbf16> -> vector<16xf32>
        %add3A_810 = arith.addf %broadcast_in_dim3A_798, %unpack3A_808 : vector<16xf32>
        %add3A_811 = arith.addf %add3A_810, %unpack3A_809 : vector<16xf32>
        %get3A_812 = arith.index_cast %add3A_796 : i32 to index
        %get3A_813 = arith.constant 32 : index
        %get3A_814 = tpu.vector_load %arg6[%get3A_812, %get3A_813] {strides = array<i32>} : memref<128x128xbf16, #tpu.memory_space<vmem>>, vector<32xbf16>,
        %add3A_815 = arith.constant 1 : i32
        %add3A_816 = arith.addi %add3A_796, %add3A_815 : i32
        %get3A_817 = arith.index_cast %add3A_816 : i32 to index
        %get3A_818 = arith.constant 32 : index
        %get3A_819 = tpu.vector_load %arg6[%get3A_817, %get3A_818] {strides = array<i32>} : memref<128x128xbf16, #tpu.memory_space<vmem>>, vector<32xbf16>,
        %mul3A_820 = arith.mulf %get3A_814, %get3A_819 : vector<32xbf16>
        %unpack3A_821 = tpu.unpack_subelements %mul3A_820, 0 {pack_format = #tpu.pack_format<interleaved>} : vector<32xbf16> -> vector<16xf32>
        %unpack3A_822 = tpu.unpack_subelements %mul3A_820, 1 {pack_format = #tpu.pack_format<interleaved>} : vector<32xbf16> -> vector<16xf32>
        %add3A_823 = arith.addf %add3A_811, %unpack3A_821 : vector<16xf32>
        %add3A_824 = arith.addf %add3A_823, %unpack3A_822 : vector<16xf32>
        %get3A_825 = arith.index_cast %add3A_796 : i32 to index
        %get3A_826 = arith.constant 64 : index
        %get3A_827 = tpu.vector_load %arg6[%get3A_825, %get3A_826] {strides = array<i32>} : memref<128x128xbf16, #tpu.memory_space<vmem>>, vector<32xbf16>,
        %add3A_828 = arith.constant 1 : i32
        %add3A_829 = arith.addi %add3A_796, %add3A_828 : i32
        %get3A_830 = arith.index_cast %add3A_829 : i32 to index
        %get3A_831 = arith.constant 64 : index
        %get3A_832 = tpu.vector_load %arg6[%get3A_830, %get3A_831] {strides = array<i32>} : memref<128x128xbf16, #tpu.memory_space<vmem>>, vector<32xbf16>,
        %mul3A_833 = arith.mulf %get3A_827, %get3A_832 : vector<32xbf16>
        %unpack3A_834 = tpu.unpack_subelements %mul3A_833, 0 {pack_format = #tpu.pack_format<interleaved>} : vector<32xbf16> -> vector<16xf32>
        %unpack3A_835 = tpu.unpack_subelements %mul3A_833, 1 {pack_format = #tpu.pack_format<interleaved>} : vector<32xbf16> -> vector<16xf32>
        %add3A_836 = arith.addf %add3A_824, %unpack3A_834 : vector<16xf32>
        %add3A_837 = arith.addf %add3A_836, %unpack3A_835 : vector<16xf32>
        %get3A_838 = arith.index_cast %add3A_796 : i32 to index
        %get3A_839 = arith.constant 96 : index
        %get3A_840 = tpu.vector_load %arg6[%get3A_838, %get3A_839] {strides = array<i32>} : memref<128x128xbf16, #tpu.memory_space<vmem>>, vector<32xbf16>,
        %add3A_841 = arith.constant 1 : i32
        %add3A_842 = arith.addi %add3A_796, %add3A_841 : i32
        %get3A_843 = arith.index_cast %add3A_842 : i32 to index
        %get3A_844 = arith.constant 96 : index
        %get3A_845 = tpu.vector_load %arg6[%get3A_843, %get3A_844] {strides = array<i32>} : memref<128x128xbf16, #tpu.memory_space<vmem>>, vector<32xbf16>,
        %mul3A_846 = arith.mulf %get3A_840, %get3A_845 : vector<32xbf16>
        %unpack3A_847 = tpu.unpack_subelements %mul3A_846, 0 {pack_format = #tpu.pack_format<interleaved>} : vector<32xbf16> -> vector<16xf32>
        %unpack3A_848 = tpu.unpack_subelements %mul3A_846, 1 {pack_format = #tpu.pack_format<interleaved>} : vector<32xbf16> -> vector<16xf32>
        %add3A_849 = arith.addf %add3A_837, %unpack3A_847 : vector<16xf32>
        %add3A_850 = arith.addf %add3A_849, %unpack3A_848 : vector<16xf32>
        %mul3A_851 = arith.constant 32 : i32
        %mul3A_852 = arith.muli %scan3A_157, %mul3A_851 : i32
        %add3A_853 = arith.constant 24 : i32
        %add3A_854 = arith.addi %mul3A_852, %add3A_853 : i32
        %broadcast_in_dim3A_855 = arith.constant 0.000000e+00 : f32
        %broadcast_in_dim3A_856 = vector.broadcast %broadcast_in_dim3A_855 : f32 to vector<16xf32>
        %get3A_857 = arith.index_cast %add3A_854 : i32 to index
        %get3A_858 = arith.constant 0 : index
        %get3A_859 = tpu.vector_load %arg6[%get3A_857, %get3A_858] {strides = array<i32>} : memref<128x128xbf16, #tpu.memory_space<vmem>>, vector<32xbf16>,
        %add3A_860 = arith.constant 1 : i32
        %add3A_861 = arith.addi %add3A_854, %add3A_860 : i32
        %get3A_862 = arith.index_cast %add3A_861 : i32 to index
        %get3A_863 = arith.constant 0 : index
        %get3A_864 = tpu.vector_load %arg6[%get3A_862, %get3A_863] {strides = array<i32>} : memref<128x128xbf16, #tpu.memory_space<vmem>>, vector<32xbf16>,
        %mul3A_865 = arith.mulf %get3A_859, %get3A_864 : vector<32xbf16>
        %unpack3A_866 = tpu.unpack_subelements %mul3A_865, 0 {pack_format = #tpu.pack_format<interleaved>} : vector<32xbf16> -> vector<16xf32>
        %unpack3A_867 = tpu.unpack_subelements %mul3A_865, 1 {pack_format = #tpu.pack_format<interleaved>} : vector<32xbf16> -> vector<16xf32>
        %add3A_868 = arith.addf %broadcast_in_dim3A_856, %unpack3A_866 : vector<16xf32>
        %add3A_869 = arith.addf %add3A_868, %unpack3A_867 : vector<16xf32>
        %get3A_870 = arith.index_cast %add3A_854 : i32 to index
        %get3A_871 = arith.constant 32 : index
        %get3A_872 = tpu.vector_load %arg6[%get3A_870, %get3A_871] {strides = array<i32>} : memref<128x128xbf16, #tpu.memory_space<vmem>>, vector<32xbf16>,
        %add3A_873 = arith.constant 1 : i32
        %add3A_874 = arith.addi %add3A_854, %add3A_873 : i32
        %get3A_875 = arith.index_cast %add3A_874 : i32 to index
        %get3A_876 = arith.constant 32 : index
        %get3A_877 = tpu.vector_load %arg6[%get3A_875, %get3A_876] {strides = array<i32>} : memref<128x128xbf16, #tpu.memory_space<vmem>>, vector<32xbf16>,
        %mul3A_878 = arith.mulf %get3A_872, %get3A_877 : vector<32xbf16>
        %unpack3A_879 = tpu.unpack_subelements %mul3A_878, 0 {pack_format = #tpu.pack_format<interleaved>} : vector<32xbf16> -> vector<16xf32>
        %unpack3A_880 = tpu.unpack_subelements %mul3A_878, 1 {pack_format = #tpu.pack_format<interleaved>} : vector<32xbf16> -> vector<16xf32>
        %add3A_881 = arith.addf %add3A_869, %unpack3A_879 : vector<16xf32>
        %add3A_882 = arith.addf %add3A_881, %unpack3A_880 : vector<16xf32>
        %get3A_883 = arith.index_cast %add3A_854 : i32 to index
        %get3A_884 = arith.constant 64 : index
        %get3A_885 = tpu.vector_load %arg6[%get3A_883, %get3A_884] {strides = array<i32>} : memref<128x128xbf16, #tpu.memory_space<vmem>>, vector<32xbf16>,
        %add3A_886 = arith.constant 1 : i32
        %add3A_887 = arith.addi %add3A_854, %add3A_886 : i32
        %get3A_888 = arith.index_cast %add3A_887 : i32 to index
        %get3A_889 = arith.constant 64 : index
        %get3A_890 = tpu.vector_load %arg6[%get3A_888, %get3A_889] {strides = array<i32>} : memref<128x128xbf16, #tpu.memory_space<vmem>>, vector<32xbf16>,
        %mul3A_891 = arith.mulf %get3A_885, %get3A_890 : vector<32xbf16>
        %unpack3A_892 = tpu.unpack_subelements %mul3A_891, 0 {pack_format = #tpu.pack_format<interleaved>} : vector<32xbf16> -> vector<16xf32>
        %unpack3A_893 = tpu.unpack_subelements %mul3A_891, 1 {pack_format = #tpu.pack_format<interleaved>} : vector<32xbf16> -> vector<16xf32>
        %add3A_894 = arith.addf %add3A_882, %unpack3A_892 : vector<16xf32>
        %add3A_895 = arith.addf %add3A_894, %unpack3A_893 : vector<16xf32>
        %get3A_896 = arith.index_cast %add3A_854 : i32 to index
        %get3A_897 = arith.constant 96 : index
        %get3A_898 = tpu.vector_load %arg6[%get3A_896, %get3A_897] {strides = array<i32>} : memref<128x128xbf16, #tpu.memory_space<vmem>>, vector<32xbf16>,
        %add3A_899 = arith.constant 1 : i32
        %add3A_900 = arith.addi %add3A_854, %add3A_899 : i32
        %get3A_901 = arith.index_cast %add3A_900 : i32 to index
        %get3A_902 = arith.constant 96 : index
        %get3A_903 = tpu.vector_load %arg6[%get3A_901, %get3A_902] {strides = array<i32>} : memref<128x128xbf16, #tpu.memory_space<vmem>>, vector<32xbf16>,
        %mul3A_904 = arith.mulf %get3A_898, %get3A_903 : vector<32xbf16>
        %unpack3A_905 = tpu.unpack_subelements %mul3A_904, 0 {pack_format = #tpu.pack_format<interleaved>} : vector<32xbf16> -> vector<16xf32>
        %unpack3A_906 = tpu.unpack_subelements %mul3A_904, 1 {pack_format = #tpu.pack_format<interleaved>} : vector<32xbf16> -> vector<16xf32>
        %add3A_907 = arith.addf %add3A_895, %unpack3A_905 : vector<16xf32>
        %add3A_908 = arith.addf %add3A_907, %unpack3A_906 : vector<16xf32>
        %mul3A_909 = arith.constant 32 : i32
        %mul3A_910 = arith.muli %scan3A_157, %mul3A_909 : i32
        %add3A_911 = arith.constant 26 : i32
        %add3A_912 = arith.addi %mul3A_910, %add3A_911 : i32
        %broadcast_in_dim3A_913 = arith.constant 0.000000e+00 : f32
        %broadcast_in_dim3A_914 = vector.broadcast %broadcast_in_dim3A_913 : f32 to vector<16xf32>
        %get3A_915 = arith.index_cast %add3A_912 : i32 to index
        %get3A_916 = arith.constant 0 : index
        %get3A_917 = tpu.vector_load %arg6[%get3A_915, %get3A_916] {strides = array<i32>} : memref<128x128xbf16, #tpu.memory_space<vmem>>, vector<32xbf16>,
        %add3A_918 = arith.constant 1 : i32
        %add3A_919 = arith.addi %add3A_912, %add3A_918 : i32
        %get3A_920 = arith.index_cast %add3A_919 : i32 to index
        %get3A_921 = arith.constant 0 : index
        %get3A_922 = tpu.vector_load %arg6[%get3A_920, %get3A_921] {strides = array<i32>} : memref<128x128xbf16, #tpu.memory_space<vmem>>, vector<32xbf16>,
        %mul3A_923 = arith.mulf %get3A_917, %get3A_922 : vector<32xbf16>
        %unpack3A_924 = tpu.unpack_subelements %mul3A_923, 0 {pack_format = #tpu.pack_format<interleaved>} : vector<32xbf16> -> vector<16xf32>
        %unpack3A_925 = tpu.unpack_subelements %mul3A_923, 1 {pack_format = #tpu.pack_format<interleaved>} : vector<32xbf16> -> vector<16xf32>
        %add3A_926 = arith.addf %broadcast_in_dim3A_914, %unpack3A_924 : vector<16xf32>
        %add3A_927 = arith.addf %add3A_926, %unpack3A_925 : vector<16xf32>
        %get3A_928 = arith.index_cast %add3A_912 : i32 to index
        %get3A_929 = arith.constant 32 : index
        %get3A_930 = tpu.vector_load %arg6[%get3A_928, %get3A_929] {strides = array<i32>} : memref<128x128xbf16, #tpu.memory_space<vmem>>, vector<32xbf16>,
        %add3A_931 = arith.constant 1 : i32
        %add3A_932 = arith.addi %add3A_912, %add3A_931 : i32
        %get3A_933 = arith.index_cast %add3A_932 : i32 to index
        %get3A_934 = arith.constant 32 : index
        %get3A_935 = tpu.vector_load %arg6[%get3A_933, %get3A_934] {strides = array<i32>} : memref<128x128xbf16, #tpu.memory_space<vmem>>, vector<32xbf16>,
        %mul3A_936 = arith.mulf %get3A_930, %get3A_935 : vector<32xbf16>
        %unpack3A_937 = tpu.unpack_subelements %mul3A_936, 0 {pack_format = #tpu.pack_format<interleaved>} : vector<32xbf16> -> vector<16xf32>
        %unpack3A_938 = tpu.unpack_subelements %mul3A_936, 1 {pack_format = #tpu.pack_format<interleaved>} : vector<32xbf16> -> vector<16xf32>
        %add3A_939 = arith.addf %add3A_927, %unpack3A_937 : vector<16xf32>
        %add3A_940 = arith.addf %add3A_939, %unpack3A_938 : vector<16xf32>
        %get3A_941 = arith.index_cast %add3A_912 : i32 to index
        %get3A_942 = arith.constant 64 : index
        %get3A_943 = tpu.vector_load %arg6[%get3A_941, %get3A_942] {strides = array<i32>} : memref<128x128xbf16, #tpu.memory_space<vmem>>, vector<32xbf16>,
        %add3A_944 = arith.constant 1 : i32
        %add3A_945 = arith.addi %add3A_912, %add3A_944 : i32
        %get3A_946 = arith.index_cast %add3A_945 : i32 to index
        %get3A_947 = arith.constant 64 : index
        %get3A_948 = tpu.vector_load %arg6[%get3A_946, %get3A_947] {strides = array<i32>} : memref<128x128xbf16, #tpu.memory_space<vmem>>, vector<32xbf16>,
        %mul3A_949 = arith.mulf %get3A_943, %get3A_948 : vector<32xbf16>
        %unpack3A_950 = tpu.unpack_subelements %mul3A_949, 0 {pack_format = #tpu.pack_format<interleaved>} : vector<32xbf16> -> vector<16xf32>
        %unpack3A_951 = tpu.unpack_subelements %mul3A_949, 1 {pack_format = #tpu.pack_format<interleaved>} : vector<32xbf16> -> vector<16xf32>
        %add3A_952 = arith.addf %add3A_940, %unpack3A_950 : vector<16xf32>
        %add3A_953 = arith.addf %add3A_952, %unpack3A_951 : vector<16xf32>
        %get3A_954 = arith.index_cast %add3A_912 : i32 to index
        %get3A_955 = arith.constant 96 : index
        %get3A_956 = tpu.vector_load %arg6[%get3A_954, %get3A_955] {strides = array<i32>} : memref<128x128xbf16, #tpu.memory_space<vmem>>, vector<32xbf16>,
        %add3A_957 = arith.constant 1 : i32
        %add3A_958 = arith.addi %add3A_912, %add3A_957 : i32
        %get3A_959 = arith.index_cast %add3A_958 : i32 to index
        %get3A_960 = arith.constant 96 : index
        %get3A_961 = tpu.vector_load %arg6[%get3A_959, %get3A_960] {strides = array<i32>} : memref<128x128xbf16, #tpu.memory_space<vmem>>, vector<32xbf16>,
        %mul3A_962 = arith.mulf %get3A_956, %get3A_961 : vector<32xbf16>
        %unpack3A_963 = tpu.unpack_subelements %mul3A_962, 0 {pack_format = #tpu.pack_format<interleaved>} : vector<32xbf16> -> vector<16xf32>
        %unpack3A_964 = tpu.unpack_subelements %mul3A_962, 1 {pack_format = #tpu.pack_format<interleaved>} : vector<32xbf16> -> vector<16xf32>
        %add3A_965 = arith.addf %add3A_953, %unpack3A_963 : vector<16xf32>
        %add3A_966 = arith.addf %add3A_965, %unpack3A_964 : vector<16xf32>
        %mul3A_967 = arith.constant 32 : i32
        %mul3A_968 = arith.muli %scan3A_157, %mul3A_967 : i32
        %add3A_969 = arith.constant 28 : i32
        %add3A_970 = arith.addi %mul3A_968, %add3A_969 : i32
        %broadcast_in_dim3A_971 = arith.constant 0.000000e+00 : f32
        %broadcast_in_dim3A_972 = vector.broadcast %broadcast_in_dim3A_971 : f32 to vector<16xf32>
        %get3A_973 = arith.index_cast %add3A_970 : i32 to index
        %get3A_974 = arith.constant 0 : index
        %get3A_975 = tpu.vector_load %arg6[%get3A_973, %get3A_974] {strides = array<i32>} : memref<128x128xbf16, #tpu.memory_space<vmem>>, vector<32xbf16>,
        %add3A_976 = arith.constant 1 : i32
        %add3A_977 = arith.addi %add3A_970, %add3A_976 : i32
        %get3A_978 = arith.index_cast %add3A_977 : i32 to index
        %get3A_979 = arith.constant 0 : index
        %get3A_980 = tpu.vector_load %arg6[%get3A_978, %get3A_979] {strides = array<i32>} : memref<128x128xbf16, #tpu.memory_space<vmem>>, vector<32xbf16>,
        %mul3A_981 = arith.mulf %get3A_975, %get3A_980 : vector<32xbf16>
        %unpack3A_982 = tpu.unpack_subelements %mul3A_981, 0 {pack_format = #tpu.pack_format<interleaved>} : vector<32xbf16> -> vector<16xf32>
        %unpack3A_983 = tpu.unpack_subelements %mul3A_981, 1 {pack_format = #tpu.pack_format<interleaved>} : vector<32xbf16> -> vector<16xf32>
        %add3A_984 = arith.addf %broadcast_in_dim3A_972, %unpack3A_982 : vector<16xf32>
        %add3A_985 = arith.addf %add3A_984, %unpack3A_983 : vector<16xf32>
        %get3A_986 = arith.index_cast %add3A_970 : i32 to index
        %get3A_987 = arith.constant 32 : index
        %get3A_988 = tpu.vector_load %arg6[%get3A_986, %get3A_987] {strides = array<i32>} : memref<128x128xbf16, #tpu.memory_space<vmem>>, vector<32xbf16>,
        %add3A_989 = arith.constant 1 : i32
        %add3A_990 = arith.addi %add3A_970, %add3A_989 : i32
        %get3A_991 = arith.index_cast %add3A_990 : i32 to index
        %get3A_992 = arith.constant 32 : index
        %get3A_993 = tpu.vector_load %arg6[%get3A_991, %get3A_992] {strides = array<i32>} : memref<128x128xbf16, #tpu.memory_space<vmem>>, vector<32xbf16>,
        %mul3A_994 = arith.mulf %get3A_988, %get3A_993 : vector<32xbf16>
        %unpack3A_995 = tpu.unpack_subelements %mul3A_994, 0 {pack_format = #tpu.pack_format<interleaved>} : vector<32xbf16> -> vector<16xf32>
        %unpack3A_996 = tpu.unpack_subelements %mul3A_994, 1 {pack_format = #tpu.pack_format<interleaved>} : vector<32xbf16> -> vector<16xf32>
        %add3A_997 = arith.addf %add3A_985, %unpack3A_995 : vector<16xf32>
        %add3A_998 = arith.addf %add3A_997, %unpack3A_996 : vector<16xf32>
        %get3A_999 = arith.index_cast %add3A_970 : i32 to index
        %get3A_1000 = arith.constant 64 : index
        %get3A_1001 = tpu.vector_load %arg6[%get3A_999, %get3A_1000] {strides = array<i32>} : memref<128x128xbf16, #tpu.memory_space<vmem>>, vector<32xbf16>,
        %add3A_1002 = arith.constant 1 : i32
        %add3A_1003 = arith.addi %add3A_970, %add3A_1002 : i32
        %get3A_1004 = arith.index_cast %add3A_1003 : i32 to index
        %get3A_1005 = arith.constant 64 : index
        %get3A_1006 = tpu.vector_load %arg6[%get3A_1004, %get3A_1005] {strides = array<i32>} : memref<128x128xbf16, #tpu.memory_space<vmem>>, vector<32xbf16>,
        %mul3A_1007 = arith.mulf %get3A_1001, %get3A_1006 : vector<32xbf16>
        %unpack3A_1008 = tpu.unpack_subelements %mul3A_1007, 0 {pack_format = #tpu.pack_format<interleaved>} : vector<32xbf16> -> vector<16xf32>
        %unpack3A_1009 = tpu.unpack_subelements %mul3A_1007, 1 {pack_format = #tpu.pack_format<interleaved>} : vector<32xbf16> -> vector<16xf32>
        %add3A_1010 = arith.addf %add3A_998, %unpack3A_1008 : vector<16xf32>
        %add3A_1011 = arith.addf %add3A_1010, %unpack3A_1009 : vector<16xf32>
        %get3A_1012 = arith.index_cast %add3A_970 : i32 to index
        %get3A_1013 = arith.constant 96 : index
        %get3A_1014 = tpu.vector_load %arg6[%get3A_1012, %get3A_1013] {strides = array<i32>} : memref<128x128xbf16, #tpu.memory_space<vmem>>, vector<32xbf16>,
        %add3A_1015 = arith.constant 1 : i32
        %add3A_1016 = arith.addi %add3A_970, %add3A_1015 : i32
        %get3A_1017 = arith.index_cast %add3A_1016 : i32 to index
        %get3A_1018 = arith.constant 96 : index
        %get3A_1019 = tpu.vector_load %arg6[%get3A_1017, %get3A_1018] {strides = array<i32>} : memref<128x128xbf16, #tpu.memory_space<vmem>>, vector<32xbf16>,
        %mul3A_1020 = arith.mulf %get3A_1014, %get3A_1019 : vector<32xbf16>
        %unpack3A_1021 = tpu.unpack_subelements %mul3A_1020, 0 {pack_format = #tpu.pack_format<interleaved>} : vector<32xbf16> -> vector<16xf32>
        %unpack3A_1022 = tpu.unpack_subelements %mul3A_1020, 1 {pack_format = #tpu.pack_format<interleaved>} : vector<32xbf16> -> vector<16xf32>
        %add3A_1023 = arith.addf %add3A_1011, %unpack3A_1021 : vector<16xf32>
        %add3A_1024 = arith.addf %add3A_1023, %unpack3A_1022 : vector<16xf32>
        %mul3A_1025 = arith.constant 32 : i32
        %mul3A_1026 = arith.muli %scan3A_157, %mul3A_1025 : i32
        %add3A_1027 = arith.constant 30 : i32
        %add3A_1028 = arith.addi %mul3A_1026, %add3A_1027 : i32
        %broadcast_in_dim3A_1029 = arith.constant 0.000000e+00 : f32
        %broadcast_in_dim3A_1030 = vector.broadcast %broadcast_in_dim3A_1029 : f32 to vector<16xf32>
        %get3A_1031 = arith.index_cast %add3A_1028 : i32 to index
        %get3A_1032 = arith.constant 0 : index
        %get3A_1033 = tpu.vector_load %arg6[%get3A_1031, %get3A_1032] {strides = array<i32>} : memref<128x128xbf16, #tpu.memory_space<vmem>>, vector<32xbf16>,
        %add3A_1034 = arith.constant 1 : i32
        %add3A_1035 = arith.addi %add3A_1028, %add3A_1034 : i32
        %get3A_1036 = arith.index_cast %add3A_1035 : i32 to index
        %get3A_1037 = arith.constant 0 : index
        %get3A_1038 = tpu.vector_load %arg6[%get3A_1036, %get3A_1037] {strides = array<i32>} : memref<128x128xbf16, #tpu.memory_space<vmem>>, vector<32xbf16>,
        %mul3A_1039 = arith.mulf %get3A_1033, %get3A_1038 : vector<32xbf16>
        %unpack3A_1040 = tpu.unpack_subelements %mul3A_1039, 0 {pack_format = #tpu.pack_format<interleaved>} : vector<32xbf16> -> vector<16xf32>
        %unpack3A_1041 = tpu.unpack_subelements %mul3A_1039, 1 {pack_format = #tpu.pack_format<interleaved>} : vector<32xbf16> -> vector<16xf32>
        %add3A_1042 = arith.addf %broadcast_in_dim3A_1030, %unpack3A_1040 : vector<16xf32>
        %add3A_1043 = arith.addf %add3A_1042, %unpack3A_1041 : vector<16xf32>
        %get3A_1044 = arith.index_cast %add3A_1028 : i32 to index
        %get3A_1045 = arith.constant 32 : index
        %get3A_1046 = tpu.vector_load %arg6[%get3A_1044, %get3A_1045] {strides = array<i32>} : memref<128x128xbf16, #tpu.memory_space<vmem>>, vector<32xbf16>,
        %add3A_1047 = arith.constant 1 : i32
        %add3A_1048 = arith.addi %add3A_1028, %add3A_1047 : i32
        %get3A_1049 = arith.index_cast %add3A_1048 : i32 to index
        %get3A_1050 = arith.constant 32 : index
        %get3A_1051 = tpu.vector_load %arg6[%get3A_1049, %get3A_1050] {strides = array<i32>} : memref<128x128xbf16, #tpu.memory_space<vmem>>, vector<32xbf16>,
        %mul3A_1052 = arith.mulf %get3A_1046, %get3A_1051 : vector<32xbf16>
        %unpack3A_1053 = tpu.unpack_subelements %mul3A_1052, 0 {pack_format = #tpu.pack_format<interleaved>} : vector<32xbf16> -> vector<16xf32>
        %unpack3A_1054 = tpu.unpack_subelements %mul3A_1052, 1 {pack_format = #tpu.pack_format<interleaved>} : vector<32xbf16> -> vector<16xf32>
        %add3A_1055 = arith.addf %add3A_1043, %unpack3A_1053 : vector<16xf32>
        %add3A_1056 = arith.addf %add3A_1055, %unpack3A_1054 : vector<16xf32>
        %get3A_1057 = arith.index_cast %add3A_1028 : i32 to index
        %get3A_1058 = arith.constant 64 : index
        %get3A_1059 = tpu.vector_load %arg6[%get3A_1057, %get3A_1058] {strides = array<i32>} : memref<128x128xbf16, #tpu.memory_space<vmem>>, vector<32xbf16>,
        %add3A_1060 = arith.constant 1 : i32
        %add3A_1061 = arith.addi %add3A_1028, %add3A_1060 : i32
        %get3A_1062 = arith.index_cast %add3A_1061 : i32 to index
        %get3A_1063 = arith.constant 64 : index
        %get3A_1064 = tpu.vector_load %arg6[%get3A_1062, %get3A_1063] {strides = array<i32>} : memref<128x128xbf16, #tpu.memory_space<vmem>>, vector<32xbf16>,
        %mul3A_1065 = arith.mulf %get3A_1059, %get3A_1064 : vector<32xbf16>
        %unpack3A_1066 = tpu.unpack_subelements %mul3A_1065, 0 {pack_format = #tpu.pack_format<interleaved>} : vector<32xbf16> -> vector<16xf32>
        %unpack3A_1067 = tpu.unpack_subelements %mul3A_1065, 1 {pack_format = #tpu.pack_format<interleaved>} : vector<32xbf16> -> vector<16xf32>
        %add3A_1068 = arith.addf %add3A_1056, %unpack3A_1066 : vector<16xf32>
        %add3A_1069 = arith.addf %add3A_1068, %unpack3A_1067 : vector<16xf32>
        %get3A_1070 = arith.index_cast %add3A_1028 : i32 to index
        %get3A_1071 = arith.constant 96 : index
        %get3A_1072 = tpu.vector_load %arg6[%get3A_1070, %get3A_1071] {strides = array<i32>} : memref<128x128xbf16, #tpu.memory_space<vmem>>, vector<32xbf16>,
        %add3A_1073 = arith.constant 1 : i32
        %add3A_1074 = arith.addi %add3A_1028, %add3A_1073 : i32
        %get3A_1075 = arith.index_cast %add3A_1074 : i32 to index
        %get3A_1076 = arith.constant 96 : index
        %get3A_1077 = tpu.vector_load %arg6[%get3A_1075, %get3A_1076] {strides = array<i32>} : memref<128x128xbf16, #tpu.memory_space<vmem>>, vector<32xbf16>,
        %mul3A_1078 = arith.mulf %get3A_1072, %get3A_1077 : vector<32xbf16>
        %unpack3A_1079 = tpu.unpack_subelements %mul3A_1078, 0 {pack_format = #tpu.pack_format<interleaved>} : vector<32xbf16> -> vector<16xf32>
        %unpack3A_1080 = tpu.unpack_subelements %mul3A_1078, 1 {pack_format = #tpu.pack_format<interleaved>} : vector<32xbf16> -> vector<16xf32>
        %add3A_1081 = arith.addf %add3A_1069, %unpack3A_1079 : vector<16xf32>
        %add3A_1082 = arith.addf %add3A_1081, %unpack3A_1080 : vector<16xf32>
        %broadcast_in_dim3A_1083 = vector.shape_cast %xor3A_2 : vector<16xi32> to vector<16x1xi32>
        %gather3A = vector.shape_cast %broadcast_in_dim3A_1083 : vector<16x1xi32> to vector<16xi32>
        %gather3A_1084 = tpu.dynamic_gather %add3A_270[%gather3A] in [0] : vector<16xf32>, vector<16xi32> -> vector<16xf32>
        %select_n3A = arith.select %eq3A_15, %add3A_212, %gather3A_1084 : vector<16xi1>, vector<16xf32>
        %broadcast_in_dim3A_1085 = vector.shape_cast %xor3A_2 : vector<16xi32> to vector<16x1xi32>
        %gather3A_1086 = vector.shape_cast %broadcast_in_dim3A_1085 : vector<16x1xi32> to vector<16xi32>
        %gather3A_1087 = tpu.dynamic_gather %add3A_212[%gather3A_1086] in [0] : vector<16xf32>, vector<16xi32> -> vector<16xf32>
        %select_n3A_1088 = arith.select %eq3A_15, %gather3A_1087, %add3A_270 : vector<16xi1>, vector<16xf32>
        %add3A_1089 = arith.addf %select_n3A, %select_n3A_1088 : vector<16xf32>
        %broadcast_in_dim3A_1090 = vector.shape_cast %xor3A_2 : vector<16xi32> to vector<16x1xi32>
        %gather3A_1091 = vector.shape_cast %broadcast_in_dim3A_1090 : vector<16x1xi32> to vector<16xi32>
        %gather3A_1092 = tpu.dynamic_gather %add3A_386[%gather3A_1091] in [0] : vector<16xf32>, vector<16xi32> -> vector<16xf32>
        %select_n3A_1093 = arith.select %eq3A_15, %add3A_328, %gather3A_1092 : vector<16xi1>, vector<16xf32>
        %broadcast_in_dim3A_1094 = vector.shape_cast %xor3A_2 : vector<16xi32> to vector<16x1xi32>
        %gather3A_1095 = vector.shape_cast %broadcast_in_dim3A_1094 : vector<16x1xi32> to vector<16xi32>
        %gather3A_1096 = tpu.dynamic_gather %add3A_328[%gather3A_1095] in [0] : vector<16xf32>, vector<16xi32> -> vector<16xf32>
        %select_n3A_1097 = arith.select %eq3A_15, %gather3A_1096, %add3A_386 : vector<16xi1>, vector<16xf32>
        %add3A_1098 = arith.addf %select_n3A_1093, %select_n3A_1097 : vector<16xf32>
        %broadcast_in_dim3A_1099 = vector.shape_cast %xor3A_2 : vector<16xi32> to vector<16x1xi32>
        %gather3A_1100 = vector.shape_cast %broadcast_in_dim3A_1099 : vector<16x1xi32> to vector<16xi32>
        %gather3A_1101 = tpu.dynamic_gather %add3A_502[%gather3A_1100] in [0] : vector<16xf32>, vector<16xi32> -> vector<16xf32>
        %select_n3A_1102 = arith.select %eq3A_15, %add3A_444, %gather3A_1101 : vector<16xi1>, vector<16xf32>
        %broadcast_in_dim3A_1103 = vector.shape_cast %xor3A_2 : vector<16xi32> to vector<16x1xi32>
        %gather3A_1104 = vector.shape_cast %broadcast_in_dim3A_1103 : vector<16x1xi32> to vector<16xi32>
        %gather3A_1105 = tpu.dynamic_gather %add3A_444[%gather3A_1104] in [0] : vector<16xf32>, vector<16xi32> -> vector<16xf32>
        %select_n3A_1106 = arith.select %eq3A_15, %gather3A_1105, %add3A_502 : vector<16xi1>, vector<16xf32>
        %add3A_1107 = arith.addf %select_n3A_1102, %select_n3A_1106 : vector<16xf32>
        %broadcast_in_dim3A_1108 = vector.shape_cast %xor3A_2 : vector<16xi32> to vector<16x1xi32>
        %gather3A_1109 = vector.shape_cast %broadcast_in_dim3A_1108 : vector<16x1xi32> to vector<16xi32>
        %gather3A_1110 = tpu.dynamic_gather %add3A_618[%gather3A_1109] in [0] : vector<16xf32>, vector<16xi32> -> vector<16xf32>
        %select_n3A_1111 = arith.select %eq3A_15, %add3A_560, %gather3A_1110 : vector<16xi1>, vector<16xf32>
        %broadcast_in_dim3A_1112 = vector.shape_cast %xor3A_2 : vector<16xi32> to vector<16x1xi32>
        %gather3A_1113 = vector.shape_cast %broadcast_in_dim3A_1112 : vector<16x1xi32> to vector<16xi32>
        %gather3A_1114 = tpu.dynamic_gather %add3A_560[%gather3A_1113] in [0] : vector<16xf32>, vector<16xi32> -> vector<16xf32>
        %select_n3A_1115 = arith.select %eq3A_15, %gather3A_1114, %add3A_618 : vector<16xi1>, vector<16xf32>
        %add3A_1116 = arith.addf %select_n3A_1111, %select_n3A_1115 : vector<16xf32>
        %broadcast_in_dim3A_1117 = vector.shape_cast %xor3A_2 : vector<16xi32> to vector<16x1xi32>
        %gather3A_1118 = vector.shape_cast %broadcast_in_dim3A_1117 : vector<16x1xi32> to vector<16xi32>
        %gather3A_1119 = tpu.dynamic_gather %add3A_734[%gather3A_1118] in [0] : vector<16xf32>, vector<16xi32> -> vector<16xf32>
        %select_n3A_1120 = arith.select %eq3A_15, %add3A_676, %gather3A_1119 : vector<16xi1>, vector<16xf32>
        %broadcast_in_dim3A_1121 = vector.shape_cast %xor3A_2 : vector<16xi32> to vector<16x1xi32>
        %gather3A_1122 = vector.shape_cast %broadcast_in_dim3A_1121 : vector<16x1xi32> to vector<16xi32>
        %gather3A_1123 = tpu.dynamic_gather %add3A_676[%gather3A_1122] in [0] : vector<16xf32>, vector<16xi32> -> vector<16xf32>
        %select_n3A_1124 = arith.select %eq3A_15, %gather3A_1123, %add3A_734 : vector<16xi1>, vector<16xf32>
        %add3A_1125 = arith.addf %select_n3A_1120, %select_n3A_1124 : vector<16xf32>
        %broadcast_in_dim3A_1126 = vector.shape_cast %xor3A_2 : vector<16xi32> to vector<16x1xi32>
        %gather3A_1127 = vector.shape_cast %broadcast_in_dim3A_1126 : vector<16x1xi32> to vector<16xi32>
        %gather3A_1128 = tpu.dynamic_gather %add3A_850[%gather3A_1127] in [0] : vector<16xf32>, vector<16xi32> -> vector<16xf32>
        %select_n3A_1129 = arith.select %eq3A_15, %add3A_792, %gather3A_1128 : vector<16xi1>, vector<16xf32>
        %broadcast_in_dim3A_1130 = vector.shape_cast %xor3A_2 : vector<16xi32> to vector<16x1xi32>
        %gather3A_1131 = vector.shape_cast %broadcast_in_dim3A_1130 : vector<16x1xi32> to vector<16xi32>
        %gather3A_1132 = tpu.dynamic_gather %add3A_792[%gather3A_1131] in [0] : vector<16xf32>, vector<16xi32> -> vector<16xf32>
        %select_n3A_1133 = arith.select %eq3A_15, %gather3A_1132, %add3A_850 : vector<16xi1>, vector<16xf32>
        %add3A_1134 = arith.addf %select_n3A_1129, %select_n3A_1133 : vector<16xf32>
        %broadcast_in_dim3A_1135 = vector.shape_cast %xor3A_2 : vector<16xi32> to vector<16x1xi32>
        %gather3A_1136 = vector.shape_cast %broadcast_in_dim3A_1135 : vector<16x1xi32> to vector<16xi32>
        %gather3A_1137 = tpu.dynamic_gather %add3A_966[%gather3A_1136] in [0] : vector<16xf32>, vector<16xi32> -> vector<16xf32>
        %select_n3A_1138 = arith.select %eq3A_15, %add3A_908, %gather3A_1137 : vector<16xi1>, vector<16xf32>
        %broadcast_in_dim3A_1139 = vector.shape_cast %xor3A_2 : vector<16xi32> to vector<16x1xi32>
        %gather3A_1140 = vector.shape_cast %broadcast_in_dim3A_1139 : vector<16x1xi32> to vector<16xi32>
        %gather3A_1141 = tpu.dynamic_gather %add3A_908[%gather3A_1140] in [0] : vector<16xf32>, vector<16xi32> -> vector<16xf32>
        %select_n3A_1142 = arith.select %eq3A_15, %gather3A_1141, %add3A_966 : vector<16xi1>, vector<16xf32>
        %add3A_1143 = arith.addf %select_n3A_1138, %select_n3A_1142 : vector<16xf32>
        %broadcast_in_dim3A_1144 = vector.shape_cast %xor3A_2 : vector<16xi32> to vector<16x1xi32>
        %gather3A_1145 = vector.shape_cast %broadcast_in_dim3A_1144 : vector<16x1xi32> to vector<16xi32>
        %gather3A_1146 = tpu.dynamic_gather %add3A_1082[%gather3A_1145] in [0] : vector<16xf32>, vector<16xi32> -> vector<16xf32>
        %select_n3A_1147 = arith.select %eq3A_15, %add3A_1024, %gather3A_1146 : vector<16xi1>, vector<16xf32>
        %broadcast_in_dim3A_1148 = vector.shape_cast %xor3A_2 : vector<16xi32> to vector<16x1xi32>
        %gather3A_1149 = vector.shape_cast %broadcast_in_dim3A_1148 : vector<16x1xi32> to vector<16xi32>
        %gather3A_1150 = tpu.dynamic_gather %add3A_1024[%gather3A_1149] in [0] : vector<16xf32>, vector<16xi32> -> vector<16xf32>
        %select_n3A_1151 = arith.select %eq3A_15, %gather3A_1150, %add3A_1082 : vector<16xi1>, vector<16xf32>
        %add3A_1152 = arith.addf %select_n3A_1147, %select_n3A_1151 : vector<16xf32>
        %broadcast_in_dim3A_1153 = vector.shape_cast %xor3A_5 : vector<16xi32> to vector<16x1xi32>
        %gather3A_1154 = vector.shape_cast %broadcast_in_dim3A_1153 : vector<16x1xi32> to vector<16xi32>
        %gather3A_1155 = tpu.dynamic_gather %add3A_1098[%gather3A_1154] in [0] : vector<16xf32>, vector<16xi32> -> vector<16xf32>
        %select_n3A_1156 = arith.select %eq3A_21, %add3A_1089, %gather3A_1155 : vector<16xi1>, vector<16xf32>
        %broadcast_in_dim3A_1157 = vector.shape_cast %xor3A_5 : vector<16xi32> to vector<16x1xi32>
        %gather3A_1158 = vector.shape_cast %broadcast_in_dim3A_1157 : vector<16x1xi32> to vector<16xi32>
        %gather3A_1159 = tpu.dynamic_gather %add3A_1089[%gather3A_1158] in [0] : vector<16xf32>, vector<16xi32> -> vector<16xf32>
        %select_n3A_1160 = arith.select %eq3A_21, %gather3A_1159, %add3A_1098 : vector<16xi1>, vector<16xf32>
        %add3A_1161 = arith.addf %select_n3A_1156, %select_n3A_1160 : vector<16xf32>
        %broadcast_in_dim3A_1162 = vector.shape_cast %xor3A_5 : vector<16xi32> to vector<16x1xi32>
        %gather3A_1163 = vector.shape_cast %broadcast_in_dim3A_1162 : vector<16x1xi32> to vector<16xi32>
        %gather3A_1164 = tpu.dynamic_gather %add3A_1116[%gather3A_1163] in [0] : vector<16xf32>, vector<16xi32> -> vector<16xf32>
        %select_n3A_1165 = arith.select %eq3A_21, %add3A_1107, %gather3A_1164 : vector<16xi1>, vector<16xf32>
        %broadcast_in_dim3A_1166 = vector.shape_cast %xor3A_5 : vector<16xi32> to vector<16x1xi32>
        %gather3A_1167 = vector.shape_cast %broadcast_in_dim3A_1166 : vector<16x1xi32> to vector<16xi32>
        %gather3A_1168 = tpu.dynamic_gather %add3A_1107[%gather3A_1167] in [0] : vector<16xf32>, vector<16xi32> -> vector<16xf32>
        %select_n3A_1169 = arith.select %eq3A_21, %gather3A_1168, %add3A_1116 : vector<16xi1>, vector<16xf32>
        %add3A_1170 = arith.addf %select_n3A_1165, %select_n3A_1169 : vector<16xf32>
        %broadcast_in_dim3A_1171 = vector.shape_cast %xor3A_5 : vector<16xi32> to vector<16x1xi32>
        %gather3A_1172 = vector.shape_cast %broadcast_in_dim3A_1171 : vector<16x1xi32> to vector<16xi32>
        %gather3A_1173 = tpu.dynamic_gather %add3A_1134[%gather3A_1172] in [0] : vector<16xf32>, vector<16xi32> -> vector<16xf32>
        %select_n3A_1174 = arith.select %eq3A_21, %add3A_1125, %gather3A_1173 : vector<16xi1>, vector<16xf32>
        %broadcast_in_dim3A_1175 = vector.shape_cast %xor3A_5 : vector<16xi32> to vector<16x1xi32>
        %gather3A_1176 = vector.shape_cast %broadcast_in_dim3A_1175 : vector<16x1xi32> to vector<16xi32>
        %gather3A_1177 = tpu.dynamic_gather %add3A_1125[%gather3A_1176] in [0] : vector<16xf32>, vector<16xi32> -> vector<16xf32>
        %select_n3A_1178 = arith.select %eq3A_21, %gather3A_1177, %add3A_1134 : vector<16xi1>, vector<16xf32>
        %add3A_1179 = arith.addf %select_n3A_1174, %select_n3A_1178 : vector<16xf32>
        %broadcast_in_dim3A_1180 = vector.shape_cast %xor3A_5 : vector<16xi32> to vector<16x1xi32>
        %gather3A_1181 = vector.shape_cast %broadcast_in_dim3A_1180 : vector<16x1xi32> to vector<16xi32>
        %gather3A_1182 = tpu.dynamic_gather %add3A_1152[%gather3A_1181] in [0] : vector<16xf32>, vector<16xi32> -> vector<16xf32>
        %select_n3A_1183 = arith.select %eq3A_21, %add3A_1143, %gather3A_1182 : vector<16xi1>, vector<16xf32>
        %broadcast_in_dim3A_1184 = vector.shape_cast %xor3A_5 : vector<16xi32> to vector<16x1xi32>
        %gather3A_1185 = vector.shape_cast %broadcast_in_dim3A_1184 : vector<16x1xi32> to vector<16xi32>
        %gather3A_1186 = tpu.dynamic_gather %add3A_1143[%gather3A_1185] in [0] : vector<16xf32>, vector<16xi32> -> vector<16xf32>
        %select_n3A_1187 = arith.select %eq3A_21, %gather3A_1186, %add3A_1152 : vector<16xi1>, vector<16xf32>
        %add3A_1188 = arith.addf %select_n3A_1183, %select_n3A_1187 : vector<16xf32>
        %broadcast_in_dim3A_1189 = vector.shape_cast %xor3A_8 : vector<16xi32> to vector<16x1xi32>
        %gather3A_1190 = vector.shape_cast %broadcast_in_dim3A_1189 : vector<16x1xi32> to vector<16xi32>
        %gather3A_1191 = tpu.dynamic_gather %add3A_1170[%gather3A_1190] in [0] : vector<16xf32>, vector<16xi32> -> vector<16xf32>
        %select_n3A_1192 = arith.select %eq3A_27, %add3A_1161, %gather3A_1191 : vector<16xi1>, vector<16xf32>
        %broadcast_in_dim3A_1193 = vector.shape_cast %xor3A_8 : vector<16xi32> to vector<16x1xi32>
        %gather3A_1194 = vector.shape_cast %broadcast_in_dim3A_1193 : vector<16x1xi32> to vector<16xi32>
        %gather3A_1195 = tpu.dynamic_gather %add3A_1161[%gather3A_1194] in [0] : vector<16xf32>, vector<16xi32> -> vector<16xf32>
        %select_n3A_1196 = arith.select %eq3A_27, %gather3A_1195, %add3A_1170 : vector<16xi1>, vector<16xf32>
        %add3A_1197 = arith.addf %select_n3A_1192, %select_n3A_1196 : vector<16xf32>
        %broadcast_in_dim3A_1198 = vector.shape_cast %xor3A_8 : vector<16xi32> to vector<16x1xi32>
        %gather3A_1199 = vector.shape_cast %broadcast_in_dim3A_1198 : vector<16x1xi32> to vector<16xi32>
        %gather3A_1200 = tpu.dynamic_gather %add3A_1188[%gather3A_1199] in [0] : vector<16xf32>, vector<16xi32> -> vector<16xf32>
        %select_n3A_1201 = arith.select %eq3A_27, %add3A_1179, %gather3A_1200 : vector<16xi1>, vector<16xf32>
        %broadcast_in_dim3A_1202 = vector.shape_cast %xor3A_8 : vector<16xi32> to vector<16x1xi32>
        %gather3A_1203 = vector.shape_cast %broadcast_in_dim3A_1202 : vector<16x1xi32> to vector<16xi32>
        %gather3A_1204 = tpu.dynamic_gather %add3A_1179[%gather3A_1203] in [0] : vector<16xf32>, vector<16xi32> -> vector<16xf32>
        %select_n3A_1205 = arith.select %eq3A_27, %gather3A_1204, %add3A_1188 : vector<16xi1>, vector<16xf32>
        %add3A_1206 = arith.addf %select_n3A_1201, %select_n3A_1205 : vector<16xf32>
        %broadcast_in_dim3A_1207 = vector.shape_cast %xor3A_11 : vector<16xi32> to vector<16x1xi32>
        %gather3A_1208 = vector.shape_cast %broadcast_in_dim3A_1207 : vector<16x1xi32> to vector<16xi32>
        %gather3A_1209 = tpu.dynamic_gather %add3A_1206[%gather3A_1208] in [0] : vector<16xf32>, vector<16xi32> -> vector<16xf32>
        %select_n3A_1210 = arith.select %eq3A_33, %add3A_1197, %gather3A_1209 : vector<16xi1>, vector<16xf32>
        %broadcast_in_dim3A_1211 = vector.shape_cast %xor3A_11 : vector<16xi32> to vector<16x1xi32>
        %gather3A_1212 = vector.shape_cast %broadcast_in_dim3A_1211 : vector<16x1xi32> to vector<16xi32>
        %gather3A_1213 = tpu.dynamic_gather %add3A_1197[%gather3A_1212] in [0] : vector<16xf32>, vector<16xi32> -> vector<16xf32>
        %select_n3A_1214 = arith.select %eq3A_33, %gather3A_1213, %add3A_1206 : vector<16xi1>, vector<16xf32>
        %add3A_1215 = arith.addf %select_n3A_1210, %select_n3A_1214 : vector<16xf32>
        %neg3A = arith.constant 0.000000e+00 : f32
        %neg3A_1216 = vector.broadcast %neg3A : f32 to vector<16xf32>
        %neg3A_1217 = arith.subf %neg3A_1216, %add3A_1215 : vector<16xf32>
        %exp3A = math.exp %neg3A_1217 : vector<16xf32>
        %add3A_1218 = arith.constant 1.000000e+00 : f32
        %add3A_1219 = vector.broadcast %add3A_1218 : f32 to vector<16xf32>
        %add3A_1220 = arith.addf %add3A_1219, %exp3A : vector<16xf32>
        %div3A = arith.constant 1.000000e+00 : f32
        %div3A_1221 = vector.broadcast %div3A : f32 to vector<16xf32>
        %div3A_1222 = arith.divf %div3A_1221, %add3A_1220 : vector<16xf32>
        %mul3A_1223 = arith.constant 64 : i32
        %mul3A_1224 = arith.muli %add3A_72, %mul3A_1223 : i32
        %mul3A_1225 = arith.constant 16 : i32
        %mul3A_1226 = arith.muli %scan3A_157, %mul3A_1225 : i32
        %add3A_1227 = arith.addi %mul3A_1224, %mul3A_1226 : i32
        %swap3A = arith.index_cast %add3A_1227 : i32 to index
        %swap3A_1228 = tpu.vector_load %arg10[%swap3A] {strides = array<i32>} : memref<10240xf32, #tpu.memory_space<vmem>>, vector<16xf32>,
        tpu.vector_store %arg10[%swap3A], %div3A_1222 {strides = array<i32>} : memref<10240xf32, #tpu.memory_space<vmem>>, vector<16xf32>,
      }
      %scan3A_83 = arith.constant 4 : i32
      %add3A_84 = arith.constant 4 : i32
      %add3A_85 = arith.addi %add3A_72, %add3A_84 : i32
      %lt3A = arith.constant 160 : i32
      %lt3A_86 = arith.cmpi slt, %add3A_85, %lt3A : i32
      %convert_element_type3A = arith.extui %lt3A_86 : i1 to i32
      %cond3A = arith.constant 0 : i32
      %cond3A_87 = arith.cmpi ne, %convert_element_type3A, %cond3A : i32
      scf.if %cond3A_87 {
        %add3A_157 = arith.constant 4 : i32
        %add3A_158 = arith.addi %add3A_72, %add3A_157 : i32
        %dma_start3A_159 = arith.constant 0 : i32
        %dma_start3A_160 = tpu.memref_slice %arg5[%add3A_158, %dma_start3A_159] : memref<160x128xi32, #tpu.memory_space<vmem>> -> memref<1x128xi32, #tpu.memory_space<vmem>>
        %dma_start3A_161 = tpu.memref_squeeze %dma_start3A_160 : memref<1x128xi32, #tpu.memory_space<vmem>> -> memref<128xi32, #tpu.memory_space<vmem>>
        %dma_start3A_162 = arith.constant 0 : i32
        %dma_start3A_163 = arith.constant 0 : i32
        %dma_start3A_164 = tpu.memref_slice %arg2[%dma_start3A_162, %dma_start3A_163] : memref<10000x128xbf16, #tpu.memory_space<hbm>> -> memref<10000x128xbf16, #tpu.memory_space<hbm>>
        tpu.enqueue_indirect_dma source(%dma_start3A_164 : memref<10000x128xbf16, #tpu.memory_space<hbm>>) target(%arg6 : memref<128x128xbf16, #tpu.memory_space<vmem>>) offsets(%dma_start3A_161 : memref<128xi32, #tpu.memory_space<vmem>>) semaphore(%arg11 : memref<!tpu.dma_semaphore, #tpu.memory_space<semaphore_mem>>)
      } else {
      }
      %mul3A_88 = arith.constant 4 : i32
      %mul3A_89 = arith.muli %scan3A_68, %mul3A_88 : i32
      %add3A_90 = arith.constant 1 : i32
      %add3A_91 = arith.addi %mul3A_89, %add3A_90 : i32
      %dma_wait3A_92 = arith.constant 0 : i32
      %dma_wait3A_93 = tpu.memref_slice %arg5[%add3A_91, %dma_wait3A_92] : memref<160x128xi32, #tpu.memory_space<vmem>> -> memref<1x128xi32, #tpu.memory_space<vmem>>
      %dma_wait3A_94 = tpu.memref_squeeze %dma_wait3A_93 : memref<1x128xi32, #tpu.memory_space<vmem>> -> memref<128xi32, #tpu.memory_space<vmem>>
      %dma_wait3A_95 = arith.constant 0 : i32
      %dma_wait3A_96 = arith.constant 0 : i32
      %dma_wait3A_97 = tpu.memref_slice %arg2[%dma_wait3A_95, %dma_wait3A_96] : memref<10000x128xbf16, #tpu.memory_space<hbm>> -> memref<10000x128xbf16, #tpu.memory_space<hbm>>
      tpu.wait_indirect_dma semaphore(%arg12 : memref<!tpu.dma_semaphore, #tpu.memory_space<semaphore_mem>>) src(%dma_wait3A_97 : memref<10000x128xbf16, #tpu.memory_space<hbm>>) dst(%arg7 : memref<128x128xbf16, #tpu.memory_space<vmem>>)
      %scan3A_98 = arith.constant 0 : i32
      %scan3A_99 = arith.constant 0 : i32
      %scan3A_100 = arith.constant 4 : i32
      %scan3A_101 = arith.addi %scan3A_99, %scan3A_100 : i32
      %scan3A_102 = arith.constant 1 : i32
      scf.for %scan3A_157 = %scan3A_99 to %scan3A_101 step %scan3A_102  : i32 {
        %mul3A_158 = arith.constant 32 : i32
        %mul3A_159 = arith.muli %scan3A_157, %mul3A_158 : i32
        %add3A_160 = arith.constant 0 : i32
        %add3A_161 = arith.addi %mul3A_159, %add3A_160 : i32
        %broadcast_in_dim3A = arith.constant 0.000000e+00 : f32
        %broadcast_in_dim3A_162 = vector.broadcast %broadcast_in_dim3A : f32 to vector<16xf32>
        %get3A = arith.index_cast %add3A_161 : i32 to index
        %get3A_163 = arith.constant 0 : index
        %get3A_164 = tpu.vector_load %arg7[%get3A, %get3A_163] {strides = array<i32>} : memref<128x128xbf16, #tpu.memory_space<vmem>>, vector<32xbf16>,
        %add3A_165 = arith.constant 1 : i32
        %add3A_166 = arith.addi %add3A_161, %add3A_165 : i32
        %get3A_167 = arith.index_cast %add3A_166 : i32 to index
        %get3A_168 = arith.constant 0 : index
        %get3A_169 = tpu.vector_load %arg7[%get3A_167, %get3A_168] {strides = array<i32>} : memref<128x128xbf16, #tpu.memory_space<vmem>>, vector<32xbf16>,
        %mul3A_170 = arith.mulf %get3A_164, %get3A_169 : vector<32xbf16>
        %unpack3A = tpu.unpack_subelements %mul3A_170, 0 {pack_format = #tpu.pack_format<interleaved>} : vector<32xbf16> -> vector<16xf32>
        %unpack3A_171 = tpu.unpack_subelements %mul3A_170, 1 {pack_format = #tpu.pack_format<interleaved>} : vector<32xbf16> -> vector<16xf32>
        %add3A_172 = arith.addf %broadcast_in_dim3A_162, %unpack3A : vector<16xf32>
        %add3A_173 = arith.addf %add3A_172, %unpack3A_171 : vector<16xf32>
        %get3A_174 = arith.index_cast %add3A_161 : i32 to index
        %get3A_175 = arith.constant 32 : index
        %get3A_176 = tpu.vector_load %arg7[%get3A_174, %get3A_175] {strides = array<i32>} : memref<128x128xbf16, #tpu.memory_space<vmem>>, vector<32xbf16>,
        %add3A_177 = arith.constant 1 : i32
        %add3A_178 = arith.addi %add3A_161, %add3A_177 : i32
        %get3A_179 = arith.index_cast %add3A_178 : i32 to index
        %get3A_180 = arith.constant 32 : index
        %get3A_181 = tpu.vector_load %arg7[%get3A_179, %get3A_180] {strides = array<i32>} : memref<128x128xbf16, #tpu.memory_space<vmem>>, vector<32xbf16>,
        %mul3A_182 = arith.mulf %get3A_176, %get3A_181 : vector<32xbf16>
        %unpack3A_183 = tpu.unpack_subelements %mul3A_182, 0 {pack_format = #tpu.pack_format<interleaved>} : vector<32xbf16> -> vector<16xf32>
        %unpack3A_184 = tpu.unpack_subelements %mul3A_182, 1 {pack_format = #tpu.pack_format<interleaved>} : vector<32xbf16> -> vector<16xf32>
        %add3A_185 = arith.addf %add3A_173, %unpack3A_183 : vector<16xf32>
        %add3A_186 = arith.addf %add3A_185, %unpack3A_184 : vector<16xf32>
        %get3A_187 = arith.index_cast %add3A_161 : i32 to index
        %get3A_188 = arith.constant 64 : index
        %get3A_189 = tpu.vector_load %arg7[%get3A_187, %get3A_188] {strides = array<i32>} : memref<128x128xbf16, #tpu.memory_space<vmem>>, vector<32xbf16>,
        %add3A_190 = arith.constant 1 : i32
        %add3A_191 = arith.addi %add3A_161, %add3A_190 : i32
        %get3A_192 = arith.index_cast %add3A_191 : i32 to index
        %get3A_193 = arith.constant 64 : index
        %get3A_194 = tpu.vector_load %arg7[%get3A_192, %get3A_193] {strides = array<i32>} : memref<128x128xbf16, #tpu.memory_space<vmem>>, vector<32xbf16>,
        %mul3A_195 = arith.mulf %get3A_189, %get3A_194 : vector<32xbf16>
        %unpack3A_196 = tpu.unpack_subelements %mul3A_195, 0 {pack_format = #tpu.pack_format<interleaved>} : vector<32xbf16> -> vector<16xf32>
        %unpack3A_197 = tpu.unpack_subelements %mul3A_195, 1 {pack_format = #tpu.pack_format<interleaved>} : vector<32xbf16> -> vector<16xf32>
        %add3A_198 = arith.addf %add3A_186, %unpack3A_196 : vector<16xf32>
        %add3A_199 = arith.addf %add3A_198, %unpack3A_197 : vector<16xf32>
        %get3A_200 = arith.index_cast %add3A_161 : i32 to index
        %get3A_201 = arith.constant 96 : index
        %get3A_202 = tpu.vector_load %arg7[%get3A_200, %get3A_201] {strides = array<i32>} : memref<128x128xbf16, #tpu.memory_space<vmem>>, vector<32xbf16>,
        %add3A_203 = arith.constant 1 : i32
        %add3A_204 = arith.addi %add3A_161, %add3A_203 : i32
        %get3A_205 = arith.index_cast %add3A_204 : i32 to index
        %get3A_206 = arith.constant 96 : index
        %get3A_207 = tpu.vector_load %arg7[%get3A_205, %get3A_206] {strides = array<i32>} : memref<128x128xbf16, #tpu.memory_space<vmem>>, vector<32xbf16>,
        %mul3A_208 = arith.mulf %get3A_202, %get3A_207 : vector<32xbf16>
        %unpack3A_209 = tpu.unpack_subelements %mul3A_208, 0 {pack_format = #tpu.pack_format<interleaved>} : vector<32xbf16> -> vector<16xf32>
        %unpack3A_210 = tpu.unpack_subelements %mul3A_208, 1 {pack_format = #tpu.pack_format<interleaved>} : vector<32xbf16> -> vector<16xf32>
        %add3A_211 = arith.addf %add3A_199, %unpack3A_209 : vector<16xf32>
        %add3A_212 = arith.addf %add3A_211, %unpack3A_210 : vector<16xf32>
        %mul3A_213 = arith.constant 32 : i32
        %mul3A_214 = arith.muli %scan3A_157, %mul3A_213 : i32
        %add3A_215 = arith.constant 2 : i32
        %add3A_216 = arith.addi %mul3A_214, %add3A_215 : i32
        %broadcast_in_dim3A_217 = arith.constant 0.000000e+00 : f32
        %broadcast_in_dim3A_218 = vector.broadcast %broadcast_in_dim3A_217 : f32 to vector<16xf32>
        %get3A_219 = arith.index_cast %add3A_216 : i32 to index
        %get3A_220 = arith.constant 0 : index
        %get3A_221 = tpu.vector_load %arg7[%get3A_219, %get3A_220] {strides = array<i32>} : memref<128x128xbf16, #tpu.memory_space<vmem>>, vector<32xbf16>,
        %add3A_222 = arith.constant 1 : i32
        %add3A_223 = arith.addi %add3A_216, %add3A_222 : i32
        %get3A_224 = arith.index_cast %add3A_223 : i32 to index
        %get3A_225 = arith.constant 0 : index
        %get3A_226 = tpu.vector_load %arg7[%get3A_224, %get3A_225] {strides = array<i32>} : memref<128x128xbf16, #tpu.memory_space<vmem>>, vector<32xbf16>,
        %mul3A_227 = arith.mulf %get3A_221, %get3A_226 : vector<32xbf16>
        %unpack3A_228 = tpu.unpack_subelements %mul3A_227, 0 {pack_format = #tpu.pack_format<interleaved>} : vector<32xbf16> -> vector<16xf32>
        %unpack3A_229 = tpu.unpack_subelements %mul3A_227, 1 {pack_format = #tpu.pack_format<interleaved>} : vector<32xbf16> -> vector<16xf32>
        %add3A_230 = arith.addf %broadcast_in_dim3A_218, %unpack3A_228 : vector<16xf32>
        %add3A_231 = arith.addf %add3A_230, %unpack3A_229 : vector<16xf32>
        %get3A_232 = arith.index_cast %add3A_216 : i32 to index
        %get3A_233 = arith.constant 32 : index
        %get3A_234 = tpu.vector_load %arg7[%get3A_232, %get3A_233] {strides = array<i32>} : memref<128x128xbf16, #tpu.memory_space<vmem>>, vector<32xbf16>,
        %add3A_235 = arith.constant 1 : i32
        %add3A_236 = arith.addi %add3A_216, %add3A_235 : i32
        %get3A_237 = arith.index_cast %add3A_236 : i32 to index
        %get3A_238 = arith.constant 32 : index
        %get3A_239 = tpu.vector_load %arg7[%get3A_237, %get3A_238] {strides = array<i32>} : memref<128x128xbf16, #tpu.memory_space<vmem>>, vector<32xbf16>,
        %mul3A_240 = arith.mulf %get3A_234, %get3A_239 : vector<32xbf16>
        %unpack3A_241 = tpu.unpack_subelements %mul3A_240, 0 {pack_format = #tpu.pack_format<interleaved>} : vector<32xbf16> -> vector<16xf32>
        %unpack3A_242 = tpu.unpack_subelements %mul3A_240, 1 {pack_format = #tpu.pack_format<interleaved>} : vector<32xbf16> -> vector<16xf32>
        %add3A_243 = arith.addf %add3A_231, %unpack3A_241 : vector<16xf32>
        %add3A_244 = arith.addf %add3A_243, %unpack3A_242 : vector<16xf32>
        %get3A_245 = arith.index_cast %add3A_216 : i32 to index
        %get3A_246 = arith.constant 64 : index
        %get3A_247 = tpu.vector_load %arg7[%get3A_245, %get3A_246] {strides = array<i32>} : memref<128x128xbf16, #tpu.memory_space<vmem>>, vector<32xbf16>,
        %add3A_248 = arith.constant 1 : i32
        %add3A_249 = arith.addi %add3A_216, %add3A_248 : i32
        %get3A_250 = arith.index_cast %add3A_249 : i32 to index
        %get3A_251 = arith.constant 64 : index
        %get3A_252 = tpu.vector_load %arg7[%get3A_250, %get3A_251] {strides = array<i32>} : memref<128x128xbf16, #tpu.memory_space<vmem>>, vector<32xbf16>,
        %mul3A_253 = arith.mulf %get3A_247, %get3A_252 : vector<32xbf16>
        %unpack3A_254 = tpu.unpack_subelements %mul3A_253, 0 {pack_format = #tpu.pack_format<interleaved>} : vector<32xbf16> -> vector<16xf32>
        %unpack3A_255 = tpu.unpack_subelements %mul3A_253, 1 {pack_format = #tpu.pack_format<interleaved>} : vector<32xbf16> -> vector<16xf32>
        %add3A_256 = arith.addf %add3A_244, %unpack3A_254 : vector<16xf32>
        %add3A_257 = arith.addf %add3A_256, %unpack3A_255 : vector<16xf32>
        %get3A_258 = arith.index_cast %add3A_216 : i32 to index
        %get3A_259 = arith.constant 96 : index
        %get3A_260 = tpu.vector_load %arg7[%get3A_258, %get3A_259] {strides = array<i32>} : memref<128x128xbf16, #tpu.memory_space<vmem>>, vector<32xbf16>,
        %add3A_261 = arith.constant 1 : i32
        %add3A_262 = arith.addi %add3A_216, %add3A_261 : i32
        %get3A_263 = arith.index_cast %add3A_262 : i32 to index
        %get3A_264 = arith.constant 96 : index
        %get3A_265 = tpu.vector_load %arg7[%get3A_263, %get3A_264] {strides = array<i32>} : memref<128x128xbf16, #tpu.memory_space<vmem>>, vector<32xbf16>,
        %mul3A_266 = arith.mulf %get3A_260, %get3A_265 : vector<32xbf16>
        %unpack3A_267 = tpu.unpack_subelements %mul3A_266, 0 {pack_format = #tpu.pack_format<interleaved>} : vector<32xbf16> -> vector<16xf32>
        %unpack3A_268 = tpu.unpack_subelements %mul3A_266, 1 {pack_format = #tpu.pack_format<interleaved>} : vector<32xbf16> -> vector<16xf32>
        %add3A_269 = arith.addf %add3A_257, %unpack3A_267 : vector<16xf32>
        %add3A_270 = arith.addf %add3A_269, %unpack3A_268 : vector<16xf32>
        %mul3A_271 = arith.constant 32 : i32
        %mul3A_272 = arith.muli %scan3A_157, %mul3A_271 : i32
        %add3A_273 = arith.constant 4 : i32
        %add3A_274 = arith.addi %mul3A_272, %add3A_273 : i32
        %broadcast_in_dim3A_275 = arith.constant 0.000000e+00 : f32
        %broadcast_in_dim3A_276 = vector.broadcast %broadcast_in_dim3A_275 : f32 to vector<16xf32>
        %get3A_277 = arith.index_cast %add3A_274 : i32 to index
        %get3A_278 = arith.constant 0 : index
        %get3A_279 = tpu.vector_load %arg7[%get3A_277, %get3A_278] {strides = array<i32>} : memref<128x128xbf16, #tpu.memory_space<vmem>>, vector<32xbf16>,
        %add3A_280 = arith.constant 1 : i32
        %add3A_281 = arith.addi %add3A_274, %add3A_280 : i32
        %get3A_282 = arith.index_cast %add3A_281 : i32 to index
        %get3A_283 = arith.constant 0 : index
        %get3A_284 = tpu.vector_load %arg7[%get3A_282, %get3A_283] {strides = array<i32>} : memref<128x128xbf16, #tpu.memory_space<vmem>>, vector<32xbf16>,
        %mul3A_285 = arith.mulf %get3A_279, %get3A_284 : vector<32xbf16>
        %unpack3A_286 = tpu.unpack_subelements %mul3A_285, 0 {pack_format = #tpu.pack_format<interleaved>} : vector<32xbf16> -> vector<16xf32>
        %unpack3A_287 = tpu.unpack_subelements %mul3A_285, 1 {pack_format = #tpu.pack_format<interleaved>} : vector<32xbf16> -> vector<16xf32>
        %add3A_288 = arith.addf %broadcast_in_dim3A_276, %unpack3A_286 : vector<16xf32>
        %add3A_289 = arith.addf %add3A_288, %unpack3A_287 : vector<16xf32>
        %get3A_290 = arith.index_cast %add3A_274 : i32 to index
        %get3A_291 = arith.constant 32 : index
        %get3A_292 = tpu.vector_load %arg7[%get3A_290, %get3A_291] {strides = array<i32>} : memref<128x128xbf16, #tpu.memory_space<vmem>>, vector<32xbf16>,
        %add3A_293 = arith.constant 1 : i32
        %add3A_294 = arith.addi %add3A_274, %add3A_293 : i32
        %get3A_295 = arith.index_cast %add3A_294 : i32 to index
        %get3A_296 = arith.constant 32 : index
        %get3A_297 = tpu.vector_load %arg7[%get3A_295, %get3A_296] {strides = array<i32>} : memref<128x128xbf16, #tpu.memory_space<vmem>>, vector<32xbf16>,
        %mul3A_298 = arith.mulf %get3A_292, %get3A_297 : vector<32xbf16>
        %unpack3A_299 = tpu.unpack_subelements %mul3A_298, 0 {pack_format = #tpu.pack_format<interleaved>} : vector<32xbf16> -> vector<16xf32>
        %unpack3A_300 = tpu.unpack_subelements %mul3A_298, 1 {pack_format = #tpu.pack_format<interleaved>} : vector<32xbf16> -> vector<16xf32>
        %add3A_301 = arith.addf %add3A_289, %unpack3A_299 : vector<16xf32>
        %add3A_302 = arith.addf %add3A_301, %unpack3A_300 : vector<16xf32>
        %get3A_303 = arith.index_cast %add3A_274 : i32 to index
        %get3A_304 = arith.constant 64 : index
        %get3A_305 = tpu.vector_load %arg7[%get3A_303, %get3A_304] {strides = array<i32>} : memref<128x128xbf16, #tpu.memory_space<vmem>>, vector<32xbf16>,
        %add3A_306 = arith.constant 1 : i32
        %add3A_307 = arith.addi %add3A_274, %add3A_306 : i32
        %get3A_308 = arith.index_cast %add3A_307 : i32 to index
        %get3A_309 = arith.constant 64 : index
        %get3A_310 = tpu.vector_load %arg7[%get3A_308, %get3A_309] {strides = array<i32>} : memref<128x128xbf16, #tpu.memory_space<vmem>>, vector<32xbf16>,
        %mul3A_311 = arith.mulf %get3A_305, %get3A_310 : vector<32xbf16>
        %unpack3A_312 = tpu.unpack_subelements %mul3A_311, 0 {pack_format = #tpu.pack_format<interleaved>} : vector<32xbf16> -> vector<16xf32>
        %unpack3A_313 = tpu.unpack_subelements %mul3A_311, 1 {pack_format = #tpu.pack_format<interleaved>} : vector<32xbf16> -> vector<16xf32>
        %add3A_314 = arith.addf %add3A_302, %unpack3A_312 : vector<16xf32>
        %add3A_315 = arith.addf %add3A_314, %unpack3A_313 : vector<16xf32>
        %get3A_316 = arith.index_cast %add3A_274 : i32 to index
        %get3A_317 = arith.constant 96 : index
        %get3A_318 = tpu.vector_load %arg7[%get3A_316, %get3A_317] {strides = array<i32>} : memref<128x128xbf16, #tpu.memory_space<vmem>>, vector<32xbf16>,
        %add3A_319 = arith.constant 1 : i32
        %add3A_320 = arith.addi %add3A_274, %add3A_319 : i32
        %get3A_321 = arith.index_cast %add3A_320 : i32 to index
        %get3A_322 = arith.constant 96 : index
        %get3A_323 = tpu.vector_load %arg7[%get3A_321, %get3A_322] {strides = array<i32>} : memref<128x128xbf16, #tpu.memory_space<vmem>>, vector<32xbf16>,
        %mul3A_324 = arith.mulf %get3A_318, %get3A_323 : vector<32xbf16>
        %unpack3A_325 = tpu.unpack_subelements %mul3A_324, 0 {pack_format = #tpu.pack_format<interleaved>} : vector<32xbf16> -> vector<16xf32>
        %unpack3A_326 = tpu.unpack_subelements %mul3A_324, 1 {pack_format = #tpu.pack_format<interleaved>} : vector<32xbf16> -> vector<16xf32>
        %add3A_327 = arith.addf %add3A_315, %unpack3A_325 : vector<16xf32>
        %add3A_328 = arith.addf %add3A_327, %unpack3A_326 : vector<16xf32>
        %mul3A_329 = arith.constant 32 : i32
        %mul3A_330 = arith.muli %scan3A_157, %mul3A_329 : i32
        %add3A_331 = arith.constant 6 : i32
        %add3A_332 = arith.addi %mul3A_330, %add3A_331 : i32
        %broadcast_in_dim3A_333 = arith.constant 0.000000e+00 : f32
        %broadcast_in_dim3A_334 = vector.broadcast %broadcast_in_dim3A_333 : f32 to vector<16xf32>
        %get3A_335 = arith.index_cast %add3A_332 : i32 to index
        %get3A_336 = arith.constant 0 : index
        %get3A_337 = tpu.vector_load %arg7[%get3A_335, %get3A_336] {strides = array<i32>} : memref<128x128xbf16, #tpu.memory_space<vmem>>, vector<32xbf16>,
        %add3A_338 = arith.constant 1 : i32
        %add3A_339 = arith.addi %add3A_332, %add3A_338 : i32
        %get3A_340 = arith.index_cast %add3A_339 : i32 to index
        %get3A_341 = arith.constant 0 : index
        %get3A_342 = tpu.vector_load %arg7[%get3A_340, %get3A_341] {strides = array<i32>} : memref<128x128xbf16, #tpu.memory_space<vmem>>, vector<32xbf16>,
        %mul3A_343 = arith.mulf %get3A_337, %get3A_342 : vector<32xbf16>
        %unpack3A_344 = tpu.unpack_subelements %mul3A_343, 0 {pack_format = #tpu.pack_format<interleaved>} : vector<32xbf16> -> vector<16xf32>
        %unpack3A_345 = tpu.unpack_subelements %mul3A_343, 1 {pack_format = #tpu.pack_format<interleaved>} : vector<32xbf16> -> vector<16xf32>
        %add3A_346 = arith.addf %broadcast_in_dim3A_334, %unpack3A_344 : vector<16xf32>
        %add3A_347 = arith.addf %add3A_346, %unpack3A_345 : vector<16xf32>
        %get3A_348 = arith.index_cast %add3A_332 : i32 to index
        %get3A_349 = arith.constant 32 : index
        %get3A_350 = tpu.vector_load %arg7[%get3A_348, %get3A_349] {strides = array<i32>} : memref<128x128xbf16, #tpu.memory_space<vmem>>, vector<32xbf16>,
        %add3A_351 = arith.constant 1 : i32
        %add3A_352 = arith.addi %add3A_332, %add3A_351 : i32
        %get3A_353 = arith.index_cast %add3A_352 : i32 to index
        %get3A_354 = arith.constant 32 : index
        %get3A_355 = tpu.vector_load %arg7[%get3A_353, %get3A_354] {strides = array<i32>} : memref<128x128xbf16, #tpu.memory_space<vmem>>, vector<32xbf16>,
        %mul3A_356 = arith.mulf %get3A_350, %get3A_355 : vector<32xbf16>
        %unpack3A_357 = tpu.unpack_subelements %mul3A_356, 0 {pack_format = #tpu.pack_format<interleaved>} : vector<32xbf16> -> vector<16xf32>
        %unpack3A_358 = tpu.unpack_subelements %mul3A_356, 1 {pack_format = #tpu.pack_format<interleaved>} : vector<32xbf16> -> vector<16xf32>
        %add3A_359 = arith.addf %add3A_347, %unpack3A_357 : vector<16xf32>
        %add3A_360 = arith.addf %add3A_359, %unpack3A_358 : vector<16xf32>
        %get3A_361 = arith.index_cast %add3A_332 : i32 to index
        %get3A_362 = arith.constant 64 : index
        %get3A_363 = tpu.vector_load %arg7[%get3A_361, %get3A_362] {strides = array<i32>} : memref<128x128xbf16, #tpu.memory_space<vmem>>, vector<32xbf16>,
        %add3A_364 = arith.constant 1 : i32
        %add3A_365 = arith.addi %add3A_332, %add3A_364 : i32
        %get3A_366 = arith.index_cast %add3A_365 : i32 to index
        %get3A_367 = arith.constant 64 : index
        %get3A_368 = tpu.vector_load %arg7[%get3A_366, %get3A_367] {strides = array<i32>} : memref<128x128xbf16, #tpu.memory_space<vmem>>, vector<32xbf16>,
        %mul3A_369 = arith.mulf %get3A_363, %get3A_368 : vector<32xbf16>
        %unpack3A_370 = tpu.unpack_subelements %mul3A_369, 0 {pack_format = #tpu.pack_format<interleaved>} : vector<32xbf16> -> vector<16xf32>
        %unpack3A_371 = tpu.unpack_subelements %mul3A_369, 1 {pack_format = #tpu.pack_format<interleaved>} : vector<32xbf16> -> vector<16xf32>
        %add3A_372 = arith.addf %add3A_360, %unpack3A_370 : vector<16xf32>
        %add3A_373 = arith.addf %add3A_372, %unpack3A_371 : vector<16xf32>
        %get3A_374 = arith.index_cast %add3A_332 : i32 to index
        %get3A_375 = arith.constant 96 : index
        %get3A_376 = tpu.vector_load %arg7[%get3A_374, %get3A_375] {strides = array<i32>} : memref<128x128xbf16, #tpu.memory_space<vmem>>, vector<32xbf16>,
        %add3A_377 = arith.constant 1 : i32
        %add3A_378 = arith.addi %add3A_332, %add3A_377 : i32
        %get3A_379 = arith.index_cast %add3A_378 : i32 to index
        %get3A_380 = arith.constant 96 : index
        %get3A_381 = tpu.vector_load %arg7[%get3A_379, %get3A_380] {strides = array<i32>} : memref<128x128xbf16, #tpu.memory_space<vmem>>, vector<32xbf16>,
        %mul3A_382 = arith.mulf %get3A_376, %get3A_381 : vector<32xbf16>
        %unpack3A_383 = tpu.unpack_subelements %mul3A_382, 0 {pack_format = #tpu.pack_format<interleaved>} : vector<32xbf16> -> vector<16xf32>
        %unpack3A_384 = tpu.unpack_subelements %mul3A_382, 1 {pack_format = #tpu.pack_format<interleaved>} : vector<32xbf16> -> vector<16xf32>
        %add3A_385 = arith.addf %add3A_373, %unpack3A_383 : vector<16xf32>
        %add3A_386 = arith.addf %add3A_385, %unpack3A_384 : vector<16xf32>
        %mul3A_387 = arith.constant 32 : i32
        %mul3A_388 = arith.muli %scan3A_157, %mul3A_387 : i32
        %add3A_389 = arith.constant 8 : i32
        %add3A_390 = arith.addi %mul3A_388, %add3A_389 : i32
        %broadcast_in_dim3A_391 = arith.constant 0.000000e+00 : f32
        %broadcast_in_dim3A_392 = vector.broadcast %broadcast_in_dim3A_391 : f32 to vector<16xf32>
        %get3A_393 = arith.index_cast %add3A_390 : i32 to index
        %get3A_394 = arith.constant 0 : index
        %get3A_395 = tpu.vector_load %arg7[%get3A_393, %get3A_394] {strides = array<i32>} : memref<128x128xbf16, #tpu.memory_space<vmem>>, vector<32xbf16>,
        %add3A_396 = arith.constant 1 : i32
        %add3A_397 = arith.addi %add3A_390, %add3A_396 : i32
        %get3A_398 = arith.index_cast %add3A_397 : i32 to index
        %get3A_399 = arith.constant 0 : index
        %get3A_400 = tpu.vector_load %arg7[%get3A_398, %get3A_399] {strides = array<i32>} : memref<128x128xbf16, #tpu.memory_space<vmem>>, vector<32xbf16>,
        %mul3A_401 = arith.mulf %get3A_395, %get3A_400 : vector<32xbf16>
        %unpack3A_402 = tpu.unpack_subelements %mul3A_401, 0 {pack_format = #tpu.pack_format<interleaved>} : vector<32xbf16> -> vector<16xf32>
        %unpack3A_403 = tpu.unpack_subelements %mul3A_401, 1 {pack_format = #tpu.pack_format<interleaved>} : vector<32xbf16> -> vector<16xf32>
        %add3A_404 = arith.addf %broadcast_in_dim3A_392, %unpack3A_402 : vector<16xf32>
        %add3A_405 = arith.addf %add3A_404, %unpack3A_403 : vector<16xf32>
        %get3A_406 = arith.index_cast %add3A_390 : i32 to index
        %get3A_407 = arith.constant 32 : index
        %get3A_408 = tpu.vector_load %arg7[%get3A_406, %get3A_407] {strides = array<i32>} : memref<128x128xbf16, #tpu.memory_space<vmem>>, vector<32xbf16>,
        %add3A_409 = arith.constant 1 : i32
        %add3A_410 = arith.addi %add3A_390, %add3A_409 : i32
        %get3A_411 = arith.index_cast %add3A_410 : i32 to index
        %get3A_412 = arith.constant 32 : index
        %get3A_413 = tpu.vector_load %arg7[%get3A_411, %get3A_412] {strides = array<i32>} : memref<128x128xbf16, #tpu.memory_space<vmem>>, vector<32xbf16>,
        %mul3A_414 = arith.mulf %get3A_408, %get3A_413 : vector<32xbf16>
        %unpack3A_415 = tpu.unpack_subelements %mul3A_414, 0 {pack_format = #tpu.pack_format<interleaved>} : vector<32xbf16> -> vector<16xf32>
        %unpack3A_416 = tpu.unpack_subelements %mul3A_414, 1 {pack_format = #tpu.pack_format<interleaved>} : vector<32xbf16> -> vector<16xf32>
        %add3A_417 = arith.addf %add3A_405, %unpack3A_415 : vector<16xf32>
        %add3A_418 = arith.addf %add3A_417, %unpack3A_416 : vector<16xf32>
        %get3A_419 = arith.index_cast %add3A_390 : i32 to index
        %get3A_420 = arith.constant 64 : index
        %get3A_421 = tpu.vector_load %arg7[%get3A_419, %get3A_420] {strides = array<i32>} : memref<128x128xbf16, #tpu.memory_space<vmem>>, vector<32xbf16>,
        %add3A_422 = arith.constant 1 : i32
        %add3A_423 = arith.addi %add3A_390, %add3A_422 : i32
        %get3A_424 = arith.index_cast %add3A_423 : i32 to index
        %get3A_425 = arith.constant 64 : index
        %get3A_426 = tpu.vector_load %arg7[%get3A_424, %get3A_425] {strides = array<i32>} : memref<128x128xbf16, #tpu.memory_space<vmem>>, vector<32xbf16>,
        %mul3A_427 = arith.mulf %get3A_421, %get3A_426 : vector<32xbf16>
        %unpack3A_428 = tpu.unpack_subelements %mul3A_427, 0 {pack_format = #tpu.pack_format<interleaved>} : vector<32xbf16> -> vector<16xf32>
        %unpack3A_429 = tpu.unpack_subelements %mul3A_427, 1 {pack_format = #tpu.pack_format<interleaved>} : vector<32xbf16> -> vector<16xf32>
        %add3A_430 = arith.addf %add3A_418, %unpack3A_428 : vector<16xf32>
        %add3A_431 = arith.addf %add3A_430, %unpack3A_429 : vector<16xf32>
        %get3A_432 = arith.index_cast %add3A_390 : i32 to index
        %get3A_433 = arith.constant 96 : index
        %get3A_434 = tpu.vector_load %arg7[%get3A_432, %get3A_433] {strides = array<i32>} : memref<128x128xbf16, #tpu.memory_space<vmem>>, vector<32xbf16>,
        %add3A_435 = arith.constant 1 : i32
        %add3A_436 = arith.addi %add3A_390, %add3A_435 : i32
        %get3A_437 = arith.index_cast %add3A_436 : i32 to index
        %get3A_438 = arith.constant 96 : index
        %get3A_439 = tpu.vector_load %arg7[%get3A_437, %get3A_438] {strides = array<i32>} : memref<128x128xbf16, #tpu.memory_space<vmem>>, vector<32xbf16>,
        %mul3A_440 = arith.mulf %get3A_434, %get3A_439 : vector<32xbf16>
        %unpack3A_441 = tpu.unpack_subelements %mul3A_440, 0 {pack_format = #tpu.pack_format<interleaved>} : vector<32xbf16> -> vector<16xf32>
        %unpack3A_442 = tpu.unpack_subelements %mul3A_440, 1 {pack_format = #tpu.pack_format<interleaved>} : vector<32xbf16> -> vector<16xf32>
        %add3A_443 = arith.addf %add3A_431, %unpack3A_441 : vector<16xf32>
        %add3A_444 = arith.addf %add3A_443, %unpack3A_442 : vector<16xf32>
        %mul3A_445 = arith.constant 32 : i32
        %mul3A_446 = arith.muli %scan3A_157, %mul3A_445 : i32
        %add3A_447 = arith.constant 10 : i32
        %add3A_448 = arith.addi %mul3A_446, %add3A_447 : i32
        %broadcast_in_dim3A_449 = arith.constant 0.000000e+00 : f32
        %broadcast_in_dim3A_450 = vector.broadcast %broadcast_in_dim3A_449 : f32 to vector<16xf32>
        %get3A_451 = arith.index_cast %add3A_448 : i32 to index
        %get3A_452 = arith.constant 0 : index
        %get3A_453 = tpu.vector_load %arg7[%get3A_451, %get3A_452] {strides = array<i32>} : memref<128x128xbf16, #tpu.memory_space<vmem>>, vector<32xbf16>,
        %add3A_454 = arith.constant 1 : i32
        %add3A_455 = arith.addi %add3A_448, %add3A_454 : i32
        %get3A_456 = arith.index_cast %add3A_455 : i32 to index
        %get3A_457 = arith.constant 0 : index
        %get3A_458 = tpu.vector_load %arg7[%get3A_456, %get3A_457] {strides = array<i32>} : memref<128x128xbf16, #tpu.memory_space<vmem>>, vector<32xbf16>,
        %mul3A_459 = arith.mulf %get3A_453, %get3A_458 : vector<32xbf16>
        %unpack3A_460 = tpu.unpack_subelements %mul3A_459, 0 {pack_format = #tpu.pack_format<interleaved>} : vector<32xbf16> -> vector<16xf32>
        %unpack3A_461 = tpu.unpack_subelements %mul3A_459, 1 {pack_format = #tpu.pack_format<interleaved>} : vector<32xbf16> -> vector<16xf32>
        %add3A_462 = arith.addf %broadcast_in_dim3A_450, %unpack3A_460 : vector<16xf32>
        %add3A_463 = arith.addf %add3A_462, %unpack3A_461 : vector<16xf32>
        %get3A_464 = arith.index_cast %add3A_448 : i32 to index
        %get3A_465 = arith.constant 32 : index
        %get3A_466 = tpu.vector_load %arg7[%get3A_464, %get3A_465] {strides = array<i32>} : memref<128x128xbf16, #tpu.memory_space<vmem>>, vector<32xbf16>,
        %add3A_467 = arith.constant 1 : i32
        %add3A_468 = arith.addi %add3A_448, %add3A_467 : i32
        %get3A_469 = arith.index_cast %add3A_468 : i32 to index
        %get3A_470 = arith.constant 32 : index
        %get3A_471 = tpu.vector_load %arg7[%get3A_469, %get3A_470] {strides = array<i32>} : memref<128x128xbf16, #tpu.memory_space<vmem>>, vector<32xbf16>,
        %mul3A_472 = arith.mulf %get3A_466, %get3A_471 : vector<32xbf16>
        %unpack3A_473 = tpu.unpack_subelements %mul3A_472, 0 {pack_format = #tpu.pack_format<interleaved>} : vector<32xbf16> -> vector<16xf32>
        %unpack3A_474 = tpu.unpack_subelements %mul3A_472, 1 {pack_format = #tpu.pack_format<interleaved>} : vector<32xbf16> -> vector<16xf32>
        %add3A_475 = arith.addf %add3A_463, %unpack3A_473 : vector<16xf32>
        %add3A_476 = arith.addf %add3A_475, %unpack3A_474 : vector<16xf32>
        %get3A_477 = arith.index_cast %add3A_448 : i32 to index
        %get3A_478 = arith.constant 64 : index
        %get3A_479 = tpu.vector_load %arg7[%get3A_477, %get3A_478] {strides = array<i32>} : memref<128x128xbf16, #tpu.memory_space<vmem>>, vector<32xbf16>,
        %add3A_480 = arith.constant 1 : i32
        %add3A_481 = arith.addi %add3A_448, %add3A_480 : i32
        %get3A_482 = arith.index_cast %add3A_481 : i32 to index
        %get3A_483 = arith.constant 64 : index
        %get3A_484 = tpu.vector_load %arg7[%get3A_482, %get3A_483] {strides = array<i32>} : memref<128x128xbf16, #tpu.memory_space<vmem>>, vector<32xbf16>,
        %mul3A_485 = arith.mulf %get3A_479, %get3A_484 : vector<32xbf16>
        %unpack3A_486 = tpu.unpack_subelements %mul3A_485, 0 {pack_format = #tpu.pack_format<interleaved>} : vector<32xbf16> -> vector<16xf32>
        %unpack3A_487 = tpu.unpack_subelements %mul3A_485, 1 {pack_format = #tpu.pack_format<interleaved>} : vector<32xbf16> -> vector<16xf32>
        %add3A_488 = arith.addf %add3A_476, %unpack3A_486 : vector<16xf32>
        %add3A_489 = arith.addf %add3A_488, %unpack3A_487 : vector<16xf32>
        %get3A_490 = arith.index_cast %add3A_448 : i32 to index
        %get3A_491 = arith.constant 96 : index
        %get3A_492 = tpu.vector_load %arg7[%get3A_490, %get3A_491] {strides = array<i32>} : memref<128x128xbf16, #tpu.memory_space<vmem>>, vector<32xbf16>,
        %add3A_493 = arith.constant 1 : i32
        %add3A_494 = arith.addi %add3A_448, %add3A_493 : i32
        %get3A_495 = arith.index_cast %add3A_494 : i32 to index
        %get3A_496 = arith.constant 96 : index
        %get3A_497 = tpu.vector_load %arg7[%get3A_495, %get3A_496] {strides = array<i32>} : memref<128x128xbf16, #tpu.memory_space<vmem>>, vector<32xbf16>,
        %mul3A_498 = arith.mulf %get3A_492, %get3A_497 : vector<32xbf16>
        %unpack3A_499 = tpu.unpack_subelements %mul3A_498, 0 {pack_format = #tpu.pack_format<interleaved>} : vector<32xbf16> -> vector<16xf32>
        %unpack3A_500 = tpu.unpack_subelements %mul3A_498, 1 {pack_format = #tpu.pack_format<interleaved>} : vector<32xbf16> -> vector<16xf32>
        %add3A_501 = arith.addf %add3A_489, %unpack3A_499 : vector<16xf32>
        %add3A_502 = arith.addf %add3A_501, %unpack3A_500 : vector<16xf32>
        %mul3A_503 = arith.constant 32 : i32
        %mul3A_504 = arith.muli %scan3A_157, %mul3A_503 : i32
        %add3A_505 = arith.constant 12 : i32
        %add3A_506 = arith.addi %mul3A_504, %add3A_505 : i32
        %broadcast_in_dim3A_507 = arith.constant 0.000000e+00 : f32
        %broadcast_in_dim3A_508 = vector.broadcast %broadcast_in_dim3A_507 : f32 to vector<16xf32>
        %get3A_509 = arith.index_cast %add3A_506 : i32 to index
        %get3A_510 = arith.constant 0 : index
        %get3A_511 = tpu.vector_load %arg7[%get3A_509, %get3A_510] {strides = array<i32>} : memref<128x128xbf16, #tpu.memory_space<vmem>>, vector<32xbf16>,
        %add3A_512 = arith.constant 1 : i32
        %add3A_513 = arith.addi %add3A_506, %add3A_512 : i32
        %get3A_514 = arith.index_cast %add3A_513 : i32 to index
        %get3A_515 = arith.constant 0 : index
        %get3A_516 = tpu.vector_load %arg7[%get3A_514, %get3A_515] {strides = array<i32>} : memref<128x128xbf16, #tpu.memory_space<vmem>>, vector<32xbf16>,
        %mul3A_517 = arith.mulf %get3A_511, %get3A_516 : vector<32xbf16>
        %unpack3A_518 = tpu.unpack_subelements %mul3A_517, 0 {pack_format = #tpu.pack_format<interleaved>} : vector<32xbf16> -> vector<16xf32>
        %unpack3A_519 = tpu.unpack_subelements %mul3A_517, 1 {pack_format = #tpu.pack_format<interleaved>} : vector<32xbf16> -> vector<16xf32>
        %add3A_520 = arith.addf %broadcast_in_dim3A_508, %unpack3A_518 : vector<16xf32>
        %add3A_521 = arith.addf %add3A_520, %unpack3A_519 : vector<16xf32>
        %get3A_522 = arith.index_cast %add3A_506 : i32 to index
        %get3A_523 = arith.constant 32 : index
        %get3A_524 = tpu.vector_load %arg7[%get3A_522, %get3A_523] {strides = array<i32>} : memref<128x128xbf16, #tpu.memory_space<vmem>>, vector<32xbf16>,
        %add3A_525 = arith.constant 1 : i32
        %add3A_526 = arith.addi %add3A_506, %add3A_525 : i32
        %get3A_527 = arith.index_cast %add3A_526 : i32 to index
        %get3A_528 = arith.constant 32 : index
        %get3A_529 = tpu.vector_load %arg7[%get3A_527, %get3A_528] {strides = array<i32>} : memref<128x128xbf16, #tpu.memory_space<vmem>>, vector<32xbf16>,
        %mul3A_530 = arith.mulf %get3A_524, %get3A_529 : vector<32xbf16>
        %unpack3A_531 = tpu.unpack_subelements %mul3A_530, 0 {pack_format = #tpu.pack_format<interleaved>} : vector<32xbf16> -> vector<16xf32>
        %unpack3A_532 = tpu.unpack_subelements %mul3A_530, 1 {pack_format = #tpu.pack_format<interleaved>} : vector<32xbf16> -> vector<16xf32>
        %add3A_533 = arith.addf %add3A_521, %unpack3A_531 : vector<16xf32>
        %add3A_534 = arith.addf %add3A_533, %unpack3A_532 : vector<16xf32>
        %get3A_535 = arith.index_cast %add3A_506 : i32 to index
        %get3A_536 = arith.constant 64 : index
        %get3A_537 = tpu.vector_load %arg7[%get3A_535, %get3A_536] {strides = array<i32>} : memref<128x128xbf16, #tpu.memory_space<vmem>>, vector<32xbf16>,
        %add3A_538 = arith.constant 1 : i32
        %add3A_539 = arith.addi %add3A_506, %add3A_538 : i32
        %get3A_540 = arith.index_cast %add3A_539 : i32 to index
        %get3A_541 = arith.constant 64 : index
        %get3A_542 = tpu.vector_load %arg7[%get3A_540, %get3A_541] {strides = array<i32>} : memref<128x128xbf16, #tpu.memory_space<vmem>>, vector<32xbf16>,
        %mul3A_543 = arith.mulf %get3A_537, %get3A_542 : vector<32xbf16>
        %unpack3A_544 = tpu.unpack_subelements %mul3A_543, 0 {pack_format = #tpu.pack_format<interleaved>} : vector<32xbf16> -> vector<16xf32>
        %unpack3A_545 = tpu.unpack_subelements %mul3A_543, 1 {pack_format = #tpu.pack_format<interleaved>} : vector<32xbf16> -> vector<16xf32>
        %add3A_546 = arith.addf %add3A_534, %unpack3A_544 : vector<16xf32>
        %add3A_547 = arith.addf %add3A_546, %unpack3A_545 : vector<16xf32>
        %get3A_548 = arith.index_cast %add3A_506 : i32 to index
        %get3A_549 = arith.constant 96 : index
        %get3A_550 = tpu.vector_load %arg7[%get3A_548, %get3A_549] {strides = array<i32>} : memref<128x128xbf16, #tpu.memory_space<vmem>>, vector<32xbf16>,
        %add3A_551 = arith.constant 1 : i32
        %add3A_552 = arith.addi %add3A_506, %add3A_551 : i32
        %get3A_553 = arith.index_cast %add3A_552 : i32 to index
        %get3A_554 = arith.constant 96 : index
        %get3A_555 = tpu.vector_load %arg7[%get3A_553, %get3A_554] {strides = array<i32>} : memref<128x128xbf16, #tpu.memory_space<vmem>>, vector<32xbf16>,
        %mul3A_556 = arith.mulf %get3A_550, %get3A_555 : vector<32xbf16>
        %unpack3A_557 = tpu.unpack_subelements %mul3A_556, 0 {pack_format = #tpu.pack_format<interleaved>} : vector<32xbf16> -> vector<16xf32>
        %unpack3A_558 = tpu.unpack_subelements %mul3A_556, 1 {pack_format = #tpu.pack_format<interleaved>} : vector<32xbf16> -> vector<16xf32>
        %add3A_559 = arith.addf %add3A_547, %unpack3A_557 : vector<16xf32>
        %add3A_560 = arith.addf %add3A_559, %unpack3A_558 : vector<16xf32>
        %mul3A_561 = arith.constant 32 : i32
        %mul3A_562 = arith.muli %scan3A_157, %mul3A_561 : i32
        %add3A_563 = arith.constant 14 : i32
        %add3A_564 = arith.addi %mul3A_562, %add3A_563 : i32
        %broadcast_in_dim3A_565 = arith.constant 0.000000e+00 : f32
        %broadcast_in_dim3A_566 = vector.broadcast %broadcast_in_dim3A_565 : f32 to vector<16xf32>
        %get3A_567 = arith.index_cast %add3A_564 : i32 to index
        %get3A_568 = arith.constant 0 : index
        %get3A_569 = tpu.vector_load %arg7[%get3A_567, %get3A_568] {strides = array<i32>} : memref<128x128xbf16, #tpu.memory_space<vmem>>, vector<32xbf16>,
        %add3A_570 = arith.constant 1 : i32
        %add3A_571 = arith.addi %add3A_564, %add3A_570 : i32
        %get3A_572 = arith.index_cast %add3A_571 : i32 to index
        %get3A_573 = arith.constant 0 : index
        %get3A_574 = tpu.vector_load %arg7[%get3A_572, %get3A_573] {strides = array<i32>} : memref<128x128xbf16, #tpu.memory_space<vmem>>, vector<32xbf16>,
        %mul3A_575 = arith.mulf %get3A_569, %get3A_574 : vector<32xbf16>
        %unpack3A_576 = tpu.unpack_subelements %mul3A_575, 0 {pack_format = #tpu.pack_format<interleaved>} : vector<32xbf16> -> vector<16xf32>
        %unpack3A_577 = tpu.unpack_subelements %mul3A_575, 1 {pack_format = #tpu.pack_format<interleaved>} : vector<32xbf16> -> vector<16xf32>
        %add3A_578 = arith.addf %broadcast_in_dim3A_566, %unpack3A_576 : vector<16xf32>
        %add3A_579 = arith.addf %add3A_578, %unpack3A_577 : vector<16xf32>
        %get3A_580 = arith.index_cast %add3A_564 : i32 to index
        %get3A_581 = arith.constant 32 : index
        %get3A_582 = tpu.vector_load %arg7[%get3A_580, %get3A_581] {strides = array<i32>} : memref<128x128xbf16, #tpu.memory_space<vmem>>, vector<32xbf16>,
        %add3A_583 = arith.constant 1 : i32
        %add3A_584 = arith.addi %add3A_564, %add3A_583 : i32
        %get3A_585 = arith.index_cast %add3A_584 : i32 to index
        %get3A_586 = arith.constant 32 : index
        %get3A_587 = tpu.vector_load %arg7[%get3A_585, %get3A_586] {strides = array<i32>} : memref<128x128xbf16, #tpu.memory_space<vmem>>, vector<32xbf16>,
        %mul3A_588 = arith.mulf %get3A_582, %get3A_587 : vector<32xbf16>
        %unpack3A_589 = tpu.unpack_subelements %mul3A_588, 0 {pack_format = #tpu.pack_format<interleaved>} : vector<32xbf16> -> vector<16xf32>
        %unpack3A_590 = tpu.unpack_subelements %mul3A_588, 1 {pack_format = #tpu.pack_format<interleaved>} : vector<32xbf16> -> vector<16xf32>
        %add3A_591 = arith.addf %add3A_579, %unpack3A_589 : vector<16xf32>
        %add3A_592 = arith.addf %add3A_591, %unpack3A_590 : vector<16xf32>
        %get3A_593 = arith.index_cast %add3A_564 : i32 to index
        %get3A_594 = arith.constant 64 : index
        %get3A_595 = tpu.vector_load %arg7[%get3A_593, %get3A_594] {strides = array<i32>} : memref<128x128xbf16, #tpu.memory_space<vmem>>, vector<32xbf16>,
        %add3A_596 = arith.constant 1 : i32
        %add3A_597 = arith.addi %add3A_564, %add3A_596 : i32
        %get3A_598 = arith.index_cast %add3A_597 : i32 to index
        %get3A_599 = arith.constant 64 : index
        %get3A_600 = tpu.vector_load %arg7[%get3A_598, %get3A_599] {strides = array<i32>} : memref<128x128xbf16, #tpu.memory_space<vmem>>, vector<32xbf16>,
        %mul3A_601 = arith.mulf %get3A_595, %get3A_600 : vector<32xbf16>
        %unpack3A_602 = tpu.unpack_subelements %mul3A_601, 0 {pack_format = #tpu.pack_format<interleaved>} : vector<32xbf16> -> vector<16xf32>
        %unpack3A_603 = tpu.unpack_subelements %mul3A_601, 1 {pack_format = #tpu.pack_format<interleaved>} : vector<32xbf16> -> vector<16xf32>
        %add3A_604 = arith.addf %add3A_592, %unpack3A_602 : vector<16xf32>
        %add3A_605 = arith.addf %add3A_604, %unpack3A_603 : vector<16xf32>
        %get3A_606 = arith.index_cast %add3A_564 : i32 to index
        %get3A_607 = arith.constant 96 : index
        %get3A_608 = tpu.vector_load %arg7[%get3A_606, %get3A_607] {strides = array<i32>} : memref<128x128xbf16, #tpu.memory_space<vmem>>, vector<32xbf16>,
        %add3A_609 = arith.constant 1 : i32
        %add3A_610 = arith.addi %add3A_564, %add3A_609 : i32
        %get3A_611 = arith.index_cast %add3A_610 : i32 to index
        %get3A_612 = arith.constant 96 : index
        %get3A_613 = tpu.vector_load %arg7[%get3A_611, %get3A_612] {strides = array<i32>} : memref<128x128xbf16, #tpu.memory_space<vmem>>, vector<32xbf16>,
        %mul3A_614 = arith.mulf %get3A_608, %get3A_613 : vector<32xbf16>
        %unpack3A_615 = tpu.unpack_subelements %mul3A_614, 0 {pack_format = #tpu.pack_format<interleaved>} : vector<32xbf16> -> vector<16xf32>
        %unpack3A_616 = tpu.unpack_subelements %mul3A_614, 1 {pack_format = #tpu.pack_format<interleaved>} : vector<32xbf16> -> vector<16xf32>
        %add3A_617 = arith.addf %add3A_605, %unpack3A_615 : vector<16xf32>
        %add3A_618 = arith.addf %add3A_617, %unpack3A_616 : vector<16xf32>
        %mul3A_619 = arith.constant 32 : i32
        %mul3A_620 = arith.muli %scan3A_157, %mul3A_619 : i32
        %add3A_621 = arith.constant 16 : i32
        %add3A_622 = arith.addi %mul3A_620, %add3A_621 : i32
        %broadcast_in_dim3A_623 = arith.constant 0.000000e+00 : f32
        %broadcast_in_dim3A_624 = vector.broadcast %broadcast_in_dim3A_623 : f32 to vector<16xf32>
        %get3A_625 = arith.index_cast %add3A_622 : i32 to index
        %get3A_626 = arith.constant 0 : index
        %get3A_627 = tpu.vector_load %arg7[%get3A_625, %get3A_626] {strides = array<i32>} : memref<128x128xbf16, #tpu.memory_space<vmem>>, vector<32xbf16>,
        %add3A_628 = arith.constant 1 : i32
        %add3A_629 = arith.addi %add3A_622, %add3A_628 : i32
        %get3A_630 = arith.index_cast %add3A_629 : i32 to index
        %get3A_631 = arith.constant 0 : index
        %get3A_632 = tpu.vector_load %arg7[%get3A_630, %get3A_631] {strides = array<i32>} : memref<128x128xbf16, #tpu.memory_space<vmem>>, vector<32xbf16>,
        %mul3A_633 = arith.mulf %get3A_627, %get3A_632 : vector<32xbf16>
        %unpack3A_634 = tpu.unpack_subelements %mul3A_633, 0 {pack_format = #tpu.pack_format<interleaved>} : vector<32xbf16> -> vector<16xf32>
        %unpack3A_635 = tpu.unpack_subelements %mul3A_633, 1 {pack_format = #tpu.pack_format<interleaved>} : vector<32xbf16> -> vector<16xf32>
        %add3A_636 = arith.addf %broadcast_in_dim3A_624, %unpack3A_634 : vector<16xf32>
        %add3A_637 = arith.addf %add3A_636, %unpack3A_635 : vector<16xf32>
        %get3A_638 = arith.index_cast %add3A_622 : i32 to index
        %get3A_639 = arith.constant 32 : index
        %get3A_640 = tpu.vector_load %arg7[%get3A_638, %get3A_639] {strides = array<i32>} : memref<128x128xbf16, #tpu.memory_space<vmem>>, vector<32xbf16>,
        %add3A_641 = arith.constant 1 : i32
        %add3A_642 = arith.addi %add3A_622, %add3A_641 : i32
        %get3A_643 = arith.index_cast %add3A_642 : i32 to index
        %get3A_644 = arith.constant 32 : index
        %get3A_645 = tpu.vector_load %arg7[%get3A_643, %get3A_644] {strides = array<i32>} : memref<128x128xbf16, #tpu.memory_space<vmem>>, vector<32xbf16>,
        %mul3A_646 = arith.mulf %get3A_640, %get3A_645 : vector<32xbf16>
        %unpack3A_647 = tpu.unpack_subelements %mul3A_646, 0 {pack_format = #tpu.pack_format<interleaved>} : vector<32xbf16> -> vector<16xf32>
        %unpack3A_648 = tpu.unpack_subelements %mul3A_646, 1 {pack_format = #tpu.pack_format<interleaved>} : vector<32xbf16> -> vector<16xf32>
        %add3A_649 = arith.addf %add3A_637, %unpack3A_647 : vector<16xf32>
        %add3A_650 = arith.addf %add3A_649, %unpack3A_648 : vector<16xf32>
        %get3A_651 = arith.index_cast %add3A_622 : i32 to index
        %get3A_652 = arith.constant 64 : index
        %get3A_653 = tpu.vector_load %arg7[%get3A_651, %get3A_652] {strides = array<i32>} : memref<128x128xbf16, #tpu.memory_space<vmem>>, vector<32xbf16>,
        %add3A_654 = arith.constant 1 : i32
        %add3A_655 = arith.addi %add3A_622, %add3A_654 : i32
        %get3A_656 = arith.index_cast %add3A_655 : i32 to index
        %get3A_657 = arith.constant 64 : index
        %get3A_658 = tpu.vector_load %arg7[%get3A_656, %get3A_657] {strides = array<i32>} : memref<128x128xbf16, #tpu.memory_space<vmem>>, vector<32xbf16>,
        %mul3A_659 = arith.mulf %get3A_653, %get3A_658 : vector<32xbf16>
        %unpack3A_660 = tpu.unpack_subelements %mul3A_659, 0 {pack_format = #tpu.pack_format<interleaved>} : vector<32xbf16> -> vector<16xf32>
        %unpack3A_661 = tpu.unpack_subelements %mul3A_659, 1 {pack_format = #tpu.pack_format<interleaved>} : vector<32xbf16> -> vector<16xf32>
        %add3A_662 = arith.addf %add3A_650, %unpack3A_660 : vector<16xf32>
        %add3A_663 = arith.addf %add3A_662, %unpack3A_661 : vector<16xf32>
        %get3A_664 = arith.index_cast %add3A_622 : i32 to index
        %get3A_665 = arith.constant 96 : index
        %get3A_666 = tpu.vector_load %arg7[%get3A_664, %get3A_665] {strides = array<i32>} : memref<128x128xbf16, #tpu.memory_space<vmem>>, vector<32xbf16>,
        %add3A_667 = arith.constant 1 : i32
        %add3A_668 = arith.addi %add3A_622, %add3A_667 : i32
        %get3A_669 = arith.index_cast %add3A_668 : i32 to index
        %get3A_670 = arith.constant 96 : index
        %get3A_671 = tpu.vector_load %arg7[%get3A_669, %get3A_670] {strides = array<i32>} : memref<128x128xbf16, #tpu.memory_space<vmem>>, vector<32xbf16>,
        %mul3A_672 = arith.mulf %get3A_666, %get3A_671 : vector<32xbf16>
        %unpack3A_673 = tpu.unpack_subelements %mul3A_672, 0 {pack_format = #tpu.pack_format<interleaved>} : vector<32xbf16> -> vector<16xf32>
        %unpack3A_674 = tpu.unpack_subelements %mul3A_672, 1 {pack_format = #tpu.pack_format<interleaved>} : vector<32xbf16> -> vector<16xf32>
        %add3A_675 = arith.addf %add3A_663, %unpack3A_673 : vector<16xf32>
        %add3A_676 = arith.addf %add3A_675, %unpack3A_674 : vector<16xf32>
        %mul3A_677 = arith.constant 32 : i32
        %mul3A_678 = arith.muli %scan3A_157, %mul3A_677 : i32
        %add3A_679 = arith.constant 18 : i32
        %add3A_680 = arith.addi %mul3A_678, %add3A_679 : i32
        %broadcast_in_dim3A_681 = arith.constant 0.000000e+00 : f32
        %broadcast_in_dim3A_682 = vector.broadcast %broadcast_in_dim3A_681 : f32 to vector<16xf32>
        %get3A_683 = arith.index_cast %add3A_680 : i32 to index
        %get3A_684 = arith.constant 0 : index
        %get3A_685 = tpu.vector_load %arg7[%get3A_683, %get3A_684] {strides = array<i32>} : memref<128x128xbf16, #tpu.memory_space<vmem>>, vector<32xbf16>,
        %add3A_686 = arith.constant 1 : i32
        %add3A_687 = arith.addi %add3A_680, %add3A_686 : i32
        %get3A_688 = arith.index_cast %add3A_687 : i32 to index
        %get3A_689 = arith.constant 0 : index
        %get3A_690 = tpu.vector_load %arg7[%get3A_688, %get3A_689] {strides = array<i32>} : memref<128x128xbf16, #tpu.memory_space<vmem>>, vector<32xbf16>,
        %mul3A_691 = arith.mulf %get3A_685, %get3A_690 : vector<32xbf16>
        %unpack3A_692 = tpu.unpack_subelements %mul3A_691, 0 {pack_format = #tpu.pack_format<interleaved>} : vector<32xbf16> -> vector<16xf32>
        %unpack3A_693 = tpu.unpack_subelements %mul3A_691, 1 {pack_format = #tpu.pack_format<interleaved>} : vector<32xbf16> -> vector<16xf32>
        %add3A_694 = arith.addf %broadcast_in_dim3A_682, %unpack3A_692 : vector<16xf32>
        %add3A_695 = arith.addf %add3A_694, %unpack3A_693 : vector<16xf32>
        %get3A_696 = arith.index_cast %add3A_680 : i32 to index
        %get3A_697 = arith.constant 32 : index
        %get3A_698 = tpu.vector_load %arg7[%get3A_696, %get3A_697] {strides = array<i32>} : memref<128x128xbf16, #tpu.memory_space<vmem>>, vector<32xbf16>,
        %add3A_699 = arith.constant 1 : i32
        %add3A_700 = arith.addi %add3A_680, %add3A_699 : i32
        %get3A_701 = arith.index_cast %add3A_700 : i32 to index
        %get3A_702 = arith.constant 32 : index
        %get3A_703 = tpu.vector_load %arg7[%get3A_701, %get3A_702] {strides = array<i32>} : memref<128x128xbf16, #tpu.memory_space<vmem>>, vector<32xbf16>,
        %mul3A_704 = arith.mulf %get3A_698, %get3A_703 : vector<32xbf16>
        %unpack3A_705 = tpu.unpack_subelements %mul3A_704, 0 {pack_format = #tpu.pack_format<interleaved>} : vector<32xbf16> -> vector<16xf32>
        %unpack3A_706 = tpu.unpack_subelements %mul3A_704, 1 {pack_format = #tpu.pack_format<interleaved>} : vector<32xbf16> -> vector<16xf32>
        %add3A_707 = arith.addf %add3A_695, %unpack3A_705 : vector<16xf32>
        %add3A_708 = arith.addf %add3A_707, %unpack3A_706 : vector<16xf32>
        %get3A_709 = arith.index_cast %add3A_680 : i32 to index
        %get3A_710 = arith.constant 64 : index
        %get3A_711 = tpu.vector_load %arg7[%get3A_709, %get3A_710] {strides = array<i32>} : memref<128x128xbf16, #tpu.memory_space<vmem>>, vector<32xbf16>,
        %add3A_712 = arith.constant 1 : i32
        %add3A_713 = arith.addi %add3A_680, %add3A_712 : i32
        %get3A_714 = arith.index_cast %add3A_713 : i32 to index
        %get3A_715 = arith.constant 64 : index
        %get3A_716 = tpu.vector_load %arg7[%get3A_714, %get3A_715] {strides = array<i32>} : memref<128x128xbf16, #tpu.memory_space<vmem>>, vector<32xbf16>,
        %mul3A_717 = arith.mulf %get3A_711, %get3A_716 : vector<32xbf16>
        %unpack3A_718 = tpu.unpack_subelements %mul3A_717, 0 {pack_format = #tpu.pack_format<interleaved>} : vector<32xbf16> -> vector<16xf32>
        %unpack3A_719 = tpu.unpack_subelements %mul3A_717, 1 {pack_format = #tpu.pack_format<interleaved>} : vector<32xbf16> -> vector<16xf32>
        %add3A_720 = arith.addf %add3A_708, %unpack3A_718 : vector<16xf32>
        %add3A_721 = arith.addf %add3A_720, %unpack3A_719 : vector<16xf32>
        %get3A_722 = arith.index_cast %add3A_680 : i32 to index
        %get3A_723 = arith.constant 96 : index
        %get3A_724 = tpu.vector_load %arg7[%get3A_722, %get3A_723] {strides = array<i32>} : memref<128x128xbf16, #tpu.memory_space<vmem>>, vector<32xbf16>,
        %add3A_725 = arith.constant 1 : i32
        %add3A_726 = arith.addi %add3A_680, %add3A_725 : i32
        %get3A_727 = arith.index_cast %add3A_726 : i32 to index
        %get3A_728 = arith.constant 96 : index
        %get3A_729 = tpu.vector_load %arg7[%get3A_727, %get3A_728] {strides = array<i32>} : memref<128x128xbf16, #tpu.memory_space<vmem>>, vector<32xbf16>,
        %mul3A_730 = arith.mulf %get3A_724, %get3A_729 : vector<32xbf16>
        %unpack3A_731 = tpu.unpack_subelements %mul3A_730, 0 {pack_format = #tpu.pack_format<interleaved>} : vector<32xbf16> -> vector<16xf32>
        %unpack3A_732 = tpu.unpack_subelements %mul3A_730, 1 {pack_format = #tpu.pack_format<interleaved>} : vector<32xbf16> -> vector<16xf32>
        %add3A_733 = arith.addf %add3A_721, %unpack3A_731 : vector<16xf32>
        %add3A_734 = arith.addf %add3A_733, %unpack3A_732 : vector<16xf32>
        %mul3A_735 = arith.constant 32 : i32
        %mul3A_736 = arith.muli %scan3A_157, %mul3A_735 : i32
        %add3A_737 = arith.constant 20 : i32
        %add3A_738 = arith.addi %mul3A_736, %add3A_737 : i32
        %broadcast_in_dim3A_739 = arith.constant 0.000000e+00 : f32
        %broadcast_in_dim3A_740 = vector.broadcast %broadcast_in_dim3A_739 : f32 to vector<16xf32>
        %get3A_741 = arith.index_cast %add3A_738 : i32 to index
        %get3A_742 = arith.constant 0 : index
        %get3A_743 = tpu.vector_load %arg7[%get3A_741, %get3A_742] {strides = array<i32>} : memref<128x128xbf16, #tpu.memory_space<vmem>>, vector<32xbf16>,
        %add3A_744 = arith.constant 1 : i32
        %add3A_745 = arith.addi %add3A_738, %add3A_744 : i32
        %get3A_746 = arith.index_cast %add3A_745 : i32 to index
        %get3A_747 = arith.constant 0 : index
        %get3A_748 = tpu.vector_load %arg7[%get3A_746, %get3A_747] {strides = array<i32>} : memref<128x128xbf16, #tpu.memory_space<vmem>>, vector<32xbf16>,
        %mul3A_749 = arith.mulf %get3A_743, %get3A_748 : vector<32xbf16>
        %unpack3A_750 = tpu.unpack_subelements %mul3A_749, 0 {pack_format = #tpu.pack_format<interleaved>} : vector<32xbf16> -> vector<16xf32>
        %unpack3A_751 = tpu.unpack_subelements %mul3A_749, 1 {pack_format = #tpu.pack_format<interleaved>} : vector<32xbf16> -> vector<16xf32>
        %add3A_752 = arith.addf %broadcast_in_dim3A_740, %unpack3A_750 : vector<16xf32>
        %add3A_753 = arith.addf %add3A_752, %unpack3A_751 : vector<16xf32>
        %get3A_754 = arith.index_cast %add3A_738 : i32 to index
        %get3A_755 = arith.constant 32 : index
        %get3A_756 = tpu.vector_load %arg7[%get3A_754, %get3A_755] {strides = array<i32>} : memref<128x128xbf16, #tpu.memory_space<vmem>>, vector<32xbf16>,
        %add3A_757 = arith.constant 1 : i32
        %add3A_758 = arith.addi %add3A_738, %add3A_757 : i32
        %get3A_759 = arith.index_cast %add3A_758 : i32 to index
        %get3A_760 = arith.constant 32 : index
        %get3A_761 = tpu.vector_load %arg7[%get3A_759, %get3A_760] {strides = array<i32>} : memref<128x128xbf16, #tpu.memory_space<vmem>>, vector<32xbf16>,
        %mul3A_762 = arith.mulf %get3A_756, %get3A_761 : vector<32xbf16>
        %unpack3A_763 = tpu.unpack_subelements %mul3A_762, 0 {pack_format = #tpu.pack_format<interleaved>} : vector<32xbf16> -> vector<16xf32>
        %unpack3A_764 = tpu.unpack_subelements %mul3A_762, 1 {pack_format = #tpu.pack_format<interleaved>} : vector<32xbf16> -> vector<16xf32>
        %add3A_765 = arith.addf %add3A_753, %unpack3A_763 : vector<16xf32>
        %add3A_766 = arith.addf %add3A_765, %unpack3A_764 : vector<16xf32>
        %get3A_767 = arith.index_cast %add3A_738 : i32 to index
        %get3A_768 = arith.constant 64 : index
        %get3A_769 = tpu.vector_load %arg7[%get3A_767, %get3A_768] {strides = array<i32>} : memref<128x128xbf16, #tpu.memory_space<vmem>>, vector<32xbf16>,
        %add3A_770 = arith.constant 1 : i32
        %add3A_771 = arith.addi %add3A_738, %add3A_770 : i32
        %get3A_772 = arith.index_cast %add3A_771 : i32 to index
        %get3A_773 = arith.constant 64 : index
        %get3A_774 = tpu.vector_load %arg7[%get3A_772, %get3A_773] {strides = array<i32>} : memref<128x128xbf16, #tpu.memory_space<vmem>>, vector<32xbf16>,
        %mul3A_775 = arith.mulf %get3A_769, %get3A_774 : vector<32xbf16>
        %unpack3A_776 = tpu.unpack_subelements %mul3A_775, 0 {pack_format = #tpu.pack_format<interleaved>} : vector<32xbf16> -> vector<16xf32>
        %unpack3A_777 = tpu.unpack_subelements %mul3A_775, 1 {pack_format = #tpu.pack_format<interleaved>} : vector<32xbf16> -> vector<16xf32>
        %add3A_778 = arith.addf %add3A_766, %unpack3A_776 : vector<16xf32>
        %add3A_779 = arith.addf %add3A_778, %unpack3A_777 : vector<16xf32>
        %get3A_780 = arith.index_cast %add3A_738 : i32 to index
        %get3A_781 = arith.constant 96 : index
        %get3A_782 = tpu.vector_load %arg7[%get3A_780, %get3A_781] {strides = array<i32>} : memref<128x128xbf16, #tpu.memory_space<vmem>>, vector<32xbf16>,
        %add3A_783 = arith.constant 1 : i32
        %add3A_784 = arith.addi %add3A_738, %add3A_783 : i32
        %get3A_785 = arith.index_cast %add3A_784 : i32 to index
        %get3A_786 = arith.constant 96 : index
        %get3A_787 = tpu.vector_load %arg7[%get3A_785, %get3A_786] {strides = array<i32>} : memref<128x128xbf16, #tpu.memory_space<vmem>>, vector<32xbf16>,
        %mul3A_788 = arith.mulf %get3A_782, %get3A_787 : vector<32xbf16>
        %unpack3A_789 = tpu.unpack_subelements %mul3A_788, 0 {pack_format = #tpu.pack_format<interleaved>} : vector<32xbf16> -> vector<16xf32>
        %unpack3A_790 = tpu.unpack_subelements %mul3A_788, 1 {pack_format = #tpu.pack_format<interleaved>} : vector<32xbf16> -> vector<16xf32>
        %add3A_791 = arith.addf %add3A_779, %unpack3A_789 : vector<16xf32>
        %add3A_792 = arith.addf %add3A_791, %unpack3A_790 : vector<16xf32>
        %mul3A_793 = arith.constant 32 : i32
        %mul3A_794 = arith.muli %scan3A_157, %mul3A_793 : i32
        %add3A_795 = arith.constant 22 : i32
        %add3A_796 = arith.addi %mul3A_794, %add3A_795 : i32
        %broadcast_in_dim3A_797 = arith.constant 0.000000e+00 : f32
        %broadcast_in_dim3A_798 = vector.broadcast %broadcast_in_dim3A_797 : f32 to vector<16xf32>
        %get3A_799 = arith.index_cast %add3A_796 : i32 to index
        %get3A_800 = arith.constant 0 : index
        %get3A_801 = tpu.vector_load %arg7[%get3A_799, %get3A_800] {strides = array<i32>} : memref<128x128xbf16, #tpu.memory_space<vmem>>, vector<32xbf16>,
        %add3A_802 = arith.constant 1 : i32
        %add3A_803 = arith.addi %add3A_796, %add3A_802 : i32
        %get3A_804 = arith.index_cast %add3A_803 : i32 to index
        %get3A_805 = arith.constant 0 : index
        %get3A_806 = tpu.vector_load %arg7[%get3A_804, %get3A_805] {strides = array<i32>} : memref<128x128xbf16, #tpu.memory_space<vmem>>, vector<32xbf16>,
        %mul3A_807 = arith.mulf %get3A_801, %get3A_806 : vector<32xbf16>
        %unpack3A_808 = tpu.unpack_subelements %mul3A_807, 0 {pack_format = #tpu.pack_format<interleaved>} : vector<32xbf16> -> vector<16xf32>
        %unpack3A_809 = tpu.unpack_subelements %mul3A_807, 1 {pack_format = #tpu.pack_format<interleaved>} : vector<32xbf16> -> vector<16xf32>
        %add3A_810 = arith.addf %broadcast_in_dim3A_798, %unpack3A_808 : vector<16xf32>
        %add3A_811 = arith.addf %add3A_810, %unpack3A_809 : vector<16xf32>
        %get3A_812 = arith.index_cast %add3A_796 : i32 to index
        %get3A_813 = arith.constant 32 : index
        %get3A_814 = tpu.vector_load %arg7[%get3A_812, %get3A_813] {strides = array<i32>} : memref<128x128xbf16, #tpu.memory_space<vmem>>, vector<32xbf16>,
        %add3A_815 = arith.constant 1 : i32
        %add3A_816 = arith.addi %add3A_796, %add3A_815 : i32
        %get3A_817 = arith.index_cast %add3A_816 : i32 to index
        %get3A_818 = arith.constant 32 : index
        %get3A_819 = tpu.vector_load %arg7[%get3A_817, %get3A_818] {strides = array<i32>} : memref<128x128xbf16, #tpu.memory_space<vmem>>, vector<32xbf16>,
        %mul3A_820 = arith.mulf %get3A_814, %get3A_819 : vector<32xbf16>
        %unpack3A_821 = tpu.unpack_subelements %mul3A_820, 0 {pack_format = #tpu.pack_format<interleaved>} : vector<32xbf16> -> vector<16xf32>
        %unpack3A_822 = tpu.unpack_subelements %mul3A_820, 1 {pack_format = #tpu.pack_format<interleaved>} : vector<32xbf16> -> vector<16xf32>
        %add3A_823 = arith.addf %add3A_811, %unpack3A_821 : vector<16xf32>
        %add3A_824 = arith.addf %add3A_823, %unpack3A_822 : vector<16xf32>
        %get3A_825 = arith.index_cast %add3A_796 : i32 to index
        %get3A_826 = arith.constant 64 : index
        %get3A_827 = tpu.vector_load %arg7[%get3A_825, %get3A_826] {strides = array<i32>} : memref<128x128xbf16, #tpu.memory_space<vmem>>, vector<32xbf16>,
        %add3A_828 = arith.constant 1 : i32
        %add3A_829 = arith.addi %add3A_796, %add3A_828 : i32
        %get3A_830 = arith.index_cast %add3A_829 : i32 to index
        %get3A_831 = arith.constant 64 : index
        %get3A_832 = tpu.vector_load %arg7[%get3A_830, %get3A_831] {strides = array<i32>} : memref<128x128xbf16, #tpu.memory_space<vmem>>, vector<32xbf16>,
        %mul3A_833 = arith.mulf %get3A_827, %get3A_832 : vector<32xbf16>
        %unpack3A_834 = tpu.unpack_subelements %mul3A_833, 0 {pack_format = #tpu.pack_format<interleaved>} : vector<32xbf16> -> vector<16xf32>
        %unpack3A_835 = tpu.unpack_subelements %mul3A_833, 1 {pack_format = #tpu.pack_format<interleaved>} : vector<32xbf16> -> vector<16xf32>
        %add3A_836 = arith.addf %add3A_824, %unpack3A_834 : vector<16xf32>
        %add3A_837 = arith.addf %add3A_836, %unpack3A_835 : vector<16xf32>
        %get3A_838 = arith.index_cast %add3A_796 : i32 to index
        %get3A_839 = arith.constant 96 : index
        %get3A_840 = tpu.vector_load %arg7[%get3A_838, %get3A_839] {strides = array<i32>} : memref<128x128xbf16, #tpu.memory_space<vmem>>, vector<32xbf16>,
        %add3A_841 = arith.constant 1 : i32
        %add3A_842 = arith.addi %add3A_796, %add3A_841 : i32
        %get3A_843 = arith.index_cast %add3A_842 : i32 to index
        %get3A_844 = arith.constant 96 : index
        %get3A_845 = tpu.vector_load %arg7[%get3A_843, %get3A_844] {strides = array<i32>} : memref<128x128xbf16, #tpu.memory_space<vmem>>, vector<32xbf16>,
        %mul3A_846 = arith.mulf %get3A_840, %get3A_845 : vector<32xbf16>
        %unpack3A_847 = tpu.unpack_subelements %mul3A_846, 0 {pack_format = #tpu.pack_format<interleaved>} : vector<32xbf16> -> vector<16xf32>
        %unpack3A_848 = tpu.unpack_subelements %mul3A_846, 1 {pack_format = #tpu.pack_format<interleaved>} : vector<32xbf16> -> vector<16xf32>
        %add3A_849 = arith.addf %add3A_837, %unpack3A_847 : vector<16xf32>
        %add3A_850 = arith.addf %add3A_849, %unpack3A_848 : vector<16xf32>
        %mul3A_851 = arith.constant 32 : i32
        %mul3A_852 = arith.muli %scan3A_157, %mul3A_851 : i32
        %add3A_853 = arith.constant 24 : i32
        %add3A_854 = arith.addi %mul3A_852, %add3A_853 : i32
        %broadcast_in_dim3A_855 = arith.constant 0.000000e+00 : f32
        %broadcast_in_dim3A_856 = vector.broadcast %broadcast_in_dim3A_855 : f32 to vector<16xf32>
        %get3A_857 = arith.index_cast %add3A_854 : i32 to index
        %get3A_858 = arith.constant 0 : index
        %get3A_859 = tpu.vector_load %arg7[%get3A_857, %get3A_858] {strides = array<i32>} : memref<128x128xbf16, #tpu.memory_space<vmem>>, vector<32xbf16>,
        %add3A_860 = arith.constant 1 : i32
        %add3A_861 = arith.addi %add3A_854, %add3A_860 : i32
        %get3A_862 = arith.index_cast %add3A_861 : i32 to index
        %get3A_863 = arith.constant 0 : index
        %get3A_864 = tpu.vector_load %arg7[%get3A_862, %get3A_863] {strides = array<i32>} : memref<128x128xbf16, #tpu.memory_space<vmem>>, vector<32xbf16>,
        %mul3A_865 = arith.mulf %get3A_859, %get3A_864 : vector<32xbf16>
        %unpack3A_866 = tpu.unpack_subelements %mul3A_865, 0 {pack_format = #tpu.pack_format<interleaved>} : vector<32xbf16> -> vector<16xf32>
        %unpack3A_867 = tpu.unpack_subelements %mul3A_865, 1 {pack_format = #tpu.pack_format<interleaved>} : vector<32xbf16> -> vector<16xf32>
        %add3A_868 = arith.addf %broadcast_in_dim3A_856, %unpack3A_866 : vector<16xf32>
        %add3A_869 = arith.addf %add3A_868, %unpack3A_867 : vector<16xf32>
        %get3A_870 = arith.index_cast %add3A_854 : i32 to index
        %get3A_871 = arith.constant 32 : index
        %get3A_872 = tpu.vector_load %arg7[%get3A_870, %get3A_871] {strides = array<i32>} : memref<128x128xbf16, #tpu.memory_space<vmem>>, vector<32xbf16>,
        %add3A_873 = arith.constant 1 : i32
        %add3A_874 = arith.addi %add3A_854, %add3A_873 : i32
        %get3A_875 = arith.index_cast %add3A_874 : i32 to index
        %get3A_876 = arith.constant 32 : index
        %get3A_877 = tpu.vector_load %arg7[%get3A_875, %get3A_876] {strides = array<i32>} : memref<128x128xbf16, #tpu.memory_space<vmem>>, vector<32xbf16>,
        %mul3A_878 = arith.mulf %get3A_872, %get3A_877 : vector<32xbf16>
        %unpack3A_879 = tpu.unpack_subelements %mul3A_878, 0 {pack_format = #tpu.pack_format<interleaved>} : vector<32xbf16> -> vector<16xf32>
        %unpack3A_880 = tpu.unpack_subelements %mul3A_878, 1 {pack_format = #tpu.pack_format<interleaved>} : vector<32xbf16> -> vector<16xf32>
        %add3A_881 = arith.addf %add3A_869, %unpack3A_879 : vector<16xf32>
        %add3A_882 = arith.addf %add3A_881, %unpack3A_880 : vector<16xf32>
        %get3A_883 = arith.index_cast %add3A_854 : i32 to index
        %get3A_884 = arith.constant 64 : index
        %get3A_885 = tpu.vector_load %arg7[%get3A_883, %get3A_884] {strides = array<i32>} : memref<128x128xbf16, #tpu.memory_space<vmem>>, vector<32xbf16>,
        %add3A_886 = arith.constant 1 : i32
        %add3A_887 = arith.addi %add3A_854, %add3A_886 : i32
        %get3A_888 = arith.index_cast %add3A_887 : i32 to index
        %get3A_889 = arith.constant 64 : index
        %get3A_890 = tpu.vector_load %arg7[%get3A_888, %get3A_889] {strides = array<i32>} : memref<128x128xbf16, #tpu.memory_space<vmem>>, vector<32xbf16>,
        %mul3A_891 = arith.mulf %get3A_885, %get3A_890 : vector<32xbf16>
        %unpack3A_892 = tpu.unpack_subelements %mul3A_891, 0 {pack_format = #tpu.pack_format<interleaved>} : vector<32xbf16> -> vector<16xf32>
        %unpack3A_893 = tpu.unpack_subelements %mul3A_891, 1 {pack_format = #tpu.pack_format<interleaved>} : vector<32xbf16> -> vector<16xf32>
        %add3A_894 = arith.addf %add3A_882, %unpack3A_892 : vector<16xf32>
        %add3A_895 = arith.addf %add3A_894, %unpack3A_893 : vector<16xf32>
        %get3A_896 = arith.index_cast %add3A_854 : i32 to index
        %get3A_897 = arith.constant 96 : index
        %get3A_898 = tpu.vector_load %arg7[%get3A_896, %get3A_897] {strides = array<i32>} : memref<128x128xbf16, #tpu.memory_space<vmem>>, vector<32xbf16>,
        %add3A_899 = arith.constant 1 : i32
        %add3A_900 = arith.addi %add3A_854, %add3A_899 : i32
        %get3A_901 = arith.index_cast %add3A_900 : i32 to index
        %get3A_902 = arith.constant 96 : index
        %get3A_903 = tpu.vector_load %arg7[%get3A_901, %get3A_902] {strides = array<i32>} : memref<128x128xbf16, #tpu.memory_space<vmem>>, vector<32xbf16>,
        %mul3A_904 = arith.mulf %get3A_898, %get3A_903 : vector<32xbf16>
        %unpack3A_905 = tpu.unpack_subelements %mul3A_904, 0 {pack_format = #tpu.pack_format<interleaved>} : vector<32xbf16> -> vector<16xf32>
        %unpack3A_906 = tpu.unpack_subelements %mul3A_904, 1 {pack_format = #tpu.pack_format<interleaved>} : vector<32xbf16> -> vector<16xf32>
        %add3A_907 = arith.addf %add3A_895, %unpack3A_905 : vector<16xf32>
        %add3A_908 = arith.addf %add3A_907, %unpack3A_906 : vector<16xf32>
        %mul3A_909 = arith.constant 32 : i32
        %mul3A_910 = arith.muli %scan3A_157, %mul3A_909 : i32
        %add3A_911 = arith.constant 26 : i32
        %add3A_912 = arith.addi %mul3A_910, %add3A_911 : i32
        %broadcast_in_dim3A_913 = arith.constant 0.000000e+00 : f32
        %broadcast_in_dim3A_914 = vector.broadcast %broadcast_in_dim3A_913 : f32 to vector<16xf32>
        %get3A_915 = arith.index_cast %add3A_912 : i32 to index
        %get3A_916 = arith.constant 0 : index
        %get3A_917 = tpu.vector_load %arg7[%get3A_915, %get3A_916] {strides = array<i32>} : memref<128x128xbf16, #tpu.memory_space<vmem>>, vector<32xbf16>,
        %add3A_918 = arith.constant 1 : i32
        %add3A_919 = arith.addi %add3A_912, %add3A_918 : i32
        %get3A_920 = arith.index_cast %add3A_919 : i32 to index
        %get3A_921 = arith.constant 0 : index
        %get3A_922 = tpu.vector_load %arg7[%get3A_920, %get3A_921] {strides = array<i32>} : memref<128x128xbf16, #tpu.memory_space<vmem>>, vector<32xbf16>,
        %mul3A_923 = arith.mulf %get3A_917, %get3A_922 : vector<32xbf16>
        %unpack3A_924 = tpu.unpack_subelements %mul3A_923, 0 {pack_format = #tpu.pack_format<interleaved>} : vector<32xbf16> -> vector<16xf32>
        %unpack3A_925 = tpu.unpack_subelements %mul3A_923, 1 {pack_format = #tpu.pack_format<interleaved>} : vector<32xbf16> -> vector<16xf32>
        %add3A_926 = arith.addf %broadcast_in_dim3A_914, %unpack3A_924 : vector<16xf32>
        %add3A_927 = arith.addf %add3A_926, %unpack3A_925 : vector<16xf32>
        %get3A_928 = arith.index_cast %add3A_912 : i32 to index
        %get3A_929 = arith.constant 32 : index
        %get3A_930 = tpu.vector_load %arg7[%get3A_928, %get3A_929] {strides = array<i32>} : memref<128x128xbf16, #tpu.memory_space<vmem>>, vector<32xbf16>,
        %add3A_931 = arith.constant 1 : i32
        %add3A_932 = arith.addi %add3A_912, %add3A_931 : i32
        %get3A_933 = arith.index_cast %add3A_932 : i32 to index
        %get3A_934 = arith.constant 32 : index
        %get3A_935 = tpu.vector_load %arg7[%get3A_933, %get3A_934] {strides = array<i32>} : memref<128x128xbf16, #tpu.memory_space<vmem>>, vector<32xbf16>,
        %mul3A_936 = arith.mulf %get3A_930, %get3A_935 : vector<32xbf16>
        %unpack3A_937 = tpu.unpack_subelements %mul3A_936, 0 {pack_format = #tpu.pack_format<interleaved>} : vector<32xbf16> -> vector<16xf32>
        %unpack3A_938 = tpu.unpack_subelements %mul3A_936, 1 {pack_format = #tpu.pack_format<interleaved>} : vector<32xbf16> -> vector<16xf32>
        %add3A_939 = arith.addf %add3A_927, %unpack3A_937 : vector<16xf32>
        %add3A_940 = arith.addf %add3A_939, %unpack3A_938 : vector<16xf32>
        %get3A_941 = arith.index_cast %add3A_912 : i32 to index
        %get3A_942 = arith.constant 64 : index
        %get3A_943 = tpu.vector_load %arg7[%get3A_941, %get3A_942] {strides = array<i32>} : memref<128x128xbf16, #tpu.memory_space<vmem>>, vector<32xbf16>,
        %add3A_944 = arith.constant 1 : i32
        %add3A_945 = arith.addi %add3A_912, %add3A_944 : i32
        %get3A_946 = arith.index_cast %add3A_945 : i32 to index
        %get3A_947 = arith.constant 64 : index
        %get3A_948 = tpu.vector_load %arg7[%get3A_946, %get3A_947] {strides = array<i32>} : memref<128x128xbf16, #tpu.memory_space<vmem>>, vector<32xbf16>,
        %mul3A_949 = arith.mulf %get3A_943, %get3A_948 : vector<32xbf16>
        %unpack3A_950 = tpu.unpack_subelements %mul3A_949, 0 {pack_format = #tpu.pack_format<interleaved>} : vector<32xbf16> -> vector<16xf32>
        %unpack3A_951 = tpu.unpack_subelements %mul3A_949, 1 {pack_format = #tpu.pack_format<interleaved>} : vector<32xbf16> -> vector<16xf32>
        %add3A_952 = arith.addf %add3A_940, %unpack3A_950 : vector<16xf32>
        %add3A_953 = arith.addf %add3A_952, %unpack3A_951 : vector<16xf32>
        %get3A_954 = arith.index_cast %add3A_912 : i32 to index
        %get3A_955 = arith.constant 96 : index
        %get3A_956 = tpu.vector_load %arg7[%get3A_954, %get3A_955] {strides = array<i32>} : memref<128x128xbf16, #tpu.memory_space<vmem>>, vector<32xbf16>,
        %add3A_957 = arith.constant 1 : i32
        %add3A_958 = arith.addi %add3A_912, %add3A_957 : i32
        %get3A_959 = arith.index_cast %add3A_958 : i32 to index
        %get3A_960 = arith.constant 96 : index
        %get3A_961 = tpu.vector_load %arg7[%get3A_959, %get3A_960] {strides = array<i32>} : memref<128x128xbf16, #tpu.memory_space<vmem>>, vector<32xbf16>,
        %mul3A_962 = arith.mulf %get3A_956, %get3A_961 : vector<32xbf16>
        %unpack3A_963 = tpu.unpack_subelements %mul3A_962, 0 {pack_format = #tpu.pack_format<interleaved>} : vector<32xbf16> -> vector<16xf32>
        %unpack3A_964 = tpu.unpack_subelements %mul3A_962, 1 {pack_format = #tpu.pack_format<interleaved>} : vector<32xbf16> -> vector<16xf32>
        %add3A_965 = arith.addf %add3A_953, %unpack3A_963 : vector<16xf32>
        %add3A_966 = arith.addf %add3A_965, %unpack3A_964 : vector<16xf32>
        %mul3A_967 = arith.constant 32 : i32
        %mul3A_968 = arith.muli %scan3A_157, %mul3A_967 : i32
        %add3A_969 = arith.constant 28 : i32
        %add3A_970 = arith.addi %mul3A_968, %add3A_969 : i32
        %broadcast_in_dim3A_971 = arith.constant 0.000000e+00 : f32
        %broadcast_in_dim3A_972 = vector.broadcast %broadcast_in_dim3A_971 : f32 to vector<16xf32>
        %get3A_973 = arith.index_cast %add3A_970 : i32 to index
        %get3A_974 = arith.constant 0 : index
        %get3A_975 = tpu.vector_load %arg7[%get3A_973, %get3A_974] {strides = array<i32>} : memref<128x128xbf16, #tpu.memory_space<vmem>>, vector<32xbf16>,
        %add3A_976 = arith.constant 1 : i32
        %add3A_977 = arith.addi %add3A_970, %add3A_976 : i32
        %get3A_978 = arith.index_cast %add3A_977 : i32 to index
        %get3A_979 = arith.constant 0 : index
        %get3A_980 = tpu.vector_load %arg7[%get3A_978, %get3A_979] {strides = array<i32>} : memref<128x128xbf16, #tpu.memory_space<vmem>>, vector<32xbf16>,
        %mul3A_981 = arith.mulf %get3A_975, %get3A_980 : vector<32xbf16>
        %unpack3A_982 = tpu.unpack_subelements %mul3A_981, 0 {pack_format = #tpu.pack_format<interleaved>} : vector<32xbf16> -> vector<16xf32>
        %unpack3A_983 = tpu.unpack_subelements %mul3A_981, 1 {pack_format = #tpu.pack_format<interleaved>} : vector<32xbf16> -> vector<16xf32>
        %add3A_984 = arith.addf %broadcast_in_dim3A_972, %unpack3A_982 : vector<16xf32>
        %add3A_985 = arith.addf %add3A_984, %unpack3A_983 : vector<16xf32>
        %get3A_986 = arith.index_cast %add3A_970 : i32 to index
        %get3A_987 = arith.constant 32 : index
        %get3A_988 = tpu.vector_load %arg7[%get3A_986, %get3A_987] {strides = array<i32>} : memref<128x128xbf16, #tpu.memory_space<vmem>>, vector<32xbf16>,
        %add3A_989 = arith.constant 1 : i32
        %add3A_990 = arith.addi %add3A_970, %add3A_989 : i32
        %get3A_991 = arith.index_cast %add3A_990 : i32 to index
        %get3A_992 = arith.constant 32 : index
        %get3A_993 = tpu.vector_load %arg7[%get3A_991, %get3A_992] {strides = array<i32>} : memref<128x128xbf16, #tpu.memory_space<vmem>>, vector<32xbf16>,
        %mul3A_994 = arith.mulf %get3A_988, %get3A_993 : vector<32xbf16>
        %unpack3A_995 = tpu.unpack_subelements %mul3A_994, 0 {pack_format = #tpu.pack_format<interleaved>} : vector<32xbf16> -> vector<16xf32>
        %unpack3A_996 = tpu.unpack_subelements %mul3A_994, 1 {pack_format = #tpu.pack_format<interleaved>} : vector<32xbf16> -> vector<16xf32>
        %add3A_997 = arith.addf %add3A_985, %unpack3A_995 : vector<16xf32>
        %add3A_998 = arith.addf %add3A_997, %unpack3A_996 : vector<16xf32>
        %get3A_999 = arith.index_cast %add3A_970 : i32 to index
        %get3A_1000 = arith.constant 64 : index
        %get3A_1001 = tpu.vector_load %arg7[%get3A_999, %get3A_1000] {strides = array<i32>} : memref<128x128xbf16, #tpu.memory_space<vmem>>, vector<32xbf16>,
        %add3A_1002 = arith.constant 1 : i32
        %add3A_1003 = arith.addi %add3A_970, %add3A_1002 : i32
        %get3A_1004 = arith.index_cast %add3A_1003 : i32 to index
        %get3A_1005 = arith.constant 64 : index
        %get3A_1006 = tpu.vector_load %arg7[%get3A_1004, %get3A_1005] {strides = array<i32>} : memref<128x128xbf16, #tpu.memory_space<vmem>>, vector<32xbf16>,
        %mul3A_1007 = arith.mulf %get3A_1001, %get3A_1006 : vector<32xbf16>
        %unpack3A_1008 = tpu.unpack_subelements %mul3A_1007, 0 {pack_format = #tpu.pack_format<interleaved>} : vector<32xbf16> -> vector<16xf32>
        %unpack3A_1009 = tpu.unpack_subelements %mul3A_1007, 1 {pack_format = #tpu.pack_format<interleaved>} : vector<32xbf16> -> vector<16xf32>
        %add3A_1010 = arith.addf %add3A_998, %unpack3A_1008 : vector<16xf32>
        %add3A_1011 = arith.addf %add3A_1010, %unpack3A_1009 : vector<16xf32>
        %get3A_1012 = arith.index_cast %add3A_970 : i32 to index
        %get3A_1013 = arith.constant 96 : index
        %get3A_1014 = tpu.vector_load %arg7[%get3A_1012, %get3A_1013] {strides = array<i32>} : memref<128x128xbf16, #tpu.memory_space<vmem>>, vector<32xbf16>,
        %add3A_1015 = arith.constant 1 : i32
        %add3A_1016 = arith.addi %add3A_970, %add3A_1015 : i32
        %get3A_1017 = arith.index_cast %add3A_1016 : i32 to index
        %get3A_1018 = arith.constant 96 : index
        %get3A_1019 = tpu.vector_load %arg7[%get3A_1017, %get3A_1018] {strides = array<i32>} : memref<128x128xbf16, #tpu.memory_space<vmem>>, vector<32xbf16>,
        %mul3A_1020 = arith.mulf %get3A_1014, %get3A_1019 : vector<32xbf16>
        %unpack3A_1021 = tpu.unpack_subelements %mul3A_1020, 0 {pack_format = #tpu.pack_format<interleaved>} : vector<32xbf16> -> vector<16xf32>
        %unpack3A_1022 = tpu.unpack_subelements %mul3A_1020, 1 {pack_format = #tpu.pack_format<interleaved>} : vector<32xbf16> -> vector<16xf32>
        %add3A_1023 = arith.addf %add3A_1011, %unpack3A_1021 : vector<16xf32>
        %add3A_1024 = arith.addf %add3A_1023, %unpack3A_1022 : vector<16xf32>
        %mul3A_1025 = arith.constant 32 : i32
        %mul3A_1026 = arith.muli %scan3A_157, %mul3A_1025 : i32
        %add3A_1027 = arith.constant 30 : i32
        %add3A_1028 = arith.addi %mul3A_1026, %add3A_1027 : i32
        %broadcast_in_dim3A_1029 = arith.constant 0.000000e+00 : f32
        %broadcast_in_dim3A_1030 = vector.broadcast %broadcast_in_dim3A_1029 : f32 to vector<16xf32>
        %get3A_1031 = arith.index_cast %add3A_1028 : i32 to index
        %get3A_1032 = arith.constant 0 : index
        %get3A_1033 = tpu.vector_load %arg7[%get3A_1031, %get3A_1032] {strides = array<i32>} : memref<128x128xbf16, #tpu.memory_space<vmem>>, vector<32xbf16>,
        %add3A_1034 = arith.constant 1 : i32
        %add3A_1035 = arith.addi %add3A_1028, %add3A_1034 : i32
        %get3A_1036 = arith.index_cast %add3A_1035 : i32 to index
        %get3A_1037 = arith.constant 0 : index
        %get3A_1038 = tpu.vector_load %arg7[%get3A_1036, %get3A_1037] {strides = array<i32>} : memref<128x128xbf16, #tpu.memory_space<vmem>>, vector<32xbf16>,
        %mul3A_1039 = arith.mulf %get3A_1033, %get3A_1038 : vector<32xbf16>
        %unpack3A_1040 = tpu.unpack_subelements %mul3A_1039, 0 {pack_format = #tpu.pack_format<interleaved>} : vector<32xbf16> -> vector<16xf32>
        %unpack3A_1041 = tpu.unpack_subelements %mul3A_1039, 1 {pack_format = #tpu.pack_format<interleaved>} : vector<32xbf16> -> vector<16xf32>
        %add3A_1042 = arith.addf %broadcast_in_dim3A_1030, %unpack3A_1040 : vector<16xf32>
        %add3A_1043 = arith.addf %add3A_1042, %unpack3A_1041 : vector<16xf32>
        %get3A_1044 = arith.index_cast %add3A_1028 : i32 to index
        %get3A_1045 = arith.constant 32 : index
        %get3A_1046 = tpu.vector_load %arg7[%get3A_1044, %get3A_1045] {strides = array<i32>} : memref<128x128xbf16, #tpu.memory_space<vmem>>, vector<32xbf16>,
        %add3A_1047 = arith.constant 1 : i32
        %add3A_1048 = arith.addi %add3A_1028, %add3A_1047 : i32
        %get3A_1049 = arith.index_cast %add3A_1048 : i32 to index
        %get3A_1050 = arith.constant 32 : index
        %get3A_1051 = tpu.vector_load %arg7[%get3A_1049, %get3A_1050] {strides = array<i32>} : memref<128x128xbf16, #tpu.memory_space<vmem>>, vector<32xbf16>,
        %mul3A_1052 = arith.mulf %get3A_1046, %get3A_1051 : vector<32xbf16>
        %unpack3A_1053 = tpu.unpack_subelements %mul3A_1052, 0 {pack_format = #tpu.pack_format<interleaved>} : vector<32xbf16> -> vector<16xf32>
        %unpack3A_1054 = tpu.unpack_subelements %mul3A_1052, 1 {pack_format = #tpu.pack_format<interleaved>} : vector<32xbf16> -> vector<16xf32>
        %add3A_1055 = arith.addf %add3A_1043, %unpack3A_1053 : vector<16xf32>
        %add3A_1056 = arith.addf %add3A_1055, %unpack3A_1054 : vector<16xf32>
        %get3A_1057 = arith.index_cast %add3A_1028 : i32 to index
        %get3A_1058 = arith.constant 64 : index
        %get3A_1059 = tpu.vector_load %arg7[%get3A_1057, %get3A_1058] {strides = array<i32>} : memref<128x128xbf16, #tpu.memory_space<vmem>>, vector<32xbf16>,
        %add3A_1060 = arith.constant 1 : i32
        %add3A_1061 = arith.addi %add3A_1028, %add3A_1060 : i32
        %get3A_1062 = arith.index_cast %add3A_1061 : i32 to index
        %get3A_1063 = arith.constant 64 : index
        %get3A_1064 = tpu.vector_load %arg7[%get3A_1062, %get3A_1063] {strides = array<i32>} : memref<128x128xbf16, #tpu.memory_space<vmem>>, vector<32xbf16>,
        %mul3A_1065 = arith.mulf %get3A_1059, %get3A_1064 : vector<32xbf16>
        %unpack3A_1066 = tpu.unpack_subelements %mul3A_1065, 0 {pack_format = #tpu.pack_format<interleaved>} : vector<32xbf16> -> vector<16xf32>
        %unpack3A_1067 = tpu.unpack_subelements %mul3A_1065, 1 {pack_format = #tpu.pack_format<interleaved>} : vector<32xbf16> -> vector<16xf32>
        %add3A_1068 = arith.addf %add3A_1056, %unpack3A_1066 : vector<16xf32>
        %add3A_1069 = arith.addf %add3A_1068, %unpack3A_1067 : vector<16xf32>
        %get3A_1070 = arith.index_cast %add3A_1028 : i32 to index
        %get3A_1071 = arith.constant 96 : index
        %get3A_1072 = tpu.vector_load %arg7[%get3A_1070, %get3A_1071] {strides = array<i32>} : memref<128x128xbf16, #tpu.memory_space<vmem>>, vector<32xbf16>,
        %add3A_1073 = arith.constant 1 : i32
        %add3A_1074 = arith.addi %add3A_1028, %add3A_1073 : i32
        %get3A_1075 = arith.index_cast %add3A_1074 : i32 to index
        %get3A_1076 = arith.constant 96 : index
        %get3A_1077 = tpu.vector_load %arg7[%get3A_1075, %get3A_1076] {strides = array<i32>} : memref<128x128xbf16, #tpu.memory_space<vmem>>, vector<32xbf16>,
        %mul3A_1078 = arith.mulf %get3A_1072, %get3A_1077 : vector<32xbf16>
        %unpack3A_1079 = tpu.unpack_subelements %mul3A_1078, 0 {pack_format = #tpu.pack_format<interleaved>} : vector<32xbf16> -> vector<16xf32>
        %unpack3A_1080 = tpu.unpack_subelements %mul3A_1078, 1 {pack_format = #tpu.pack_format<interleaved>} : vector<32xbf16> -> vector<16xf32>
        %add3A_1081 = arith.addf %add3A_1069, %unpack3A_1079 : vector<16xf32>
        %add3A_1082 = arith.addf %add3A_1081, %unpack3A_1080 : vector<16xf32>
        %broadcast_in_dim3A_1083 = vector.shape_cast %xor3A_2 : vector<16xi32> to vector<16x1xi32>
        %gather3A = vector.shape_cast %broadcast_in_dim3A_1083 : vector<16x1xi32> to vector<16xi32>
        %gather3A_1084 = tpu.dynamic_gather %add3A_270[%gather3A] in [0] : vector<16xf32>, vector<16xi32> -> vector<16xf32>
        %select_n3A = arith.select %eq3A_15, %add3A_212, %gather3A_1084 : vector<16xi1>, vector<16xf32>
        %broadcast_in_dim3A_1085 = vector.shape_cast %xor3A_2 : vector<16xi32> to vector<16x1xi32>
        %gather3A_1086 = vector.shape_cast %broadcast_in_dim3A_1085 : vector<16x1xi32> to vector<16xi32>
        %gather3A_1087 = tpu.dynamic_gather %add3A_212[%gather3A_1086] in [0] : vector<16xf32>, vector<16xi32> -> vector<16xf32>
        %select_n3A_1088 = arith.select %eq3A_15, %gather3A_1087, %add3A_270 : vector<16xi1>, vector<16xf32>
        %add3A_1089 = arith.addf %select_n3A, %select_n3A_1088 : vector<16xf32>
        %broadcast_in_dim3A_1090 = vector.shape_cast %xor3A_2 : vector<16xi32> to vector<16x1xi32>
        %gather3A_1091 = vector.shape_cast %broadcast_in_dim3A_1090 : vector<16x1xi32> to vector<16xi32>
        %gather3A_1092 = tpu.dynamic_gather %add3A_386[%gather3A_1091] in [0] : vector<16xf32>, vector<16xi32> -> vector<16xf32>
        %select_n3A_1093 = arith.select %eq3A_15, %add3A_328, %gather3A_1092 : vector<16xi1>, vector<16xf32>
        %broadcast_in_dim3A_1094 = vector.shape_cast %xor3A_2 : vector<16xi32> to vector<16x1xi32>
        %gather3A_1095 = vector.shape_cast %broadcast_in_dim3A_1094 : vector<16x1xi32> to vector<16xi32>
        %gather3A_1096 = tpu.dynamic_gather %add3A_328[%gather3A_1095] in [0] : vector<16xf32>, vector<16xi32> -> vector<16xf32>
        %select_n3A_1097 = arith.select %eq3A_15, %gather3A_1096, %add3A_386 : vector<16xi1>, vector<16xf32>
        %add3A_1098 = arith.addf %select_n3A_1093, %select_n3A_1097 : vector<16xf32>
        %broadcast_in_dim3A_1099 = vector.shape_cast %xor3A_2 : vector<16xi32> to vector<16x1xi32>
        %gather3A_1100 = vector.shape_cast %broadcast_in_dim3A_1099 : vector<16x1xi32> to vector<16xi32>
        %gather3A_1101 = tpu.dynamic_gather %add3A_502[%gather3A_1100] in [0] : vector<16xf32>, vector<16xi32> -> vector<16xf32>
        %select_n3A_1102 = arith.select %eq3A_15, %add3A_444, %gather3A_1101 : vector<16xi1>, vector<16xf32>
        %broadcast_in_dim3A_1103 = vector.shape_cast %xor3A_2 : vector<16xi32> to vector<16x1xi32>
        %gather3A_1104 = vector.shape_cast %broadcast_in_dim3A_1103 : vector<16x1xi32> to vector<16xi32>
        %gather3A_1105 = tpu.dynamic_gather %add3A_444[%gather3A_1104] in [0] : vector<16xf32>, vector<16xi32> -> vector<16xf32>
        %select_n3A_1106 = arith.select %eq3A_15, %gather3A_1105, %add3A_502 : vector<16xi1>, vector<16xf32>
        %add3A_1107 = arith.addf %select_n3A_1102, %select_n3A_1106 : vector<16xf32>
        %broadcast_in_dim3A_1108 = vector.shape_cast %xor3A_2 : vector<16xi32> to vector<16x1xi32>
        %gather3A_1109 = vector.shape_cast %broadcast_in_dim3A_1108 : vector<16x1xi32> to vector<16xi32>
        %gather3A_1110 = tpu.dynamic_gather %add3A_618[%gather3A_1109] in [0] : vector<16xf32>, vector<16xi32> -> vector<16xf32>
        %select_n3A_1111 = arith.select %eq3A_15, %add3A_560, %gather3A_1110 : vector<16xi1>, vector<16xf32>
        %broadcast_in_dim3A_1112 = vector.shape_cast %xor3A_2 : vector<16xi32> to vector<16x1xi32>
        %gather3A_1113 = vector.shape_cast %broadcast_in_dim3A_1112 : vector<16x1xi32> to vector<16xi32>
        %gather3A_1114 = tpu.dynamic_gather %add3A_560[%gather3A_1113] in [0] : vector<16xf32>, vector<16xi32> -> vector<16xf32>
        %select_n3A_1115 = arith.select %eq3A_15, %gather3A_1114, %add3A_618 : vector<16xi1>, vector<16xf32>
        %add3A_1116 = arith.addf %select_n3A_1111, %select_n3A_1115 : vector<16xf32>
        %broadcast_in_dim3A_1117 = vector.shape_cast %xor3A_2 : vector<16xi32> to vector<16x1xi32>
        %gather3A_1118 = vector.shape_cast %broadcast_in_dim3A_1117 : vector<16x1xi32> to vector<16xi32>
        %gather3A_1119 = tpu.dynamic_gather %add3A_734[%gather3A_1118] in [0] : vector<16xf32>, vector<16xi32> -> vector<16xf32>
        %select_n3A_1120 = arith.select %eq3A_15, %add3A_676, %gather3A_1119 : vector<16xi1>, vector<16xf32>
        %broadcast_in_dim3A_1121 = vector.shape_cast %xor3A_2 : vector<16xi32> to vector<16x1xi32>
        %gather3A_1122 = vector.shape_cast %broadcast_in_dim3A_1121 : vector<16x1xi32> to vector<16xi32>
        %gather3A_1123 = tpu.dynamic_gather %add3A_676[%gather3A_1122] in [0] : vector<16xf32>, vector<16xi32> -> vector<16xf32>
        %select_n3A_1124 = arith.select %eq3A_15, %gather3A_1123, %add3A_734 : vector<16xi1>, vector<16xf32>
        %add3A_1125 = arith.addf %select_n3A_1120, %select_n3A_1124 : vector<16xf32>
        %broadcast_in_dim3A_1126 = vector.shape_cast %xor3A_2 : vector<16xi32> to vector<16x1xi32>
        %gather3A_1127 = vector.shape_cast %broadcast_in_dim3A_1126 : vector<16x1xi32> to vector<16xi32>
        %gather3A_1128 = tpu.dynamic_gather %add3A_850[%gather3A_1127] in [0] : vector<16xf32>, vector<16xi32> -> vector<16xf32>
        %select_n3A_1129 = arith.select %eq3A_15, %add3A_792, %gather3A_1128 : vector<16xi1>, vector<16xf32>
        %broadcast_in_dim3A_1130 = vector.shape_cast %xor3A_2 : vector<16xi32> to vector<16x1xi32>
        %gather3A_1131 = vector.shape_cast %broadcast_in_dim3A_1130 : vector<16x1xi32> to vector<16xi32>
        %gather3A_1132 = tpu.dynamic_gather %add3A_792[%gather3A_1131] in [0] : vector<16xf32>, vector<16xi32> -> vector<16xf32>
        %select_n3A_1133 = arith.select %eq3A_15, %gather3A_1132, %add3A_850 : vector<16xi1>, vector<16xf32>
        %add3A_1134 = arith.addf %select_n3A_1129, %select_n3A_1133 : vector<16xf32>
        %broadcast_in_dim3A_1135 = vector.shape_cast %xor3A_2 : vector<16xi32> to vector<16x1xi32>
        %gather3A_1136 = vector.shape_cast %broadcast_in_dim3A_1135 : vector<16x1xi32> to vector<16xi32>
        %gather3A_1137 = tpu.dynamic_gather %add3A_966[%gather3A_1136] in [0] : vector<16xf32>, vector<16xi32> -> vector<16xf32>
        %select_n3A_1138 = arith.select %eq3A_15, %add3A_908, %gather3A_1137 : vector<16xi1>, vector<16xf32>
        %broadcast_in_dim3A_1139 = vector.shape_cast %xor3A_2 : vector<16xi32> to vector<16x1xi32>
        %gather3A_1140 = vector.shape_cast %broadcast_in_dim3A_1139 : vector<16x1xi32> to vector<16xi32>
        %gather3A_1141 = tpu.dynamic_gather %add3A_908[%gather3A_1140] in [0] : vector<16xf32>, vector<16xi32> -> vector<16xf32>
        %select_n3A_1142 = arith.select %eq3A_15, %gather3A_1141, %add3A_966 : vector<16xi1>, vector<16xf32>
        %add3A_1143 = arith.addf %select_n3A_1138, %select_n3A_1142 : vector<16xf32>
        %broadcast_in_dim3A_1144 = vector.shape_cast %xor3A_2 : vector<16xi32> to vector<16x1xi32>
        %gather3A_1145 = vector.shape_cast %broadcast_in_dim3A_1144 : vector<16x1xi32> to vector<16xi32>
        %gather3A_1146 = tpu.dynamic_gather %add3A_1082[%gather3A_1145] in [0] : vector<16xf32>, vector<16xi32> -> vector<16xf32>
        %select_n3A_1147 = arith.select %eq3A_15, %add3A_1024, %gather3A_1146 : vector<16xi1>, vector<16xf32>
        %broadcast_in_dim3A_1148 = vector.shape_cast %xor3A_2 : vector<16xi32> to vector<16x1xi32>
        %gather3A_1149 = vector.shape_cast %broadcast_in_dim3A_1148 : vector<16x1xi32> to vector<16xi32>
        %gather3A_1150 = tpu.dynamic_gather %add3A_1024[%gather3A_1149] in [0] : vector<16xf32>, vector<16xi32> -> vector<16xf32>
        %select_n3A_1151 = arith.select %eq3A_15, %gather3A_1150, %add3A_1082 : vector<16xi1>, vector<16xf32>
        %add3A_1152 = arith.addf %select_n3A_1147, %select_n3A_1151 : vector<16xf32>
        %broadcast_in_dim3A_1153 = vector.shape_cast %xor3A_5 : vector<16xi32> to vector<16x1xi32>
        %gather3A_1154 = vector.shape_cast %broadcast_in_dim3A_1153 : vector<16x1xi32> to vector<16xi32>
        %gather3A_1155 = tpu.dynamic_gather %add3A_1098[%gather3A_1154] in [0] : vector<16xf32>, vector<16xi32> -> vector<16xf32>
        %select_n3A_1156 = arith.select %eq3A_21, %add3A_1089, %gather3A_1155 : vector<16xi1>, vector<16xf32>
        %broadcast_in_dim3A_1157 = vector.shape_cast %xor3A_5 : vector<16xi32> to vector<16x1xi32>
        %gather3A_1158 = vector.shape_cast %broadcast_in_dim3A_1157 : vector<16x1xi32> to vector<16xi32>
        %gather3A_1159 = tpu.dynamic_gather %add3A_1089[%gather3A_1158] in [0] : vector<16xf32>, vector<16xi32> -> vector<16xf32>
        %select_n3A_1160 = arith.select %eq3A_21, %gather3A_1159, %add3A_1098 : vector<16xi1>, vector<16xf32>
        %add3A_1161 = arith.addf %select_n3A_1156, %select_n3A_1160 : vector<16xf32>
        %broadcast_in_dim3A_1162 = vector.shape_cast %xor3A_5 : vector<16xi32> to vector<16x1xi32>
        %gather3A_1163 = vector.shape_cast %broadcast_in_dim3A_1162 : vector<16x1xi32> to vector<16xi32>
        %gather3A_1164 = tpu.dynamic_gather %add3A_1116[%gather3A_1163] in [0] : vector<16xf32>, vector<16xi32> -> vector<16xf32>
        %select_n3A_1165 = arith.select %eq3A_21, %add3A_1107, %gather3A_1164 : vector<16xi1>, vector<16xf32>
        %broadcast_in_dim3A_1166 = vector.shape_cast %xor3A_5 : vector<16xi32> to vector<16x1xi32>
        %gather3A_1167 = vector.shape_cast %broadcast_in_dim3A_1166 : vector<16x1xi32> to vector<16xi32>
        %gather3A_1168 = tpu.dynamic_gather %add3A_1107[%gather3A_1167] in [0] : vector<16xf32>, vector<16xi32> -> vector<16xf32>
        %select_n3A_1169 = arith.select %eq3A_21, %gather3A_1168, %add3A_1116 : vector<16xi1>, vector<16xf32>
        %add3A_1170 = arith.addf %select_n3A_1165, %select_n3A_1169 : vector<16xf32>
        %broadcast_in_dim3A_1171 = vector.shape_cast %xor3A_5 : vector<16xi32> to vector<16x1xi32>
        %gather3A_1172 = vector.shape_cast %broadcast_in_dim3A_1171 : vector<16x1xi32> to vector<16xi32>
        %gather3A_1173 = tpu.dynamic_gather %add3A_1134[%gather3A_1172] in [0] : vector<16xf32>, vector<16xi32> -> vector<16xf32>
        %select_n3A_1174 = arith.select %eq3A_21, %add3A_1125, %gather3A_1173 : vector<16xi1>, vector<16xf32>
        %broadcast_in_dim3A_1175 = vector.shape_cast %xor3A_5 : vector<16xi32> to vector<16x1xi32>
        %gather3A_1176 = vector.shape_cast %broadcast_in_dim3A_1175 : vector<16x1xi32> to vector<16xi32>
        %gather3A_1177 = tpu.dynamic_gather %add3A_1125[%gather3A_1176] in [0] : vector<16xf32>, vector<16xi32> -> vector<16xf32>
        %select_n3A_1178 = arith.select %eq3A_21, %gather3A_1177, %add3A_1134 : vector<16xi1>, vector<16xf32>
        %add3A_1179 = arith.addf %select_n3A_1174, %select_n3A_1178 : vector<16xf32>
        %broadcast_in_dim3A_1180 = vector.shape_cast %xor3A_5 : vector<16xi32> to vector<16x1xi32>
        %gather3A_1181 = vector.shape_cast %broadcast_in_dim3A_1180 : vector<16x1xi32> to vector<16xi32>
        %gather3A_1182 = tpu.dynamic_gather %add3A_1152[%gather3A_1181] in [0] : vector<16xf32>, vector<16xi32> -> vector<16xf32>
        %select_n3A_1183 = arith.select %eq3A_21, %add3A_1143, %gather3A_1182 : vector<16xi1>, vector<16xf32>
        %broadcast_in_dim3A_1184 = vector.shape_cast %xor3A_5 : vector<16xi32> to vector<16x1xi32>
        %gather3A_1185 = vector.shape_cast %broadcast_in_dim3A_1184 : vector<16x1xi32> to vector<16xi32>
        %gather3A_1186 = tpu.dynamic_gather %add3A_1143[%gather3A_1185] in [0] : vector<16xf32>, vector<16xi32> -> vector<16xf32>
        %select_n3A_1187 = arith.select %eq3A_21, %gather3A_1186, %add3A_1152 : vector<16xi1>, vector<16xf32>
        %add3A_1188 = arith.addf %select_n3A_1183, %select_n3A_1187 : vector<16xf32>
        %broadcast_in_dim3A_1189 = vector.shape_cast %xor3A_8 : vector<16xi32> to vector<16x1xi32>
        %gather3A_1190 = vector.shape_cast %broadcast_in_dim3A_1189 : vector<16x1xi32> to vector<16xi32>
        %gather3A_1191 = tpu.dynamic_gather %add3A_1170[%gather3A_1190] in [0] : vector<16xf32>, vector<16xi32> -> vector<16xf32>
        %select_n3A_1192 = arith.select %eq3A_27, %add3A_1161, %gather3A_1191 : vector<16xi1>, vector<16xf32>
        %broadcast_in_dim3A_1193 = vector.shape_cast %xor3A_8 : vector<16xi32> to vector<16x1xi32>
        %gather3A_1194 = vector.shape_cast %broadcast_in_dim3A_1193 : vector<16x1xi32> to vector<16xi32>
        %gather3A_1195 = tpu.dynamic_gather %add3A_1161[%gather3A_1194] in [0] : vector<16xf32>, vector<16xi32> -> vector<16xf32>
        %select_n3A_1196 = arith.select %eq3A_27, %gather3A_1195, %add3A_1170 : vector<16xi1>, vector<16xf32>
        %add3A_1197 = arith.addf %select_n3A_1192, %select_n3A_1196 : vector<16xf32>
        %broadcast_in_dim3A_1198 = vector.shape_cast %xor3A_8 : vector<16xi32> to vector<16x1xi32>
        %gather3A_1199 = vector.shape_cast %broadcast_in_dim3A_1198 : vector<16x1xi32> to vector<16xi32>
        %gather3A_1200 = tpu.dynamic_gather %add3A_1188[%gather3A_1199] in [0] : vector<16xf32>, vector<16xi32> -> vector<16xf32>
        %select_n3A_1201 = arith.select %eq3A_27, %add3A_1179, %gather3A_1200 : vector<16xi1>, vector<16xf32>
        %broadcast_in_dim3A_1202 = vector.shape_cast %xor3A_8 : vector<16xi32> to vector<16x1xi32>
        %gather3A_1203 = vector.shape_cast %broadcast_in_dim3A_1202 : vector<16x1xi32> to vector<16xi32>
        %gather3A_1204 = tpu.dynamic_gather %add3A_1179[%gather3A_1203] in [0] : vector<16xf32>, vector<16xi32> -> vector<16xf32>
        %select_n3A_1205 = arith.select %eq3A_27, %gather3A_1204, %add3A_1188 : vector<16xi1>, vector<16xf32>
        %add3A_1206 = arith.addf %select_n3A_1201, %select_n3A_1205 : vector<16xf32>
        %broadcast_in_dim3A_1207 = vector.shape_cast %xor3A_11 : vector<16xi32> to vector<16x1xi32>
        %gather3A_1208 = vector.shape_cast %broadcast_in_dim3A_1207 : vector<16x1xi32> to vector<16xi32>
        %gather3A_1209 = tpu.dynamic_gather %add3A_1206[%gather3A_1208] in [0] : vector<16xf32>, vector<16xi32> -> vector<16xf32>
        %select_n3A_1210 = arith.select %eq3A_33, %add3A_1197, %gather3A_1209 : vector<16xi1>, vector<16xf32>
        %broadcast_in_dim3A_1211 = vector.shape_cast %xor3A_11 : vector<16xi32> to vector<16x1xi32>
        %gather3A_1212 = vector.shape_cast %broadcast_in_dim3A_1211 : vector<16x1xi32> to vector<16xi32>
        %gather3A_1213 = tpu.dynamic_gather %add3A_1197[%gather3A_1212] in [0] : vector<16xf32>, vector<16xi32> -> vector<16xf32>
        %select_n3A_1214 = arith.select %eq3A_33, %gather3A_1213, %add3A_1206 : vector<16xi1>, vector<16xf32>
        %add3A_1215 = arith.addf %select_n3A_1210, %select_n3A_1214 : vector<16xf32>
        %neg3A = arith.constant 0.000000e+00 : f32
        %neg3A_1216 = vector.broadcast %neg3A : f32 to vector<16xf32>
        %neg3A_1217 = arith.subf %neg3A_1216, %add3A_1215 : vector<16xf32>
        %exp3A = math.exp %neg3A_1217 : vector<16xf32>
        %add3A_1218 = arith.constant 1.000000e+00 : f32
        %add3A_1219 = vector.broadcast %add3A_1218 : f32 to vector<16xf32>
        %add3A_1220 = arith.addf %add3A_1219, %exp3A : vector<16xf32>
        %div3A = arith.constant 1.000000e+00 : f32
        %div3A_1221 = vector.broadcast %div3A : f32 to vector<16xf32>
        %div3A_1222 = arith.divf %div3A_1221, %add3A_1220 : vector<16xf32>
        %mul3A_1223 = arith.constant 64 : i32
        %mul3A_1224 = arith.muli %add3A_91, %mul3A_1223 : i32
        %mul3A_1225 = arith.constant 16 : i32
        %mul3A_1226 = arith.muli %scan3A_157, %mul3A_1225 : i32
        %add3A_1227 = arith.addi %mul3A_1224, %mul3A_1226 : i32
        %swap3A = arith.index_cast %add3A_1227 : i32 to index
        %swap3A_1228 = tpu.vector_load %arg10[%swap3A] {strides = array<i32>} : memref<10240xf32, #tpu.memory_space<vmem>>, vector<16xf32>,
        tpu.vector_store %arg10[%swap3A], %div3A_1222 {strides = array<i32>} : memref<10240xf32, #tpu.memory_space<vmem>>, vector<16xf32>,
      }
      %scan3A_103 = arith.constant 4 : i32
      %add3A_104 = arith.constant 4 : i32
      %add3A_105 = arith.addi %add3A_91, %add3A_104 : i32
      %lt3A_106 = arith.constant 160 : i32
      %lt3A_107 = arith.cmpi slt, %add3A_105, %lt3A_106 : i32
      %convert_element_type3A_108 = arith.extui %lt3A_107 : i1 to i32
      %cond3A_109 = arith.constant 0 : i32
      %cond3A_110 = arith.cmpi ne, %convert_element_type3A_108, %cond3A_109 : i32
      scf.if %cond3A_110 {
        %add3A_157 = arith.constant 4 : i32
        %add3A_158 = arith.addi %add3A_91, %add3A_157 : i32
        %dma_start3A_159 = arith.constant 0 : i32
        %dma_start3A_160 = tpu.memref_slice %arg5[%add3A_158, %dma_start3A_159] : memref<160x128xi32, #tpu.memory_space<vmem>> -> memref<1x128xi32, #tpu.memory_space<vmem>>
        %dma_start3A_161 = tpu.memref_squeeze %dma_start3A_160 : memref<1x128xi32, #tpu.memory_space<vmem>> -> memref<128xi32, #tpu.memory_space<vmem>>
        %dma_start3A_162 = arith.constant 0 : i32
        %dma_start3A_163 = arith.constant 0 : i32
        %dma_start3A_164 = tpu.memref_slice %arg2[%dma_start3A_162, %dma_start3A_163] : memref<10000x128xbf16, #tpu.memory_space<hbm>> -> memref<10000x128xbf16, #tpu.memory_space<hbm>>
        tpu.enqueue_indirect_dma source(%dma_start3A_164 : memref<10000x128xbf16, #tpu.memory_space<hbm>>) target(%arg7 : memref<128x128xbf16, #tpu.memory_space<vmem>>) offsets(%dma_start3A_161 : memref<128xi32, #tpu.memory_space<vmem>>) semaphore(%arg12 : memref<!tpu.dma_semaphore, #tpu.memory_space<semaphore_mem>>)
      } else {
      }
      %mul3A_111 = arith.constant 4 : i32
      %mul3A_112 = arith.muli %scan3A_68, %mul3A_111 : i32
      %add3A_113 = arith.constant 2 : i32
      %add3A_114 = arith.addi %mul3A_112, %add3A_113 : i32
      %dma_wait3A_115 = arith.constant 0 : i32
      %dma_wait3A_116 = tpu.memref_slice %arg5[%add3A_114, %dma_wait3A_115] : memref<160x128xi32, #tpu.memory_space<vmem>> -> memref<1x128xi32, #tpu.memory_space<vmem>>
      %dma_wait3A_117 = tpu.memref_squeeze %dma_wait3A_116 : memref<1x128xi32, #tpu.memory_space<vmem>> -> memref<128xi32, #tpu.memory_space<vmem>>
      %dma_wait3A_118 = arith.constant 0 : i32
      %dma_wait3A_119 = arith.constant 0 : i32
      %dma_wait3A_120 = tpu.memref_slice %arg2[%dma_wait3A_118, %dma_wait3A_119] : memref<10000x128xbf16, #tpu.memory_space<hbm>> -> memref<10000x128xbf16, #tpu.memory_space<hbm>>
      tpu.wait_indirect_dma semaphore(%arg13 : memref<!tpu.dma_semaphore, #tpu.memory_space<semaphore_mem>>) src(%dma_wait3A_120 : memref<10000x128xbf16, #tpu.memory_space<hbm>>) dst(%arg8 : memref<128x128xbf16, #tpu.memory_space<vmem>>)
      %scan3A_121 = arith.constant 0 : i32
      %scan3A_122 = arith.constant 0 : i32
      %scan3A_123 = arith.constant 4 : i32
      %scan3A_124 = arith.addi %scan3A_122, %scan3A_123 : i32
      %scan3A_125 = arith.constant 1 : i32
      scf.for %scan3A_157 = %scan3A_122 to %scan3A_124 step %scan3A_125  : i32 {
        %mul3A_158 = arith.constant 32 : i32
        %mul3A_159 = arith.muli %scan3A_157, %mul3A_158 : i32
        %add3A_160 = arith.constant 0 : i32
        %add3A_161 = arith.addi %mul3A_159, %add3A_160 : i32
        %broadcast_in_dim3A = arith.constant 0.000000e+00 : f32
        %broadcast_in_dim3A_162 = vector.broadcast %broadcast_in_dim3A : f32 to vector<16xf32>
        %get3A = arith.index_cast %add3A_161 : i32 to index
        %get3A_163 = arith.constant 0 : index
        %get3A_164 = tpu.vector_load %arg8[%get3A, %get3A_163] {strides = array<i32>} : memref<128x128xbf16, #tpu.memory_space<vmem>>, vector<32xbf16>,
        %add3A_165 = arith.constant 1 : i32
        %add3A_166 = arith.addi %add3A_161, %add3A_165 : i32
        %get3A_167 = arith.index_cast %add3A_166 : i32 to index
        %get3A_168 = arith.constant 0 : index
        %get3A_169 = tpu.vector_load %arg8[%get3A_167, %get3A_168] {strides = array<i32>} : memref<128x128xbf16, #tpu.memory_space<vmem>>, vector<32xbf16>,
        %mul3A_170 = arith.mulf %get3A_164, %get3A_169 : vector<32xbf16>
        %unpack3A = tpu.unpack_subelements %mul3A_170, 0 {pack_format = #tpu.pack_format<interleaved>} : vector<32xbf16> -> vector<16xf32>
        %unpack3A_171 = tpu.unpack_subelements %mul3A_170, 1 {pack_format = #tpu.pack_format<interleaved>} : vector<32xbf16> -> vector<16xf32>
        %add3A_172 = arith.addf %broadcast_in_dim3A_162, %unpack3A : vector<16xf32>
        %add3A_173 = arith.addf %add3A_172, %unpack3A_171 : vector<16xf32>
        %get3A_174 = arith.index_cast %add3A_161 : i32 to index
        %get3A_175 = arith.constant 32 : index
        %get3A_176 = tpu.vector_load %arg8[%get3A_174, %get3A_175] {strides = array<i32>} : memref<128x128xbf16, #tpu.memory_space<vmem>>, vector<32xbf16>,
        %add3A_177 = arith.constant 1 : i32
        %add3A_178 = arith.addi %add3A_161, %add3A_177 : i32
        %get3A_179 = arith.index_cast %add3A_178 : i32 to index
        %get3A_180 = arith.constant 32 : index
        %get3A_181 = tpu.vector_load %arg8[%get3A_179, %get3A_180] {strides = array<i32>} : memref<128x128xbf16, #tpu.memory_space<vmem>>, vector<32xbf16>,
        %mul3A_182 = arith.mulf %get3A_176, %get3A_181 : vector<32xbf16>
        %unpack3A_183 = tpu.unpack_subelements %mul3A_182, 0 {pack_format = #tpu.pack_format<interleaved>} : vector<32xbf16> -> vector<16xf32>
        %unpack3A_184 = tpu.unpack_subelements %mul3A_182, 1 {pack_format = #tpu.pack_format<interleaved>} : vector<32xbf16> -> vector<16xf32>
        %add3A_185 = arith.addf %add3A_173, %unpack3A_183 : vector<16xf32>
        %add3A_186 = arith.addf %add3A_185, %unpack3A_184 : vector<16xf32>
        %get3A_187 = arith.index_cast %add3A_161 : i32 to index
        %get3A_188 = arith.constant 64 : index
        %get3A_189 = tpu.vector_load %arg8[%get3A_187, %get3A_188] {strides = array<i32>} : memref<128x128xbf16, #tpu.memory_space<vmem>>, vector<32xbf16>,
        %add3A_190 = arith.constant 1 : i32
        %add3A_191 = arith.addi %add3A_161, %add3A_190 : i32
        %get3A_192 = arith.index_cast %add3A_191 : i32 to index
        %get3A_193 = arith.constant 64 : index
        %get3A_194 = tpu.vector_load %arg8[%get3A_192, %get3A_193] {strides = array<i32>} : memref<128x128xbf16, #tpu.memory_space<vmem>>, vector<32xbf16>,
        %mul3A_195 = arith.mulf %get3A_189, %get3A_194 : vector<32xbf16>
        %unpack3A_196 = tpu.unpack_subelements %mul3A_195, 0 {pack_format = #tpu.pack_format<interleaved>} : vector<32xbf16> -> vector<16xf32>
        %unpack3A_197 = tpu.unpack_subelements %mul3A_195, 1 {pack_format = #tpu.pack_format<interleaved>} : vector<32xbf16> -> vector<16xf32>
        %add3A_198 = arith.addf %add3A_186, %unpack3A_196 : vector<16xf32>
        %add3A_199 = arith.addf %add3A_198, %unpack3A_197 : vector<16xf32>
        %get3A_200 = arith.index_cast %add3A_161 : i32 to index
        %get3A_201 = arith.constant 96 : index
        %get3A_202 = tpu.vector_load %arg8[%get3A_200, %get3A_201] {strides = array<i32>} : memref<128x128xbf16, #tpu.memory_space<vmem>>, vector<32xbf16>,
        %add3A_203 = arith.constant 1 : i32
        %add3A_204 = arith.addi %add3A_161, %add3A_203 : i32
        %get3A_205 = arith.index_cast %add3A_204 : i32 to index
        %get3A_206 = arith.constant 96 : index
        %get3A_207 = tpu.vector_load %arg8[%get3A_205, %get3A_206] {strides = array<i32>} : memref<128x128xbf16, #tpu.memory_space<vmem>>, vector<32xbf16>,
        %mul3A_208 = arith.mulf %get3A_202, %get3A_207 : vector<32xbf16>
        %unpack3A_209 = tpu.unpack_subelements %mul3A_208, 0 {pack_format = #tpu.pack_format<interleaved>} : vector<32xbf16> -> vector<16xf32>
        %unpack3A_210 = tpu.unpack_subelements %mul3A_208, 1 {pack_format = #tpu.pack_format<interleaved>} : vector<32xbf16> -> vector<16xf32>
        %add3A_211 = arith.addf %add3A_199, %unpack3A_209 : vector<16xf32>
        %add3A_212 = arith.addf %add3A_211, %unpack3A_210 : vector<16xf32>
        %mul3A_213 = arith.constant 32 : i32
        %mul3A_214 = arith.muli %scan3A_157, %mul3A_213 : i32
        %add3A_215 = arith.constant 2 : i32
        %add3A_216 = arith.addi %mul3A_214, %add3A_215 : i32
        %broadcast_in_dim3A_217 = arith.constant 0.000000e+00 : f32
        %broadcast_in_dim3A_218 = vector.broadcast %broadcast_in_dim3A_217 : f32 to vector<16xf32>
        %get3A_219 = arith.index_cast %add3A_216 : i32 to index
        %get3A_220 = arith.constant 0 : index
        %get3A_221 = tpu.vector_load %arg8[%get3A_219, %get3A_220] {strides = array<i32>} : memref<128x128xbf16, #tpu.memory_space<vmem>>, vector<32xbf16>,
        %add3A_222 = arith.constant 1 : i32
        %add3A_223 = arith.addi %add3A_216, %add3A_222 : i32
        %get3A_224 = arith.index_cast %add3A_223 : i32 to index
        %get3A_225 = arith.constant 0 : index
        %get3A_226 = tpu.vector_load %arg8[%get3A_224, %get3A_225] {strides = array<i32>} : memref<128x128xbf16, #tpu.memory_space<vmem>>, vector<32xbf16>,
        %mul3A_227 = arith.mulf %get3A_221, %get3A_226 : vector<32xbf16>
        %unpack3A_228 = tpu.unpack_subelements %mul3A_227, 0 {pack_format = #tpu.pack_format<interleaved>} : vector<32xbf16> -> vector<16xf32>
        %unpack3A_229 = tpu.unpack_subelements %mul3A_227, 1 {pack_format = #tpu.pack_format<interleaved>} : vector<32xbf16> -> vector<16xf32>
        %add3A_230 = arith.addf %broadcast_in_dim3A_218, %unpack3A_228 : vector<16xf32>
        %add3A_231 = arith.addf %add3A_230, %unpack3A_229 : vector<16xf32>
        %get3A_232 = arith.index_cast %add3A_216 : i32 to index
        %get3A_233 = arith.constant 32 : index
        %get3A_234 = tpu.vector_load %arg8[%get3A_232, %get3A_233] {strides = array<i32>} : memref<128x128xbf16, #tpu.memory_space<vmem>>, vector<32xbf16>,
        %add3A_235 = arith.constant 1 : i32
        %add3A_236 = arith.addi %add3A_216, %add3A_235 : i32
        %get3A_237 = arith.index_cast %add3A_236 : i32 to index
        %get3A_238 = arith.constant 32 : index
        %get3A_239 = tpu.vector_load %arg8[%get3A_237, %get3A_238] {strides = array<i32>} : memref<128x128xbf16, #tpu.memory_space<vmem>>, vector<32xbf16>,
        %mul3A_240 = arith.mulf %get3A_234, %get3A_239 : vector<32xbf16>
        %unpack3A_241 = tpu.unpack_subelements %mul3A_240, 0 {pack_format = #tpu.pack_format<interleaved>} : vector<32xbf16> -> vector<16xf32>
        %unpack3A_242 = tpu.unpack_subelements %mul3A_240, 1 {pack_format = #tpu.pack_format<interleaved>} : vector<32xbf16> -> vector<16xf32>
        %add3A_243 = arith.addf %add3A_231, %unpack3A_241 : vector<16xf32>
        %add3A_244 = arith.addf %add3A_243, %unpack3A_242 : vector<16xf32>
        %get3A_245 = arith.index_cast %add3A_216 : i32 to index
        %get3A_246 = arith.constant 64 : index
        %get3A_247 = tpu.vector_load %arg8[%get3A_245, %get3A_246] {strides = array<i32>} : memref<128x128xbf16, #tpu.memory_space<vmem>>, vector<32xbf16>,
        %add3A_248 = arith.constant 1 : i32
        %add3A_249 = arith.addi %add3A_216, %add3A_248 : i32
        %get3A_250 = arith.index_cast %add3A_249 : i32 to index
        %get3A_251 = arith.constant 64 : index
        %get3A_252 = tpu.vector_load %arg8[%get3A_250, %get3A_251] {strides = array<i32>} : memref<128x128xbf16, #tpu.memory_space<vmem>>, vector<32xbf16>,
        %mul3A_253 = arith.mulf %get3A_247, %get3A_252 : vector<32xbf16>
        %unpack3A_254 = tpu.unpack_subelements %mul3A_253, 0 {pack_format = #tpu.pack_format<interleaved>} : vector<32xbf16> -> vector<16xf32>
        %unpack3A_255 = tpu.unpack_subelements %mul3A_253, 1 {pack_format = #tpu.pack_format<interleaved>} : vector<32xbf16> -> vector<16xf32>
        %add3A_256 = arith.addf %add3A_244, %unpack3A_254 : vector<16xf32>
        %add3A_257 = arith.addf %add3A_256, %unpack3A_255 : vector<16xf32>
        %get3A_258 = arith.index_cast %add3A_216 : i32 to index
        %get3A_259 = arith.constant 96 : index
        %get3A_260 = tpu.vector_load %arg8[%get3A_258, %get3A_259] {strides = array<i32>} : memref<128x128xbf16, #tpu.memory_space<vmem>>, vector<32xbf16>,
        %add3A_261 = arith.constant 1 : i32
        %add3A_262 = arith.addi %add3A_216, %add3A_261 : i32
        %get3A_263 = arith.index_cast %add3A_262 : i32 to index
        %get3A_264 = arith.constant 96 : index
        %get3A_265 = tpu.vector_load %arg8[%get3A_263, %get3A_264] {strides = array<i32>} : memref<128x128xbf16, #tpu.memory_space<vmem>>, vector<32xbf16>,
        %mul3A_266 = arith.mulf %get3A_260, %get3A_265 : vector<32xbf16>
        %unpack3A_267 = tpu.unpack_subelements %mul3A_266, 0 {pack_format = #tpu.pack_format<interleaved>} : vector<32xbf16> -> vector<16xf32>
        %unpack3A_268 = tpu.unpack_subelements %mul3A_266, 1 {pack_format = #tpu.pack_format<interleaved>} : vector<32xbf16> -> vector<16xf32>
        %add3A_269 = arith.addf %add3A_257, %unpack3A_267 : vector<16xf32>
        %add3A_270 = arith.addf %add3A_269, %unpack3A_268 : vector<16xf32>
        %mul3A_271 = arith.constant 32 : i32
        %mul3A_272 = arith.muli %scan3A_157, %mul3A_271 : i32
        %add3A_273 = arith.constant 4 : i32
        %add3A_274 = arith.addi %mul3A_272, %add3A_273 : i32
        %broadcast_in_dim3A_275 = arith.constant 0.000000e+00 : f32
        %broadcast_in_dim3A_276 = vector.broadcast %broadcast_in_dim3A_275 : f32 to vector<16xf32>
        %get3A_277 = arith.index_cast %add3A_274 : i32 to index
        %get3A_278 = arith.constant 0 : index
        %get3A_279 = tpu.vector_load %arg8[%get3A_277, %get3A_278] {strides = array<i32>} : memref<128x128xbf16, #tpu.memory_space<vmem>>, vector<32xbf16>,
        %add3A_280 = arith.constant 1 : i32
        %add3A_281 = arith.addi %add3A_274, %add3A_280 : i32
        %get3A_282 = arith.index_cast %add3A_281 : i32 to index
        %get3A_283 = arith.constant 0 : index
        %get3A_284 = tpu.vector_load %arg8[%get3A_282, %get3A_283] {strides = array<i32>} : memref<128x128xbf16, #tpu.memory_space<vmem>>, vector<32xbf16>,
        %mul3A_285 = arith.mulf %get3A_279, %get3A_284 : vector<32xbf16>
        %unpack3A_286 = tpu.unpack_subelements %mul3A_285, 0 {pack_format = #tpu.pack_format<interleaved>} : vector<32xbf16> -> vector<16xf32>
        %unpack3A_287 = tpu.unpack_subelements %mul3A_285, 1 {pack_format = #tpu.pack_format<interleaved>} : vector<32xbf16> -> vector<16xf32>
        %add3A_288 = arith.addf %broadcast_in_dim3A_276, %unpack3A_286 : vector<16xf32>
        %add3A_289 = arith.addf %add3A_288, %unpack3A_287 : vector<16xf32>
        %get3A_290 = arith.index_cast %add3A_274 : i32 to index
        %get3A_291 = arith.constant 32 : index
        %get3A_292 = tpu.vector_load %arg8[%get3A_290, %get3A_291] {strides = array<i32>} : memref<128x128xbf16, #tpu.memory_space<vmem>>, vector<32xbf16>,
        %add3A_293 = arith.constant 1 : i32
        %add3A_294 = arith.addi %add3A_274, %add3A_293 : i32
        %get3A_295 = arith.index_cast %add3A_294 : i32 to index
        %get3A_296 = arith.constant 32 : index
        %get3A_297 = tpu.vector_load %arg8[%get3A_295, %get3A_296] {strides = array<i32>} : memref<128x128xbf16, #tpu.memory_space<vmem>>, vector<32xbf16>,
        %mul3A_298 = arith.mulf %get3A_292, %get3A_297 : vector<32xbf16>
        %unpack3A_299 = tpu.unpack_subelements %mul3A_298, 0 {pack_format = #tpu.pack_format<interleaved>} : vector<32xbf16> -> vector<16xf32>
        %unpack3A_300 = tpu.unpack_subelements %mul3A_298, 1 {pack_format = #tpu.pack_format<interleaved>} : vector<32xbf16> -> vector<16xf32>
        %add3A_301 = arith.addf %add3A_289, %unpack3A_299 : vector<16xf32>
        %add3A_302 = arith.addf %add3A_301, %unpack3A_300 : vector<16xf32>
        %get3A_303 = arith.index_cast %add3A_274 : i32 to index
        %get3A_304 = arith.constant 64 : index
        %get3A_305 = tpu.vector_load %arg8[%get3A_303, %get3A_304] {strides = array<i32>} : memref<128x128xbf16, #tpu.memory_space<vmem>>, vector<32xbf16>,
        %add3A_306 = arith.constant 1 : i32
        %add3A_307 = arith.addi %add3A_274, %add3A_306 : i32
        %get3A_308 = arith.index_cast %add3A_307 : i32 to index
        %get3A_309 = arith.constant 64 : index
        %get3A_310 = tpu.vector_load %arg8[%get3A_308, %get3A_309] {strides = array<i32>} : memref<128x128xbf16, #tpu.memory_space<vmem>>, vector<32xbf16>,
        %mul3A_311 = arith.mulf %get3A_305, %get3A_310 : vector<32xbf16>
        %unpack3A_312 = tpu.unpack_subelements %mul3A_311, 0 {pack_format = #tpu.pack_format<interleaved>} : vector<32xbf16> -> vector<16xf32>
        %unpack3A_313 = tpu.unpack_subelements %mul3A_311, 1 {pack_format = #tpu.pack_format<interleaved>} : vector<32xbf16> -> vector<16xf32>
        %add3A_314 = arith.addf %add3A_302, %unpack3A_312 : vector<16xf32>
        %add3A_315 = arith.addf %add3A_314, %unpack3A_313 : vector<16xf32>
        %get3A_316 = arith.index_cast %add3A_274 : i32 to index
        %get3A_317 = arith.constant 96 : index
        %get3A_318 = tpu.vector_load %arg8[%get3A_316, %get3A_317] {strides = array<i32>} : memref<128x128xbf16, #tpu.memory_space<vmem>>, vector<32xbf16>,
        %add3A_319 = arith.constant 1 : i32
        %add3A_320 = arith.addi %add3A_274, %add3A_319 : i32
        %get3A_321 = arith.index_cast %add3A_320 : i32 to index
        %get3A_322 = arith.constant 96 : index
        %get3A_323 = tpu.vector_load %arg8[%get3A_321, %get3A_322] {strides = array<i32>} : memref<128x128xbf16, #tpu.memory_space<vmem>>, vector<32xbf16>,
        %mul3A_324 = arith.mulf %get3A_318, %get3A_323 : vector<32xbf16>
        %unpack3A_325 = tpu.unpack_subelements %mul3A_324, 0 {pack_format = #tpu.pack_format<interleaved>} : vector<32xbf16> -> vector<16xf32>
        %unpack3A_326 = tpu.unpack_subelements %mul3A_324, 1 {pack_format = #tpu.pack_format<interleaved>} : vector<32xbf16> -> vector<16xf32>
        %add3A_327 = arith.addf %add3A_315, %unpack3A_325 : vector<16xf32>
        %add3A_328 = arith.addf %add3A_327, %unpack3A_326 : vector<16xf32>
        %mul3A_329 = arith.constant 32 : i32
        %mul3A_330 = arith.muli %scan3A_157, %mul3A_329 : i32
        %add3A_331 = arith.constant 6 : i32
        %add3A_332 = arith.addi %mul3A_330, %add3A_331 : i32
        %broadcast_in_dim3A_333 = arith.constant 0.000000e+00 : f32
        %broadcast_in_dim3A_334 = vector.broadcast %broadcast_in_dim3A_333 : f32 to vector<16xf32>
        %get3A_335 = arith.index_cast %add3A_332 : i32 to index
        %get3A_336 = arith.constant 0 : index
        %get3A_337 = tpu.vector_load %arg8[%get3A_335, %get3A_336] {strides = array<i32>} : memref<128x128xbf16, #tpu.memory_space<vmem>>, vector<32xbf16>,
        %add3A_338 = arith.constant 1 : i32
        %add3A_339 = arith.addi %add3A_332, %add3A_338 : i32
        %get3A_340 = arith.index_cast %add3A_339 : i32 to index
        %get3A_341 = arith.constant 0 : index
        %get3A_342 = tpu.vector_load %arg8[%get3A_340, %get3A_341] {strides = array<i32>} : memref<128x128xbf16, #tpu.memory_space<vmem>>, vector<32xbf16>,
        %mul3A_343 = arith.mulf %get3A_337, %get3A_342 : vector<32xbf16>
        %unpack3A_344 = tpu.unpack_subelements %mul3A_343, 0 {pack_format = #tpu.pack_format<interleaved>} : vector<32xbf16> -> vector<16xf32>
        %unpack3A_345 = tpu.unpack_subelements %mul3A_343, 1 {pack_format = #tpu.pack_format<interleaved>} : vector<32xbf16> -> vector<16xf32>
        %add3A_346 = arith.addf %broadcast_in_dim3A_334, %unpack3A_344 : vector<16xf32>
        %add3A_347 = arith.addf %add3A_346, %unpack3A_345 : vector<16xf32>
        %get3A_348 = arith.index_cast %add3A_332 : i32 to index
        %get3A_349 = arith.constant 32 : index
        %get3A_350 = tpu.vector_load %arg8[%get3A_348, %get3A_349] {strides = array<i32>} : memref<128x128xbf16, #tpu.memory_space<vmem>>, vector<32xbf16>,
        %add3A_351 = arith.constant 1 : i32
        %add3A_352 = arith.addi %add3A_332, %add3A_351 : i32
        %get3A_353 = arith.index_cast %add3A_352 : i32 to index
        %get3A_354 = arith.constant 32 : index
        %get3A_355 = tpu.vector_load %arg8[%get3A_353, %get3A_354] {strides = array<i32>} : memref<128x128xbf16, #tpu.memory_space<vmem>>, vector<32xbf16>,
        %mul3A_356 = arith.mulf %get3A_350, %get3A_355 : vector<32xbf16>
        %unpack3A_357 = tpu.unpack_subelements %mul3A_356, 0 {pack_format = #tpu.pack_format<interleaved>} : vector<32xbf16> -> vector<16xf32>
        %unpack3A_358 = tpu.unpack_subelements %mul3A_356, 1 {pack_format = #tpu.pack_format<interleaved>} : vector<32xbf16> -> vector<16xf32>
        %add3A_359 = arith.addf %add3A_347, %unpack3A_357 : vector<16xf32>
        %add3A_360 = arith.addf %add3A_359, %unpack3A_358 : vector<16xf32>
        %get3A_361 = arith.index_cast %add3A_332 : i32 to index
        %get3A_362 = arith.constant 64 : index
        %get3A_363 = tpu.vector_load %arg8[%get3A_361, %get3A_362] {strides = array<i32>} : memref<128x128xbf16, #tpu.memory_space<vmem>>, vector<32xbf16>,
        %add3A_364 = arith.constant 1 : i32
        %add3A_365 = arith.addi %add3A_332, %add3A_364 : i32
        %get3A_366 = arith.index_cast %add3A_365 : i32 to index
        %get3A_367 = arith.constant 64 : index
        %get3A_368 = tpu.vector_load %arg8[%get3A_366, %get3A_367] {strides = array<i32>} : memref<128x128xbf16, #tpu.memory_space<vmem>>, vector<32xbf16>,
        %mul3A_369 = arith.mulf %get3A_363, %get3A_368 : vector<32xbf16>
        %unpack3A_370 = tpu.unpack_subelements %mul3A_369, 0 {pack_format = #tpu.pack_format<interleaved>} : vector<32xbf16> -> vector<16xf32>
        %unpack3A_371 = tpu.unpack_subelements %mul3A_369, 1 {pack_format = #tpu.pack_format<interleaved>} : vector<32xbf16> -> vector<16xf32>
        %add3A_372 = arith.addf %add3A_360, %unpack3A_370 : vector<16xf32>
        %add3A_373 = arith.addf %add3A_372, %unpack3A_371 : vector<16xf32>
        %get3A_374 = arith.index_cast %add3A_332 : i32 to index
        %get3A_375 = arith.constant 96 : index
        %get3A_376 = tpu.vector_load %arg8[%get3A_374, %get3A_375] {strides = array<i32>} : memref<128x128xbf16, #tpu.memory_space<vmem>>, vector<32xbf16>,
        %add3A_377 = arith.constant 1 : i32
        %add3A_378 = arith.addi %add3A_332, %add3A_377 : i32
        %get3A_379 = arith.index_cast %add3A_378 : i32 to index
        %get3A_380 = arith.constant 96 : index
        %get3A_381 = tpu.vector_load %arg8[%get3A_379, %get3A_380] {strides = array<i32>} : memref<128x128xbf16, #tpu.memory_space<vmem>>, vector<32xbf16>,
        %mul3A_382 = arith.mulf %get3A_376, %get3A_381 : vector<32xbf16>
        %unpack3A_383 = tpu.unpack_subelements %mul3A_382, 0 {pack_format = #tpu.pack_format<interleaved>} : vector<32xbf16> -> vector<16xf32>
        %unpack3A_384 = tpu.unpack_subelements %mul3A_382, 1 {pack_format = #tpu.pack_format<interleaved>} : vector<32xbf16> -> vector<16xf32>
        %add3A_385 = arith.addf %add3A_373, %unpack3A_383 : vector<16xf32>
        %add3A_386 = arith.addf %add3A_385, %unpack3A_384 : vector<16xf32>
        %mul3A_387 = arith.constant 32 : i32
        %mul3A_388 = arith.muli %scan3A_157, %mul3A_387 : i32
        %add3A_389 = arith.constant 8 : i32
        %add3A_390 = arith.addi %mul3A_388, %add3A_389 : i32
        %broadcast_in_dim3A_391 = arith.constant 0.000000e+00 : f32
        %broadcast_in_dim3A_392 = vector.broadcast %broadcast_in_dim3A_391 : f32 to vector<16xf32>
        %get3A_393 = arith.index_cast %add3A_390 : i32 to index
        %get3A_394 = arith.constant 0 : index
        %get3A_395 = tpu.vector_load %arg8[%get3A_393, %get3A_394] {strides = array<i32>} : memref<128x128xbf16, #tpu.memory_space<vmem>>, vector<32xbf16>,
        %add3A_396 = arith.constant 1 : i32
        %add3A_397 = arith.addi %add3A_390, %add3A_396 : i32
        %get3A_398 = arith.index_cast %add3A_397 : i32 to index
        %get3A_399 = arith.constant 0 : index
        %get3A_400 = tpu.vector_load %arg8[%get3A_398, %get3A_399] {strides = array<i32>} : memref<128x128xbf16, #tpu.memory_space<vmem>>, vector<32xbf16>,
        %mul3A_401 = arith.mulf %get3A_395, %get3A_400 : vector<32xbf16>
        %unpack3A_402 = tpu.unpack_subelements %mul3A_401, 0 {pack_format = #tpu.pack_format<interleaved>} : vector<32xbf16> -> vector<16xf32>
        %unpack3A_403 = tpu.unpack_subelements %mul3A_401, 1 {pack_format = #tpu.pack_format<interleaved>} : vector<32xbf16> -> vector<16xf32>
        %add3A_404 = arith.addf %broadcast_in_dim3A_392, %unpack3A_402 : vector<16xf32>
        %add3A_405 = arith.addf %add3A_404, %unpack3A_403 : vector<16xf32>
        %get3A_406 = arith.index_cast %add3A_390 : i32 to index
        %get3A_407 = arith.constant 32 : index
        %get3A_408 = tpu.vector_load %arg8[%get3A_406, %get3A_407] {strides = array<i32>} : memref<128x128xbf16, #tpu.memory_space<vmem>>, vector<32xbf16>,
        %add3A_409 = arith.constant 1 : i32
        %add3A_410 = arith.addi %add3A_390, %add3A_409 : i32
        %get3A_411 = arith.index_cast %add3A_410 : i32 to index
        %get3A_412 = arith.constant 32 : index
        %get3A_413 = tpu.vector_load %arg8[%get3A_411, %get3A_412] {strides = array<i32>} : memref<128x128xbf16, #tpu.memory_space<vmem>>, vector<32xbf16>,
        %mul3A_414 = arith.mulf %get3A_408, %get3A_413 : vector<32xbf16>
        %unpack3A_415 = tpu.unpack_subelements %mul3A_414, 0 {pack_format = #tpu.pack_format<interleaved>} : vector<32xbf16> -> vector<16xf32>
        %unpack3A_416 = tpu.unpack_subelements %mul3A_414, 1 {pack_format = #tpu.pack_format<interleaved>} : vector<32xbf16> -> vector<16xf32>
        %add3A_417 = arith.addf %add3A_405, %unpack3A_415 : vector<16xf32>
        %add3A_418 = arith.addf %add3A_417, %unpack3A_416 : vector<16xf32>
        %get3A_419 = arith.index_cast %add3A_390 : i32 to index
        %get3A_420 = arith.constant 64 : index
        %get3A_421 = tpu.vector_load %arg8[%get3A_419, %get3A_420] {strides = array<i32>} : memref<128x128xbf16, #tpu.memory_space<vmem>>, vector<32xbf16>,
        %add3A_422 = arith.constant 1 : i32
        %add3A_423 = arith.addi %add3A_390, %add3A_422 : i32
        %get3A_424 = arith.index_cast %add3A_423 : i32 to index
        %get3A_425 = arith.constant 64 : index
        %get3A_426 = tpu.vector_load %arg8[%get3A_424, %get3A_425] {strides = array<i32>} : memref<128x128xbf16, #tpu.memory_space<vmem>>, vector<32xbf16>,
        %mul3A_427 = arith.mulf %get3A_421, %get3A_426 : vector<32xbf16>
        %unpack3A_428 = tpu.unpack_subelements %mul3A_427, 0 {pack_format = #tpu.pack_format<interleaved>} : vector<32xbf16> -> vector<16xf32>
        %unpack3A_429 = tpu.unpack_subelements %mul3A_427, 1 {pack_format = #tpu.pack_format<interleaved>} : vector<32xbf16> -> vector<16xf32>
        %add3A_430 = arith.addf %add3A_418, %unpack3A_428 : vector<16xf32>
        %add3A_431 = arith.addf %add3A_430, %unpack3A_429 : vector<16xf32>
        %get3A_432 = arith.index_cast %add3A_390 : i32 to index
        %get3A_433 = arith.constant 96 : index
        %get3A_434 = tpu.vector_load %arg8[%get3A_432, %get3A_433] {strides = array<i32>} : memref<128x128xbf16, #tpu.memory_space<vmem>>, vector<32xbf16>,
        %add3A_435 = arith.constant 1 : i32
        %add3A_436 = arith.addi %add3A_390, %add3A_435 : i32
        %get3A_437 = arith.index_cast %add3A_436 : i32 to index
        %get3A_438 = arith.constant 96 : index
        %get3A_439 = tpu.vector_load %arg8[%get3A_437, %get3A_438] {strides = array<i32>} : memref<128x128xbf16, #tpu.memory_space<vmem>>, vector<32xbf16>,
        %mul3A_440 = arith.mulf %get3A_434, %get3A_439 : vector<32xbf16>
        %unpack3A_441 = tpu.unpack_subelements %mul3A_440, 0 {pack_format = #tpu.pack_format<interleaved>} : vector<32xbf16> -> vector<16xf32>
        %unpack3A_442 = tpu.unpack_subelements %mul3A_440, 1 {pack_format = #tpu.pack_format<interleaved>} : vector<32xbf16> -> vector<16xf32>
        %add3A_443 = arith.addf %add3A_431, %unpack3A_441 : vector<16xf32>
        %add3A_444 = arith.addf %add3A_443, %unpack3A_442 : vector<16xf32>
        %mul3A_445 = arith.constant 32 : i32
        %mul3A_446 = arith.muli %scan3A_157, %mul3A_445 : i32
        %add3A_447 = arith.constant 10 : i32
        %add3A_448 = arith.addi %mul3A_446, %add3A_447 : i32
        %broadcast_in_dim3A_449 = arith.constant 0.000000e+00 : f32
        %broadcast_in_dim3A_450 = vector.broadcast %broadcast_in_dim3A_449 : f32 to vector<16xf32>
        %get3A_451 = arith.index_cast %add3A_448 : i32 to index
        %get3A_452 = arith.constant 0 : index
        %get3A_453 = tpu.vector_load %arg8[%get3A_451, %get3A_452] {strides = array<i32>} : memref<128x128xbf16, #tpu.memory_space<vmem>>, vector<32xbf16>,
        %add3A_454 = arith.constant 1 : i32
        %add3A_455 = arith.addi %add3A_448, %add3A_454 : i32
        %get3A_456 = arith.index_cast %add3A_455 : i32 to index
        %get3A_457 = arith.constant 0 : index
        %get3A_458 = tpu.vector_load %arg8[%get3A_456, %get3A_457] {strides = array<i32>} : memref<128x128xbf16, #tpu.memory_space<vmem>>, vector<32xbf16>,
        %mul3A_459 = arith.mulf %get3A_453, %get3A_458 : vector<32xbf16>
        %unpack3A_460 = tpu.unpack_subelements %mul3A_459, 0 {pack_format = #tpu.pack_format<interleaved>} : vector<32xbf16> -> vector<16xf32>
        %unpack3A_461 = tpu.unpack_subelements %mul3A_459, 1 {pack_format = #tpu.pack_format<interleaved>} : vector<32xbf16> -> vector<16xf32>
        %add3A_462 = arith.addf %broadcast_in_dim3A_450, %unpack3A_460 : vector<16xf32>
        %add3A_463 = arith.addf %add3A_462, %unpack3A_461 : vector<16xf32>
        %get3A_464 = arith.index_cast %add3A_448 : i32 to index
        %get3A_465 = arith.constant 32 : index
        %get3A_466 = tpu.vector_load %arg8[%get3A_464, %get3A_465] {strides = array<i32>} : memref<128x128xbf16, #tpu.memory_space<vmem>>, vector<32xbf16>,
        %add3A_467 = arith.constant 1 : i32
        %add3A_468 = arith.addi %add3A_448, %add3A_467 : i32
        %get3A_469 = arith.index_cast %add3A_468 : i32 to index
        %get3A_470 = arith.constant 32 : index
        %get3A_471 = tpu.vector_load %arg8[%get3A_469, %get3A_470] {strides = array<i32>} : memref<128x128xbf16, #tpu.memory_space<vmem>>, vector<32xbf16>,
        %mul3A_472 = arith.mulf %get3A_466, %get3A_471 : vector<32xbf16>
        %unpack3A_473 = tpu.unpack_subelements %mul3A_472, 0 {pack_format = #tpu.pack_format<interleaved>} : vector<32xbf16> -> vector<16xf32>
        %unpack3A_474 = tpu.unpack_subelements %mul3A_472, 1 {pack_format = #tpu.pack_format<interleaved>} : vector<32xbf16> -> vector<16xf32>
        %add3A_475 = arith.addf %add3A_463, %unpack3A_473 : vector<16xf32>
        %add3A_476 = arith.addf %add3A_475, %unpack3A_474 : vector<16xf32>
        %get3A_477 = arith.index_cast %add3A_448 : i32 to index
        %get3A_478 = arith.constant 64 : index
        %get3A_479 = tpu.vector_load %arg8[%get3A_477, %get3A_478] {strides = array<i32>} : memref<128x128xbf16, #tpu.memory_space<vmem>>, vector<32xbf16>,
        %add3A_480 = arith.constant 1 : i32
        %add3A_481 = arith.addi %add3A_448, %add3A_480 : i32
        %get3A_482 = arith.index_cast %add3A_481 : i32 to index
        %get3A_483 = arith.constant 64 : index
        %get3A_484 = tpu.vector_load %arg8[%get3A_482, %get3A_483] {strides = array<i32>} : memref<128x128xbf16, #tpu.memory_space<vmem>>, vector<32xbf16>,
        %mul3A_485 = arith.mulf %get3A_479, %get3A_484 : vector<32xbf16>
        %unpack3A_486 = tpu.unpack_subelements %mul3A_485, 0 {pack_format = #tpu.pack_format<interleaved>} : vector<32xbf16> -> vector<16xf32>
        %unpack3A_487 = tpu.unpack_subelements %mul3A_485, 1 {pack_format = #tpu.pack_format<interleaved>} : vector<32xbf16> -> vector<16xf32>
        %add3A_488 = arith.addf %add3A_476, %unpack3A_486 : vector<16xf32>
        %add3A_489 = arith.addf %add3A_488, %unpack3A_487 : vector<16xf32>
        %get3A_490 = arith.index_cast %add3A_448 : i32 to index
        %get3A_491 = arith.constant 96 : index
        %get3A_492 = tpu.vector_load %arg8[%get3A_490, %get3A_491] {strides = array<i32>} : memref<128x128xbf16, #tpu.memory_space<vmem>>, vector<32xbf16>,
        %add3A_493 = arith.constant 1 : i32
        %add3A_494 = arith.addi %add3A_448, %add3A_493 : i32
        %get3A_495 = arith.index_cast %add3A_494 : i32 to index
        %get3A_496 = arith.constant 96 : index
        %get3A_497 = tpu.vector_load %arg8[%get3A_495, %get3A_496] {strides = array<i32>} : memref<128x128xbf16, #tpu.memory_space<vmem>>, vector<32xbf16>,
        %mul3A_498 = arith.mulf %get3A_492, %get3A_497 : vector<32xbf16>
        %unpack3A_499 = tpu.unpack_subelements %mul3A_498, 0 {pack_format = #tpu.pack_format<interleaved>} : vector<32xbf16> -> vector<16xf32>
        %unpack3A_500 = tpu.unpack_subelements %mul3A_498, 1 {pack_format = #tpu.pack_format<interleaved>} : vector<32xbf16> -> vector<16xf32>
        %add3A_501 = arith.addf %add3A_489, %unpack3A_499 : vector<16xf32>
        %add3A_502 = arith.addf %add3A_501, %unpack3A_500 : vector<16xf32>
        %mul3A_503 = arith.constant 32 : i32
        %mul3A_504 = arith.muli %scan3A_157, %mul3A_503 : i32
        %add3A_505 = arith.constant 12 : i32
        %add3A_506 = arith.addi %mul3A_504, %add3A_505 : i32
        %broadcast_in_dim3A_507 = arith.constant 0.000000e+00 : f32
        %broadcast_in_dim3A_508 = vector.broadcast %broadcast_in_dim3A_507 : f32 to vector<16xf32>
        %get3A_509 = arith.index_cast %add3A_506 : i32 to index
        %get3A_510 = arith.constant 0 : index
        %get3A_511 = tpu.vector_load %arg8[%get3A_509, %get3A_510] {strides = array<i32>} : memref<128x128xbf16, #tpu.memory_space<vmem>>, vector<32xbf16>,
        %add3A_512 = arith.constant 1 : i32
        %add3A_513 = arith.addi %add3A_506, %add3A_512 : i32
        %get3A_514 = arith.index_cast %add3A_513 : i32 to index
        %get3A_515 = arith.constant 0 : index
        %get3A_516 = tpu.vector_load %arg8[%get3A_514, %get3A_515] {strides = array<i32>} : memref<128x128xbf16, #tpu.memory_space<vmem>>, vector<32xbf16>,
        %mul3A_517 = arith.mulf %get3A_511, %get3A_516 : vector<32xbf16>
        %unpack3A_518 = tpu.unpack_subelements %mul3A_517, 0 {pack_format = #tpu.pack_format<interleaved>} : vector<32xbf16> -> vector<16xf32>
        %unpack3A_519 = tpu.unpack_subelements %mul3A_517, 1 {pack_format = #tpu.pack_format<interleaved>} : vector<32xbf16> -> vector<16xf32>
        %add3A_520 = arith.addf %broadcast_in_dim3A_508, %unpack3A_518 : vector<16xf32>
        %add3A_521 = arith.addf %add3A_520, %unpack3A_519 : vector<16xf32>
        %get3A_522 = arith.index_cast %add3A_506 : i32 to index
        %get3A_523 = arith.constant 32 : index
        %get3A_524 = tpu.vector_load %arg8[%get3A_522, %get3A_523] {strides = array<i32>} : memref<128x128xbf16, #tpu.memory_space<vmem>>, vector<32xbf16>,
        %add3A_525 = arith.constant 1 : i32
        %add3A_526 = arith.addi %add3A_506, %add3A_525 : i32
        %get3A_527 = arith.index_cast %add3A_526 : i32 to index
        %get3A_528 = arith.constant 32 : index
        %get3A_529 = tpu.vector_load %arg8[%get3A_527, %get3A_528] {strides = array<i32>} : memref<128x128xbf16, #tpu.memory_space<vmem>>, vector<32xbf16>,
        %mul3A_530 = arith.mulf %get3A_524, %get3A_529 : vector<32xbf16>
        %unpack3A_531 = tpu.unpack_subelements %mul3A_530, 0 {pack_format = #tpu.pack_format<interleaved>} : vector<32xbf16> -> vector<16xf32>
        %unpack3A_532 = tpu.unpack_subelements %mul3A_530, 1 {pack_format = #tpu.pack_format<interleaved>} : vector<32xbf16> -> vector<16xf32>
        %add3A_533 = arith.addf %add3A_521, %unpack3A_531 : vector<16xf32>
        %add3A_534 = arith.addf %add3A_533, %unpack3A_532 : vector<16xf32>
        %get3A_535 = arith.index_cast %add3A_506 : i32 to index
        %get3A_536 = arith.constant 64 : index
        %get3A_537 = tpu.vector_load %arg8[%get3A_535, %get3A_536] {strides = array<i32>} : memref<128x128xbf16, #tpu.memory_space<vmem>>, vector<32xbf16>,
        %add3A_538 = arith.constant 1 : i32
        %add3A_539 = arith.addi %add3A_506, %add3A_538 : i32
        %get3A_540 = arith.index_cast %add3A_539 : i32 to index
        %get3A_541 = arith.constant 64 : index
        %get3A_542 = tpu.vector_load %arg8[%get3A_540, %get3A_541] {strides = array<i32>} : memref<128x128xbf16, #tpu.memory_space<vmem>>, vector<32xbf16>,
        %mul3A_543 = arith.mulf %get3A_537, %get3A_542 : vector<32xbf16>
        %unpack3A_544 = tpu.unpack_subelements %mul3A_543, 0 {pack_format = #tpu.pack_format<interleaved>} : vector<32xbf16> -> vector<16xf32>
        %unpack3A_545 = tpu.unpack_subelements %mul3A_543, 1 {pack_format = #tpu.pack_format<interleaved>} : vector<32xbf16> -> vector<16xf32>
        %add3A_546 = arith.addf %add3A_534, %unpack3A_544 : vector<16xf32>
        %add3A_547 = arith.addf %add3A_546, %unpack3A_545 : vector<16xf32>
        %get3A_548 = arith.index_cast %add3A_506 : i32 to index
        %get3A_549 = arith.constant 96 : index
        %get3A_550 = tpu.vector_load %arg8[%get3A_548, %get3A_549] {strides = array<i32>} : memref<128x128xbf16, #tpu.memory_space<vmem>>, vector<32xbf16>,
        %add3A_551 = arith.constant 1 : i32
        %add3A_552 = arith.addi %add3A_506, %add3A_551 : i32
        %get3A_553 = arith.index_cast %add3A_552 : i32 to index
        %get3A_554 = arith.constant 96 : index
        %get3A_555 = tpu.vector_load %arg8[%get3A_553, %get3A_554] {strides = array<i32>} : memref<128x128xbf16, #tpu.memory_space<vmem>>, vector<32xbf16>,
        %mul3A_556 = arith.mulf %get3A_550, %get3A_555 : vector<32xbf16>
        %unpack3A_557 = tpu.unpack_subelements %mul3A_556, 0 {pack_format = #tpu.pack_format<interleaved>} : vector<32xbf16> -> vector<16xf32>
        %unpack3A_558 = tpu.unpack_subelements %mul3A_556, 1 {pack_format = #tpu.pack_format<interleaved>} : vector<32xbf16> -> vector<16xf32>
        %add3A_559 = arith.addf %add3A_547, %unpack3A_557 : vector<16xf32>
        %add3A_560 = arith.addf %add3A_559, %unpack3A_558 : vector<16xf32>
        %mul3A_561 = arith.constant 32 : i32
        %mul3A_562 = arith.muli %scan3A_157, %mul3A_561 : i32
        %add3A_563 = arith.constant 14 : i32
        %add3A_564 = arith.addi %mul3A_562, %add3A_563 : i32
        %broadcast_in_dim3A_565 = arith.constant 0.000000e+00 : f32
        %broadcast_in_dim3A_566 = vector.broadcast %broadcast_in_dim3A_565 : f32 to vector<16xf32>
        %get3A_567 = arith.index_cast %add3A_564 : i32 to index
        %get3A_568 = arith.constant 0 : index
        %get3A_569 = tpu.vector_load %arg8[%get3A_567, %get3A_568] {strides = array<i32>} : memref<128x128xbf16, #tpu.memory_space<vmem>>, vector<32xbf16>,
        %add3A_570 = arith.constant 1 : i32
        %add3A_571 = arith.addi %add3A_564, %add3A_570 : i32
        %get3A_572 = arith.index_cast %add3A_571 : i32 to index
        %get3A_573 = arith.constant 0 : index
        %get3A_574 = tpu.vector_load %arg8[%get3A_572, %get3A_573] {strides = array<i32>} : memref<128x128xbf16, #tpu.memory_space<vmem>>, vector<32xbf16>,
        %mul3A_575 = arith.mulf %get3A_569, %get3A_574 : vector<32xbf16>
        %unpack3A_576 = tpu.unpack_subelements %mul3A_575, 0 {pack_format = #tpu.pack_format<interleaved>} : vector<32xbf16> -> vector<16xf32>
        %unpack3A_577 = tpu.unpack_subelements %mul3A_575, 1 {pack_format = #tpu.pack_format<interleaved>} : vector<32xbf16> -> vector<16xf32>
        %add3A_578 = arith.addf %broadcast_in_dim3A_566, %unpack3A_576 : vector<16xf32>
        %add3A_579 = arith.addf %add3A_578, %unpack3A_577 : vector<16xf32>
        %get3A_580 = arith.index_cast %add3A_564 : i32 to index
        %get3A_581 = arith.constant 32 : index
        %get3A_582 = tpu.vector_load %arg8[%get3A_580, %get3A_581] {strides = array<i32>} : memref<128x128xbf16, #tpu.memory_space<vmem>>, vector<32xbf16>,
        %add3A_583 = arith.constant 1 : i32
        %add3A_584 = arith.addi %add3A_564, %add3A_583 : i32
        %get3A_585 = arith.index_cast %add3A_584 : i32 to index
        %get3A_586 = arith.constant 32 : index
        %get3A_587 = tpu.vector_load %arg8[%get3A_585, %get3A_586] {strides = array<i32>} : memref<128x128xbf16, #tpu.memory_space<vmem>>, vector<32xbf16>,
        %mul3A_588 = arith.mulf %get3A_582, %get3A_587 : vector<32xbf16>
        %unpack3A_589 = tpu.unpack_subelements %mul3A_588, 0 {pack_format = #tpu.pack_format<interleaved>} : vector<32xbf16> -> vector<16xf32>
        %unpack3A_590 = tpu.unpack_subelements %mul3A_588, 1 {pack_format = #tpu.pack_format<interleaved>} : vector<32xbf16> -> vector<16xf32>
        %add3A_591 = arith.addf %add3A_579, %unpack3A_589 : vector<16xf32>
        %add3A_592 = arith.addf %add3A_591, %unpack3A_590 : vector<16xf32>
        %get3A_593 = arith.index_cast %add3A_564 : i32 to index
        %get3A_594 = arith.constant 64 : index
        %get3A_595 = tpu.vector_load %arg8[%get3A_593, %get3A_594] {strides = array<i32>} : memref<128x128xbf16, #tpu.memory_space<vmem>>, vector<32xbf16>,
        %add3A_596 = arith.constant 1 : i32
        %add3A_597 = arith.addi %add3A_564, %add3A_596 : i32
        %get3A_598 = arith.index_cast %add3A_597 : i32 to index
        %get3A_599 = arith.constant 64 : index
        %get3A_600 = tpu.vector_load %arg8[%get3A_598, %get3A_599] {strides = array<i32>} : memref<128x128xbf16, #tpu.memory_space<vmem>>, vector<32xbf16>,
        %mul3A_601 = arith.mulf %get3A_595, %get3A_600 : vector<32xbf16>
        %unpack3A_602 = tpu.unpack_subelements %mul3A_601, 0 {pack_format = #tpu.pack_format<interleaved>} : vector<32xbf16> -> vector<16xf32>
        %unpack3A_603 = tpu.unpack_subelements %mul3A_601, 1 {pack_format = #tpu.pack_format<interleaved>} : vector<32xbf16> -> vector<16xf32>
        %add3A_604 = arith.addf %add3A_592, %unpack3A_602 : vector<16xf32>
        %add3A_605 = arith.addf %add3A_604, %unpack3A_603 : vector<16xf32>
        %get3A_606 = arith.index_cast %add3A_564 : i32 to index
        %get3A_607 = arith.constant 96 : index
        %get3A_608 = tpu.vector_load %arg8[%get3A_606, %get3A_607] {strides = array<i32>} : memref<128x128xbf16, #tpu.memory_space<vmem>>, vector<32xbf16>,
        %add3A_609 = arith.constant 1 : i32
        %add3A_610 = arith.addi %add3A_564, %add3A_609 : i32
        %get3A_611 = arith.index_cast %add3A_610 : i32 to index
        %get3A_612 = arith.constant 96 : index
        %get3A_613 = tpu.vector_load %arg8[%get3A_611, %get3A_612] {strides = array<i32>} : memref<128x128xbf16, #tpu.memory_space<vmem>>, vector<32xbf16>,
        %mul3A_614 = arith.mulf %get3A_608, %get3A_613 : vector<32xbf16>
        %unpack3A_615 = tpu.unpack_subelements %mul3A_614, 0 {pack_format = #tpu.pack_format<interleaved>} : vector<32xbf16> -> vector<16xf32>
        %unpack3A_616 = tpu.unpack_subelements %mul3A_614, 1 {pack_format = #tpu.pack_format<interleaved>} : vector<32xbf16> -> vector<16xf32>
        %add3A_617 = arith.addf %add3A_605, %unpack3A_615 : vector<16xf32>
        %add3A_618 = arith.addf %add3A_617, %unpack3A_616 : vector<16xf32>
        %mul3A_619 = arith.constant 32 : i32
        %mul3A_620 = arith.muli %scan3A_157, %mul3A_619 : i32
        %add3A_621 = arith.constant 16 : i32
        %add3A_622 = arith.addi %mul3A_620, %add3A_621 : i32
        %broadcast_in_dim3A_623 = arith.constant 0.000000e+00 : f32
        %broadcast_in_dim3A_624 = vector.broadcast %broadcast_in_dim3A_623 : f32 to vector<16xf32>
        %get3A_625 = arith.index_cast %add3A_622 : i32 to index
        %get3A_626 = arith.constant 0 : index
        %get3A_627 = tpu.vector_load %arg8[%get3A_625, %get3A_626] {strides = array<i32>} : memref<128x128xbf16, #tpu.memory_space<vmem>>, vector<32xbf16>,
        %add3A_628 = arith.constant 1 : i32
        %add3A_629 = arith.addi %add3A_622, %add3A_628 : i32
        %get3A_630 = arith.index_cast %add3A_629 : i32 to index
        %get3A_631 = arith.constant 0 : index
        %get3A_632 = tpu.vector_load %arg8[%get3A_630, %get3A_631] {strides = array<i32>} : memref<128x128xbf16, #tpu.memory_space<vmem>>, vector<32xbf16>,
        %mul3A_633 = arith.mulf %get3A_627, %get3A_632 : vector<32xbf16>
        %unpack3A_634 = tpu.unpack_subelements %mul3A_633, 0 {pack_format = #tpu.pack_format<interleaved>} : vector<32xbf16> -> vector<16xf32>
        %unpack3A_635 = tpu.unpack_subelements %mul3A_633, 1 {pack_format = #tpu.pack_format<interleaved>} : vector<32xbf16> -> vector<16xf32>
        %add3A_636 = arith.addf %broadcast_in_dim3A_624, %unpack3A_634 : vector<16xf32>
        %add3A_637 = arith.addf %add3A_636, %unpack3A_635 : vector<16xf32>
        %get3A_638 = arith.index_cast %add3A_622 : i32 to index
        %get3A_639 = arith.constant 32 : index
        %get3A_640 = tpu.vector_load %arg8[%get3A_638, %get3A_639] {strides = array<i32>} : memref<128x128xbf16, #tpu.memory_space<vmem>>, vector<32xbf16>,
        %add3A_641 = arith.constant 1 : i32
        %add3A_642 = arith.addi %add3A_622, %add3A_641 : i32
        %get3A_643 = arith.index_cast %add3A_642 : i32 to index
        %get3A_644 = arith.constant 32 : index
        %get3A_645 = tpu.vector_load %arg8[%get3A_643, %get3A_644] {strides = array<i32>} : memref<128x128xbf16, #tpu.memory_space<vmem>>, vector<32xbf16>,
        %mul3A_646 = arith.mulf %get3A_640, %get3A_645 : vector<32xbf16>
        %unpack3A_647 = tpu.unpack_subelements %mul3A_646, 0 {pack_format = #tpu.pack_format<interleaved>} : vector<32xbf16> -> vector<16xf32>
        %unpack3A_648 = tpu.unpack_subelements %mul3A_646, 1 {pack_format = #tpu.pack_format<interleaved>} : vector<32xbf16> -> vector<16xf32>
        %add3A_649 = arith.addf %add3A_637, %unpack3A_647 : vector<16xf32>
        %add3A_650 = arith.addf %add3A_649, %unpack3A_648 : vector<16xf32>
        %get3A_651 = arith.index_cast %add3A_622 : i32 to index
        %get3A_652 = arith.constant 64 : index
        %get3A_653 = tpu.vector_load %arg8[%get3A_651, %get3A_652] {strides = array<i32>} : memref<128x128xbf16, #tpu.memory_space<vmem>>, vector<32xbf16>,
        %add3A_654 = arith.constant 1 : i32
        %add3A_655 = arith.addi %add3A_622, %add3A_654 : i32
        %get3A_656 = arith.index_cast %add3A_655 : i32 to index
        %get3A_657 = arith.constant 64 : index
        %get3A_658 = tpu.vector_load %arg8[%get3A_656, %get3A_657] {strides = array<i32>} : memref<128x128xbf16, #tpu.memory_space<vmem>>, vector<32xbf16>,
        %mul3A_659 = arith.mulf %get3A_653, %get3A_658 : vector<32xbf16>
        %unpack3A_660 = tpu.unpack_subelements %mul3A_659, 0 {pack_format = #tpu.pack_format<interleaved>} : vector<32xbf16> -> vector<16xf32>
        %unpack3A_661 = tpu.unpack_subelements %mul3A_659, 1 {pack_format = #tpu.pack_format<interleaved>} : vector<32xbf16> -> vector<16xf32>
        %add3A_662 = arith.addf %add3A_650, %unpack3A_660 : vector<16xf32>
        %add3A_663 = arith.addf %add3A_662, %unpack3A_661 : vector<16xf32>
        %get3A_664 = arith.index_cast %add3A_622 : i32 to index
        %get3A_665 = arith.constant 96 : index
        %get3A_666 = tpu.vector_load %arg8[%get3A_664, %get3A_665] {strides = array<i32>} : memref<128x128xbf16, #tpu.memory_space<vmem>>, vector<32xbf16>,
        %add3A_667 = arith.constant 1 : i32
        %add3A_668 = arith.addi %add3A_622, %add3A_667 : i32
        %get3A_669 = arith.index_cast %add3A_668 : i32 to index
        %get3A_670 = arith.constant 96 : index
        %get3A_671 = tpu.vector_load %arg8[%get3A_669, %get3A_670] {strides = array<i32>} : memref<128x128xbf16, #tpu.memory_space<vmem>>, vector<32xbf16>,
        %mul3A_672 = arith.mulf %get3A_666, %get3A_671 : vector<32xbf16>
        %unpack3A_673 = tpu.unpack_subelements %mul3A_672, 0 {pack_format = #tpu.pack_format<interleaved>} : vector<32xbf16> -> vector<16xf32>
        %unpack3A_674 = tpu.unpack_subelements %mul3A_672, 1 {pack_format = #tpu.pack_format<interleaved>} : vector<32xbf16> -> vector<16xf32>
        %add3A_675 = arith.addf %add3A_663, %unpack3A_673 : vector<16xf32>
        %add3A_676 = arith.addf %add3A_675, %unpack3A_674 : vector<16xf32>
        %mul3A_677 = arith.constant 32 : i32
        %mul3A_678 = arith.muli %scan3A_157, %mul3A_677 : i32
        %add3A_679 = arith.constant 18 : i32
        %add3A_680 = arith.addi %mul3A_678, %add3A_679 : i32
        %broadcast_in_dim3A_681 = arith.constant 0.000000e+00 : f32
        %broadcast_in_dim3A_682 = vector.broadcast %broadcast_in_dim3A_681 : f32 to vector<16xf32>
        %get3A_683 = arith.index_cast %add3A_680 : i32 to index
        %get3A_684 = arith.constant 0 : index
        %get3A_685 = tpu.vector_load %arg8[%get3A_683, %get3A_684] {strides = array<i32>} : memref<128x128xbf16, #tpu.memory_space<vmem>>, vector<32xbf16>,
        %add3A_686 = arith.constant 1 : i32
        %add3A_687 = arith.addi %add3A_680, %add3A_686 : i32
        %get3A_688 = arith.index_cast %add3A_687 : i32 to index
        %get3A_689 = arith.constant 0 : index
        %get3A_690 = tpu.vector_load %arg8[%get3A_688, %get3A_689] {strides = array<i32>} : memref<128x128xbf16, #tpu.memory_space<vmem>>, vector<32xbf16>,
        %mul3A_691 = arith.mulf %get3A_685, %get3A_690 : vector<32xbf16>
        %unpack3A_692 = tpu.unpack_subelements %mul3A_691, 0 {pack_format = #tpu.pack_format<interleaved>} : vector<32xbf16> -> vector<16xf32>
        %unpack3A_693 = tpu.unpack_subelements %mul3A_691, 1 {pack_format = #tpu.pack_format<interleaved>} : vector<32xbf16> -> vector<16xf32>
        %add3A_694 = arith.addf %broadcast_in_dim3A_682, %unpack3A_692 : vector<16xf32>
        %add3A_695 = arith.addf %add3A_694, %unpack3A_693 : vector<16xf32>
        %get3A_696 = arith.index_cast %add3A_680 : i32 to index
        %get3A_697 = arith.constant 32 : index
        %get3A_698 = tpu.vector_load %arg8[%get3A_696, %get3A_697] {strides = array<i32>} : memref<128x128xbf16, #tpu.memory_space<vmem>>, vector<32xbf16>,
        %add3A_699 = arith.constant 1 : i32
        %add3A_700 = arith.addi %add3A_680, %add3A_699 : i32
        %get3A_701 = arith.index_cast %add3A_700 : i32 to index
        %get3A_702 = arith.constant 32 : index
        %get3A_703 = tpu.vector_load %arg8[%get3A_701, %get3A_702] {strides = array<i32>} : memref<128x128xbf16, #tpu.memory_space<vmem>>, vector<32xbf16>,
        %mul3A_704 = arith.mulf %get3A_698, %get3A_703 : vector<32xbf16>
        %unpack3A_705 = tpu.unpack_subelements %mul3A_704, 0 {pack_format = #tpu.pack_format<interleaved>} : vector<32xbf16> -> vector<16xf32>
        %unpack3A_706 = tpu.unpack_subelements %mul3A_704, 1 {pack_format = #tpu.pack_format<interleaved>} : vector<32xbf16> -> vector<16xf32>
        %add3A_707 = arith.addf %add3A_695, %unpack3A_705 : vector<16xf32>
        %add3A_708 = arith.addf %add3A_707, %unpack3A_706 : vector<16xf32>
        %get3A_709 = arith.index_cast %add3A_680 : i32 to index
        %get3A_710 = arith.constant 64 : index
        %get3A_711 = tpu.vector_load %arg8[%get3A_709, %get3A_710] {strides = array<i32>} : memref<128x128xbf16, #tpu.memory_space<vmem>>, vector<32xbf16>,
        %add3A_712 = arith.constant 1 : i32
        %add3A_713 = arith.addi %add3A_680, %add3A_712 : i32
        %get3A_714 = arith.index_cast %add3A_713 : i32 to index
        %get3A_715 = arith.constant 64 : index
        %get3A_716 = tpu.vector_load %arg8[%get3A_714, %get3A_715] {strides = array<i32>} : memref<128x128xbf16, #tpu.memory_space<vmem>>, vector<32xbf16>,
        %mul3A_717 = arith.mulf %get3A_711, %get3A_716 : vector<32xbf16>
        %unpack3A_718 = tpu.unpack_subelements %mul3A_717, 0 {pack_format = #tpu.pack_format<interleaved>} : vector<32xbf16> -> vector<16xf32>
        %unpack3A_719 = tpu.unpack_subelements %mul3A_717, 1 {pack_format = #tpu.pack_format<interleaved>} : vector<32xbf16> -> vector<16xf32>
        %add3A_720 = arith.addf %add3A_708, %unpack3A_718 : vector<16xf32>
        %add3A_721 = arith.addf %add3A_720, %unpack3A_719 : vector<16xf32>
        %get3A_722 = arith.index_cast %add3A_680 : i32 to index
        %get3A_723 = arith.constant 96 : index
        %get3A_724 = tpu.vector_load %arg8[%get3A_722, %get3A_723] {strides = array<i32>} : memref<128x128xbf16, #tpu.memory_space<vmem>>, vector<32xbf16>,
        %add3A_725 = arith.constant 1 : i32
        %add3A_726 = arith.addi %add3A_680, %add3A_725 : i32
        %get3A_727 = arith.index_cast %add3A_726 : i32 to index
        %get3A_728 = arith.constant 96 : index
        %get3A_729 = tpu.vector_load %arg8[%get3A_727, %get3A_728] {strides = array<i32>} : memref<128x128xbf16, #tpu.memory_space<vmem>>, vector<32xbf16>,
        %mul3A_730 = arith.mulf %get3A_724, %get3A_729 : vector<32xbf16>
        %unpack3A_731 = tpu.unpack_subelements %mul3A_730, 0 {pack_format = #tpu.pack_format<interleaved>} : vector<32xbf16> -> vector<16xf32>
        %unpack3A_732 = tpu.unpack_subelements %mul3A_730, 1 {pack_format = #tpu.pack_format<interleaved>} : vector<32xbf16> -> vector<16xf32>
        %add3A_733 = arith.addf %add3A_721, %unpack3A_731 : vector<16xf32>
        %add3A_734 = arith.addf %add3A_733, %unpack3A_732 : vector<16xf32>
        %mul3A_735 = arith.constant 32 : i32
        %mul3A_736 = arith.muli %scan3A_157, %mul3A_735 : i32
        %add3A_737 = arith.constant 20 : i32
        %add3A_738 = arith.addi %mul3A_736, %add3A_737 : i32
        %broadcast_in_dim3A_739 = arith.constant 0.000000e+00 : f32
        %broadcast_in_dim3A_740 = vector.broadcast %broadcast_in_dim3A_739 : f32 to vector<16xf32>
        %get3A_741 = arith.index_cast %add3A_738 : i32 to index
        %get3A_742 = arith.constant 0 : index
        %get3A_743 = tpu.vector_load %arg8[%get3A_741, %get3A_742] {strides = array<i32>} : memref<128x128xbf16, #tpu.memory_space<vmem>>, vector<32xbf16>,
        %add3A_744 = arith.constant 1 : i32
        %add3A_745 = arith.addi %add3A_738, %add3A_744 : i32
        %get3A_746 = arith.index_cast %add3A_745 : i32 to index
        %get3A_747 = arith.constant 0 : index
        %get3A_748 = tpu.vector_load %arg8[%get3A_746, %get3A_747] {strides = array<i32>} : memref<128x128xbf16, #tpu.memory_space<vmem>>, vector<32xbf16>,
        %mul3A_749 = arith.mulf %get3A_743, %get3A_748 : vector<32xbf16>
        %unpack3A_750 = tpu.unpack_subelements %mul3A_749, 0 {pack_format = #tpu.pack_format<interleaved>} : vector<32xbf16> -> vector<16xf32>
        %unpack3A_751 = tpu.unpack_subelements %mul3A_749, 1 {pack_format = #tpu.pack_format<interleaved>} : vector<32xbf16> -> vector<16xf32>
        %add3A_752 = arith.addf %broadcast_in_dim3A_740, %unpack3A_750 : vector<16xf32>
        %add3A_753 = arith.addf %add3A_752, %unpack3A_751 : vector<16xf32>
        %get3A_754 = arith.index_cast %add3A_738 : i32 to index
        %get3A_755 = arith.constant 32 : index
        %get3A_756 = tpu.vector_load %arg8[%get3A_754, %get3A_755] {strides = array<i32>} : memref<128x128xbf16, #tpu.memory_space<vmem>>, vector<32xbf16>,
        %add3A_757 = arith.constant 1 : i32
        %add3A_758 = arith.addi %add3A_738, %add3A_757 : i32
        %get3A_759 = arith.index_cast %add3A_758 : i32 to index
        %get3A_760 = arith.constant 32 : index
        %get3A_761 = tpu.vector_load %arg8[%get3A_759, %get3A_760] {strides = array<i32>} : memref<128x128xbf16, #tpu.memory_space<vmem>>, vector<32xbf16>,
        %mul3A_762 = arith.mulf %get3A_756, %get3A_761 : vector<32xbf16>
        %unpack3A_763 = tpu.unpack_subelements %mul3A_762, 0 {pack_format = #tpu.pack_format<interleaved>} : vector<32xbf16> -> vector<16xf32>
        %unpack3A_764 = tpu.unpack_subelements %mul3A_762, 1 {pack_format = #tpu.pack_format<interleaved>} : vector<32xbf16> -> vector<16xf32>
        %add3A_765 = arith.addf %add3A_753, %unpack3A_763 : vector<16xf32>
        %add3A_766 = arith.addf %add3A_765, %unpack3A_764 : vector<16xf32>
        %get3A_767 = arith.index_cast %add3A_738 : i32 to index
        %get3A_768 = arith.constant 64 : index
        %get3A_769 = tpu.vector_load %arg8[%get3A_767, %get3A_768] {strides = array<i32>} : memref<128x128xbf16, #tpu.memory_space<vmem>>, vector<32xbf16>,
        %add3A_770 = arith.constant 1 : i32
        %add3A_771 = arith.addi %add3A_738, %add3A_770 : i32
        %get3A_772 = arith.index_cast %add3A_771 : i32 to index
        %get3A_773 = arith.constant 64 : index
        %get3A_774 = tpu.vector_load %arg8[%get3A_772, %get3A_773] {strides = array<i32>} : memref<128x128xbf16, #tpu.memory_space<vmem>>, vector<32xbf16>,
        %mul3A_775 = arith.mulf %get3A_769, %get3A_774 : vector<32xbf16>
        %unpack3A_776 = tpu.unpack_subelements %mul3A_775, 0 {pack_format = #tpu.pack_format<interleaved>} : vector<32xbf16> -> vector<16xf32>
        %unpack3A_777 = tpu.unpack_subelements %mul3A_775, 1 {pack_format = #tpu.pack_format<interleaved>} : vector<32xbf16> -> vector<16xf32>
        %add3A_778 = arith.addf %add3A_766, %unpack3A_776 : vector<16xf32>
        %add3A_779 = arith.addf %add3A_778, %unpack3A_777 : vector<16xf32>
        %get3A_780 = arith.index_cast %add3A_738 : i32 to index
        %get3A_781 = arith.constant 96 : index
        %get3A_782 = tpu.vector_load %arg8[%get3A_780, %get3A_781] {strides = array<i32>} : memref<128x128xbf16, #tpu.memory_space<vmem>>, vector<32xbf16>,
        %add3A_783 = arith.constant 1 : i32
        %add3A_784 = arith.addi %add3A_738, %add3A_783 : i32
        %get3A_785 = arith.index_cast %add3A_784 : i32 to index
        %get3A_786 = arith.constant 96 : index
        %get3A_787 = tpu.vector_load %arg8[%get3A_785, %get3A_786] {strides = array<i32>} : memref<128x128xbf16, #tpu.memory_space<vmem>>, vector<32xbf16>,
        %mul3A_788 = arith.mulf %get3A_782, %get3A_787 : vector<32xbf16>
        %unpack3A_789 = tpu.unpack_subelements %mul3A_788, 0 {pack_format = #tpu.pack_format<interleaved>} : vector<32xbf16> -> vector<16xf32>
        %unpack3A_790 = tpu.unpack_subelements %mul3A_788, 1 {pack_format = #tpu.pack_format<interleaved>} : vector<32xbf16> -> vector<16xf32>
        %add3A_791 = arith.addf %add3A_779, %unpack3A_789 : vector<16xf32>
        %add3A_792 = arith.addf %add3A_791, %unpack3A_790 : vector<16xf32>
        %mul3A_793 = arith.constant 32 : i32
        %mul3A_794 = arith.muli %scan3A_157, %mul3A_793 : i32
        %add3A_795 = arith.constant 22 : i32
        %add3A_796 = arith.addi %mul3A_794, %add3A_795 : i32
        %broadcast_in_dim3A_797 = arith.constant 0.000000e+00 : f32
        %broadcast_in_dim3A_798 = vector.broadcast %broadcast_in_dim3A_797 : f32 to vector<16xf32>
        %get3A_799 = arith.index_cast %add3A_796 : i32 to index
        %get3A_800 = arith.constant 0 : index
        %get3A_801 = tpu.vector_load %arg8[%get3A_799, %get3A_800] {strides = array<i32>} : memref<128x128xbf16, #tpu.memory_space<vmem>>, vector<32xbf16>,
        %add3A_802 = arith.constant 1 : i32
        %add3A_803 = arith.addi %add3A_796, %add3A_802 : i32
        %get3A_804 = arith.index_cast %add3A_803 : i32 to index
        %get3A_805 = arith.constant 0 : index
        %get3A_806 = tpu.vector_load %arg8[%get3A_804, %get3A_805] {strides = array<i32>} : memref<128x128xbf16, #tpu.memory_space<vmem>>, vector<32xbf16>,
        %mul3A_807 = arith.mulf %get3A_801, %get3A_806 : vector<32xbf16>
        %unpack3A_808 = tpu.unpack_subelements %mul3A_807, 0 {pack_format = #tpu.pack_format<interleaved>} : vector<32xbf16> -> vector<16xf32>
        %unpack3A_809 = tpu.unpack_subelements %mul3A_807, 1 {pack_format = #tpu.pack_format<interleaved>} : vector<32xbf16> -> vector<16xf32>
        %add3A_810 = arith.addf %broadcast_in_dim3A_798, %unpack3A_808 : vector<16xf32>
        %add3A_811 = arith.addf %add3A_810, %unpack3A_809 : vector<16xf32>
        %get3A_812 = arith.index_cast %add3A_796 : i32 to index
        %get3A_813 = arith.constant 32 : index
        %get3A_814 = tpu.vector_load %arg8[%get3A_812, %get3A_813] {strides = array<i32>} : memref<128x128xbf16, #tpu.memory_space<vmem>>, vector<32xbf16>,
        %add3A_815 = arith.constant 1 : i32
        %add3A_816 = arith.addi %add3A_796, %add3A_815 : i32
        %get3A_817 = arith.index_cast %add3A_816 : i32 to index
        %get3A_818 = arith.constant 32 : index
        %get3A_819 = tpu.vector_load %arg8[%get3A_817, %get3A_818] {strides = array<i32>} : memref<128x128xbf16, #tpu.memory_space<vmem>>, vector<32xbf16>,
        %mul3A_820 = arith.mulf %get3A_814, %get3A_819 : vector<32xbf16>
        %unpack3A_821 = tpu.unpack_subelements %mul3A_820, 0 {pack_format = #tpu.pack_format<interleaved>} : vector<32xbf16> -> vector<16xf32>
        %unpack3A_822 = tpu.unpack_subelements %mul3A_820, 1 {pack_format = #tpu.pack_format<interleaved>} : vector<32xbf16> -> vector<16xf32>
        %add3A_823 = arith.addf %add3A_811, %unpack3A_821 : vector<16xf32>
        %add3A_824 = arith.addf %add3A_823, %unpack3A_822 : vector<16xf32>
        %get3A_825 = arith.index_cast %add3A_796 : i32 to index
        %get3A_826 = arith.constant 64 : index
        %get3A_827 = tpu.vector_load %arg8[%get3A_825, %get3A_826] {strides = array<i32>} : memref<128x128xbf16, #tpu.memory_space<vmem>>, vector<32xbf16>,
        %add3A_828 = arith.constant 1 : i32
        %add3A_829 = arith.addi %add3A_796, %add3A_828 : i32
        %get3A_830 = arith.index_cast %add3A_829 : i32 to index
        %get3A_831 = arith.constant 64 : index
        %get3A_832 = tpu.vector_load %arg8[%get3A_830, %get3A_831] {strides = array<i32>} : memref<128x128xbf16, #tpu.memory_space<vmem>>, vector<32xbf16>,
        %mul3A_833 = arith.mulf %get3A_827, %get3A_832 : vector<32xbf16>
        %unpack3A_834 = tpu.unpack_subelements %mul3A_833, 0 {pack_format = #tpu.pack_format<interleaved>} : vector<32xbf16> -> vector<16xf32>
        %unpack3A_835 = tpu.unpack_subelements %mul3A_833, 1 {pack_format = #tpu.pack_format<interleaved>} : vector<32xbf16> -> vector<16xf32>
        %add3A_836 = arith.addf %add3A_824, %unpack3A_834 : vector<16xf32>
        %add3A_837 = arith.addf %add3A_836, %unpack3A_835 : vector<16xf32>
        %get3A_838 = arith.index_cast %add3A_796 : i32 to index
        %get3A_839 = arith.constant 96 : index
        %get3A_840 = tpu.vector_load %arg8[%get3A_838, %get3A_839] {strides = array<i32>} : memref<128x128xbf16, #tpu.memory_space<vmem>>, vector<32xbf16>,
        %add3A_841 = arith.constant 1 : i32
        %add3A_842 = arith.addi %add3A_796, %add3A_841 : i32
        %get3A_843 = arith.index_cast %add3A_842 : i32 to index
        %get3A_844 = arith.constant 96 : index
        %get3A_845 = tpu.vector_load %arg8[%get3A_843, %get3A_844] {strides = array<i32>} : memref<128x128xbf16, #tpu.memory_space<vmem>>, vector<32xbf16>,
        %mul3A_846 = arith.mulf %get3A_840, %get3A_845 : vector<32xbf16>
        %unpack3A_847 = tpu.unpack_subelements %mul3A_846, 0 {pack_format = #tpu.pack_format<interleaved>} : vector<32xbf16> -> vector<16xf32>
        %unpack3A_848 = tpu.unpack_subelements %mul3A_846, 1 {pack_format = #tpu.pack_format<interleaved>} : vector<32xbf16> -> vector<16xf32>
        %add3A_849 = arith.addf %add3A_837, %unpack3A_847 : vector<16xf32>
        %add3A_850 = arith.addf %add3A_849, %unpack3A_848 : vector<16xf32>
        %mul3A_851 = arith.constant 32 : i32
        %mul3A_852 = arith.muli %scan3A_157, %mul3A_851 : i32
        %add3A_853 = arith.constant 24 : i32
        %add3A_854 = arith.addi %mul3A_852, %add3A_853 : i32
        %broadcast_in_dim3A_855 = arith.constant 0.000000e+00 : f32
        %broadcast_in_dim3A_856 = vector.broadcast %broadcast_in_dim3A_855 : f32 to vector<16xf32>
        %get3A_857 = arith.index_cast %add3A_854 : i32 to index
        %get3A_858 = arith.constant 0 : index
        %get3A_859 = tpu.vector_load %arg8[%get3A_857, %get3A_858] {strides = array<i32>} : memref<128x128xbf16, #tpu.memory_space<vmem>>, vector<32xbf16>,
        %add3A_860 = arith.constant 1 : i32
        %add3A_861 = arith.addi %add3A_854, %add3A_860 : i32
        %get3A_862 = arith.index_cast %add3A_861 : i32 to index
        %get3A_863 = arith.constant 0 : index
        %get3A_864 = tpu.vector_load %arg8[%get3A_862, %get3A_863] {strides = array<i32>} : memref<128x128xbf16, #tpu.memory_space<vmem>>, vector<32xbf16>,
        %mul3A_865 = arith.mulf %get3A_859, %get3A_864 : vector<32xbf16>
        %unpack3A_866 = tpu.unpack_subelements %mul3A_865, 0 {pack_format = #tpu.pack_format<interleaved>} : vector<32xbf16> -> vector<16xf32>
        %unpack3A_867 = tpu.unpack_subelements %mul3A_865, 1 {pack_format = #tpu.pack_format<interleaved>} : vector<32xbf16> -> vector<16xf32>
        %add3A_868 = arith.addf %broadcast_in_dim3A_856, %unpack3A_866 : vector<16xf32>
        %add3A_869 = arith.addf %add3A_868, %unpack3A_867 : vector<16xf32>
        %get3A_870 = arith.index_cast %add3A_854 : i32 to index
        %get3A_871 = arith.constant 32 : index
        %get3A_872 = tpu.vector_load %arg8[%get3A_870, %get3A_871] {strides = array<i32>} : memref<128x128xbf16, #tpu.memory_space<vmem>>, vector<32xbf16>,
        %add3A_873 = arith.constant 1 : i32
        %add3A_874 = arith.addi %add3A_854, %add3A_873 : i32
        %get3A_875 = arith.index_cast %add3A_874 : i32 to index
        %get3A_876 = arith.constant 32 : index
        %get3A_877 = tpu.vector_load %arg8[%get3A_875, %get3A_876] {strides = array<i32>} : memref<128x128xbf16, #tpu.memory_space<vmem>>, vector<32xbf16>,
        %mul3A_878 = arith.mulf %get3A_872, %get3A_877 : vector<32xbf16>
        %unpack3A_879 = tpu.unpack_subelements %mul3A_878, 0 {pack_format = #tpu.pack_format<interleaved>} : vector<32xbf16> -> vector<16xf32>
        %unpack3A_880 = tpu.unpack_subelements %mul3A_878, 1 {pack_format = #tpu.pack_format<interleaved>} : vector<32xbf16> -> vector<16xf32>
        %add3A_881 = arith.addf %add3A_869, %unpack3A_879 : vector<16xf32>
        %add3A_882 = arith.addf %add3A_881, %unpack3A_880 : vector<16xf32>
        %get3A_883 = arith.index_cast %add3A_854 : i32 to index
        %get3A_884 = arith.constant 64 : index
        %get3A_885 = tpu.vector_load %arg8[%get3A_883, %get3A_884] {strides = array<i32>} : memref<128x128xbf16, #tpu.memory_space<vmem>>, vector<32xbf16>,
        %add3A_886 = arith.constant 1 : i32
        %add3A_887 = arith.addi %add3A_854, %add3A_886 : i32
        %get3A_888 = arith.index_cast %add3A_887 : i32 to index
        %get3A_889 = arith.constant 64 : index
        %get3A_890 = tpu.vector_load %arg8[%get3A_888, %get3A_889] {strides = array<i32>} : memref<128x128xbf16, #tpu.memory_space<vmem>>, vector<32xbf16>,
        %mul3A_891 = arith.mulf %get3A_885, %get3A_890 : vector<32xbf16>
        %unpack3A_892 = tpu.unpack_subelements %mul3A_891, 0 {pack_format = #tpu.pack_format<interleaved>} : vector<32xbf16> -> vector<16xf32>
        %unpack3A_893 = tpu.unpack_subelements %mul3A_891, 1 {pack_format = #tpu.pack_format<interleaved>} : vector<32xbf16> -> vector<16xf32>
        %add3A_894 = arith.addf %add3A_882, %unpack3A_892 : vector<16xf32>
        %add3A_895 = arith.addf %add3A_894, %unpack3A_893 : vector<16xf32>
        %get3A_896 = arith.index_cast %add3A_854 : i32 to index
        %get3A_897 = arith.constant 96 : index
        %get3A_898 = tpu.vector_load %arg8[%get3A_896, %get3A_897] {strides = array<i32>} : memref<128x128xbf16, #tpu.memory_space<vmem>>, vector<32xbf16>,
        %add3A_899 = arith.constant 1 : i32
        %add3A_900 = arith.addi %add3A_854, %add3A_899 : i32
        %get3A_901 = arith.index_cast %add3A_900 : i32 to index
        %get3A_902 = arith.constant 96 : index
        %get3A_903 = tpu.vector_load %arg8[%get3A_901, %get3A_902] {strides = array<i32>} : memref<128x128xbf16, #tpu.memory_space<vmem>>, vector<32xbf16>,
        %mul3A_904 = arith.mulf %get3A_898, %get3A_903 : vector<32xbf16>
        %unpack3A_905 = tpu.unpack_subelements %mul3A_904, 0 {pack_format = #tpu.pack_format<interleaved>} : vector<32xbf16> -> vector<16xf32>
        %unpack3A_906 = tpu.unpack_subelements %mul3A_904, 1 {pack_format = #tpu.pack_format<interleaved>} : vector<32xbf16> -> vector<16xf32>
        %add3A_907 = arith.addf %add3A_895, %unpack3A_905 : vector<16xf32>
        %add3A_908 = arith.addf %add3A_907, %unpack3A_906 : vector<16xf32>
        %mul3A_909 = arith.constant 32 : i32
        %mul3A_910 = arith.muli %scan3A_157, %mul3A_909 : i32
        %add3A_911 = arith.constant 26 : i32
        %add3A_912 = arith.addi %mul3A_910, %add3A_911 : i32
        %broadcast_in_dim3A_913 = arith.constant 0.000000e+00 : f32
        %broadcast_in_dim3A_914 = vector.broadcast %broadcast_in_dim3A_913 : f32 to vector<16xf32>
        %get3A_915 = arith.index_cast %add3A_912 : i32 to index
        %get3A_916 = arith.constant 0 : index
        %get3A_917 = tpu.vector_load %arg8[%get3A_915, %get3A_916] {strides = array<i32>} : memref<128x128xbf16, #tpu.memory_space<vmem>>, vector<32xbf16>,
        %add3A_918 = arith.constant 1 : i32
        %add3A_919 = arith.addi %add3A_912, %add3A_918 : i32
        %get3A_920 = arith.index_cast %add3A_919 : i32 to index
        %get3A_921 = arith.constant 0 : index
        %get3A_922 = tpu.vector_load %arg8[%get3A_920, %get3A_921] {strides = array<i32>} : memref<128x128xbf16, #tpu.memory_space<vmem>>, vector<32xbf16>,
        %mul3A_923 = arith.mulf %get3A_917, %get3A_922 : vector<32xbf16>
        %unpack3A_924 = tpu.unpack_subelements %mul3A_923, 0 {pack_format = #tpu.pack_format<interleaved>} : vector<32xbf16> -> vector<16xf32>
        %unpack3A_925 = tpu.unpack_subelements %mul3A_923, 1 {pack_format = #tpu.pack_format<interleaved>} : vector<32xbf16> -> vector<16xf32>
        %add3A_926 = arith.addf %broadcast_in_dim3A_914, %unpack3A_924 : vector<16xf32>
        %add3A_927 = arith.addf %add3A_926, %unpack3A_925 : vector<16xf32>
        %get3A_928 = arith.index_cast %add3A_912 : i32 to index
        %get3A_929 = arith.constant 32 : index
        %get3A_930 = tpu.vector_load %arg8[%get3A_928, %get3A_929] {strides = array<i32>} : memref<128x128xbf16, #tpu.memory_space<vmem>>, vector<32xbf16>,
        %add3A_931 = arith.constant 1 : i32
        %add3A_932 = arith.addi %add3A_912, %add3A_931 : i32
        %get3A_933 = arith.index_cast %add3A_932 : i32 to index
        %get3A_934 = arith.constant 32 : index
        %get3A_935 = tpu.vector_load %arg8[%get3A_933, %get3A_934] {strides = array<i32>} : memref<128x128xbf16, #tpu.memory_space<vmem>>, vector<32xbf16>,
        %mul3A_936 = arith.mulf %get3A_930, %get3A_935 : vector<32xbf16>
        %unpack3A_937 = tpu.unpack_subelements %mul3A_936, 0 {pack_format = #tpu.pack_format<interleaved>} : vector<32xbf16> -> vector<16xf32>
        %unpack3A_938 = tpu.unpack_subelements %mul3A_936, 1 {pack_format = #tpu.pack_format<interleaved>} : vector<32xbf16> -> vector<16xf32>
        %add3A_939 = arith.addf %add3A_927, %unpack3A_937 : vector<16xf32>
        %add3A_940 = arith.addf %add3A_939, %unpack3A_938 : vector<16xf32>
        %get3A_941 = arith.index_cast %add3A_912 : i32 to index
        %get3A_942 = arith.constant 64 : index
        %get3A_943 = tpu.vector_load %arg8[%get3A_941, %get3A_942] {strides = array<i32>} : memref<128x128xbf16, #tpu.memory_space<vmem>>, vector<32xbf16>,
        %add3A_944 = arith.constant 1 : i32
        %add3A_945 = arith.addi %add3A_912, %add3A_944 : i32
        %get3A_946 = arith.index_cast %add3A_945 : i32 to index
        %get3A_947 = arith.constant 64 : index
        %get3A_948 = tpu.vector_load %arg8[%get3A_946, %get3A_947] {strides = array<i32>} : memref<128x128xbf16, #tpu.memory_space<vmem>>, vector<32xbf16>,
        %mul3A_949 = arith.mulf %get3A_943, %get3A_948 : vector<32xbf16>
        %unpack3A_950 = tpu.unpack_subelements %mul3A_949, 0 {pack_format = #tpu.pack_format<interleaved>} : vector<32xbf16> -> vector<16xf32>
        %unpack3A_951 = tpu.unpack_subelements %mul3A_949, 1 {pack_format = #tpu.pack_format<interleaved>} : vector<32xbf16> -> vector<16xf32>
        %add3A_952 = arith.addf %add3A_940, %unpack3A_950 : vector<16xf32>
        %add3A_953 = arith.addf %add3A_952, %unpack3A_951 : vector<16xf32>
        %get3A_954 = arith.index_cast %add3A_912 : i32 to index
        %get3A_955 = arith.constant 96 : index
        %get3A_956 = tpu.vector_load %arg8[%get3A_954, %get3A_955] {strides = array<i32>} : memref<128x128xbf16, #tpu.memory_space<vmem>>, vector<32xbf16>,
        %add3A_957 = arith.constant 1 : i32
        %add3A_958 = arith.addi %add3A_912, %add3A_957 : i32
        %get3A_959 = arith.index_cast %add3A_958 : i32 to index
        %get3A_960 = arith.constant 96 : index
        %get3A_961 = tpu.vector_load %arg8[%get3A_959, %get3A_960] {strides = array<i32>} : memref<128x128xbf16, #tpu.memory_space<vmem>>, vector<32xbf16>,
        %mul3A_962 = arith.mulf %get3A_956, %get3A_961 : vector<32xbf16>
        %unpack3A_963 = tpu.unpack_subelements %mul3A_962, 0 {pack_format = #tpu.pack_format<interleaved>} : vector<32xbf16> -> vector<16xf32>
        %unpack3A_964 = tpu.unpack_subelements %mul3A_962, 1 {pack_format = #tpu.pack_format<interleaved>} : vector<32xbf16> -> vector<16xf32>
        %add3A_965 = arith.addf %add3A_953, %unpack3A_963 : vector<16xf32>
        %add3A_966 = arith.addf %add3A_965, %unpack3A_964 : vector<16xf32>
        %mul3A_967 = arith.constant 32 : i32
        %mul3A_968 = arith.muli %scan3A_157, %mul3A_967 : i32
        %add3A_969 = arith.constant 28 : i32
        %add3A_970 = arith.addi %mul3A_968, %add3A_969 : i32
        %broadcast_in_dim3A_971 = arith.constant 0.000000e+00 : f32
        %broadcast_in_dim3A_972 = vector.broadcast %broadcast_in_dim3A_971 : f32 to vector<16xf32>
        %get3A_973 = arith.index_cast %add3A_970 : i32 to index
        %get3A_974 = arith.constant 0 : index
        %get3A_975 = tpu.vector_load %arg8[%get3A_973, %get3A_974] {strides = array<i32>} : memref<128x128xbf16, #tpu.memory_space<vmem>>, vector<32xbf16>,
        %add3A_976 = arith.constant 1 : i32
        %add3A_977 = arith.addi %add3A_970, %add3A_976 : i32
        %get3A_978 = arith.index_cast %add3A_977 : i32 to index
        %get3A_979 = arith.constant 0 : index
        %get3A_980 = tpu.vector_load %arg8[%get3A_978, %get3A_979] {strides = array<i32>} : memref<128x128xbf16, #tpu.memory_space<vmem>>, vector<32xbf16>,
        %mul3A_981 = arith.mulf %get3A_975, %get3A_980 : vector<32xbf16>
        %unpack3A_982 = tpu.unpack_subelements %mul3A_981, 0 {pack_format = #tpu.pack_format<interleaved>} : vector<32xbf16> -> vector<16xf32>
        %unpack3A_983 = tpu.unpack_subelements %mul3A_981, 1 {pack_format = #tpu.pack_format<interleaved>} : vector<32xbf16> -> vector<16xf32>
        %add3A_984 = arith.addf %broadcast_in_dim3A_972, %unpack3A_982 : vector<16xf32>
        %add3A_985 = arith.addf %add3A_984, %unpack3A_983 : vector<16xf32>
        %get3A_986 = arith.index_cast %add3A_970 : i32 to index
        %get3A_987 = arith.constant 32 : index
        %get3A_988 = tpu.vector_load %arg8[%get3A_986, %get3A_987] {strides = array<i32>} : memref<128x128xbf16, #tpu.memory_space<vmem>>, vector<32xbf16>,
        %add3A_989 = arith.constant 1 : i32
        %add3A_990 = arith.addi %add3A_970, %add3A_989 : i32
        %get3A_991 = arith.index_cast %add3A_990 : i32 to index
        %get3A_992 = arith.constant 32 : index
        %get3A_993 = tpu.vector_load %arg8[%get3A_991, %get3A_992] {strides = array<i32>} : memref<128x128xbf16, #tpu.memory_space<vmem>>, vector<32xbf16>,
        %mul3A_994 = arith.mulf %get3A_988, %get3A_993 : vector<32xbf16>
        %unpack3A_995 = tpu.unpack_subelements %mul3A_994, 0 {pack_format = #tpu.pack_format<interleaved>} : vector<32xbf16> -> vector<16xf32>
        %unpack3A_996 = tpu.unpack_subelements %mul3A_994, 1 {pack_format = #tpu.pack_format<interleaved>} : vector<32xbf16> -> vector<16xf32>
        %add3A_997 = arith.addf %add3A_985, %unpack3A_995 : vector<16xf32>
        %add3A_998 = arith.addf %add3A_997, %unpack3A_996 : vector<16xf32>
        %get3A_999 = arith.index_cast %add3A_970 : i32 to index
        %get3A_1000 = arith.constant 64 : index
        %get3A_1001 = tpu.vector_load %arg8[%get3A_999, %get3A_1000] {strides = array<i32>} : memref<128x128xbf16, #tpu.memory_space<vmem>>, vector<32xbf16>,
        %add3A_1002 = arith.constant 1 : i32
        %add3A_1003 = arith.addi %add3A_970, %add3A_1002 : i32
        %get3A_1004 = arith.index_cast %add3A_1003 : i32 to index
        %get3A_1005 = arith.constant 64 : index
        %get3A_1006 = tpu.vector_load %arg8[%get3A_1004, %get3A_1005] {strides = array<i32>} : memref<128x128xbf16, #tpu.memory_space<vmem>>, vector<32xbf16>,
        %mul3A_1007 = arith.mulf %get3A_1001, %get3A_1006 : vector<32xbf16>
        %unpack3A_1008 = tpu.unpack_subelements %mul3A_1007, 0 {pack_format = #tpu.pack_format<interleaved>} : vector<32xbf16> -> vector<16xf32>
        %unpack3A_1009 = tpu.unpack_subelements %mul3A_1007, 1 {pack_format = #tpu.pack_format<interleaved>} : vector<32xbf16> -> vector<16xf32>
        %add3A_1010 = arith.addf %add3A_998, %unpack3A_1008 : vector<16xf32>
        %add3A_1011 = arith.addf %add3A_1010, %unpack3A_1009 : vector<16xf32>
        %get3A_1012 = arith.index_cast %add3A_970 : i32 to index
        %get3A_1013 = arith.constant 96 : index
        %get3A_1014 = tpu.vector_load %arg8[%get3A_1012, %get3A_1013] {strides = array<i32>} : memref<128x128xbf16, #tpu.memory_space<vmem>>, vector<32xbf16>,
        %add3A_1015 = arith.constant 1 : i32
        %add3A_1016 = arith.addi %add3A_970, %add3A_1015 : i32
        %get3A_1017 = arith.index_cast %add3A_1016 : i32 to index
        %get3A_1018 = arith.constant 96 : index
        %get3A_1019 = tpu.vector_load %arg8[%get3A_1017, %get3A_1018] {strides = array<i32>} : memref<128x128xbf16, #tpu.memory_space<vmem>>, vector<32xbf16>,
        %mul3A_1020 = arith.mulf %get3A_1014, %get3A_1019 : vector<32xbf16>
        %unpack3A_1021 = tpu.unpack_subelements %mul3A_1020, 0 {pack_format = #tpu.pack_format<interleaved>} : vector<32xbf16> -> vector<16xf32>
        %unpack3A_1022 = tpu.unpack_subelements %mul3A_1020, 1 {pack_format = #tpu.pack_format<interleaved>} : vector<32xbf16> -> vector<16xf32>
        %add3A_1023 = arith.addf %add3A_1011, %unpack3A_1021 : vector<16xf32>
        %add3A_1024 = arith.addf %add3A_1023, %unpack3A_1022 : vector<16xf32>
        %mul3A_1025 = arith.constant 32 : i32
        %mul3A_1026 = arith.muli %scan3A_157, %mul3A_1025 : i32
        %add3A_1027 = arith.constant 30 : i32
        %add3A_1028 = arith.addi %mul3A_1026, %add3A_1027 : i32
        %broadcast_in_dim3A_1029 = arith.constant 0.000000e+00 : f32
        %broadcast_in_dim3A_1030 = vector.broadcast %broadcast_in_dim3A_1029 : f32 to vector<16xf32>
        %get3A_1031 = arith.index_cast %add3A_1028 : i32 to index
        %get3A_1032 = arith.constant 0 : index
        %get3A_1033 = tpu.vector_load %arg8[%get3A_1031, %get3A_1032] {strides = array<i32>} : memref<128x128xbf16, #tpu.memory_space<vmem>>, vector<32xbf16>,
        %add3A_1034 = arith.constant 1 : i32
        %add3A_1035 = arith.addi %add3A_1028, %add3A_1034 : i32
        %get3A_1036 = arith.index_cast %add3A_1035 : i32 to index
        %get3A_1037 = arith.constant 0 : index
        %get3A_1038 = tpu.vector_load %arg8[%get3A_1036, %get3A_1037] {strides = array<i32>} : memref<128x128xbf16, #tpu.memory_space<vmem>>, vector<32xbf16>,
        %mul3A_1039 = arith.mulf %get3A_1033, %get3A_1038 : vector<32xbf16>
        %unpack3A_1040 = tpu.unpack_subelements %mul3A_1039, 0 {pack_format = #tpu.pack_format<interleaved>} : vector<32xbf16> -> vector<16xf32>
        %unpack3A_1041 = tpu.unpack_subelements %mul3A_1039, 1 {pack_format = #tpu.pack_format<interleaved>} : vector<32xbf16> -> vector<16xf32>
        %add3A_1042 = arith.addf %broadcast_in_dim3A_1030, %unpack3A_1040 : vector<16xf32>
        %add3A_1043 = arith.addf %add3A_1042, %unpack3A_1041 : vector<16xf32>
        %get3A_1044 = arith.index_cast %add3A_1028 : i32 to index
        %get3A_1045 = arith.constant 32 : index
        %get3A_1046 = tpu.vector_load %arg8[%get3A_1044, %get3A_1045] {strides = array<i32>} : memref<128x128xbf16, #tpu.memory_space<vmem>>, vector<32xbf16>,
        %add3A_1047 = arith.constant 1 : i32
        %add3A_1048 = arith.addi %add3A_1028, %add3A_1047 : i32
        %get3A_1049 = arith.index_cast %add3A_1048 : i32 to index
        %get3A_1050 = arith.constant 32 : index
        %get3A_1051 = tpu.vector_load %arg8[%get3A_1049, %get3A_1050] {strides = array<i32>} : memref<128x128xbf16, #tpu.memory_space<vmem>>, vector<32xbf16>,
        %mul3A_1052 = arith.mulf %get3A_1046, %get3A_1051 : vector<32xbf16>
        %unpack3A_1053 = tpu.unpack_subelements %mul3A_1052, 0 {pack_format = #tpu.pack_format<interleaved>} : vector<32xbf16> -> vector<16xf32>
        %unpack3A_1054 = tpu.unpack_subelements %mul3A_1052, 1 {pack_format = #tpu.pack_format<interleaved>} : vector<32xbf16> -> vector<16xf32>
        %add3A_1055 = arith.addf %add3A_1043, %unpack3A_1053 : vector<16xf32>
        %add3A_1056 = arith.addf %add3A_1055, %unpack3A_1054 : vector<16xf32>
        %get3A_1057 = arith.index_cast %add3A_1028 : i32 to index
        %get3A_1058 = arith.constant 64 : index
        %get3A_1059 = tpu.vector_load %arg8[%get3A_1057, %get3A_1058] {strides = array<i32>} : memref<128x128xbf16, #tpu.memory_space<vmem>>, vector<32xbf16>,
        %add3A_1060 = arith.constant 1 : i32
        %add3A_1061 = arith.addi %add3A_1028, %add3A_1060 : i32
        %get3A_1062 = arith.index_cast %add3A_1061 : i32 to index
        %get3A_1063 = arith.constant 64 : index
        %get3A_1064 = tpu.vector_load %arg8[%get3A_1062, %get3A_1063] {strides = array<i32>} : memref<128x128xbf16, #tpu.memory_space<vmem>>, vector<32xbf16>,
        %mul3A_1065 = arith.mulf %get3A_1059, %get3A_1064 : vector<32xbf16>
        %unpack3A_1066 = tpu.unpack_subelements %mul3A_1065, 0 {pack_format = #tpu.pack_format<interleaved>} : vector<32xbf16> -> vector<16xf32>
        %unpack3A_1067 = tpu.unpack_subelements %mul3A_1065, 1 {pack_format = #tpu.pack_format<interleaved>} : vector<32xbf16> -> vector<16xf32>
        %add3A_1068 = arith.addf %add3A_1056, %unpack3A_1066 : vector<16xf32>
        %add3A_1069 = arith.addf %add3A_1068, %unpack3A_1067 : vector<16xf32>
        %get3A_1070 = arith.index_cast %add3A_1028 : i32 to index
        %get3A_1071 = arith.constant 96 : index
        %get3A_1072 = tpu.vector_load %arg8[%get3A_1070, %get3A_1071] {strides = array<i32>} : memref<128x128xbf16, #tpu.memory_space<vmem>>, vector<32xbf16>,
        %add3A_1073 = arith.constant 1 : i32
        %add3A_1074 = arith.addi %add3A_1028, %add3A_1073 : i32
        %get3A_1075 = arith.index_cast %add3A_1074 : i32 to index
        %get3A_1076 = arith.constant 96 : index
        %get3A_1077 = tpu.vector_load %arg8[%get3A_1075, %get3A_1076] {strides = array<i32>} : memref<128x128xbf16, #tpu.memory_space<vmem>>, vector<32xbf16>,
        %mul3A_1078 = arith.mulf %get3A_1072, %get3A_1077 : vector<32xbf16>
        %unpack3A_1079 = tpu.unpack_subelements %mul3A_1078, 0 {pack_format = #tpu.pack_format<interleaved>} : vector<32xbf16> -> vector<16xf32>
        %unpack3A_1080 = tpu.unpack_subelements %mul3A_1078, 1 {pack_format = #tpu.pack_format<interleaved>} : vector<32xbf16> -> vector<16xf32>
        %add3A_1081 = arith.addf %add3A_1069, %unpack3A_1079 : vector<16xf32>
        %add3A_1082 = arith.addf %add3A_1081, %unpack3A_1080 : vector<16xf32>
        %broadcast_in_dim3A_1083 = vector.shape_cast %xor3A_2 : vector<16xi32> to vector<16x1xi32>
        %gather3A = vector.shape_cast %broadcast_in_dim3A_1083 : vector<16x1xi32> to vector<16xi32>
        %gather3A_1084 = tpu.dynamic_gather %add3A_270[%gather3A] in [0] : vector<16xf32>, vector<16xi32> -> vector<16xf32>
        %select_n3A = arith.select %eq3A_15, %add3A_212, %gather3A_1084 : vector<16xi1>, vector<16xf32>
        %broadcast_in_dim3A_1085 = vector.shape_cast %xor3A_2 : vector<16xi32> to vector<16x1xi32>
        %gather3A_1086 = vector.shape_cast %broadcast_in_dim3A_1085 : vector<16x1xi32> to vector<16xi32>
        %gather3A_1087 = tpu.dynamic_gather %add3A_212[%gather3A_1086] in [0] : vector<16xf32>, vector<16xi32> -> vector<16xf32>
        %select_n3A_1088 = arith.select %eq3A_15, %gather3A_1087, %add3A_270 : vector<16xi1>, vector<16xf32>
        %add3A_1089 = arith.addf %select_n3A, %select_n3A_1088 : vector<16xf32>
        %broadcast_in_dim3A_1090 = vector.shape_cast %xor3A_2 : vector<16xi32> to vector<16x1xi32>
        %gather3A_1091 = vector.shape_cast %broadcast_in_dim3A_1090 : vector<16x1xi32> to vector<16xi32>
        %gather3A_1092 = tpu.dynamic_gather %add3A_386[%gather3A_1091] in [0] : vector<16xf32>, vector<16xi32> -> vector<16xf32>
        %select_n3A_1093 = arith.select %eq3A_15, %add3A_328, %gather3A_1092 : vector<16xi1>, vector<16xf32>
        %broadcast_in_dim3A_1094 = vector.shape_cast %xor3A_2 : vector<16xi32> to vector<16x1xi32>
        %gather3A_1095 = vector.shape_cast %broadcast_in_dim3A_1094 : vector<16x1xi32> to vector<16xi32>
        %gather3A_1096 = tpu.dynamic_gather %add3A_328[%gather3A_1095] in [0] : vector<16xf32>, vector<16xi32> -> vector<16xf32>
        %select_n3A_1097 = arith.select %eq3A_15, %gather3A_1096, %add3A_386 : vector<16xi1>, vector<16xf32>
        %add3A_1098 = arith.addf %select_n3A_1093, %select_n3A_1097 : vector<16xf32>
        %broadcast_in_dim3A_1099 = vector.shape_cast %xor3A_2 : vector<16xi32> to vector<16x1xi32>
        %gather3A_1100 = vector.shape_cast %broadcast_in_dim3A_1099 : vector<16x1xi32> to vector<16xi32>
        %gather3A_1101 = tpu.dynamic_gather %add3A_502[%gather3A_1100] in [0] : vector<16xf32>, vector<16xi32> -> vector<16xf32>
        %select_n3A_1102 = arith.select %eq3A_15, %add3A_444, %gather3A_1101 : vector<16xi1>, vector<16xf32>
        %broadcast_in_dim3A_1103 = vector.shape_cast %xor3A_2 : vector<16xi32> to vector<16x1xi32>
        %gather3A_1104 = vector.shape_cast %broadcast_in_dim3A_1103 : vector<16x1xi32> to vector<16xi32>
        %gather3A_1105 = tpu.dynamic_gather %add3A_444[%gather3A_1104] in [0] : vector<16xf32>, vector<16xi32> -> vector<16xf32>
        %select_n3A_1106 = arith.select %eq3A_15, %gather3A_1105, %add3A_502 : vector<16xi1>, vector<16xf32>
        %add3A_1107 = arith.addf %select_n3A_1102, %select_n3A_1106 : vector<16xf32>
        %broadcast_in_dim3A_1108 = vector.shape_cast %xor3A_2 : vector<16xi32> to vector<16x1xi32>
        %gather3A_1109 = vector.shape_cast %broadcast_in_dim3A_1108 : vector<16x1xi32> to vector<16xi32>
        %gather3A_1110 = tpu.dynamic_gather %add3A_618[%gather3A_1109] in [0] : vector<16xf32>, vector<16xi32> -> vector<16xf32>
        %select_n3A_1111 = arith.select %eq3A_15, %add3A_560, %gather3A_1110 : vector<16xi1>, vector<16xf32>
        %broadcast_in_dim3A_1112 = vector.shape_cast %xor3A_2 : vector<16xi32> to vector<16x1xi32>
        %gather3A_1113 = vector.shape_cast %broadcast_in_dim3A_1112 : vector<16x1xi32> to vector<16xi32>
        %gather3A_1114 = tpu.dynamic_gather %add3A_560[%gather3A_1113] in [0] : vector<16xf32>, vector<16xi32> -> vector<16xf32>
        %select_n3A_1115 = arith.select %eq3A_15, %gather3A_1114, %add3A_618 : vector<16xi1>, vector<16xf32>
        %add3A_1116 = arith.addf %select_n3A_1111, %select_n3A_1115 : vector<16xf32>
        %broadcast_in_dim3A_1117 = vector.shape_cast %xor3A_2 : vector<16xi32> to vector<16x1xi32>
        %gather3A_1118 = vector.shape_cast %broadcast_in_dim3A_1117 : vector<16x1xi32> to vector<16xi32>
        %gather3A_1119 = tpu.dynamic_gather %add3A_734[%gather3A_1118] in [0] : vector<16xf32>, vector<16xi32> -> vector<16xf32>
        %select_n3A_1120 = arith.select %eq3A_15, %add3A_676, %gather3A_1119 : vector<16xi1>, vector<16xf32>
        %broadcast_in_dim3A_1121 = vector.shape_cast %xor3A_2 : vector<16xi32> to vector<16x1xi32>
        %gather3A_1122 = vector.shape_cast %broadcast_in_dim3A_1121 : vector<16x1xi32> to vector<16xi32>
        %gather3A_1123 = tpu.dynamic_gather %add3A_676[%gather3A_1122] in [0] : vector<16xf32>, vector<16xi32> -> vector<16xf32>
        %select_n3A_1124 = arith.select %eq3A_15, %gather3A_1123, %add3A_734 : vector<16xi1>, vector<16xf32>
        %add3A_1125 = arith.addf %select_n3A_1120, %select_n3A_1124 : vector<16xf32>
        %broadcast_in_dim3A_1126 = vector.shape_cast %xor3A_2 : vector<16xi32> to vector<16x1xi32>
        %gather3A_1127 = vector.shape_cast %broadcast_in_dim3A_1126 : vector<16x1xi32> to vector<16xi32>
        %gather3A_1128 = tpu.dynamic_gather %add3A_850[%gather3A_1127] in [0] : vector<16xf32>, vector<16xi32> -> vector<16xf32>
        %select_n3A_1129 = arith.select %eq3A_15, %add3A_792, %gather3A_1128 : vector<16xi1>, vector<16xf32>
        %broadcast_in_dim3A_1130 = vector.shape_cast %xor3A_2 : vector<16xi32> to vector<16x1xi32>
        %gather3A_1131 = vector.shape_cast %broadcast_in_dim3A_1130 : vector<16x1xi32> to vector<16xi32>
        %gather3A_1132 = tpu.dynamic_gather %add3A_792[%gather3A_1131] in [0] : vector<16xf32>, vector<16xi32> -> vector<16xf32>
        %select_n3A_1133 = arith.select %eq3A_15, %gather3A_1132, %add3A_850 : vector<16xi1>, vector<16xf32>
        %add3A_1134 = arith.addf %select_n3A_1129, %select_n3A_1133 : vector<16xf32>
        %broadcast_in_dim3A_1135 = vector.shape_cast %xor3A_2 : vector<16xi32> to vector<16x1xi32>
        %gather3A_1136 = vector.shape_cast %broadcast_in_dim3A_1135 : vector<16x1xi32> to vector<16xi32>
        %gather3A_1137 = tpu.dynamic_gather %add3A_966[%gather3A_1136] in [0] : vector<16xf32>, vector<16xi32> -> vector<16xf32>
        %select_n3A_1138 = arith.select %eq3A_15, %add3A_908, %gather3A_1137 : vector<16xi1>, vector<16xf32>
        %broadcast_in_dim3A_1139 = vector.shape_cast %xor3A_2 : vector<16xi32> to vector<16x1xi32>
        %gather3A_1140 = vector.shape_cast %broadcast_in_dim3A_1139 : vector<16x1xi32> to vector<16xi32>
        %gather3A_1141 = tpu.dynamic_gather %add3A_908[%gather3A_1140] in [0] : vector<16xf32>, vector<16xi32> -> vector<16xf32>
        %select_n3A_1142 = arith.select %eq3A_15, %gather3A_1141, %add3A_966 : vector<16xi1>, vector<16xf32>
        %add3A_1143 = arith.addf %select_n3A_1138, %select_n3A_1142 : vector<16xf32>
        %broadcast_in_dim3A_1144 = vector.shape_cast %xor3A_2 : vector<16xi32> to vector<16x1xi32>
        %gather3A_1145 = vector.shape_cast %broadcast_in_dim3A_1144 : vector<16x1xi32> to vector<16xi32>
        %gather3A_1146 = tpu.dynamic_gather %add3A_1082[%gather3A_1145] in [0] : vector<16xf32>, vector<16xi32> -> vector<16xf32>
        %select_n3A_1147 = arith.select %eq3A_15, %add3A_1024, %gather3A_1146 : vector<16xi1>, vector<16xf32>
        %broadcast_in_dim3A_1148 = vector.shape_cast %xor3A_2 : vector<16xi32> to vector<16x1xi32>
        %gather3A_1149 = vector.shape_cast %broadcast_in_dim3A_1148 : vector<16x1xi32> to vector<16xi32>
        %gather3A_1150 = tpu.dynamic_gather %add3A_1024[%gather3A_1149] in [0] : vector<16xf32>, vector<16xi32> -> vector<16xf32>
        %select_n3A_1151 = arith.select %eq3A_15, %gather3A_1150, %add3A_1082 : vector<16xi1>, vector<16xf32>
        %add3A_1152 = arith.addf %select_n3A_1147, %select_n3A_1151 : vector<16xf32>
        %broadcast_in_dim3A_1153 = vector.shape_cast %xor3A_5 : vector<16xi32> to vector<16x1xi32>
        %gather3A_1154 = vector.shape_cast %broadcast_in_dim3A_1153 : vector<16x1xi32> to vector<16xi32>
        %gather3A_1155 = tpu.dynamic_gather %add3A_1098[%gather3A_1154] in [0] : vector<16xf32>, vector<16xi32> -> vector<16xf32>
        %select_n3A_1156 = arith.select %eq3A_21, %add3A_1089, %gather3A_1155 : vector<16xi1>, vector<16xf32>
        %broadcast_in_dim3A_1157 = vector.shape_cast %xor3A_5 : vector<16xi32> to vector<16x1xi32>
        %gather3A_1158 = vector.shape_cast %broadcast_in_dim3A_1157 : vector<16x1xi32> to vector<16xi32>
        %gather3A_1159 = tpu.dynamic_gather %add3A_1089[%gather3A_1158] in [0] : vector<16xf32>, vector<16xi32> -> vector<16xf32>
        %select_n3A_1160 = arith.select %eq3A_21, %gather3A_1159, %add3A_1098 : vector<16xi1>, vector<16xf32>
        %add3A_1161 = arith.addf %select_n3A_1156, %select_n3A_1160 : vector<16xf32>
        %broadcast_in_dim3A_1162 = vector.shape_cast %xor3A_5 : vector<16xi32> to vector<16x1xi32>
        %gather3A_1163 = vector.shape_cast %broadcast_in_dim3A_1162 : vector<16x1xi32> to vector<16xi32>
        %gather3A_1164 = tpu.dynamic_gather %add3A_1116[%gather3A_1163] in [0] : vector<16xf32>, vector<16xi32> -> vector<16xf32>
        %select_n3A_1165 = arith.select %eq3A_21, %add3A_1107, %gather3A_1164 : vector<16xi1>, vector<16xf32>
        %broadcast_in_dim3A_1166 = vector.shape_cast %xor3A_5 : vector<16xi32> to vector<16x1xi32>
        %gather3A_1167 = vector.shape_cast %broadcast_in_dim3A_1166 : vector<16x1xi32> to vector<16xi32>
        %gather3A_1168 = tpu.dynamic_gather %add3A_1107[%gather3A_1167] in [0] : vector<16xf32>, vector<16xi32> -> vector<16xf32>
        %select_n3A_1169 = arith.select %eq3A_21, %gather3A_1168, %add3A_1116 : vector<16xi1>, vector<16xf32>
        %add3A_1170 = arith.addf %select_n3A_1165, %select_n3A_1169 : vector<16xf32>
        %broadcast_in_dim3A_1171 = vector.shape_cast %xor3A_5 : vector<16xi32> to vector<16x1xi32>
        %gather3A_1172 = vector.shape_cast %broadcast_in_dim3A_1171 : vector<16x1xi32> to vector<16xi32>
        %gather3A_1173 = tpu.dynamic_gather %add3A_1134[%gather3A_1172] in [0] : vector<16xf32>, vector<16xi32> -> vector<16xf32>
        %select_n3A_1174 = arith.select %eq3A_21, %add3A_1125, %gather3A_1173 : vector<16xi1>, vector<16xf32>
        %broadcast_in_dim3A_1175 = vector.shape_cast %xor3A_5 : vector<16xi32> to vector<16x1xi32>
        %gather3A_1176 = vector.shape_cast %broadcast_in_dim3A_1175 : vector<16x1xi32> to vector<16xi32>
        %gather3A_1177 = tpu.dynamic_gather %add3A_1125[%gather3A_1176] in [0] : vector<16xf32>, vector<16xi32> -> vector<16xf32>
        %select_n3A_1178 = arith.select %eq3A_21, %gather3A_1177, %add3A_1134 : vector<16xi1>, vector<16xf32>
        %add3A_1179 = arith.addf %select_n3A_1174, %select_n3A_1178 : vector<16xf32>
        %broadcast_in_dim3A_1180 = vector.shape_cast %xor3A_5 : vector<16xi32> to vector<16x1xi32>
        %gather3A_1181 = vector.shape_cast %broadcast_in_dim3A_1180 : vector<16x1xi32> to vector<16xi32>
        %gather3A_1182 = tpu.dynamic_gather %add3A_1152[%gather3A_1181] in [0] : vector<16xf32>, vector<16xi32> -> vector<16xf32>
        %select_n3A_1183 = arith.select %eq3A_21, %add3A_1143, %gather3A_1182 : vector<16xi1>, vector<16xf32>
        %broadcast_in_dim3A_1184 = vector.shape_cast %xor3A_5 : vector<16xi32> to vector<16x1xi32>
        %gather3A_1185 = vector.shape_cast %broadcast_in_dim3A_1184 : vector<16x1xi32> to vector<16xi32>
        %gather3A_1186 = tpu.dynamic_gather %add3A_1143[%gather3A_1185] in [0] : vector<16xf32>, vector<16xi32> -> vector<16xf32>
        %select_n3A_1187 = arith.select %eq3A_21, %gather3A_1186, %add3A_1152 : vector<16xi1>, vector<16xf32>
        %add3A_1188 = arith.addf %select_n3A_1183, %select_n3A_1187 : vector<16xf32>
        %broadcast_in_dim3A_1189 = vector.shape_cast %xor3A_8 : vector<16xi32> to vector<16x1xi32>
        %gather3A_1190 = vector.shape_cast %broadcast_in_dim3A_1189 : vector<16x1xi32> to vector<16xi32>
        %gather3A_1191 = tpu.dynamic_gather %add3A_1170[%gather3A_1190] in [0] : vector<16xf32>, vector<16xi32> -> vector<16xf32>
        %select_n3A_1192 = arith.select %eq3A_27, %add3A_1161, %gather3A_1191 : vector<16xi1>, vector<16xf32>
        %broadcast_in_dim3A_1193 = vector.shape_cast %xor3A_8 : vector<16xi32> to vector<16x1xi32>
        %gather3A_1194 = vector.shape_cast %broadcast_in_dim3A_1193 : vector<16x1xi32> to vector<16xi32>
        %gather3A_1195 = tpu.dynamic_gather %add3A_1161[%gather3A_1194] in [0] : vector<16xf32>, vector<16xi32> -> vector<16xf32>
        %select_n3A_1196 = arith.select %eq3A_27, %gather3A_1195, %add3A_1170 : vector<16xi1>, vector<16xf32>
        %add3A_1197 = arith.addf %select_n3A_1192, %select_n3A_1196 : vector<16xf32>
        %broadcast_in_dim3A_1198 = vector.shape_cast %xor3A_8 : vector<16xi32> to vector<16x1xi32>
        %gather3A_1199 = vector.shape_cast %broadcast_in_dim3A_1198 : vector<16x1xi32> to vector<16xi32>
        %gather3A_1200 = tpu.dynamic_gather %add3A_1188[%gather3A_1199] in [0] : vector<16xf32>, vector<16xi32> -> vector<16xf32>
        %select_n3A_1201 = arith.select %eq3A_27, %add3A_1179, %gather3A_1200 : vector<16xi1>, vector<16xf32>
        %broadcast_in_dim3A_1202 = vector.shape_cast %xor3A_8 : vector<16xi32> to vector<16x1xi32>
        %gather3A_1203 = vector.shape_cast %broadcast_in_dim3A_1202 : vector<16x1xi32> to vector<16xi32>
        %gather3A_1204 = tpu.dynamic_gather %add3A_1179[%gather3A_1203] in [0] : vector<16xf32>, vector<16xi32> -> vector<16xf32>
        %select_n3A_1205 = arith.select %eq3A_27, %gather3A_1204, %add3A_1188 : vector<16xi1>, vector<16xf32>
        %add3A_1206 = arith.addf %select_n3A_1201, %select_n3A_1205 : vector<16xf32>
        %broadcast_in_dim3A_1207 = vector.shape_cast %xor3A_11 : vector<16xi32> to vector<16x1xi32>
        %gather3A_1208 = vector.shape_cast %broadcast_in_dim3A_1207 : vector<16x1xi32> to vector<16xi32>
        %gather3A_1209 = tpu.dynamic_gather %add3A_1206[%gather3A_1208] in [0] : vector<16xf32>, vector<16xi32> -> vector<16xf32>
        %select_n3A_1210 = arith.select %eq3A_33, %add3A_1197, %gather3A_1209 : vector<16xi1>, vector<16xf32>
        %broadcast_in_dim3A_1211 = vector.shape_cast %xor3A_11 : vector<16xi32> to vector<16x1xi32>
        %gather3A_1212 = vector.shape_cast %broadcast_in_dim3A_1211 : vector<16x1xi32> to vector<16xi32>
        %gather3A_1213 = tpu.dynamic_gather %add3A_1197[%gather3A_1212] in [0] : vector<16xf32>, vector<16xi32> -> vector<16xf32>
        %select_n3A_1214 = arith.select %eq3A_33, %gather3A_1213, %add3A_1206 : vector<16xi1>, vector<16xf32>
        %add3A_1215 = arith.addf %select_n3A_1210, %select_n3A_1214 : vector<16xf32>
        %neg3A = arith.constant 0.000000e+00 : f32
        %neg3A_1216 = vector.broadcast %neg3A : f32 to vector<16xf32>
        %neg3A_1217 = arith.subf %neg3A_1216, %add3A_1215 : vector<16xf32>
        %exp3A = math.exp %neg3A_1217 : vector<16xf32>
        %add3A_1218 = arith.constant 1.000000e+00 : f32
        %add3A_1219 = vector.broadcast %add3A_1218 : f32 to vector<16xf32>
        %add3A_1220 = arith.addf %add3A_1219, %exp3A : vector<16xf32>
        %div3A = arith.constant 1.000000e+00 : f32
        %div3A_1221 = vector.broadcast %div3A : f32 to vector<16xf32>
        %div3A_1222 = arith.divf %div3A_1221, %add3A_1220 : vector<16xf32>
        %mul3A_1223 = arith.constant 64 : i32
        %mul3A_1224 = arith.muli %add3A_114, %mul3A_1223 : i32
        %mul3A_1225 = arith.constant 16 : i32
        %mul3A_1226 = arith.muli %scan3A_157, %mul3A_1225 : i32
        %add3A_1227 = arith.addi %mul3A_1224, %mul3A_1226 : i32
        %swap3A = arith.index_cast %add3A_1227 : i32 to index
        %swap3A_1228 = tpu.vector_load %arg10[%swap3A] {strides = array<i32>} : memref<10240xf32, #tpu.memory_space<vmem>>, vector<16xf32>,
        tpu.vector_store %arg10[%swap3A], %div3A_1222 {strides = array<i32>} : memref<10240xf32, #tpu.memory_space<vmem>>, vector<16xf32>,
      }
      %scan3A_126 = arith.constant 4 : i32
      %add3A_127 = arith.constant 4 : i32
      %add3A_128 = arith.addi %add3A_114, %add3A_127 : i32
      %lt3A_129 = arith.constant 160 : i32
      %lt3A_130 = arith.cmpi slt, %add3A_128, %lt3A_129 : i32
      %convert_element_type3A_131 = arith.extui %lt3A_130 : i1 to i32
      %cond3A_132 = arith.constant 0 : i32
      %cond3A_133 = arith.cmpi ne, %convert_element_type3A_131, %cond3A_132 : i32
      scf.if %cond3A_133 {
        %add3A_157 = arith.constant 4 : i32
        %add3A_158 = arith.addi %add3A_114, %add3A_157 : i32
        %dma_start3A_159 = arith.constant 0 : i32
        %dma_start3A_160 = tpu.memref_slice %arg5[%add3A_158, %dma_start3A_159] : memref<160x128xi32, #tpu.memory_space<vmem>> -> memref<1x128xi32, #tpu.memory_space<vmem>>
        %dma_start3A_161 = tpu.memref_squeeze %dma_start3A_160 : memref<1x128xi32, #tpu.memory_space<vmem>> -> memref<128xi32, #tpu.memory_space<vmem>>
        %dma_start3A_162 = arith.constant 0 : i32
        %dma_start3A_163 = arith.constant 0 : i32
        %dma_start3A_164 = tpu.memref_slice %arg2[%dma_start3A_162, %dma_start3A_163] : memref<10000x128xbf16, #tpu.memory_space<hbm>> -> memref<10000x128xbf16, #tpu.memory_space<hbm>>
        tpu.enqueue_indirect_dma source(%dma_start3A_164 : memref<10000x128xbf16, #tpu.memory_space<hbm>>) target(%arg8 : memref<128x128xbf16, #tpu.memory_space<vmem>>) offsets(%dma_start3A_161 : memref<128xi32, #tpu.memory_space<vmem>>) semaphore(%arg13 : memref<!tpu.dma_semaphore, #tpu.memory_space<semaphore_mem>>)
      } else {
      }
      %mul3A_134 = arith.constant 4 : i32
      %mul3A_135 = arith.muli %scan3A_68, %mul3A_134 : i32
      %add3A_136 = arith.constant 3 : i32
      %add3A_137 = arith.addi %mul3A_135, %add3A_136 : i32
      %dma_wait3A_138 = arith.constant 0 : i32
      %dma_wait3A_139 = tpu.memref_slice %arg5[%add3A_137, %dma_wait3A_138] : memref<160x128xi32, #tpu.memory_space<vmem>> -> memref<1x128xi32, #tpu.memory_space<vmem>>
      %dma_wait3A_140 = tpu.memref_squeeze %dma_wait3A_139 : memref<1x128xi32, #tpu.memory_space<vmem>> -> memref<128xi32, #tpu.memory_space<vmem>>
      %dma_wait3A_141 = arith.constant 0 : i32
      %dma_wait3A_142 = arith.constant 0 : i32
      %dma_wait3A_143 = tpu.memref_slice %arg2[%dma_wait3A_141, %dma_wait3A_142] : memref<10000x128xbf16, #tpu.memory_space<hbm>> -> memref<10000x128xbf16, #tpu.memory_space<hbm>>
      tpu.wait_indirect_dma semaphore(%arg14 : memref<!tpu.dma_semaphore, #tpu.memory_space<semaphore_mem>>) src(%dma_wait3A_143 : memref<10000x128xbf16, #tpu.memory_space<hbm>>) dst(%arg9 : memref<128x128xbf16, #tpu.memory_space<vmem>>)
      %scan3A_144 = arith.constant 0 : i32
      %scan3A_145 = arith.constant 0 : i32
      %scan3A_146 = arith.constant 4 : i32
      %scan3A_147 = arith.addi %scan3A_145, %scan3A_146 : i32
      %scan3A_148 = arith.constant 1 : i32
      scf.for %scan3A_157 = %scan3A_145 to %scan3A_147 step %scan3A_148  : i32 {
        %mul3A_158 = arith.constant 32 : i32
        %mul3A_159 = arith.muli %scan3A_157, %mul3A_158 : i32
        %add3A_160 = arith.constant 0 : i32
        %add3A_161 = arith.addi %mul3A_159, %add3A_160 : i32
        %broadcast_in_dim3A = arith.constant 0.000000e+00 : f32
        %broadcast_in_dim3A_162 = vector.broadcast %broadcast_in_dim3A : f32 to vector<16xf32>
        %get3A = arith.index_cast %add3A_161 : i32 to index
        %get3A_163 = arith.constant 0 : index
        %get3A_164 = tpu.vector_load %arg9[%get3A, %get3A_163] {strides = array<i32>} : memref<128x128xbf16, #tpu.memory_space<vmem>>, vector<32xbf16>,
        %add3A_165 = arith.constant 1 : i32
        %add3A_166 = arith.addi %add3A_161, %add3A_165 : i32
        %get3A_167 = arith.index_cast %add3A_166 : i32 to index
        %get3A_168 = arith.constant 0 : index
        %get3A_169 = tpu.vector_load %arg9[%get3A_167, %get3A_168] {strides = array<i32>} : memref<128x128xbf16, #tpu.memory_space<vmem>>, vector<32xbf16>,
        %mul3A_170 = arith.mulf %get3A_164, %get3A_169 : vector<32xbf16>
        %unpack3A = tpu.unpack_subelements %mul3A_170, 0 {pack_format = #tpu.pack_format<interleaved>} : vector<32xbf16> -> vector<16xf32>
        %unpack3A_171 = tpu.unpack_subelements %mul3A_170, 1 {pack_format = #tpu.pack_format<interleaved>} : vector<32xbf16> -> vector<16xf32>
        %add3A_172 = arith.addf %broadcast_in_dim3A_162, %unpack3A : vector<16xf32>
        %add3A_173 = arith.addf %add3A_172, %unpack3A_171 : vector<16xf32>
        %get3A_174 = arith.index_cast %add3A_161 : i32 to index
        %get3A_175 = arith.constant 32 : index
        %get3A_176 = tpu.vector_load %arg9[%get3A_174, %get3A_175] {strides = array<i32>} : memref<128x128xbf16, #tpu.memory_space<vmem>>, vector<32xbf16>,
        %add3A_177 = arith.constant 1 : i32
        %add3A_178 = arith.addi %add3A_161, %add3A_177 : i32
        %get3A_179 = arith.index_cast %add3A_178 : i32 to index
        %get3A_180 = arith.constant 32 : index
        %get3A_181 = tpu.vector_load %arg9[%get3A_179, %get3A_180] {strides = array<i32>} : memref<128x128xbf16, #tpu.memory_space<vmem>>, vector<32xbf16>,
        %mul3A_182 = arith.mulf %get3A_176, %get3A_181 : vector<32xbf16>
        %unpack3A_183 = tpu.unpack_subelements %mul3A_182, 0 {pack_format = #tpu.pack_format<interleaved>} : vector<32xbf16> -> vector<16xf32>
        %unpack3A_184 = tpu.unpack_subelements %mul3A_182, 1 {pack_format = #tpu.pack_format<interleaved>} : vector<32xbf16> -> vector<16xf32>
        %add3A_185 = arith.addf %add3A_173, %unpack3A_183 : vector<16xf32>
        %add3A_186 = arith.addf %add3A_185, %unpack3A_184 : vector<16xf32>
        %get3A_187 = arith.index_cast %add3A_161 : i32 to index
        %get3A_188 = arith.constant 64 : index
        %get3A_189 = tpu.vector_load %arg9[%get3A_187, %get3A_188] {strides = array<i32>} : memref<128x128xbf16, #tpu.memory_space<vmem>>, vector<32xbf16>,
        %add3A_190 = arith.constant 1 : i32
        %add3A_191 = arith.addi %add3A_161, %add3A_190 : i32
        %get3A_192 = arith.index_cast %add3A_191 : i32 to index
        %get3A_193 = arith.constant 64 : index
        %get3A_194 = tpu.vector_load %arg9[%get3A_192, %get3A_193] {strides = array<i32>} : memref<128x128xbf16, #tpu.memory_space<vmem>>, vector<32xbf16>,
        %mul3A_195 = arith.mulf %get3A_189, %get3A_194 : vector<32xbf16>
        %unpack3A_196 = tpu.unpack_subelements %mul3A_195, 0 {pack_format = #tpu.pack_format<interleaved>} : vector<32xbf16> -> vector<16xf32>
        %unpack3A_197 = tpu.unpack_subelements %mul3A_195, 1 {pack_format = #tpu.pack_format<interleaved>} : vector<32xbf16> -> vector<16xf32>
        %add3A_198 = arith.addf %add3A_186, %unpack3A_196 : vector<16xf32>
        %add3A_199 = arith.addf %add3A_198, %unpack3A_197 : vector<16xf32>
        %get3A_200 = arith.index_cast %add3A_161 : i32 to index
        %get3A_201 = arith.constant 96 : index
        %get3A_202 = tpu.vector_load %arg9[%get3A_200, %get3A_201] {strides = array<i32>} : memref<128x128xbf16, #tpu.memory_space<vmem>>, vector<32xbf16>,
        %add3A_203 = arith.constant 1 : i32
        %add3A_204 = arith.addi %add3A_161, %add3A_203 : i32
        %get3A_205 = arith.index_cast %add3A_204 : i32 to index
        %get3A_206 = arith.constant 96 : index
        %get3A_207 = tpu.vector_load %arg9[%get3A_205, %get3A_206] {strides = array<i32>} : memref<128x128xbf16, #tpu.memory_space<vmem>>, vector<32xbf16>,
        %mul3A_208 = arith.mulf %get3A_202, %get3A_207 : vector<32xbf16>
        %unpack3A_209 = tpu.unpack_subelements %mul3A_208, 0 {pack_format = #tpu.pack_format<interleaved>} : vector<32xbf16> -> vector<16xf32>
        %unpack3A_210 = tpu.unpack_subelements %mul3A_208, 1 {pack_format = #tpu.pack_format<interleaved>} : vector<32xbf16> -> vector<16xf32>
        %add3A_211 = arith.addf %add3A_199, %unpack3A_209 : vector<16xf32>
        %add3A_212 = arith.addf %add3A_211, %unpack3A_210 : vector<16xf32>
        %mul3A_213 = arith.constant 32 : i32
        %mul3A_214 = arith.muli %scan3A_157, %mul3A_213 : i32
        %add3A_215 = arith.constant 2 : i32
        %add3A_216 = arith.addi %mul3A_214, %add3A_215 : i32
        %broadcast_in_dim3A_217 = arith.constant 0.000000e+00 : f32
        %broadcast_in_dim3A_218 = vector.broadcast %broadcast_in_dim3A_217 : f32 to vector<16xf32>
        %get3A_219 = arith.index_cast %add3A_216 : i32 to index
        %get3A_220 = arith.constant 0 : index
        %get3A_221 = tpu.vector_load %arg9[%get3A_219, %get3A_220] {strides = array<i32>} : memref<128x128xbf16, #tpu.memory_space<vmem>>, vector<32xbf16>,
        %add3A_222 = arith.constant 1 : i32
        %add3A_223 = arith.addi %add3A_216, %add3A_222 : i32
        %get3A_224 = arith.index_cast %add3A_223 : i32 to index
        %get3A_225 = arith.constant 0 : index
        %get3A_226 = tpu.vector_load %arg9[%get3A_224, %get3A_225] {strides = array<i32>} : memref<128x128xbf16, #tpu.memory_space<vmem>>, vector<32xbf16>,
        %mul3A_227 = arith.mulf %get3A_221, %get3A_226 : vector<32xbf16>
        %unpack3A_228 = tpu.unpack_subelements %mul3A_227, 0 {pack_format = #tpu.pack_format<interleaved>} : vector<32xbf16> -> vector<16xf32>
        %unpack3A_229 = tpu.unpack_subelements %mul3A_227, 1 {pack_format = #tpu.pack_format<interleaved>} : vector<32xbf16> -> vector<16xf32>
        %add3A_230 = arith.addf %broadcast_in_dim3A_218, %unpack3A_228 : vector<16xf32>
        %add3A_231 = arith.addf %add3A_230, %unpack3A_229 : vector<16xf32>
        %get3A_232 = arith.index_cast %add3A_216 : i32 to index
        %get3A_233 = arith.constant 32 : index
        %get3A_234 = tpu.vector_load %arg9[%get3A_232, %get3A_233] {strides = array<i32>} : memref<128x128xbf16, #tpu.memory_space<vmem>>, vector<32xbf16>,
        %add3A_235 = arith.constant 1 : i32
        %add3A_236 = arith.addi %add3A_216, %add3A_235 : i32
        %get3A_237 = arith.index_cast %add3A_236 : i32 to index
        %get3A_238 = arith.constant 32 : index
        %get3A_239 = tpu.vector_load %arg9[%get3A_237, %get3A_238] {strides = array<i32>} : memref<128x128xbf16, #tpu.memory_space<vmem>>, vector<32xbf16>,
        %mul3A_240 = arith.mulf %get3A_234, %get3A_239 : vector<32xbf16>
        %unpack3A_241 = tpu.unpack_subelements %mul3A_240, 0 {pack_format = #tpu.pack_format<interleaved>} : vector<32xbf16> -> vector<16xf32>
        %unpack3A_242 = tpu.unpack_subelements %mul3A_240, 1 {pack_format = #tpu.pack_format<interleaved>} : vector<32xbf16> -> vector<16xf32>
        %add3A_243 = arith.addf %add3A_231, %unpack3A_241 : vector<16xf32>
        %add3A_244 = arith.addf %add3A_243, %unpack3A_242 : vector<16xf32>
        %get3A_245 = arith.index_cast %add3A_216 : i32 to index
        %get3A_246 = arith.constant 64 : index
        %get3A_247 = tpu.vector_load %arg9[%get3A_245, %get3A_246] {strides = array<i32>} : memref<128x128xbf16, #tpu.memory_space<vmem>>, vector<32xbf16>,
        %add3A_248 = arith.constant 1 : i32
        %add3A_249 = arith.addi %add3A_216, %add3A_248 : i32
        %get3A_250 = arith.index_cast %add3A_249 : i32 to index
        %get3A_251 = arith.constant 64 : index
        %get3A_252 = tpu.vector_load %arg9[%get3A_250, %get3A_251] {strides = array<i32>} : memref<128x128xbf16, #tpu.memory_space<vmem>>, vector<32xbf16>,
        %mul3A_253 = arith.mulf %get3A_247, %get3A_252 : vector<32xbf16>
        %unpack3A_254 = tpu.unpack_subelements %mul3A_253, 0 {pack_format = #tpu.pack_format<interleaved>} : vector<32xbf16> -> vector<16xf32>
        %unpack3A_255 = tpu.unpack_subelements %mul3A_253, 1 {pack_format = #tpu.pack_format<interleaved>} : vector<32xbf16> -> vector<16xf32>
        %add3A_256 = arith.addf %add3A_244, %unpack3A_254 : vector<16xf32>
        %add3A_257 = arith.addf %add3A_256, %unpack3A_255 : vector<16xf32>
        %get3A_258 = arith.index_cast %add3A_216 : i32 to index
        %get3A_259 = arith.constant 96 : index
        %get3A_260 = tpu.vector_load %arg9[%get3A_258, %get3A_259] {strides = array<i32>} : memref<128x128xbf16, #tpu.memory_space<vmem>>, vector<32xbf16>,
        %add3A_261 = arith.constant 1 : i32
        %add3A_262 = arith.addi %add3A_216, %add3A_261 : i32
        %get3A_263 = arith.index_cast %add3A_262 : i32 to index
        %get3A_264 = arith.constant 96 : index
        %get3A_265 = tpu.vector_load %arg9[%get3A_263, %get3A_264] {strides = array<i32>} : memref<128x128xbf16, #tpu.memory_space<vmem>>, vector<32xbf16>,
        %mul3A_266 = arith.mulf %get3A_260, %get3A_265 : vector<32xbf16>
        %unpack3A_267 = tpu.unpack_subelements %mul3A_266, 0 {pack_format = #tpu.pack_format<interleaved>} : vector<32xbf16> -> vector<16xf32>
        %unpack3A_268 = tpu.unpack_subelements %mul3A_266, 1 {pack_format = #tpu.pack_format<interleaved>} : vector<32xbf16> -> vector<16xf32>
        %add3A_269 = arith.addf %add3A_257, %unpack3A_267 : vector<16xf32>
        %add3A_270 = arith.addf %add3A_269, %unpack3A_268 : vector<16xf32>
        %mul3A_271 = arith.constant 32 : i32
        %mul3A_272 = arith.muli %scan3A_157, %mul3A_271 : i32
        %add3A_273 = arith.constant 4 : i32
        %add3A_274 = arith.addi %mul3A_272, %add3A_273 : i32
        %broadcast_in_dim3A_275 = arith.constant 0.000000e+00 : f32
        %broadcast_in_dim3A_276 = vector.broadcast %broadcast_in_dim3A_275 : f32 to vector<16xf32>
        %get3A_277 = arith.index_cast %add3A_274 : i32 to index
        %get3A_278 = arith.constant 0 : index
        %get3A_279 = tpu.vector_load %arg9[%get3A_277, %get3A_278] {strides = array<i32>} : memref<128x128xbf16, #tpu.memory_space<vmem>>, vector<32xbf16>,
        %add3A_280 = arith.constant 1 : i32
        %add3A_281 = arith.addi %add3A_274, %add3A_280 : i32
        %get3A_282 = arith.index_cast %add3A_281 : i32 to index
        %get3A_283 = arith.constant 0 : index
        %get3A_284 = tpu.vector_load %arg9[%get3A_282, %get3A_283] {strides = array<i32>} : memref<128x128xbf16, #tpu.memory_space<vmem>>, vector<32xbf16>,
        %mul3A_285 = arith.mulf %get3A_279, %get3A_284 : vector<32xbf16>
        %unpack3A_286 = tpu.unpack_subelements %mul3A_285, 0 {pack_format = #tpu.pack_format<interleaved>} : vector<32xbf16> -> vector<16xf32>
        %unpack3A_287 = tpu.unpack_subelements %mul3A_285, 1 {pack_format = #tpu.pack_format<interleaved>} : vector<32xbf16> -> vector<16xf32>
        %add3A_288 = arith.addf %broadcast_in_dim3A_276, %unpack3A_286 : vector<16xf32>
        %add3A_289 = arith.addf %add3A_288, %unpack3A_287 : vector<16xf32>
        %get3A_290 = arith.index_cast %add3A_274 : i32 to index
        %get3A_291 = arith.constant 32 : index
        %get3A_292 = tpu.vector_load %arg9[%get3A_290, %get3A_291] {strides = array<i32>} : memref<128x128xbf16, #tpu.memory_space<vmem>>, vector<32xbf16>,
        %add3A_293 = arith.constant 1 : i32
        %add3A_294 = arith.addi %add3A_274, %add3A_293 : i32
        %get3A_295 = arith.index_cast %add3A_294 : i32 to index
        %get3A_296 = arith.constant 32 : index
        %get3A_297 = tpu.vector_load %arg9[%get3A_295, %get3A_296] {strides = array<i32>} : memref<128x128xbf16, #tpu.memory_space<vmem>>, vector<32xbf16>,
        %mul3A_298 = arith.mulf %get3A_292, %get3A_297 : vector<32xbf16>
        %unpack3A_299 = tpu.unpack_subelements %mul3A_298, 0 {pack_format = #tpu.pack_format<interleaved>} : vector<32xbf16> -> vector<16xf32>
        %unpack3A_300 = tpu.unpack_subelements %mul3A_298, 1 {pack_format = #tpu.pack_format<interleaved>} : vector<32xbf16> -> vector<16xf32>
        %add3A_301 = arith.addf %add3A_289, %unpack3A_299 : vector<16xf32>
        %add3A_302 = arith.addf %add3A_301, %unpack3A_300 : vector<16xf32>
        %get3A_303 = arith.index_cast %add3A_274 : i32 to index
        %get3A_304 = arith.constant 64 : index
        %get3A_305 = tpu.vector_load %arg9[%get3A_303, %get3A_304] {strides = array<i32>} : memref<128x128xbf16, #tpu.memory_space<vmem>>, vector<32xbf16>,
        %add3A_306 = arith.constant 1 : i32
        %add3A_307 = arith.addi %add3A_274, %add3A_306 : i32
        %get3A_308 = arith.index_cast %add3A_307 : i32 to index
        %get3A_309 = arith.constant 64 : index
        %get3A_310 = tpu.vector_load %arg9[%get3A_308, %get3A_309] {strides = array<i32>} : memref<128x128xbf16, #tpu.memory_space<vmem>>, vector<32xbf16>,
        %mul3A_311 = arith.mulf %get3A_305, %get3A_310 : vector<32xbf16>
        %unpack3A_312 = tpu.unpack_subelements %mul3A_311, 0 {pack_format = #tpu.pack_format<interleaved>} : vector<32xbf16> -> vector<16xf32>
        %unpack3A_313 = tpu.unpack_subelements %mul3A_311, 1 {pack_format = #tpu.pack_format<interleaved>} : vector<32xbf16> -> vector<16xf32>
        %add3A_314 = arith.addf %add3A_302, %unpack3A_312 : vector<16xf32>
        %add3A_315 = arith.addf %add3A_314, %unpack3A_313 : vector<16xf32>
        %get3A_316 = arith.index_cast %add3A_274 : i32 to index
        %get3A_317 = arith.constant 96 : index
        %get3A_318 = tpu.vector_load %arg9[%get3A_316, %get3A_317] {strides = array<i32>} : memref<128x128xbf16, #tpu.memory_space<vmem>>, vector<32xbf16>,
        %add3A_319 = arith.constant 1 : i32
        %add3A_320 = arith.addi %add3A_274, %add3A_319 : i32
        %get3A_321 = arith.index_cast %add3A_320 : i32 to index
        %get3A_322 = arith.constant 96 : index
        %get3A_323 = tpu.vector_load %arg9[%get3A_321, %get3A_322] {strides = array<i32>} : memref<128x128xbf16, #tpu.memory_space<vmem>>, vector<32xbf16>,
        %mul3A_324 = arith.mulf %get3A_318, %get3A_323 : vector<32xbf16>
        %unpack3A_325 = tpu.unpack_subelements %mul3A_324, 0 {pack_format = #tpu.pack_format<interleaved>} : vector<32xbf16> -> vector<16xf32>
        %unpack3A_326 = tpu.unpack_subelements %mul3A_324, 1 {pack_format = #tpu.pack_format<interleaved>} : vector<32xbf16> -> vector<16xf32>
        %add3A_327 = arith.addf %add3A_315, %unpack3A_325 : vector<16xf32>
        %add3A_328 = arith.addf %add3A_327, %unpack3A_326 : vector<16xf32>
        %mul3A_329 = arith.constant 32 : i32
        %mul3A_330 = arith.muli %scan3A_157, %mul3A_329 : i32
        %add3A_331 = arith.constant 6 : i32
        %add3A_332 = arith.addi %mul3A_330, %add3A_331 : i32
        %broadcast_in_dim3A_333 = arith.constant 0.000000e+00 : f32
        %broadcast_in_dim3A_334 = vector.broadcast %broadcast_in_dim3A_333 : f32 to vector<16xf32>
        %get3A_335 = arith.index_cast %add3A_332 : i32 to index
        %get3A_336 = arith.constant 0 : index
        %get3A_337 = tpu.vector_load %arg9[%get3A_335, %get3A_336] {strides = array<i32>} : memref<128x128xbf16, #tpu.memory_space<vmem>>, vector<32xbf16>,
        %add3A_338 = arith.constant 1 : i32
        %add3A_339 = arith.addi %add3A_332, %add3A_338 : i32
        %get3A_340 = arith.index_cast %add3A_339 : i32 to index
        %get3A_341 = arith.constant 0 : index
        %get3A_342 = tpu.vector_load %arg9[%get3A_340, %get3A_341] {strides = array<i32>} : memref<128x128xbf16, #tpu.memory_space<vmem>>, vector<32xbf16>,
        %mul3A_343 = arith.mulf %get3A_337, %get3A_342 : vector<32xbf16>
        %unpack3A_344 = tpu.unpack_subelements %mul3A_343, 0 {pack_format = #tpu.pack_format<interleaved>} : vector<32xbf16> -> vector<16xf32>
        %unpack3A_345 = tpu.unpack_subelements %mul3A_343, 1 {pack_format = #tpu.pack_format<interleaved>} : vector<32xbf16> -> vector<16xf32>
        %add3A_346 = arith.addf %broadcast_in_dim3A_334, %unpack3A_344 : vector<16xf32>
        %add3A_347 = arith.addf %add3A_346, %unpack3A_345 : vector<16xf32>
        %get3A_348 = arith.index_cast %add3A_332 : i32 to index
        %get3A_349 = arith.constant 32 : index
        %get3A_350 = tpu.vector_load %arg9[%get3A_348, %get3A_349] {strides = array<i32>} : memref<128x128xbf16, #tpu.memory_space<vmem>>, vector<32xbf16>,
        %add3A_351 = arith.constant 1 : i32
        %add3A_352 = arith.addi %add3A_332, %add3A_351 : i32
        %get3A_353 = arith.index_cast %add3A_352 : i32 to index
        %get3A_354 = arith.constant 32 : index
        %get3A_355 = tpu.vector_load %arg9[%get3A_353, %get3A_354] {strides = array<i32>} : memref<128x128xbf16, #tpu.memory_space<vmem>>, vector<32xbf16>,
        %mul3A_356 = arith.mulf %get3A_350, %get3A_355 : vector<32xbf16>
        %unpack3A_357 = tpu.unpack_subelements %mul3A_356, 0 {pack_format = #tpu.pack_format<interleaved>} : vector<32xbf16> -> vector<16xf32>
        %unpack3A_358 = tpu.unpack_subelements %mul3A_356, 1 {pack_format = #tpu.pack_format<interleaved>} : vector<32xbf16> -> vector<16xf32>
        %add3A_359 = arith.addf %add3A_347, %unpack3A_357 : vector<16xf32>
        %add3A_360 = arith.addf %add3A_359, %unpack3A_358 : vector<16xf32>
        %get3A_361 = arith.index_cast %add3A_332 : i32 to index
        %get3A_362 = arith.constant 64 : index
        %get3A_363 = tpu.vector_load %arg9[%get3A_361, %get3A_362] {strides = array<i32>} : memref<128x128xbf16, #tpu.memory_space<vmem>>, vector<32xbf16>,
        %add3A_364 = arith.constant 1 : i32
        %add3A_365 = arith.addi %add3A_332, %add3A_364 : i32
        %get3A_366 = arith.index_cast %add3A_365 : i32 to index
        %get3A_367 = arith.constant 64 : index
        %get3A_368 = tpu.vector_load %arg9[%get3A_366, %get3A_367] {strides = array<i32>} : memref<128x128xbf16, #tpu.memory_space<vmem>>, vector<32xbf16>,
        %mul3A_369 = arith.mulf %get3A_363, %get3A_368 : vector<32xbf16>
        %unpack3A_370 = tpu.unpack_subelements %mul3A_369, 0 {pack_format = #tpu.pack_format<interleaved>} : vector<32xbf16> -> vector<16xf32>
        %unpack3A_371 = tpu.unpack_subelements %mul3A_369, 1 {pack_format = #tpu.pack_format<interleaved>} : vector<32xbf16> -> vector<16xf32>
        %add3A_372 = arith.addf %add3A_360, %unpack3A_370 : vector<16xf32>
        %add3A_373 = arith.addf %add3A_372, %unpack3A_371 : vector<16xf32>
        %get3A_374 = arith.index_cast %add3A_332 : i32 to index
        %get3A_375 = arith.constant 96 : index
        %get3A_376 = tpu.vector_load %arg9[%get3A_374, %get3A_375] {strides = array<i32>} : memref<128x128xbf16, #tpu.memory_space<vmem>>, vector<32xbf16>,
        %add3A_377 = arith.constant 1 : i32
        %add3A_378 = arith.addi %add3A_332, %add3A_377 : i32
        %get3A_379 = arith.index_cast %add3A_378 : i32 to index
        %get3A_380 = arith.constant 96 : index
        %get3A_381 = tpu.vector_load %arg9[%get3A_379, %get3A_380] {strides = array<i32>} : memref<128x128xbf16, #tpu.memory_space<vmem>>, vector<32xbf16>,
        %mul3A_382 = arith.mulf %get3A_376, %get3A_381 : vector<32xbf16>
        %unpack3A_383 = tpu.unpack_subelements %mul3A_382, 0 {pack_format = #tpu.pack_format<interleaved>} : vector<32xbf16> -> vector<16xf32>
        %unpack3A_384 = tpu.unpack_subelements %mul3A_382, 1 {pack_format = #tpu.pack_format<interleaved>} : vector<32xbf16> -> vector<16xf32>
        %add3A_385 = arith.addf %add3A_373, %unpack3A_383 : vector<16xf32>
        %add3A_386 = arith.addf %add3A_385, %unpack3A_384 : vector<16xf32>
        %mul3A_387 = arith.constant 32 : i32
        %mul3A_388 = arith.muli %scan3A_157, %mul3A_387 : i32
        %add3A_389 = arith.constant 8 : i32
        %add3A_390 = arith.addi %mul3A_388, %add3A_389 : i32
        %broadcast_in_dim3A_391 = arith.constant 0.000000e+00 : f32
        %broadcast_in_dim3A_392 = vector.broadcast %broadcast_in_dim3A_391 : f32 to vector<16xf32>
        %get3A_393 = arith.index_cast %add3A_390 : i32 to index
        %get3A_394 = arith.constant 0 : index
        %get3A_395 = tpu.vector_load %arg9[%get3A_393, %get3A_394] {strides = array<i32>} : memref<128x128xbf16, #tpu.memory_space<vmem>>, vector<32xbf16>,
        %add3A_396 = arith.constant 1 : i32
        %add3A_397 = arith.addi %add3A_390, %add3A_396 : i32
        %get3A_398 = arith.index_cast %add3A_397 : i32 to index
        %get3A_399 = arith.constant 0 : index
        %get3A_400 = tpu.vector_load %arg9[%get3A_398, %get3A_399] {strides = array<i32>} : memref<128x128xbf16, #tpu.memory_space<vmem>>, vector<32xbf16>,
        %mul3A_401 = arith.mulf %get3A_395, %get3A_400 : vector<32xbf16>
        %unpack3A_402 = tpu.unpack_subelements %mul3A_401, 0 {pack_format = #tpu.pack_format<interleaved>} : vector<32xbf16> -> vector<16xf32>
        %unpack3A_403 = tpu.unpack_subelements %mul3A_401, 1 {pack_format = #tpu.pack_format<interleaved>} : vector<32xbf16> -> vector<16xf32>
        %add3A_404 = arith.addf %broadcast_in_dim3A_392, %unpack3A_402 : vector<16xf32>
        %add3A_405 = arith.addf %add3A_404, %unpack3A_403 : vector<16xf32>
        %get3A_406 = arith.index_cast %add3A_390 : i32 to index
        %get3A_407 = arith.constant 32 : index
        %get3A_408 = tpu.vector_load %arg9[%get3A_406, %get3A_407] {strides = array<i32>} : memref<128x128xbf16, #tpu.memory_space<vmem>>, vector<32xbf16>,
        %add3A_409 = arith.constant 1 : i32
        %add3A_410 = arith.addi %add3A_390, %add3A_409 : i32
        %get3A_411 = arith.index_cast %add3A_410 : i32 to index
        %get3A_412 = arith.constant 32 : index
        %get3A_413 = tpu.vector_load %arg9[%get3A_411, %get3A_412] {strides = array<i32>} : memref<128x128xbf16, #tpu.memory_space<vmem>>, vector<32xbf16>,
        %mul3A_414 = arith.mulf %get3A_408, %get3A_413 : vector<32xbf16>
        %unpack3A_415 = tpu.unpack_subelements %mul3A_414, 0 {pack_format = #tpu.pack_format<interleaved>} : vector<32xbf16> -> vector<16xf32>
        %unpack3A_416 = tpu.unpack_subelements %mul3A_414, 1 {pack_format = #tpu.pack_format<interleaved>} : vector<32xbf16> -> vector<16xf32>
        %add3A_417 = arith.addf %add3A_405, %unpack3A_415 : vector<16xf32>
        %add3A_418 = arith.addf %add3A_417, %unpack3A_416 : vector<16xf32>
        %get3A_419 = arith.index_cast %add3A_390 : i32 to index
        %get3A_420 = arith.constant 64 : index
        %get3A_421 = tpu.vector_load %arg9[%get3A_419, %get3A_420] {strides = array<i32>} : memref<128x128xbf16, #tpu.memory_space<vmem>>, vector<32xbf16>,
        %add3A_422 = arith.constant 1 : i32
        %add3A_423 = arith.addi %add3A_390, %add3A_422 : i32
        %get3A_424 = arith.index_cast %add3A_423 : i32 to index
        %get3A_425 = arith.constant 64 : index
        %get3A_426 = tpu.vector_load %arg9[%get3A_424, %get3A_425] {strides = array<i32>} : memref<128x128xbf16, #tpu.memory_space<vmem>>, vector<32xbf16>,
        %mul3A_427 = arith.mulf %get3A_421, %get3A_426 : vector<32xbf16>
        %unpack3A_428 = tpu.unpack_subelements %mul3A_427, 0 {pack_format = #tpu.pack_format<interleaved>} : vector<32xbf16> -> vector<16xf32>
        %unpack3A_429 = tpu.unpack_subelements %mul3A_427, 1 {pack_format = #tpu.pack_format<interleaved>} : vector<32xbf16> -> vector<16xf32>
        %add3A_430 = arith.addf %add3A_418, %unpack3A_428 : vector<16xf32>
        %add3A_431 = arith.addf %add3A_430, %unpack3A_429 : vector<16xf32>
        %get3A_432 = arith.index_cast %add3A_390 : i32 to index
        %get3A_433 = arith.constant 96 : index
        %get3A_434 = tpu.vector_load %arg9[%get3A_432, %get3A_433] {strides = array<i32>} : memref<128x128xbf16, #tpu.memory_space<vmem>>, vector<32xbf16>,
        %add3A_435 = arith.constant 1 : i32
        %add3A_436 = arith.addi %add3A_390, %add3A_435 : i32
        %get3A_437 = arith.index_cast %add3A_436 : i32 to index
        %get3A_438 = arith.constant 96 : index
        %get3A_439 = tpu.vector_load %arg9[%get3A_437, %get3A_438] {strides = array<i32>} : memref<128x128xbf16, #tpu.memory_space<vmem>>, vector<32xbf16>,
        %mul3A_440 = arith.mulf %get3A_434, %get3A_439 : vector<32xbf16>
        %unpack3A_441 = tpu.unpack_subelements %mul3A_440, 0 {pack_format = #tpu.pack_format<interleaved>} : vector<32xbf16> -> vector<16xf32>
        %unpack3A_442 = tpu.unpack_subelements %mul3A_440, 1 {pack_format = #tpu.pack_format<interleaved>} : vector<32xbf16> -> vector<16xf32>
        %add3A_443 = arith.addf %add3A_431, %unpack3A_441 : vector<16xf32>
        %add3A_444 = arith.addf %add3A_443, %unpack3A_442 : vector<16xf32>
        %mul3A_445 = arith.constant 32 : i32
        %mul3A_446 = arith.muli %scan3A_157, %mul3A_445 : i32
        %add3A_447 = arith.constant 10 : i32
        %add3A_448 = arith.addi %mul3A_446, %add3A_447 : i32
        %broadcast_in_dim3A_449 = arith.constant 0.000000e+00 : f32
        %broadcast_in_dim3A_450 = vector.broadcast %broadcast_in_dim3A_449 : f32 to vector<16xf32>
        %get3A_451 = arith.index_cast %add3A_448 : i32 to index
        %get3A_452 = arith.constant 0 : index
        %get3A_453 = tpu.vector_load %arg9[%get3A_451, %get3A_452] {strides = array<i32>} : memref<128x128xbf16, #tpu.memory_space<vmem>>, vector<32xbf16>,
        %add3A_454 = arith.constant 1 : i32
        %add3A_455 = arith.addi %add3A_448, %add3A_454 : i32
        %get3A_456 = arith.index_cast %add3A_455 : i32 to index
        %get3A_457 = arith.constant 0 : index
        %get3A_458 = tpu.vector_load %arg9[%get3A_456, %get3A_457] {strides = array<i32>} : memref<128x128xbf16, #tpu.memory_space<vmem>>, vector<32xbf16>,
        %mul3A_459 = arith.mulf %get3A_453, %get3A_458 : vector<32xbf16>
        %unpack3A_460 = tpu.unpack_subelements %mul3A_459, 0 {pack_format = #tpu.pack_format<interleaved>} : vector<32xbf16> -> vector<16xf32>
        %unpack3A_461 = tpu.unpack_subelements %mul3A_459, 1 {pack_format = #tpu.pack_format<interleaved>} : vector<32xbf16> -> vector<16xf32>
        %add3A_462 = arith.addf %broadcast_in_dim3A_450, %unpack3A_460 : vector<16xf32>
        %add3A_463 = arith.addf %add3A_462, %unpack3A_461 : vector<16xf32>
        %get3A_464 = arith.index_cast %add3A_448 : i32 to index
        %get3A_465 = arith.constant 32 : index
        %get3A_466 = tpu.vector_load %arg9[%get3A_464, %get3A_465] {strides = array<i32>} : memref<128x128xbf16, #tpu.memory_space<vmem>>, vector<32xbf16>,
        %add3A_467 = arith.constant 1 : i32
        %add3A_468 = arith.addi %add3A_448, %add3A_467 : i32
        %get3A_469 = arith.index_cast %add3A_468 : i32 to index
        %get3A_470 = arith.constant 32 : index
        %get3A_471 = tpu.vector_load %arg9[%get3A_469, %get3A_470] {strides = array<i32>} : memref<128x128xbf16, #tpu.memory_space<vmem>>, vector<32xbf16>,
        %mul3A_472 = arith.mulf %get3A_466, %get3A_471 : vector<32xbf16>
        %unpack3A_473 = tpu.unpack_subelements %mul3A_472, 0 {pack_format = #tpu.pack_format<interleaved>} : vector<32xbf16> -> vector<16xf32>
        %unpack3A_474 = tpu.unpack_subelements %mul3A_472, 1 {pack_format = #tpu.pack_format<interleaved>} : vector<32xbf16> -> vector<16xf32>
        %add3A_475 = arith.addf %add3A_463, %unpack3A_473 : vector<16xf32>
        %add3A_476 = arith.addf %add3A_475, %unpack3A_474 : vector<16xf32>
        %get3A_477 = arith.index_cast %add3A_448 : i32 to index
        %get3A_478 = arith.constant 64 : index
        %get3A_479 = tpu.vector_load %arg9[%get3A_477, %get3A_478] {strides = array<i32>} : memref<128x128xbf16, #tpu.memory_space<vmem>>, vector<32xbf16>,
        %add3A_480 = arith.constant 1 : i32
        %add3A_481 = arith.addi %add3A_448, %add3A_480 : i32
        %get3A_482 = arith.index_cast %add3A_481 : i32 to index
        %get3A_483 = arith.constant 64 : index
        %get3A_484 = tpu.vector_load %arg9[%get3A_482, %get3A_483] {strides = array<i32>} : memref<128x128xbf16, #tpu.memory_space<vmem>>, vector<32xbf16>,
        %mul3A_485 = arith.mulf %get3A_479, %get3A_484 : vector<32xbf16>
        %unpack3A_486 = tpu.unpack_subelements %mul3A_485, 0 {pack_format = #tpu.pack_format<interleaved>} : vector<32xbf16> -> vector<16xf32>
        %unpack3A_487 = tpu.unpack_subelements %mul3A_485, 1 {pack_format = #tpu.pack_format<interleaved>} : vector<32xbf16> -> vector<16xf32>
        %add3A_488 = arith.addf %add3A_476, %unpack3A_486 : vector<16xf32>
        %add3A_489 = arith.addf %add3A_488, %unpack3A_487 : vector<16xf32>
        %get3A_490 = arith.index_cast %add3A_448 : i32 to index
        %get3A_491 = arith.constant 96 : index
        %get3A_492 = tpu.vector_load %arg9[%get3A_490, %get3A_491] {strides = array<i32>} : memref<128x128xbf16, #tpu.memory_space<vmem>>, vector<32xbf16>,
        %add3A_493 = arith.constant 1 : i32
        %add3A_494 = arith.addi %add3A_448, %add3A_493 : i32
        %get3A_495 = arith.index_cast %add3A_494 : i32 to index
        %get3A_496 = arith.constant 96 : index
        %get3A_497 = tpu.vector_load %arg9[%get3A_495, %get3A_496] {strides = array<i32>} : memref<128x128xbf16, #tpu.memory_space<vmem>>, vector<32xbf16>,
        %mul3A_498 = arith.mulf %get3A_492, %get3A_497 : vector<32xbf16>
        %unpack3A_499 = tpu.unpack_subelements %mul3A_498, 0 {pack_format = #tpu.pack_format<interleaved>} : vector<32xbf16> -> vector<16xf32>
        %unpack3A_500 = tpu.unpack_subelements %mul3A_498, 1 {pack_format = #tpu.pack_format<interleaved>} : vector<32xbf16> -> vector<16xf32>
        %add3A_501 = arith.addf %add3A_489, %unpack3A_499 : vector<16xf32>
        %add3A_502 = arith.addf %add3A_501, %unpack3A_500 : vector<16xf32>
        %mul3A_503 = arith.constant 32 : i32
        %mul3A_504 = arith.muli %scan3A_157, %mul3A_503 : i32
        %add3A_505 = arith.constant 12 : i32
        %add3A_506 = arith.addi %mul3A_504, %add3A_505 : i32
        %broadcast_in_dim3A_507 = arith.constant 0.000000e+00 : f32
        %broadcast_in_dim3A_508 = vector.broadcast %broadcast_in_dim3A_507 : f32 to vector<16xf32>
        %get3A_509 = arith.index_cast %add3A_506 : i32 to index
        %get3A_510 = arith.constant 0 : index
        %get3A_511 = tpu.vector_load %arg9[%get3A_509, %get3A_510] {strides = array<i32>} : memref<128x128xbf16, #tpu.memory_space<vmem>>, vector<32xbf16>,
        %add3A_512 = arith.constant 1 : i32
        %add3A_513 = arith.addi %add3A_506, %add3A_512 : i32
        %get3A_514 = arith.index_cast %add3A_513 : i32 to index
        %get3A_515 = arith.constant 0 : index
        %get3A_516 = tpu.vector_load %arg9[%get3A_514, %get3A_515] {strides = array<i32>} : memref<128x128xbf16, #tpu.memory_space<vmem>>, vector<32xbf16>,
        %mul3A_517 = arith.mulf %get3A_511, %get3A_516 : vector<32xbf16>
        %unpack3A_518 = tpu.unpack_subelements %mul3A_517, 0 {pack_format = #tpu.pack_format<interleaved>} : vector<32xbf16> -> vector<16xf32>
        %unpack3A_519 = tpu.unpack_subelements %mul3A_517, 1 {pack_format = #tpu.pack_format<interleaved>} : vector<32xbf16> -> vector<16xf32>
        %add3A_520 = arith.addf %broadcast_in_dim3A_508, %unpack3A_518 : vector<16xf32>
        %add3A_521 = arith.addf %add3A_520, %unpack3A_519 : vector<16xf32>
        %get3A_522 = arith.index_cast %add3A_506 : i32 to index
        %get3A_523 = arith.constant 32 : index
        %get3A_524 = tpu.vector_load %arg9[%get3A_522, %get3A_523] {strides = array<i32>} : memref<128x128xbf16, #tpu.memory_space<vmem>>, vector<32xbf16>,
        %add3A_525 = arith.constant 1 : i32
        %add3A_526 = arith.addi %add3A_506, %add3A_525 : i32
        %get3A_527 = arith.index_cast %add3A_526 : i32 to index
        %get3A_528 = arith.constant 32 : index
        %get3A_529 = tpu.vector_load %arg9[%get3A_527, %get3A_528] {strides = array<i32>} : memref<128x128xbf16, #tpu.memory_space<vmem>>, vector<32xbf16>,
        %mul3A_530 = arith.mulf %get3A_524, %get3A_529 : vector<32xbf16>
        %unpack3A_531 = tpu.unpack_subelements %mul3A_530, 0 {pack_format = #tpu.pack_format<interleaved>} : vector<32xbf16> -> vector<16xf32>
        %unpack3A_532 = tpu.unpack_subelements %mul3A_530, 1 {pack_format = #tpu.pack_format<interleaved>} : vector<32xbf16> -> vector<16xf32>
        %add3A_533 = arith.addf %add3A_521, %unpack3A_531 : vector<16xf32>
        %add3A_534 = arith.addf %add3A_533, %unpack3A_532 : vector<16xf32>
        %get3A_535 = arith.index_cast %add3A_506 : i32 to index
        %get3A_536 = arith.constant 64 : index
        %get3A_537 = tpu.vector_load %arg9[%get3A_535, %get3A_536] {strides = array<i32>} : memref<128x128xbf16, #tpu.memory_space<vmem>>, vector<32xbf16>,
        %add3A_538 = arith.constant 1 : i32
        %add3A_539 = arith.addi %add3A_506, %add3A_538 : i32
        %get3A_540 = arith.index_cast %add3A_539 : i32 to index
        %get3A_541 = arith.constant 64 : index
        %get3A_542 = tpu.vector_load %arg9[%get3A_540, %get3A_541] {strides = array<i32>} : memref<128x128xbf16, #tpu.memory_space<vmem>>, vector<32xbf16>,
        %mul3A_543 = arith.mulf %get3A_537, %get3A_542 : vector<32xbf16>
        %unpack3A_544 = tpu.unpack_subelements %mul3A_543, 0 {pack_format = #tpu.pack_format<interleaved>} : vector<32xbf16> -> vector<16xf32>
        %unpack3A_545 = tpu.unpack_subelements %mul3A_543, 1 {pack_format = #tpu.pack_format<interleaved>} : vector<32xbf16> -> vector<16xf32>
        %add3A_546 = arith.addf %add3A_534, %unpack3A_544 : vector<16xf32>
        %add3A_547 = arith.addf %add3A_546, %unpack3A_545 : vector<16xf32>
        %get3A_548 = arith.index_cast %add3A_506 : i32 to index
        %get3A_549 = arith.constant 96 : index
        %get3A_550 = tpu.vector_load %arg9[%get3A_548, %get3A_549] {strides = array<i32>} : memref<128x128xbf16, #tpu.memory_space<vmem>>, vector<32xbf16>,
        %add3A_551 = arith.constant 1 : i32
        %add3A_552 = arith.addi %add3A_506, %add3A_551 : i32
        %get3A_553 = arith.index_cast %add3A_552 : i32 to index
        %get3A_554 = arith.constant 96 : index
        %get3A_555 = tpu.vector_load %arg9[%get3A_553, %get3A_554] {strides = array<i32>} : memref<128x128xbf16, #tpu.memory_space<vmem>>, vector<32xbf16>,
        %mul3A_556 = arith.mulf %get3A_550, %get3A_555 : vector<32xbf16>
        %unpack3A_557 = tpu.unpack_subelements %mul3A_556, 0 {pack_format = #tpu.pack_format<interleaved>} : vector<32xbf16> -> vector<16xf32>
        %unpack3A_558 = tpu.unpack_subelements %mul3A_556, 1 {pack_format = #tpu.pack_format<interleaved>} : vector<32xbf16> -> vector<16xf32>
        %add3A_559 = arith.addf %add3A_547, %unpack3A_557 : vector<16xf32>
        %add3A_560 = arith.addf %add3A_559, %unpack3A_558 : vector<16xf32>
        %mul3A_561 = arith.constant 32 : i32
        %mul3A_562 = arith.muli %scan3A_157, %mul3A_561 : i32
        %add3A_563 = arith.constant 14 : i32
        %add3A_564 = arith.addi %mul3A_562, %add3A_563 : i32
        %broadcast_in_dim3A_565 = arith.constant 0.000000e+00 : f32
        %broadcast_in_dim3A_566 = vector.broadcast %broadcast_in_dim3A_565 : f32 to vector<16xf32>
        %get3A_567 = arith.index_cast %add3A_564 : i32 to index
        %get3A_568 = arith.constant 0 : index
        %get3A_569 = tpu.vector_load %arg9[%get3A_567, %get3A_568] {strides = array<i32>} : memref<128x128xbf16, #tpu.memory_space<vmem>>, vector<32xbf16>,
        %add3A_570 = arith.constant 1 : i32
        %add3A_571 = arith.addi %add3A_564, %add3A_570 : i32
        %get3A_572 = arith.index_cast %add3A_571 : i32 to index
        %get3A_573 = arith.constant 0 : index
        %get3A_574 = tpu.vector_load %arg9[%get3A_572, %get3A_573] {strides = array<i32>} : memref<128x128xbf16, #tpu.memory_space<vmem>>, vector<32xbf16>,
        %mul3A_575 = arith.mulf %get3A_569, %get3A_574 : vector<32xbf16>
        %unpack3A_576 = tpu.unpack_subelements %mul3A_575, 0 {pack_format = #tpu.pack_format<interleaved>} : vector<32xbf16> -> vector<16xf32>
        %unpack3A_577 = tpu.unpack_subelements %mul3A_575, 1 {pack_format = #tpu.pack_format<interleaved>} : vector<32xbf16> -> vector<16xf32>
        %add3A_578 = arith.addf %broadcast_in_dim3A_566, %unpack3A_576 : vector<16xf32>
        %add3A_579 = arith.addf %add3A_578, %unpack3A_577 : vector<16xf32>
        %get3A_580 = arith.index_cast %add3A_564 : i32 to index
        %get3A_581 = arith.constant 32 : index
        %get3A_582 = tpu.vector_load %arg9[%get3A_580, %get3A_581] {strides = array<i32>} : memref<128x128xbf16, #tpu.memory_space<vmem>>, vector<32xbf16>,
        %add3A_583 = arith.constant 1 : i32
        %add3A_584 = arith.addi %add3A_564, %add3A_583 : i32
        %get3A_585 = arith.index_cast %add3A_584 : i32 to index
        %get3A_586 = arith.constant 32 : index
        %get3A_587 = tpu.vector_load %arg9[%get3A_585, %get3A_586] {strides = array<i32>} : memref<128x128xbf16, #tpu.memory_space<vmem>>, vector<32xbf16>,
        %mul3A_588 = arith.mulf %get3A_582, %get3A_587 : vector<32xbf16>
        %unpack3A_589 = tpu.unpack_subelements %mul3A_588, 0 {pack_format = #tpu.pack_format<interleaved>} : vector<32xbf16> -> vector<16xf32>
        %unpack3A_590 = tpu.unpack_subelements %mul3A_588, 1 {pack_format = #tpu.pack_format<interleaved>} : vector<32xbf16> -> vector<16xf32>
        %add3A_591 = arith.addf %add3A_579, %unpack3A_589 : vector<16xf32>
        %add3A_592 = arith.addf %add3A_591, %unpack3A_590 : vector<16xf32>
        %get3A_593 = arith.index_cast %add3A_564 : i32 to index
        %get3A_594 = arith.constant 64 : index
        %get3A_595 = tpu.vector_load %arg9[%get3A_593, %get3A_594] {strides = array<i32>} : memref<128x128xbf16, #tpu.memory_space<vmem>>, vector<32xbf16>,
        %add3A_596 = arith.constant 1 : i32
        %add3A_597 = arith.addi %add3A_564, %add3A_596 : i32
        %get3A_598 = arith.index_cast %add3A_597 : i32 to index
        %get3A_599 = arith.constant 64 : index
        %get3A_600 = tpu.vector_load %arg9[%get3A_598, %get3A_599] {strides = array<i32>} : memref<128x128xbf16, #tpu.memory_space<vmem>>, vector<32xbf16>,
        %mul3A_601 = arith.mulf %get3A_595, %get3A_600 : vector<32xbf16>
        %unpack3A_602 = tpu.unpack_subelements %mul3A_601, 0 {pack_format = #tpu.pack_format<interleaved>} : vector<32xbf16> -> vector<16xf32>
        %unpack3A_603 = tpu.unpack_subelements %mul3A_601, 1 {pack_format = #tpu.pack_format<interleaved>} : vector<32xbf16> -> vector<16xf32>
        %add3A_604 = arith.addf %add3A_592, %unpack3A_602 : vector<16xf32>
        %add3A_605 = arith.addf %add3A_604, %unpack3A_603 : vector<16xf32>
        %get3A_606 = arith.index_cast %add3A_564 : i32 to index
        %get3A_607 = arith.constant 96 : index
        %get3A_608 = tpu.vector_load %arg9[%get3A_606, %get3A_607] {strides = array<i32>} : memref<128x128xbf16, #tpu.memory_space<vmem>>, vector<32xbf16>,
        %add3A_609 = arith.constant 1 : i32
        %add3A_610 = arith.addi %add3A_564, %add3A_609 : i32
        %get3A_611 = arith.index_cast %add3A_610 : i32 to index
        %get3A_612 = arith.constant 96 : index
        %get3A_613 = tpu.vector_load %arg9[%get3A_611, %get3A_612] {strides = array<i32>} : memref<128x128xbf16, #tpu.memory_space<vmem>>, vector<32xbf16>,
        %mul3A_614 = arith.mulf %get3A_608, %get3A_613 : vector<32xbf16>
        %unpack3A_615 = tpu.unpack_subelements %mul3A_614, 0 {pack_format = #tpu.pack_format<interleaved>} : vector<32xbf16> -> vector<16xf32>
        %unpack3A_616 = tpu.unpack_subelements %mul3A_614, 1 {pack_format = #tpu.pack_format<interleaved>} : vector<32xbf16> -> vector<16xf32>
        %add3A_617 = arith.addf %add3A_605, %unpack3A_615 : vector<16xf32>
        %add3A_618 = arith.addf %add3A_617, %unpack3A_616 : vector<16xf32>
        %mul3A_619 = arith.constant 32 : i32
        %mul3A_620 = arith.muli %scan3A_157, %mul3A_619 : i32
        %add3A_621 = arith.constant 16 : i32
        %add3A_622 = arith.addi %mul3A_620, %add3A_621 : i32
        %broadcast_in_dim3A_623 = arith.constant 0.000000e+00 : f32
        %broadcast_in_dim3A_624 = vector.broadcast %broadcast_in_dim3A_623 : f32 to vector<16xf32>
        %get3A_625 = arith.index_cast %add3A_622 : i32 to index
        %get3A_626 = arith.constant 0 : index
        %get3A_627 = tpu.vector_load %arg9[%get3A_625, %get3A_626] {strides = array<i32>} : memref<128x128xbf16, #tpu.memory_space<vmem>>, vector<32xbf16>,
        %add3A_628 = arith.constant 1 : i32
        %add3A_629 = arith.addi %add3A_622, %add3A_628 : i32
        %get3A_630 = arith.index_cast %add3A_629 : i32 to index
        %get3A_631 = arith.constant 0 : index
        %get3A_632 = tpu.vector_load %arg9[%get3A_630, %get3A_631] {strides = array<i32>} : memref<128x128xbf16, #tpu.memory_space<vmem>>, vector<32xbf16>,
        %mul3A_633 = arith.mulf %get3A_627, %get3A_632 : vector<32xbf16>
        %unpack3A_634 = tpu.unpack_subelements %mul3A_633, 0 {pack_format = #tpu.pack_format<interleaved>} : vector<32xbf16> -> vector<16xf32>
        %unpack3A_635 = tpu.unpack_subelements %mul3A_633, 1 {pack_format = #tpu.pack_format<interleaved>} : vector<32xbf16> -> vector<16xf32>
        %add3A_636 = arith.addf %broadcast_in_dim3A_624, %unpack3A_634 : vector<16xf32>
        %add3A_637 = arith.addf %add3A_636, %unpack3A_635 : vector<16xf32>
        %get3A_638 = arith.index_cast %add3A_622 : i32 to index
        %get3A_639 = arith.constant 32 : index
        %get3A_640 = tpu.vector_load %arg9[%get3A_638, %get3A_639] {strides = array<i32>} : memref<128x128xbf16, #tpu.memory_space<vmem>>, vector<32xbf16>,
        %add3A_641 = arith.constant 1 : i32
        %add3A_642 = arith.addi %add3A_622, %add3A_641 : i32
        %get3A_643 = arith.index_cast %add3A_642 : i32 to index
        %get3A_644 = arith.constant 32 : index
        %get3A_645 = tpu.vector_load %arg9[%get3A_643, %get3A_644] {strides = array<i32>} : memref<128x128xbf16, #tpu.memory_space<vmem>>, vector<32xbf16>,
        %mul3A_646 = arith.mulf %get3A_640, %get3A_645 : vector<32xbf16>
        %unpack3A_647 = tpu.unpack_subelements %mul3A_646, 0 {pack_format = #tpu.pack_format<interleaved>} : vector<32xbf16> -> vector<16xf32>
        %unpack3A_648 = tpu.unpack_subelements %mul3A_646, 1 {pack_format = #tpu.pack_format<interleaved>} : vector<32xbf16> -> vector<16xf32>
        %add3A_649 = arith.addf %add3A_637, %unpack3A_647 : vector<16xf32>
        %add3A_650 = arith.addf %add3A_649, %unpack3A_648 : vector<16xf32>
        %get3A_651 = arith.index_cast %add3A_622 : i32 to index
        %get3A_652 = arith.constant 64 : index
        %get3A_653 = tpu.vector_load %arg9[%get3A_651, %get3A_652] {strides = array<i32>} : memref<128x128xbf16, #tpu.memory_space<vmem>>, vector<32xbf16>,
        %add3A_654 = arith.constant 1 : i32
        %add3A_655 = arith.addi %add3A_622, %add3A_654 : i32
        %get3A_656 = arith.index_cast %add3A_655 : i32 to index
        %get3A_657 = arith.constant 64 : index
        %get3A_658 = tpu.vector_load %arg9[%get3A_656, %get3A_657] {strides = array<i32>} : memref<128x128xbf16, #tpu.memory_space<vmem>>, vector<32xbf16>,
        %mul3A_659 = arith.mulf %get3A_653, %get3A_658 : vector<32xbf16>
        %unpack3A_660 = tpu.unpack_subelements %mul3A_659, 0 {pack_format = #tpu.pack_format<interleaved>} : vector<32xbf16> -> vector<16xf32>
        %unpack3A_661 = tpu.unpack_subelements %mul3A_659, 1 {pack_format = #tpu.pack_format<interleaved>} : vector<32xbf16> -> vector<16xf32>
        %add3A_662 = arith.addf %add3A_650, %unpack3A_660 : vector<16xf32>
        %add3A_663 = arith.addf %add3A_662, %unpack3A_661 : vector<16xf32>
        %get3A_664 = arith.index_cast %add3A_622 : i32 to index
        %get3A_665 = arith.constant 96 : index
        %get3A_666 = tpu.vector_load %arg9[%get3A_664, %get3A_665] {strides = array<i32>} : memref<128x128xbf16, #tpu.memory_space<vmem>>, vector<32xbf16>,
        %add3A_667 = arith.constant 1 : i32
        %add3A_668 = arith.addi %add3A_622, %add3A_667 : i32
        %get3A_669 = arith.index_cast %add3A_668 : i32 to index
        %get3A_670 = arith.constant 96 : index
        %get3A_671 = tpu.vector_load %arg9[%get3A_669, %get3A_670] {strides = array<i32>} : memref<128x128xbf16, #tpu.memory_space<vmem>>, vector<32xbf16>,
        %mul3A_672 = arith.mulf %get3A_666, %get3A_671 : vector<32xbf16>
        %unpack3A_673 = tpu.unpack_subelements %mul3A_672, 0 {pack_format = #tpu.pack_format<interleaved>} : vector<32xbf16> -> vector<16xf32>
        %unpack3A_674 = tpu.unpack_subelements %mul3A_672, 1 {pack_format = #tpu.pack_format<interleaved>} : vector<32xbf16> -> vector<16xf32>
        %add3A_675 = arith.addf %add3A_663, %unpack3A_673 : vector<16xf32>
        %add3A_676 = arith.addf %add3A_675, %unpack3A_674 : vector<16xf32>
        %mul3A_677 = arith.constant 32 : i32
        %mul3A_678 = arith.muli %scan3A_157, %mul3A_677 : i32
        %add3A_679 = arith.constant 18 : i32
        %add3A_680 = arith.addi %mul3A_678, %add3A_679 : i32
        %broadcast_in_dim3A_681 = arith.constant 0.000000e+00 : f32
        %broadcast_in_dim3A_682 = vector.broadcast %broadcast_in_dim3A_681 : f32 to vector<16xf32>
        %get3A_683 = arith.index_cast %add3A_680 : i32 to index
        %get3A_684 = arith.constant 0 : index
        %get3A_685 = tpu.vector_load %arg9[%get3A_683, %get3A_684] {strides = array<i32>} : memref<128x128xbf16, #tpu.memory_space<vmem>>, vector<32xbf16>,
        %add3A_686 = arith.constant 1 : i32
        %add3A_687 = arith.addi %add3A_680, %add3A_686 : i32
        %get3A_688 = arith.index_cast %add3A_687 : i32 to index
        %get3A_689 = arith.constant 0 : index
        %get3A_690 = tpu.vector_load %arg9[%get3A_688, %get3A_689] {strides = array<i32>} : memref<128x128xbf16, #tpu.memory_space<vmem>>, vector<32xbf16>,
        %mul3A_691 = arith.mulf %get3A_685, %get3A_690 : vector<32xbf16>
        %unpack3A_692 = tpu.unpack_subelements %mul3A_691, 0 {pack_format = #tpu.pack_format<interleaved>} : vector<32xbf16> -> vector<16xf32>
        %unpack3A_693 = tpu.unpack_subelements %mul3A_691, 1 {pack_format = #tpu.pack_format<interleaved>} : vector<32xbf16> -> vector<16xf32>
        %add3A_694 = arith.addf %broadcast_in_dim3A_682, %unpack3A_692 : vector<16xf32>
        %add3A_695 = arith.addf %add3A_694, %unpack3A_693 : vector<16xf32>
        %get3A_696 = arith.index_cast %add3A_680 : i32 to index
        %get3A_697 = arith.constant 32 : index
        %get3A_698 = tpu.vector_load %arg9[%get3A_696, %get3A_697] {strides = array<i32>} : memref<128x128xbf16, #tpu.memory_space<vmem>>, vector<32xbf16>,
        %add3A_699 = arith.constant 1 : i32
        %add3A_700 = arith.addi %add3A_680, %add3A_699 : i32
        %get3A_701 = arith.index_cast %add3A_700 : i32 to index
        %get3A_702 = arith.constant 32 : index
        %get3A_703 = tpu.vector_load %arg9[%get3A_701, %get3A_702] {strides = array<i32>} : memref<128x128xbf16, #tpu.memory_space<vmem>>, vector<32xbf16>,
        %mul3A_704 = arith.mulf %get3A_698, %get3A_703 : vector<32xbf16>
        %unpack3A_705 = tpu.unpack_subelements %mul3A_704, 0 {pack_format = #tpu.pack_format<interleaved>} : vector<32xbf16> -> vector<16xf32>
        %unpack3A_706 = tpu.unpack_subelements %mul3A_704, 1 {pack_format = #tpu.pack_format<interleaved>} : vector<32xbf16> -> vector<16xf32>
        %add3A_707 = arith.addf %add3A_695, %unpack3A_705 : vector<16xf32>
        %add3A_708 = arith.addf %add3A_707, %unpack3A_706 : vector<16xf32>
        %get3A_709 = arith.index_cast %add3A_680 : i32 to index
        %get3A_710 = arith.constant 64 : index
        %get3A_711 = tpu.vector_load %arg9[%get3A_709, %get3A_710] {strides = array<i32>} : memref<128x128xbf16, #tpu.memory_space<vmem>>, vector<32xbf16>,
        %add3A_712 = arith.constant 1 : i32
        %add3A_713 = arith.addi %add3A_680, %add3A_712 : i32
        %get3A_714 = arith.index_cast %add3A_713 : i32 to index
        %get3A_715 = arith.constant 64 : index
        %get3A_716 = tpu.vector_load %arg9[%get3A_714, %get3A_715] {strides = array<i32>} : memref<128x128xbf16, #tpu.memory_space<vmem>>, vector<32xbf16>,
        %mul3A_717 = arith.mulf %get3A_711, %get3A_716 : vector<32xbf16>
        %unpack3A_718 = tpu.unpack_subelements %mul3A_717, 0 {pack_format = #tpu.pack_format<interleaved>} : vector<32xbf16> -> vector<16xf32>
        %unpack3A_719 = tpu.unpack_subelements %mul3A_717, 1 {pack_format = #tpu.pack_format<interleaved>} : vector<32xbf16> -> vector<16xf32>
        %add3A_720 = arith.addf %add3A_708, %unpack3A_718 : vector<16xf32>
        %add3A_721 = arith.addf %add3A_720, %unpack3A_719 : vector<16xf32>
        %get3A_722 = arith.index_cast %add3A_680 : i32 to index
        %get3A_723 = arith.constant 96 : index
        %get3A_724 = tpu.vector_load %arg9[%get3A_722, %get3A_723] {strides = array<i32>} : memref<128x128xbf16, #tpu.memory_space<vmem>>, vector<32xbf16>,
        %add3A_725 = arith.constant 1 : i32
        %add3A_726 = arith.addi %add3A_680, %add3A_725 : i32
        %get3A_727 = arith.index_cast %add3A_726 : i32 to index
        %get3A_728 = arith.constant 96 : index
        %get3A_729 = tpu.vector_load %arg9[%get3A_727, %get3A_728] {strides = array<i32>} : memref<128x128xbf16, #tpu.memory_space<vmem>>, vector<32xbf16>,
        %mul3A_730 = arith.mulf %get3A_724, %get3A_729 : vector<32xbf16>
        %unpack3A_731 = tpu.unpack_subelements %mul3A_730, 0 {pack_format = #tpu.pack_format<interleaved>} : vector<32xbf16> -> vector<16xf32>
        %unpack3A_732 = tpu.unpack_subelements %mul3A_730, 1 {pack_format = #tpu.pack_format<interleaved>} : vector<32xbf16> -> vector<16xf32>
        %add3A_733 = arith.addf %add3A_721, %unpack3A_731 : vector<16xf32>
        %add3A_734 = arith.addf %add3A_733, %unpack3A_732 : vector<16xf32>
        %mul3A_735 = arith.constant 32 : i32
        %mul3A_736 = arith.muli %scan3A_157, %mul3A_735 : i32
        %add3A_737 = arith.constant 20 : i32
        %add3A_738 = arith.addi %mul3A_736, %add3A_737 : i32
        %broadcast_in_dim3A_739 = arith.constant 0.000000e+00 : f32
        %broadcast_in_dim3A_740 = vector.broadcast %broadcast_in_dim3A_739 : f32 to vector<16xf32>
        %get3A_741 = arith.index_cast %add3A_738 : i32 to index
        %get3A_742 = arith.constant 0 : index
        %get3A_743 = tpu.vector_load %arg9[%get3A_741, %get3A_742] {strides = array<i32>} : memref<128x128xbf16, #tpu.memory_space<vmem>>, vector<32xbf16>,
        %add3A_744 = arith.constant 1 : i32
        %add3A_745 = arith.addi %add3A_738, %add3A_744 : i32
        %get3A_746 = arith.index_cast %add3A_745 : i32 to index
        %get3A_747 = arith.constant 0 : index
        %get3A_748 = tpu.vector_load %arg9[%get3A_746, %get3A_747] {strides = array<i32>} : memref<128x128xbf16, #tpu.memory_space<vmem>>, vector<32xbf16>,
        %mul3A_749 = arith.mulf %get3A_743, %get3A_748 : vector<32xbf16>
        %unpack3A_750 = tpu.unpack_subelements %mul3A_749, 0 {pack_format = #tpu.pack_format<interleaved>} : vector<32xbf16> -> vector<16xf32>
        %unpack3A_751 = tpu.unpack_subelements %mul3A_749, 1 {pack_format = #tpu.pack_format<interleaved>} : vector<32xbf16> -> vector<16xf32>
        %add3A_752 = arith.addf %broadcast_in_dim3A_740, %unpack3A_750 : vector<16xf32>
        %add3A_753 = arith.addf %add3A_752, %unpack3A_751 : vector<16xf32>
        %get3A_754 = arith.index_cast %add3A_738 : i32 to index
        %get3A_755 = arith.constant 32 : index
        %get3A_756 = tpu.vector_load %arg9[%get3A_754, %get3A_755] {strides = array<i32>} : memref<128x128xbf16, #tpu.memory_space<vmem>>, vector<32xbf16>,
        %add3A_757 = arith.constant 1 : i32
        %add3A_758 = arith.addi %add3A_738, %add3A_757 : i32
        %get3A_759 = arith.index_cast %add3A_758 : i32 to index
        %get3A_760 = arith.constant 32 : index
        %get3A_761 = tpu.vector_load %arg9[%get3A_759, %get3A_760] {strides = array<i32>} : memref<128x128xbf16, #tpu.memory_space<vmem>>, vector<32xbf16>,
        %mul3A_762 = arith.mulf %get3A_756, %get3A_761 : vector<32xbf16>
        %unpack3A_763 = tpu.unpack_subelements %mul3A_762, 0 {pack_format = #tpu.pack_format<interleaved>} : vector<32xbf16> -> vector<16xf32>
        %unpack3A_764 = tpu.unpack_subelements %mul3A_762, 1 {pack_format = #tpu.pack_format<interleaved>} : vector<32xbf16> -> vector<16xf32>
        %add3A_765 = arith.addf %add3A_753, %unpack3A_763 : vector<16xf32>
        %add3A_766 = arith.addf %add3A_765, %unpack3A_764 : vector<16xf32>
        %get3A_767 = arith.index_cast %add3A_738 : i32 to index
        %get3A_768 = arith.constant 64 : index
        %get3A_769 = tpu.vector_load %arg9[%get3A_767, %get3A_768] {strides = array<i32>} : memref<128x128xbf16, #tpu.memory_space<vmem>>, vector<32xbf16>,
        %add3A_770 = arith.constant 1 : i32
        %add3A_771 = arith.addi %add3A_738, %add3A_770 : i32
        %get3A_772 = arith.index_cast %add3A_771 : i32 to index
        %get3A_773 = arith.constant 64 : index
        %get3A_774 = tpu.vector_load %arg9[%get3A_772, %get3A_773] {strides = array<i32>} : memref<128x128xbf16, #tpu.memory_space<vmem>>, vector<32xbf16>,
        %mul3A_775 = arith.mulf %get3A_769, %get3A_774 : vector<32xbf16>
        %unpack3A_776 = tpu.unpack_subelements %mul3A_775, 0 {pack_format = #tpu.pack_format<interleaved>} : vector<32xbf16> -> vector<16xf32>
        %unpack3A_777 = tpu.unpack_subelements %mul3A_775, 1 {pack_format = #tpu.pack_format<interleaved>} : vector<32xbf16> -> vector<16xf32>
        %add3A_778 = arith.addf %add3A_766, %unpack3A_776 : vector<16xf32>
        %add3A_779 = arith.addf %add3A_778, %unpack3A_777 : vector<16xf32>
        %get3A_780 = arith.index_cast %add3A_738 : i32 to index
        %get3A_781 = arith.constant 96 : index
        %get3A_782 = tpu.vector_load %arg9[%get3A_780, %get3A_781] {strides = array<i32>} : memref<128x128xbf16, #tpu.memory_space<vmem>>, vector<32xbf16>,
        %add3A_783 = arith.constant 1 : i32
        %add3A_784 = arith.addi %add3A_738, %add3A_783 : i32
        %get3A_785 = arith.index_cast %add3A_784 : i32 to index
        %get3A_786 = arith.constant 96 : index
        %get3A_787 = tpu.vector_load %arg9[%get3A_785, %get3A_786] {strides = array<i32>} : memref<128x128xbf16, #tpu.memory_space<vmem>>, vector<32xbf16>,
        %mul3A_788 = arith.mulf %get3A_782, %get3A_787 : vector<32xbf16>
        %unpack3A_789 = tpu.unpack_subelements %mul3A_788, 0 {pack_format = #tpu.pack_format<interleaved>} : vector<32xbf16> -> vector<16xf32>
        %unpack3A_790 = tpu.unpack_subelements %mul3A_788, 1 {pack_format = #tpu.pack_format<interleaved>} : vector<32xbf16> -> vector<16xf32>
        %add3A_791 = arith.addf %add3A_779, %unpack3A_789 : vector<16xf32>
        %add3A_792 = arith.addf %add3A_791, %unpack3A_790 : vector<16xf32>
        %mul3A_793 = arith.constant 32 : i32
        %mul3A_794 = arith.muli %scan3A_157, %mul3A_793 : i32
        %add3A_795 = arith.constant 22 : i32
        %add3A_796 = arith.addi %mul3A_794, %add3A_795 : i32
        %broadcast_in_dim3A_797 = arith.constant 0.000000e+00 : f32
        %broadcast_in_dim3A_798 = vector.broadcast %broadcast_in_dim3A_797 : f32 to vector<16xf32>
        %get3A_799 = arith.index_cast %add3A_796 : i32 to index
        %get3A_800 = arith.constant 0 : index
        %get3A_801 = tpu.vector_load %arg9[%get3A_799, %get3A_800] {strides = array<i32>} : memref<128x128xbf16, #tpu.memory_space<vmem>>, vector<32xbf16>,
        %add3A_802 = arith.constant 1 : i32
        %add3A_803 = arith.addi %add3A_796, %add3A_802 : i32
        %get3A_804 = arith.index_cast %add3A_803 : i32 to index
        %get3A_805 = arith.constant 0 : index
        %get3A_806 = tpu.vector_load %arg9[%get3A_804, %get3A_805] {strides = array<i32>} : memref<128x128xbf16, #tpu.memory_space<vmem>>, vector<32xbf16>,
        %mul3A_807 = arith.mulf %get3A_801, %get3A_806 : vector<32xbf16>
        %unpack3A_808 = tpu.unpack_subelements %mul3A_807, 0 {pack_format = #tpu.pack_format<interleaved>} : vector<32xbf16> -> vector<16xf32>
        %unpack3A_809 = tpu.unpack_subelements %mul3A_807, 1 {pack_format = #tpu.pack_format<interleaved>} : vector<32xbf16> -> vector<16xf32>
        %add3A_810 = arith.addf %broadcast_in_dim3A_798, %unpack3A_808 : vector<16xf32>
        %add3A_811 = arith.addf %add3A_810, %unpack3A_809 : vector<16xf32>
        %get3A_812 = arith.index_cast %add3A_796 : i32 to index
        %get3A_813 = arith.constant 32 : index
        %get3A_814 = tpu.vector_load %arg9[%get3A_812, %get3A_813] {strides = array<i32>} : memref<128x128xbf16, #tpu.memory_space<vmem>>, vector<32xbf16>,
        %add3A_815 = arith.constant 1 : i32
        %add3A_816 = arith.addi %add3A_796, %add3A_815 : i32
        %get3A_817 = arith.index_cast %add3A_816 : i32 to index
        %get3A_818 = arith.constant 32 : index
        %get3A_819 = tpu.vector_load %arg9[%get3A_817, %get3A_818] {strides = array<i32>} : memref<128x128xbf16, #tpu.memory_space<vmem>>, vector<32xbf16>,
        %mul3A_820 = arith.mulf %get3A_814, %get3A_819 : vector<32xbf16>
        %unpack3A_821 = tpu.unpack_subelements %mul3A_820, 0 {pack_format = #tpu.pack_format<interleaved>} : vector<32xbf16> -> vector<16xf32>
        %unpack3A_822 = tpu.unpack_subelements %mul3A_820, 1 {pack_format = #tpu.pack_format<interleaved>} : vector<32xbf16> -> vector<16xf32>
        %add3A_823 = arith.addf %add3A_811, %unpack3A_821 : vector<16xf32>
        %add3A_824 = arith.addf %add3A_823, %unpack3A_822 : vector<16xf32>
        %get3A_825 = arith.index_cast %add3A_796 : i32 to index
        %get3A_826 = arith.constant 64 : index
        %get3A_827 = tpu.vector_load %arg9[%get3A_825, %get3A_826] {strides = array<i32>} : memref<128x128xbf16, #tpu.memory_space<vmem>>, vector<32xbf16>,
        %add3A_828 = arith.constant 1 : i32
        %add3A_829 = arith.addi %add3A_796, %add3A_828 : i32
        %get3A_830 = arith.index_cast %add3A_829 : i32 to index
        %get3A_831 = arith.constant 64 : index
        %get3A_832 = tpu.vector_load %arg9[%get3A_830, %get3A_831] {strides = array<i32>} : memref<128x128xbf16, #tpu.memory_space<vmem>>, vector<32xbf16>,
        %mul3A_833 = arith.mulf %get3A_827, %get3A_832 : vector<32xbf16>
        %unpack3A_834 = tpu.unpack_subelements %mul3A_833, 0 {pack_format = #tpu.pack_format<interleaved>} : vector<32xbf16> -> vector<16xf32>
        %unpack3A_835 = tpu.unpack_subelements %mul3A_833, 1 {pack_format = #tpu.pack_format<interleaved>} : vector<32xbf16> -> vector<16xf32>
        %add3A_836 = arith.addf %add3A_824, %unpack3A_834 : vector<16xf32>
        %add3A_837 = arith.addf %add3A_836, %unpack3A_835 : vector<16xf32>
        %get3A_838 = arith.index_cast %add3A_796 : i32 to index
        %get3A_839 = arith.constant 96 : index
        %get3A_840 = tpu.vector_load %arg9[%get3A_838, %get3A_839] {strides = array<i32>} : memref<128x128xbf16, #tpu.memory_space<vmem>>, vector<32xbf16>,
        %add3A_841 = arith.constant 1 : i32
        %add3A_842 = arith.addi %add3A_796, %add3A_841 : i32
        %get3A_843 = arith.index_cast %add3A_842 : i32 to index
        %get3A_844 = arith.constant 96 : index
        %get3A_845 = tpu.vector_load %arg9[%get3A_843, %get3A_844] {strides = array<i32>} : memref<128x128xbf16, #tpu.memory_space<vmem>>, vector<32xbf16>,
        %mul3A_846 = arith.mulf %get3A_840, %get3A_845 : vector<32xbf16>
        %unpack3A_847 = tpu.unpack_subelements %mul3A_846, 0 {pack_format = #tpu.pack_format<interleaved>} : vector<32xbf16> -> vector<16xf32>
        %unpack3A_848 = tpu.unpack_subelements %mul3A_846, 1 {pack_format = #tpu.pack_format<interleaved>} : vector<32xbf16> -> vector<16xf32>
        %add3A_849 = arith.addf %add3A_837, %unpack3A_847 : vector<16xf32>
        %add3A_850 = arith.addf %add3A_849, %unpack3A_848 : vector<16xf32>
        %mul3A_851 = arith.constant 32 : i32
        %mul3A_852 = arith.muli %scan3A_157, %mul3A_851 : i32
        %add3A_853 = arith.constant 24 : i32
        %add3A_854 = arith.addi %mul3A_852, %add3A_853 : i32
        %broadcast_in_dim3A_855 = arith.constant 0.000000e+00 : f32
        %broadcast_in_dim3A_856 = vector.broadcast %broadcast_in_dim3A_855 : f32 to vector<16xf32>
        %get3A_857 = arith.index_cast %add3A_854 : i32 to index
        %get3A_858 = arith.constant 0 : index
        %get3A_859 = tpu.vector_load %arg9[%get3A_857, %get3A_858] {strides = array<i32>} : memref<128x128xbf16, #tpu.memory_space<vmem>>, vector<32xbf16>,
        %add3A_860 = arith.constant 1 : i32
        %add3A_861 = arith.addi %add3A_854, %add3A_860 : i32
        %get3A_862 = arith.index_cast %add3A_861 : i32 to index
        %get3A_863 = arith.constant 0 : index
        %get3A_864 = tpu.vector_load %arg9[%get3A_862, %get3A_863] {strides = array<i32>} : memref<128x128xbf16, #tpu.memory_space<vmem>>, vector<32xbf16>,
        %mul3A_865 = arith.mulf %get3A_859, %get3A_864 : vector<32xbf16>
        %unpack3A_866 = tpu.unpack_subelements %mul3A_865, 0 {pack_format = #tpu.pack_format<interleaved>} : vector<32xbf16> -> vector<16xf32>
        %unpack3A_867 = tpu.unpack_subelements %mul3A_865, 1 {pack_format = #tpu.pack_format<interleaved>} : vector<32xbf16> -> vector<16xf32>
        %add3A_868 = arith.addf %broadcast_in_dim3A_856, %unpack3A_866 : vector<16xf32>
        %add3A_869 = arith.addf %add3A_868, %unpack3A_867 : vector<16xf32>
        %get3A_870 = arith.index_cast %add3A_854 : i32 to index
        %get3A_871 = arith.constant 32 : index
        %get3A_872 = tpu.vector_load %arg9[%get3A_870, %get3A_871] {strides = array<i32>} : memref<128x128xbf16, #tpu.memory_space<vmem>>, vector<32xbf16>,
        %add3A_873 = arith.constant 1 : i32
        %add3A_874 = arith.addi %add3A_854, %add3A_873 : i32
        %get3A_875 = arith.index_cast %add3A_874 : i32 to index
        %get3A_876 = arith.constant 32 : index
        %get3A_877 = tpu.vector_load %arg9[%get3A_875, %get3A_876] {strides = array<i32>} : memref<128x128xbf16, #tpu.memory_space<vmem>>, vector<32xbf16>,
        %mul3A_878 = arith.mulf %get3A_872, %get3A_877 : vector<32xbf16>
        %unpack3A_879 = tpu.unpack_subelements %mul3A_878, 0 {pack_format = #tpu.pack_format<interleaved>} : vector<32xbf16> -> vector<16xf32>
        %unpack3A_880 = tpu.unpack_subelements %mul3A_878, 1 {pack_format = #tpu.pack_format<interleaved>} : vector<32xbf16> -> vector<16xf32>
        %add3A_881 = arith.addf %add3A_869, %unpack3A_879 : vector<16xf32>
        %add3A_882 = arith.addf %add3A_881, %unpack3A_880 : vector<16xf32>
        %get3A_883 = arith.index_cast %add3A_854 : i32 to index
        %get3A_884 = arith.constant 64 : index
        %get3A_885 = tpu.vector_load %arg9[%get3A_883, %get3A_884] {strides = array<i32>} : memref<128x128xbf16, #tpu.memory_space<vmem>>, vector<32xbf16>,
        %add3A_886 = arith.constant 1 : i32
        %add3A_887 = arith.addi %add3A_854, %add3A_886 : i32
        %get3A_888 = arith.index_cast %add3A_887 : i32 to index
        %get3A_889 = arith.constant 64 : index
        %get3A_890 = tpu.vector_load %arg9[%get3A_888, %get3A_889] {strides = array<i32>} : memref<128x128xbf16, #tpu.memory_space<vmem>>, vector<32xbf16>,
        %mul3A_891 = arith.mulf %get3A_885, %get3A_890 : vector<32xbf16>
        %unpack3A_892 = tpu.unpack_subelements %mul3A_891, 0 {pack_format = #tpu.pack_format<interleaved>} : vector<32xbf16> -> vector<16xf32>
        %unpack3A_893 = tpu.unpack_subelements %mul3A_891, 1 {pack_format = #tpu.pack_format<interleaved>} : vector<32xbf16> -> vector<16xf32>
        %add3A_894 = arith.addf %add3A_882, %unpack3A_892 : vector<16xf32>
        %add3A_895 = arith.addf %add3A_894, %unpack3A_893 : vector<16xf32>
        %get3A_896 = arith.index_cast %add3A_854 : i32 to index
        %get3A_897 = arith.constant 96 : index
        %get3A_898 = tpu.vector_load %arg9[%get3A_896, %get3A_897] {strides = array<i32>} : memref<128x128xbf16, #tpu.memory_space<vmem>>, vector<32xbf16>,
        %add3A_899 = arith.constant 1 : i32
        %add3A_900 = arith.addi %add3A_854, %add3A_899 : i32
        %get3A_901 = arith.index_cast %add3A_900 : i32 to index
        %get3A_902 = arith.constant 96 : index
        %get3A_903 = tpu.vector_load %arg9[%get3A_901, %get3A_902] {strides = array<i32>} : memref<128x128xbf16, #tpu.memory_space<vmem>>, vector<32xbf16>,
        %mul3A_904 = arith.mulf %get3A_898, %get3A_903 : vector<32xbf16>
        %unpack3A_905 = tpu.unpack_subelements %mul3A_904, 0 {pack_format = #tpu.pack_format<interleaved>} : vector<32xbf16> -> vector<16xf32>
        %unpack3A_906 = tpu.unpack_subelements %mul3A_904, 1 {pack_format = #tpu.pack_format<interleaved>} : vector<32xbf16> -> vector<16xf32>
        %add3A_907 = arith.addf %add3A_895, %unpack3A_905 : vector<16xf32>
        %add3A_908 = arith.addf %add3A_907, %unpack3A_906 : vector<16xf32>
        %mul3A_909 = arith.constant 32 : i32
        %mul3A_910 = arith.muli %scan3A_157, %mul3A_909 : i32
        %add3A_911 = arith.constant 26 : i32
        %add3A_912 = arith.addi %mul3A_910, %add3A_911 : i32
        %broadcast_in_dim3A_913 = arith.constant 0.000000e+00 : f32
        %broadcast_in_dim3A_914 = vector.broadcast %broadcast_in_dim3A_913 : f32 to vector<16xf32>
        %get3A_915 = arith.index_cast %add3A_912 : i32 to index
        %get3A_916 = arith.constant 0 : index
        %get3A_917 = tpu.vector_load %arg9[%get3A_915, %get3A_916] {strides = array<i32>} : memref<128x128xbf16, #tpu.memory_space<vmem>>, vector<32xbf16>,
        %add3A_918 = arith.constant 1 : i32
        %add3A_919 = arith.addi %add3A_912, %add3A_918 : i32
        %get3A_920 = arith.index_cast %add3A_919 : i32 to index
        %get3A_921 = arith.constant 0 : index
        %get3A_922 = tpu.vector_load %arg9[%get3A_920, %get3A_921] {strides = array<i32>} : memref<128x128xbf16, #tpu.memory_space<vmem>>, vector<32xbf16>,
        %mul3A_923 = arith.mulf %get3A_917, %get3A_922 : vector<32xbf16>
        %unpack3A_924 = tpu.unpack_subelements %mul3A_923, 0 {pack_format = #tpu.pack_format<interleaved>} : vector<32xbf16> -> vector<16xf32>
        %unpack3A_925 = tpu.unpack_subelements %mul3A_923, 1 {pack_format = #tpu.pack_format<interleaved>} : vector<32xbf16> -> vector<16xf32>
        %add3A_926 = arith.addf %broadcast_in_dim3A_914, %unpack3A_924 : vector<16xf32>
        %add3A_927 = arith.addf %add3A_926, %unpack3A_925 : vector<16xf32>
        %get3A_928 = arith.index_cast %add3A_912 : i32 to index
        %get3A_929 = arith.constant 32 : index
        %get3A_930 = tpu.vector_load %arg9[%get3A_928, %get3A_929] {strides = array<i32>} : memref<128x128xbf16, #tpu.memory_space<vmem>>, vector<32xbf16>,
        %add3A_931 = arith.constant 1 : i32
        %add3A_932 = arith.addi %add3A_912, %add3A_931 : i32
        %get3A_933 = arith.index_cast %add3A_932 : i32 to index
        %get3A_934 = arith.constant 32 : index
        %get3A_935 = tpu.vector_load %arg9[%get3A_933, %get3A_934] {strides = array<i32>} : memref<128x128xbf16, #tpu.memory_space<vmem>>, vector<32xbf16>,
        %mul3A_936 = arith.mulf %get3A_930, %get3A_935 : vector<32xbf16>
        %unpack3A_937 = tpu.unpack_subelements %mul3A_936, 0 {pack_format = #tpu.pack_format<interleaved>} : vector<32xbf16> -> vector<16xf32>
        %unpack3A_938 = tpu.unpack_subelements %mul3A_936, 1 {pack_format = #tpu.pack_format<interleaved>} : vector<32xbf16> -> vector<16xf32>
        %add3A_939 = arith.addf %add3A_927, %unpack3A_937 : vector<16xf32>
        %add3A_940 = arith.addf %add3A_939, %unpack3A_938 : vector<16xf32>
        %get3A_941 = arith.index_cast %add3A_912 : i32 to index
        %get3A_942 = arith.constant 64 : index
        %get3A_943 = tpu.vector_load %arg9[%get3A_941, %get3A_942] {strides = array<i32>} : memref<128x128xbf16, #tpu.memory_space<vmem>>, vector<32xbf16>,
        %add3A_944 = arith.constant 1 : i32
        %add3A_945 = arith.addi %add3A_912, %add3A_944 : i32
        %get3A_946 = arith.index_cast %add3A_945 : i32 to index
        %get3A_947 = arith.constant 64 : index
        %get3A_948 = tpu.vector_load %arg9[%get3A_946, %get3A_947] {strides = array<i32>} : memref<128x128xbf16, #tpu.memory_space<vmem>>, vector<32xbf16>,
        %mul3A_949 = arith.mulf %get3A_943, %get3A_948 : vector<32xbf16>
        %unpack3A_950 = tpu.unpack_subelements %mul3A_949, 0 {pack_format = #tpu.pack_format<interleaved>} : vector<32xbf16> -> vector<16xf32>
        %unpack3A_951 = tpu.unpack_subelements %mul3A_949, 1 {pack_format = #tpu.pack_format<interleaved>} : vector<32xbf16> -> vector<16xf32>
        %add3A_952 = arith.addf %add3A_940, %unpack3A_950 : vector<16xf32>
        %add3A_953 = arith.addf %add3A_952, %unpack3A_951 : vector<16xf32>
        %get3A_954 = arith.index_cast %add3A_912 : i32 to index
        %get3A_955 = arith.constant 96 : index
        %get3A_956 = tpu.vector_load %arg9[%get3A_954, %get3A_955] {strides = array<i32>} : memref<128x128xbf16, #tpu.memory_space<vmem>>, vector<32xbf16>,
        %add3A_957 = arith.constant 1 : i32
        %add3A_958 = arith.addi %add3A_912, %add3A_957 : i32
        %get3A_959 = arith.index_cast %add3A_958 : i32 to index
        %get3A_960 = arith.constant 96 : index
        %get3A_961 = tpu.vector_load %arg9[%get3A_959, %get3A_960] {strides = array<i32>} : memref<128x128xbf16, #tpu.memory_space<vmem>>, vector<32xbf16>,
        %mul3A_962 = arith.mulf %get3A_956, %get3A_961 : vector<32xbf16>
        %unpack3A_963 = tpu.unpack_subelements %mul3A_962, 0 {pack_format = #tpu.pack_format<interleaved>} : vector<32xbf16> -> vector<16xf32>
        %unpack3A_964 = tpu.unpack_subelements %mul3A_962, 1 {pack_format = #tpu.pack_format<interleaved>} : vector<32xbf16> -> vector<16xf32>
        %add3A_965 = arith.addf %add3A_953, %unpack3A_963 : vector<16xf32>
        %add3A_966 = arith.addf %add3A_965, %unpack3A_964 : vector<16xf32>
        %mul3A_967 = arith.constant 32 : i32
        %mul3A_968 = arith.muli %scan3A_157, %mul3A_967 : i32
        %add3A_969 = arith.constant 28 : i32
        %add3A_970 = arith.addi %mul3A_968, %add3A_969 : i32
        %broadcast_in_dim3A_971 = arith.constant 0.000000e+00 : f32
        %broadcast_in_dim3A_972 = vector.broadcast %broadcast_in_dim3A_971 : f32 to vector<16xf32>
        %get3A_973 = arith.index_cast %add3A_970 : i32 to index
        %get3A_974 = arith.constant 0 : index
        %get3A_975 = tpu.vector_load %arg9[%get3A_973, %get3A_974] {strides = array<i32>} : memref<128x128xbf16, #tpu.memory_space<vmem>>, vector<32xbf16>,
        %add3A_976 = arith.constant 1 : i32
        %add3A_977 = arith.addi %add3A_970, %add3A_976 : i32
        %get3A_978 = arith.index_cast %add3A_977 : i32 to index
        %get3A_979 = arith.constant 0 : index
        %get3A_980 = tpu.vector_load %arg9[%get3A_978, %get3A_979] {strides = array<i32>} : memref<128x128xbf16, #tpu.memory_space<vmem>>, vector<32xbf16>,
        %mul3A_981 = arith.mulf %get3A_975, %get3A_980 : vector<32xbf16>
        %unpack3A_982 = tpu.unpack_subelements %mul3A_981, 0 {pack_format = #tpu.pack_format<interleaved>} : vector<32xbf16> -> vector<16xf32>
        %unpack3A_983 = tpu.unpack_subelements %mul3A_981, 1 {pack_format = #tpu.pack_format<interleaved>} : vector<32xbf16> -> vector<16xf32>
        %add3A_984 = arith.addf %broadcast_in_dim3A_972, %unpack3A_982 : vector<16xf32>
        %add3A_985 = arith.addf %add3A_984, %unpack3A_983 : vector<16xf32>
        %get3A_986 = arith.index_cast %add3A_970 : i32 to index
        %get3A_987 = arith.constant 32 : index
        %get3A_988 = tpu.vector_load %arg9[%get3A_986, %get3A_987] {strides = array<i32>} : memref<128x128xbf16, #tpu.memory_space<vmem>>, vector<32xbf16>,
        %add3A_989 = arith.constant 1 : i32
        %add3A_990 = arith.addi %add3A_970, %add3A_989 : i32
        %get3A_991 = arith.index_cast %add3A_990 : i32 to index
        %get3A_992 = arith.constant 32 : index
        %get3A_993 = tpu.vector_load %arg9[%get3A_991, %get3A_992] {strides = array<i32>} : memref<128x128xbf16, #tpu.memory_space<vmem>>, vector<32xbf16>,
        %mul3A_994 = arith.mulf %get3A_988, %get3A_993 : vector<32xbf16>
        %unpack3A_995 = tpu.unpack_subelements %mul3A_994, 0 {pack_format = #tpu.pack_format<interleaved>} : vector<32xbf16> -> vector<16xf32>
        %unpack3A_996 = tpu.unpack_subelements %mul3A_994, 1 {pack_format = #tpu.pack_format<interleaved>} : vector<32xbf16> -> vector<16xf32>
        %add3A_997 = arith.addf %add3A_985, %unpack3A_995 : vector<16xf32>
        %add3A_998 = arith.addf %add3A_997, %unpack3A_996 : vector<16xf32>
        %get3A_999 = arith.index_cast %add3A_970 : i32 to index
        %get3A_1000 = arith.constant 64 : index
        %get3A_1001 = tpu.vector_load %arg9[%get3A_999, %get3A_1000] {strides = array<i32>} : memref<128x128xbf16, #tpu.memory_space<vmem>>, vector<32xbf16>,
        %add3A_1002 = arith.constant 1 : i32
        %add3A_1003 = arith.addi %add3A_970, %add3A_1002 : i32
        %get3A_1004 = arith.index_cast %add3A_1003 : i32 to index
        %get3A_1005 = arith.constant 64 : index
        %get3A_1006 = tpu.vector_load %arg9[%get3A_1004, %get3A_1005] {strides = array<i32>} : memref<128x128xbf16, #tpu.memory_space<vmem>>, vector<32xbf16>,
        %mul3A_1007 = arith.mulf %get3A_1001, %get3A_1006 : vector<32xbf16>
        %unpack3A_1008 = tpu.unpack_subelements %mul3A_1007, 0 {pack_format = #tpu.pack_format<interleaved>} : vector<32xbf16> -> vector<16xf32>
        %unpack3A_1009 = tpu.unpack_subelements %mul3A_1007, 1 {pack_format = #tpu.pack_format<interleaved>} : vector<32xbf16> -> vector<16xf32>
        %add3A_1010 = arith.addf %add3A_998, %unpack3A_1008 : vector<16xf32>
        %add3A_1011 = arith.addf %add3A_1010, %unpack3A_1009 : vector<16xf32>
        %get3A_1012 = arith.index_cast %add3A_970 : i32 to index
        %get3A_1013 = arith.constant 96 : index
        %get3A_1014 = tpu.vector_load %arg9[%get3A_1012, %get3A_1013] {strides = array<i32>} : memref<128x128xbf16, #tpu.memory_space<vmem>>, vector<32xbf16>,
        %add3A_1015 = arith.constant 1 : i32
        %add3A_1016 = arith.addi %add3A_970, %add3A_1015 : i32
        %get3A_1017 = arith.index_cast %add3A_1016 : i32 to index
        %get3A_1018 = arith.constant 96 : index
        %get3A_1019 = tpu.vector_load %arg9[%get3A_1017, %get3A_1018] {strides = array<i32>} : memref<128x128xbf16, #tpu.memory_space<vmem>>, vector<32xbf16>,
        %mul3A_1020 = arith.mulf %get3A_1014, %get3A_1019 : vector<32xbf16>
        %unpack3A_1021 = tpu.unpack_subelements %mul3A_1020, 0 {pack_format = #tpu.pack_format<interleaved>} : vector<32xbf16> -> vector<16xf32>
        %unpack3A_1022 = tpu.unpack_subelements %mul3A_1020, 1 {pack_format = #tpu.pack_format<interleaved>} : vector<32xbf16> -> vector<16xf32>
        %add3A_1023 = arith.addf %add3A_1011, %unpack3A_1021 : vector<16xf32>
        %add3A_1024 = arith.addf %add3A_1023, %unpack3A_1022 : vector<16xf32>
        %mul3A_1025 = arith.constant 32 : i32
        %mul3A_1026 = arith.muli %scan3A_157, %mul3A_1025 : i32
        %add3A_1027 = arith.constant 30 : i32
        %add3A_1028 = arith.addi %mul3A_1026, %add3A_1027 : i32
        %broadcast_in_dim3A_1029 = arith.constant 0.000000e+00 : f32
        %broadcast_in_dim3A_1030 = vector.broadcast %broadcast_in_dim3A_1029 : f32 to vector<16xf32>
        %get3A_1031 = arith.index_cast %add3A_1028 : i32 to index
        %get3A_1032 = arith.constant 0 : index
        %get3A_1033 = tpu.vector_load %arg9[%get3A_1031, %get3A_1032] {strides = array<i32>} : memref<128x128xbf16, #tpu.memory_space<vmem>>, vector<32xbf16>,
        %add3A_1034 = arith.constant 1 : i32
        %add3A_1035 = arith.addi %add3A_1028, %add3A_1034 : i32
        %get3A_1036 = arith.index_cast %add3A_1035 : i32 to index
        %get3A_1037 = arith.constant 0 : index
        %get3A_1038 = tpu.vector_load %arg9[%get3A_1036, %get3A_1037] {strides = array<i32>} : memref<128x128xbf16, #tpu.memory_space<vmem>>, vector<32xbf16>,
        %mul3A_1039 = arith.mulf %get3A_1033, %get3A_1038 : vector<32xbf16>
        %unpack3A_1040 = tpu.unpack_subelements %mul3A_1039, 0 {pack_format = #tpu.pack_format<interleaved>} : vector<32xbf16> -> vector<16xf32>
        %unpack3A_1041 = tpu.unpack_subelements %mul3A_1039, 1 {pack_format = #tpu.pack_format<interleaved>} : vector<32xbf16> -> vector<16xf32>
        %add3A_1042 = arith.addf %broadcast_in_dim3A_1030, %unpack3A_1040 : vector<16xf32>
        %add3A_1043 = arith.addf %add3A_1042, %unpack3A_1041 : vector<16xf32>
        %get3A_1044 = arith.index_cast %add3A_1028 : i32 to index
        %get3A_1045 = arith.constant 32 : index
        %get3A_1046 = tpu.vector_load %arg9[%get3A_1044, %get3A_1045] {strides = array<i32>} : memref<128x128xbf16, #tpu.memory_space<vmem>>, vector<32xbf16>,
        %add3A_1047 = arith.constant 1 : i32
        %add3A_1048 = arith.addi %add3A_1028, %add3A_1047 : i32
        %get3A_1049 = arith.index_cast %add3A_1048 : i32 to index
        %get3A_1050 = arith.constant 32 : index
        %get3A_1051 = tpu.vector_load %arg9[%get3A_1049, %get3A_1050] {strides = array<i32>} : memref<128x128xbf16, #tpu.memory_space<vmem>>, vector<32xbf16>,
        %mul3A_1052 = arith.mulf %get3A_1046, %get3A_1051 : vector<32xbf16>
        %unpack3A_1053 = tpu.unpack_subelements %mul3A_1052, 0 {pack_format = #tpu.pack_format<interleaved>} : vector<32xbf16> -> vector<16xf32>
        %unpack3A_1054 = tpu.unpack_subelements %mul3A_1052, 1 {pack_format = #tpu.pack_format<interleaved>} : vector<32xbf16> -> vector<16xf32>
        %add3A_1055 = arith.addf %add3A_1043, %unpack3A_1053 : vector<16xf32>
        %add3A_1056 = arith.addf %add3A_1055, %unpack3A_1054 : vector<16xf32>
        %get3A_1057 = arith.index_cast %add3A_1028 : i32 to index
        %get3A_1058 = arith.constant 64 : index
        %get3A_1059 = tpu.vector_load %arg9[%get3A_1057, %get3A_1058] {strides = array<i32>} : memref<128x128xbf16, #tpu.memory_space<vmem>>, vector<32xbf16>,
        %add3A_1060 = arith.constant 1 : i32
        %add3A_1061 = arith.addi %add3A_1028, %add3A_1060 : i32
        %get3A_1062 = arith.index_cast %add3A_1061 : i32 to index
        %get3A_1063 = arith.constant 64 : index
        %get3A_1064 = tpu.vector_load %arg9[%get3A_1062, %get3A_1063] {strides = array<i32>} : memref<128x128xbf16, #tpu.memory_space<vmem>>, vector<32xbf16>,
        %mul3A_1065 = arith.mulf %get3A_1059, %get3A_1064 : vector<32xbf16>
        %unpack3A_1066 = tpu.unpack_subelements %mul3A_1065, 0 {pack_format = #tpu.pack_format<interleaved>} : vector<32xbf16> -> vector<16xf32>
        %unpack3A_1067 = tpu.unpack_subelements %mul3A_1065, 1 {pack_format = #tpu.pack_format<interleaved>} : vector<32xbf16> -> vector<16xf32>
        %add3A_1068 = arith.addf %add3A_1056, %unpack3A_1066 : vector<16xf32>
        %add3A_1069 = arith.addf %add3A_1068, %unpack3A_1067 : vector<16xf32>
        %get3A_1070 = arith.index_cast %add3A_1028 : i32 to index
        %get3A_1071 = arith.constant 96 : index
        %get3A_1072 = tpu.vector_load %arg9[%get3A_1070, %get3A_1071] {strides = array<i32>} : memref<128x128xbf16, #tpu.memory_space<vmem>>, vector<32xbf16>,
        %add3A_1073 = arith.constant 1 : i32
        %add3A_1074 = arith.addi %add3A_1028, %add3A_1073 : i32
        %get3A_1075 = arith.index_cast %add3A_1074 : i32 to index
        %get3A_1076 = arith.constant 96 : index
        %get3A_1077 = tpu.vector_load %arg9[%get3A_1075, %get3A_1076] {strides = array<i32>} : memref<128x128xbf16, #tpu.memory_space<vmem>>, vector<32xbf16>,
        %mul3A_1078 = arith.mulf %get3A_1072, %get3A_1077 : vector<32xbf16>
        %unpack3A_1079 = tpu.unpack_subelements %mul3A_1078, 0 {pack_format = #tpu.pack_format<interleaved>} : vector<32xbf16> -> vector<16xf32>
        %unpack3A_1080 = tpu.unpack_subelements %mul3A_1078, 1 {pack_format = #tpu.pack_format<interleaved>} : vector<32xbf16> -> vector<16xf32>
        %add3A_1081 = arith.addf %add3A_1069, %unpack3A_1079 : vector<16xf32>
        %add3A_1082 = arith.addf %add3A_1081, %unpack3A_1080 : vector<16xf32>
        %broadcast_in_dim3A_1083 = vector.shape_cast %xor3A_2 : vector<16xi32> to vector<16x1xi32>
        %gather3A = vector.shape_cast %broadcast_in_dim3A_1083 : vector<16x1xi32> to vector<16xi32>
        %gather3A_1084 = tpu.dynamic_gather %add3A_270[%gather3A] in [0] : vector<16xf32>, vector<16xi32> -> vector<16xf32>
        %select_n3A = arith.select %eq3A_15, %add3A_212, %gather3A_1084 : vector<16xi1>, vector<16xf32>
        %broadcast_in_dim3A_1085 = vector.shape_cast %xor3A_2 : vector<16xi32> to vector<16x1xi32>
        %gather3A_1086 = vector.shape_cast %broadcast_in_dim3A_1085 : vector<16x1xi32> to vector<16xi32>
        %gather3A_1087 = tpu.dynamic_gather %add3A_212[%gather3A_1086] in [0] : vector<16xf32>, vector<16xi32> -> vector<16xf32>
        %select_n3A_1088 = arith.select %eq3A_15, %gather3A_1087, %add3A_270 : vector<16xi1>, vector<16xf32>
        %add3A_1089 = arith.addf %select_n3A, %select_n3A_1088 : vector<16xf32>
        %broadcast_in_dim3A_1090 = vector.shape_cast %xor3A_2 : vector<16xi32> to vector<16x1xi32>
        %gather3A_1091 = vector.shape_cast %broadcast_in_dim3A_1090 : vector<16x1xi32> to vector<16xi32>
        %gather3A_1092 = tpu.dynamic_gather %add3A_386[%gather3A_1091] in [0] : vector<16xf32>, vector<16xi32> -> vector<16xf32>
        %select_n3A_1093 = arith.select %eq3A_15, %add3A_328, %gather3A_1092 : vector<16xi1>, vector<16xf32>
        %broadcast_in_dim3A_1094 = vector.shape_cast %xor3A_2 : vector<16xi32> to vector<16x1xi32>
        %gather3A_1095 = vector.shape_cast %broadcast_in_dim3A_1094 : vector<16x1xi32> to vector<16xi32>
        %gather3A_1096 = tpu.dynamic_gather %add3A_328[%gather3A_1095] in [0] : vector<16xf32>, vector<16xi32> -> vector<16xf32>
        %select_n3A_1097 = arith.select %eq3A_15, %gather3A_1096, %add3A_386 : vector<16xi1>, vector<16xf32>
        %add3A_1098 = arith.addf %select_n3A_1093, %select_n3A_1097 : vector<16xf32>
        %broadcast_in_dim3A_1099 = vector.shape_cast %xor3A_2 : vector<16xi32> to vector<16x1xi32>
        %gather3A_1100 = vector.shape_cast %broadcast_in_dim3A_1099 : vector<16x1xi32> to vector<16xi32>
        %gather3A_1101 = tpu.dynamic_gather %add3A_502[%gather3A_1100] in [0] : vector<16xf32>, vector<16xi32> -> vector<16xf32>
        %select_n3A_1102 = arith.select %eq3A_15, %add3A_444, %gather3A_1101 : vector<16xi1>, vector<16xf32>
        %broadcast_in_dim3A_1103 = vector.shape_cast %xor3A_2 : vector<16xi32> to vector<16x1xi32>
        %gather3A_1104 = vector.shape_cast %broadcast_in_dim3A_1103 : vector<16x1xi32> to vector<16xi32>
        %gather3A_1105 = tpu.dynamic_gather %add3A_444[%gather3A_1104] in [0] : vector<16xf32>, vector<16xi32> -> vector<16xf32>
        %select_n3A_1106 = arith.select %eq3A_15, %gather3A_1105, %add3A_502 : vector<16xi1>, vector<16xf32>
        %add3A_1107 = arith.addf %select_n3A_1102, %select_n3A_1106 : vector<16xf32>
        %broadcast_in_dim3A_1108 = vector.shape_cast %xor3A_2 : vector<16xi32> to vector<16x1xi32>
        %gather3A_1109 = vector.shape_cast %broadcast_in_dim3A_1108 : vector<16x1xi32> to vector<16xi32>
        %gather3A_1110 = tpu.dynamic_gather %add3A_618[%gather3A_1109] in [0] : vector<16xf32>, vector<16xi32> -> vector<16xf32>
        %select_n3A_1111 = arith.select %eq3A_15, %add3A_560, %gather3A_1110 : vector<16xi1>, vector<16xf32>
        %broadcast_in_dim3A_1112 = vector.shape_cast %xor3A_2 : vector<16xi32> to vector<16x1xi32>
        %gather3A_1113 = vector.shape_cast %broadcast_in_dim3A_1112 : vector<16x1xi32> to vector<16xi32>
        %gather3A_1114 = tpu.dynamic_gather %add3A_560[%gather3A_1113] in [0] : vector<16xf32>, vector<16xi32> -> vector<16xf32>
        %select_n3A_1115 = arith.select %eq3A_15, %gather3A_1114, %add3A_618 : vector<16xi1>, vector<16xf32>
        %add3A_1116 = arith.addf %select_n3A_1111, %select_n3A_1115 : vector<16xf32>
        %broadcast_in_dim3A_1117 = vector.shape_cast %xor3A_2 : vector<16xi32> to vector<16x1xi32>
        %gather3A_1118 = vector.shape_cast %broadcast_in_dim3A_1117 : vector<16x1xi32> to vector<16xi32>
        %gather3A_1119 = tpu.dynamic_gather %add3A_734[%gather3A_1118] in [0] : vector<16xf32>, vector<16xi32> -> vector<16xf32>
        %select_n3A_1120 = arith.select %eq3A_15, %add3A_676, %gather3A_1119 : vector<16xi1>, vector<16xf32>
        %broadcast_in_dim3A_1121 = vector.shape_cast %xor3A_2 : vector<16xi32> to vector<16x1xi32>
        %gather3A_1122 = vector.shape_cast %broadcast_in_dim3A_1121 : vector<16x1xi32> to vector<16xi32>
        %gather3A_1123 = tpu.dynamic_gather %add3A_676[%gather3A_1122] in [0] : vector<16xf32>, vector<16xi32> -> vector<16xf32>
        %select_n3A_1124 = arith.select %eq3A_15, %gather3A_1123, %add3A_734 : vector<16xi1>, vector<16xf32>
        %add3A_1125 = arith.addf %select_n3A_1120, %select_n3A_1124 : vector<16xf32>
        %broadcast_in_dim3A_1126 = vector.shape_cast %xor3A_2 : vector<16xi32> to vector<16x1xi32>
        %gather3A_1127 = vector.shape_cast %broadcast_in_dim3A_1126 : vector<16x1xi32> to vector<16xi32>
        %gather3A_1128 = tpu.dynamic_gather %add3A_850[%gather3A_1127] in [0] : vector<16xf32>, vector<16xi32> -> vector<16xf32>
        %select_n3A_1129 = arith.select %eq3A_15, %add3A_792, %gather3A_1128 : vector<16xi1>, vector<16xf32>
        %broadcast_in_dim3A_1130 = vector.shape_cast %xor3A_2 : vector<16xi32> to vector<16x1xi32>
        %gather3A_1131 = vector.shape_cast %broadcast_in_dim3A_1130 : vector<16x1xi32> to vector<16xi32>
        %gather3A_1132 = tpu.dynamic_gather %add3A_792[%gather3A_1131] in [0] : vector<16xf32>, vector<16xi32> -> vector<16xf32>
        %select_n3A_1133 = arith.select %eq3A_15, %gather3A_1132, %add3A_850 : vector<16xi1>, vector<16xf32>
        %add3A_1134 = arith.addf %select_n3A_1129, %select_n3A_1133 : vector<16xf32>
        %broadcast_in_dim3A_1135 = vector.shape_cast %xor3A_2 : vector<16xi32> to vector<16x1xi32>
        %gather3A_1136 = vector.shape_cast %broadcast_in_dim3A_1135 : vector<16x1xi32> to vector<16xi32>
        %gather3A_1137 = tpu.dynamic_gather %add3A_966[%gather3A_1136] in [0] : vector<16xf32>, vector<16xi32> -> vector<16xf32>
        %select_n3A_1138 = arith.select %eq3A_15, %add3A_908, %gather3A_1137 : vector<16xi1>, vector<16xf32>
        %broadcast_in_dim3A_1139 = vector.shape_cast %xor3A_2 : vector<16xi32> to vector<16x1xi32>
        %gather3A_1140 = vector.shape_cast %broadcast_in_dim3A_1139 : vector<16x1xi32> to vector<16xi32>
        %gather3A_1141 = tpu.dynamic_gather %add3A_908[%gather3A_1140] in [0] : vector<16xf32>, vector<16xi32> -> vector<16xf32>
        %select_n3A_1142 = arith.select %eq3A_15, %gather3A_1141, %add3A_966 : vector<16xi1>, vector<16xf32>
        %add3A_1143 = arith.addf %select_n3A_1138, %select_n3A_1142 : vector<16xf32>
        %broadcast_in_dim3A_1144 = vector.shape_cast %xor3A_2 : vector<16xi32> to vector<16x1xi32>
        %gather3A_1145 = vector.shape_cast %broadcast_in_dim3A_1144 : vector<16x1xi32> to vector<16xi32>
        %gather3A_1146 = tpu.dynamic_gather %add3A_1082[%gather3A_1145] in [0] : vector<16xf32>, vector<16xi32> -> vector<16xf32>
        %select_n3A_1147 = arith.select %eq3A_15, %add3A_1024, %gather3A_1146 : vector<16xi1>, vector<16xf32>
        %broadcast_in_dim3A_1148 = vector.shape_cast %xor3A_2 : vector<16xi32> to vector<16x1xi32>
        %gather3A_1149 = vector.shape_cast %broadcast_in_dim3A_1148 : vector<16x1xi32> to vector<16xi32>
        %gather3A_1150 = tpu.dynamic_gather %add3A_1024[%gather3A_1149] in [0] : vector<16xf32>, vector<16xi32> -> vector<16xf32>
        %select_n3A_1151 = arith.select %eq3A_15, %gather3A_1150, %add3A_1082 : vector<16xi1>, vector<16xf32>
        %add3A_1152 = arith.addf %select_n3A_1147, %select_n3A_1151 : vector<16xf32>
        %broadcast_in_dim3A_1153 = vector.shape_cast %xor3A_5 : vector<16xi32> to vector<16x1xi32>
        %gather3A_1154 = vector.shape_cast %broadcast_in_dim3A_1153 : vector<16x1xi32> to vector<16xi32>
        %gather3A_1155 = tpu.dynamic_gather %add3A_1098[%gather3A_1154] in [0] : vector<16xf32>, vector<16xi32> -> vector<16xf32>
        %select_n3A_1156 = arith.select %eq3A_21, %add3A_1089, %gather3A_1155 : vector<16xi1>, vector<16xf32>
        %broadcast_in_dim3A_1157 = vector.shape_cast %xor3A_5 : vector<16xi32> to vector<16x1xi32>
        %gather3A_1158 = vector.shape_cast %broadcast_in_dim3A_1157 : vector<16x1xi32> to vector<16xi32>
        %gather3A_1159 = tpu.dynamic_gather %add3A_1089[%gather3A_1158] in [0] : vector<16xf32>, vector<16xi32> -> vector<16xf32>
        %select_n3A_1160 = arith.select %eq3A_21, %gather3A_1159, %add3A_1098 : vector<16xi1>, vector<16xf32>
        %add3A_1161 = arith.addf %select_n3A_1156, %select_n3A_1160 : vector<16xf32>
        %broadcast_in_dim3A_1162 = vector.shape_cast %xor3A_5 : vector<16xi32> to vector<16x1xi32>
        %gather3A_1163 = vector.shape_cast %broadcast_in_dim3A_1162 : vector<16x1xi32> to vector<16xi32>
        %gather3A_1164 = tpu.dynamic_gather %add3A_1116[%gather3A_1163] in [0] : vector<16xf32>, vector<16xi32> -> vector<16xf32>
        %select_n3A_1165 = arith.select %eq3A_21, %add3A_1107, %gather3A_1164 : vector<16xi1>, vector<16xf32>
        %broadcast_in_dim3A_1166 = vector.shape_cast %xor3A_5 : vector<16xi32> to vector<16x1xi32>
        %gather3A_1167 = vector.shape_cast %broadcast_in_dim3A_1166 : vector<16x1xi32> to vector<16xi32>
        %gather3A_1168 = tpu.dynamic_gather %add3A_1107[%gather3A_1167] in [0] : vector<16xf32>, vector<16xi32> -> vector<16xf32>
        %select_n3A_1169 = arith.select %eq3A_21, %gather3A_1168, %add3A_1116 : vector<16xi1>, vector<16xf32>
        %add3A_1170 = arith.addf %select_n3A_1165, %select_n3A_1169 : vector<16xf32>
        %broadcast_in_dim3A_1171 = vector.shape_cast %xor3A_5 : vector<16xi32> to vector<16x1xi32>
        %gather3A_1172 = vector.shape_cast %broadcast_in_dim3A_1171 : vector<16x1xi32> to vector<16xi32>
        %gather3A_1173 = tpu.dynamic_gather %add3A_1134[%gather3A_1172] in [0] : vector<16xf32>, vector<16xi32> -> vector<16xf32>
        %select_n3A_1174 = arith.select %eq3A_21, %add3A_1125, %gather3A_1173 : vector<16xi1>, vector<16xf32>
        %broadcast_in_dim3A_1175 = vector.shape_cast %xor3A_5 : vector<16xi32> to vector<16x1xi32>
        %gather3A_1176 = vector.shape_cast %broadcast_in_dim3A_1175 : vector<16x1xi32> to vector<16xi32>
        %gather3A_1177 = tpu.dynamic_gather %add3A_1125[%gather3A_1176] in [0] : vector<16xf32>, vector<16xi32> -> vector<16xf32>
        %select_n3A_1178 = arith.select %eq3A_21, %gather3A_1177, %add3A_1134 : vector<16xi1>, vector<16xf32>
        %add3A_1179 = arith.addf %select_n3A_1174, %select_n3A_1178 : vector<16xf32>
        %broadcast_in_dim3A_1180 = vector.shape_cast %xor3A_5 : vector<16xi32> to vector<16x1xi32>
        %gather3A_1181 = vector.shape_cast %broadcast_in_dim3A_1180 : vector<16x1xi32> to vector<16xi32>
        %gather3A_1182 = tpu.dynamic_gather %add3A_1152[%gather3A_1181] in [0] : vector<16xf32>, vector<16xi32> -> vector<16xf32>
        %select_n3A_1183 = arith.select %eq3A_21, %add3A_1143, %gather3A_1182 : vector<16xi1>, vector<16xf32>
        %broadcast_in_dim3A_1184 = vector.shape_cast %xor3A_5 : vector<16xi32> to vector<16x1xi32>
        %gather3A_1185 = vector.shape_cast %broadcast_in_dim3A_1184 : vector<16x1xi32> to vector<16xi32>
        %gather3A_1186 = tpu.dynamic_gather %add3A_1143[%gather3A_1185] in [0] : vector<16xf32>, vector<16xi32> -> vector<16xf32>
        %select_n3A_1187 = arith.select %eq3A_21, %gather3A_1186, %add3A_1152 : vector<16xi1>, vector<16xf32>
        %add3A_1188 = arith.addf %select_n3A_1183, %select_n3A_1187 : vector<16xf32>
        %broadcast_in_dim3A_1189 = vector.shape_cast %xor3A_8 : vector<16xi32> to vector<16x1xi32>
        %gather3A_1190 = vector.shape_cast %broadcast_in_dim3A_1189 : vector<16x1xi32> to vector<16xi32>
        %gather3A_1191 = tpu.dynamic_gather %add3A_1170[%gather3A_1190] in [0] : vector<16xf32>, vector<16xi32> -> vector<16xf32>
        %select_n3A_1192 = arith.select %eq3A_27, %add3A_1161, %gather3A_1191 : vector<16xi1>, vector<16xf32>
        %broadcast_in_dim3A_1193 = vector.shape_cast %xor3A_8 : vector<16xi32> to vector<16x1xi32>
        %gather3A_1194 = vector.shape_cast %broadcast_in_dim3A_1193 : vector<16x1xi32> to vector<16xi32>
        %gather3A_1195 = tpu.dynamic_gather %add3A_1161[%gather3A_1194] in [0] : vector<16xf32>, vector<16xi32> -> vector<16xf32>
        %select_n3A_1196 = arith.select %eq3A_27, %gather3A_1195, %add3A_1170 : vector<16xi1>, vector<16xf32>
        %add3A_1197 = arith.addf %select_n3A_1192, %select_n3A_1196 : vector<16xf32>
        %broadcast_in_dim3A_1198 = vector.shape_cast %xor3A_8 : vector<16xi32> to vector<16x1xi32>
        %gather3A_1199 = vector.shape_cast %broadcast_in_dim3A_1198 : vector<16x1xi32> to vector<16xi32>
        %gather3A_1200 = tpu.dynamic_gather %add3A_1188[%gather3A_1199] in [0] : vector<16xf32>, vector<16xi32> -> vector<16xf32>
        %select_n3A_1201 = arith.select %eq3A_27, %add3A_1179, %gather3A_1200 : vector<16xi1>, vector<16xf32>
        %broadcast_in_dim3A_1202 = vector.shape_cast %xor3A_8 : vector<16xi32> to vector<16x1xi32>
        %gather3A_1203 = vector.shape_cast %broadcast_in_dim3A_1202 : vector<16x1xi32> to vector<16xi32>
        %gather3A_1204 = tpu.dynamic_gather %add3A_1179[%gather3A_1203] in [0] : vector<16xf32>, vector<16xi32> -> vector<16xf32>
        %select_n3A_1205 = arith.select %eq3A_27, %gather3A_1204, %add3A_1188 : vector<16xi1>, vector<16xf32>
        %add3A_1206 = arith.addf %select_n3A_1201, %select_n3A_1205 : vector<16xf32>
        %broadcast_in_dim3A_1207 = vector.shape_cast %xor3A_11 : vector<16xi32> to vector<16x1xi32>
        %gather3A_1208 = vector.shape_cast %broadcast_in_dim3A_1207 : vector<16x1xi32> to vector<16xi32>
        %gather3A_1209 = tpu.dynamic_gather %add3A_1206[%gather3A_1208] in [0] : vector<16xf32>, vector<16xi32> -> vector<16xf32>
        %select_n3A_1210 = arith.select %eq3A_33, %add3A_1197, %gather3A_1209 : vector<16xi1>, vector<16xf32>
        %broadcast_in_dim3A_1211 = vector.shape_cast %xor3A_11 : vector<16xi32> to vector<16x1xi32>
        %gather3A_1212 = vector.shape_cast %broadcast_in_dim3A_1211 : vector<16x1xi32> to vector<16xi32>
        %gather3A_1213 = tpu.dynamic_gather %add3A_1197[%gather3A_1212] in [0] : vector<16xf32>, vector<16xi32> -> vector<16xf32>
        %select_n3A_1214 = arith.select %eq3A_33, %gather3A_1213, %add3A_1206 : vector<16xi1>, vector<16xf32>
        %add3A_1215 = arith.addf %select_n3A_1210, %select_n3A_1214 : vector<16xf32>
        %neg3A = arith.constant 0.000000e+00 : f32
        %neg3A_1216 = vector.broadcast %neg3A : f32 to vector<16xf32>
        %neg3A_1217 = arith.subf %neg3A_1216, %add3A_1215 : vector<16xf32>
        %exp3A = math.exp %neg3A_1217 : vector<16xf32>
        %add3A_1218 = arith.constant 1.000000e+00 : f32
        %add3A_1219 = vector.broadcast %add3A_1218 : f32 to vector<16xf32>
        %add3A_1220 = arith.addf %add3A_1219, %exp3A : vector<16xf32>
        %div3A = arith.constant 1.000000e+00 : f32
        %div3A_1221 = vector.broadcast %div3A : f32 to vector<16xf32>
        %div3A_1222 = arith.divf %div3A_1221, %add3A_1220 : vector<16xf32>
        %mul3A_1223 = arith.constant 64 : i32
        %mul3A_1224 = arith.muli %add3A_137, %mul3A_1223 : i32
        %mul3A_1225 = arith.constant 16 : i32
        %mul3A_1226 = arith.muli %scan3A_157, %mul3A_1225 : i32
        %add3A_1227 = arith.addi %mul3A_1224, %mul3A_1226 : i32
        %swap3A = arith.index_cast %add3A_1227 : i32 to index
        %swap3A_1228 = tpu.vector_load %arg10[%swap3A] {strides = array<i32>} : memref<10240xf32, #tpu.memory_space<vmem>>, vector<16xf32>,
        tpu.vector_store %arg10[%swap3A], %div3A_1222 {strides = array<i32>} : memref<10240xf32, #tpu.memory_space<vmem>>, vector<16xf32>,
      }
      %scan3A_149 = arith.constant 4 : i32
      %add3A_150 = arith.constant 4 : i32
      %add3A_151 = arith.addi %add3A_137, %add3A_150 : i32
      %lt3A_152 = arith.constant 160 : i32
      %lt3A_153 = arith.cmpi slt, %add3A_151, %lt3A_152 : i32
      %convert_element_type3A_154 = arith.extui %lt3A_153 : i1 to i32
      %cond3A_155 = arith.constant 0 : i32
      %cond3A_156 = arith.cmpi ne, %convert_element_type3A_154, %cond3A_155 : i32
      scf.if %cond3A_156 {
        %add3A_157 = arith.constant 4 : i32
        %add3A_158 = arith.addi %add3A_137, %add3A_157 : i32
        %dma_start3A_159 = arith.constant 0 : i32
        %dma_start3A_160 = tpu.memref_slice %arg5[%add3A_158, %dma_start3A_159] : memref<160x128xi32, #tpu.memory_space<vmem>> -> memref<1x128xi32, #tpu.memory_space<vmem>>
        %dma_start3A_161 = tpu.memref_squeeze %dma_start3A_160 : memref<1x128xi32, #tpu.memory_space<vmem>> -> memref<128xi32, #tpu.memory_space<vmem>>
        %dma_start3A_162 = arith.constant 0 : i32
        %dma_start3A_163 = arith.constant 0 : i32
        %dma_start3A_164 = tpu.memref_slice %arg2[%dma_start3A_162, %dma_start3A_163] : memref<10000x128xbf16, #tpu.memory_space<hbm>> -> memref<10000x128xbf16, #tpu.memory_space<hbm>>
        tpu.enqueue_indirect_dma source(%dma_start3A_164 : memref<10000x128xbf16, #tpu.memory_space<hbm>>) target(%arg9 : memref<128x128xbf16, #tpu.memory_space<vmem>>) offsets(%dma_start3A_161 : memref<128xi32, #tpu.memory_space<vmem>>) semaphore(%arg14 : memref<!tpu.dma_semaphore, #tpu.memory_space<semaphore_mem>>)
      } else {
      }
    }
    %scan3A_65 = arith.constant 40 : i32
    %mul3A_66 = arith.constant 10000 : i32
    %mul3A_67 = arith.muli %add3A, %mul3A_66 : i32
    "tpu.region"() ({
      %run_scoped3A = tpu.sem_alloc : memref<!tpu.dma_semaphore, #tpu.memory_space<semaphore_mem>>
      %dma_start3A_68 = arith.constant 0 : i32
      %dma_start3A_69 = tpu.memref_slice %arg10[%dma_start3A_68] : memref<10240xf32, #tpu.memory_space<vmem>> -> memref<10000xf32, #tpu.memory_space<vmem>>
      %dma_start3A_70 = tpu.memref_slice %arg4[%mul3A_67] : memref<320000xf32, #tpu.memory_space<hbm>> -> memref<10000xf32, #tpu.memory_space<hbm>>
      %dma_start3A_71 = tpu.memref_slice %arg4[%mul3A_67] : memref<320000xf32, #tpu.memory_space<hbm>> -> memref<10000xf32, #tpu.memory_space<hbm>>
      %dma_start3A_72 = arith.constant 0 : i32
      %dma_start3A_73 = tpu.memref_slice %arg10[%dma_start3A_72] : memref<10240xf32, #tpu.memory_space<vmem>> -> memref<10000xf32, #tpu.memory_space<vmem>>
      tpu.enqueue_dma source(%dma_start3A_73 : memref<10000xf32, #tpu.memory_space<vmem>>) target(%dma_start3A_71 : memref<10000xf32, #tpu.memory_space<hbm>>) target_semaphore(%run_scoped3A : memref<!tpu.dma_semaphore, #tpu.memory_space<semaphore_mem>>)
      %dma_wait3A = arith.constant 0 : i32
      %dma_wait3A_74 = tpu.memref_slice %arg10[%dma_wait3A] : memref<10240xf32, #tpu.memory_space<vmem>> -> memref<10000xf32, #tpu.memory_space<vmem>>
      %dma_wait3A_75 = tpu.memref_slice %arg4[%mul3A_67] : memref<320000xf32, #tpu.memory_space<hbm>> -> memref<10000xf32, #tpu.memory_space<hbm>>
      %dma_wait3A_76 = tpu.memref_slice %arg4[%mul3A_67] : memref<320000xf32, #tpu.memory_space<hbm>> -> memref<10000xf32, #tpu.memory_space<hbm>>
      %dma_wait3A_77 = arith.constant 0 : i32
      %dma_wait3A_78 = tpu.memref_slice %arg10[%dma_wait3A_77] : memref<10240xf32, #tpu.memory_space<vmem>> -> memref<10000xf32, #tpu.memory_space<vmem>>
      tpu.wait_dma2 semaphore(%run_scoped3A : memref<!tpu.dma_semaphore, #tpu.memory_space<semaphore_mem>>) src(%dma_wait3A_78 : memref<10000xf32, #tpu.memory_space<vmem>>) dst(%dma_wait3A_76 : memref<10000xf32, #tpu.memory_space<hbm>>)
      tpu.yield
    }) : () -> ()
    return
  }
}

</mosaic_0001>

<sc_bundles>
// kernel: _decode.3.cloned.1.call-start
scs
__scs_entry_jumppad:
0x0: {  	(pc) =	sbr.rel $0x88, $3  }
0x1: {  	(tag) =	ssettag $0x0;
	lr =	simm.s32 $0x1  }
0x2: {  	[smem:$0x3F9F] =	sst lr;
	_ =	strace $0xD0000000  }
0x3: {  	_ = 	snop  }
0x4: {  	_ = 	snop  }
0x5: {  	_ = 	snop  }
0x6: {  	_ = 	snop  }
0x7: {  	_ = 	snop  }
__scs_overlays_trampoline_lowered:
0x8: {  	[smem:$0x3FAE] =	sst s0  }
0x9: {  	[smem:$0x3FAF] =	sst s1  }
0xa: {  	[smem:$0x3FB0] =	sst s2  }
0xb: {  	[smem:$0x3FB1] =	sst s3  }
0xc: {  	[smem:$0x3FB2] =	sst s4  }
0xd: {  	[smem:$0x3FB3] =	sst s5  }
0xe: {  	[smem:$0x3FB4] =	sst s6  }
0xf: {  	[smem:$0x3FB5] =	sst s7  }
0x10: {  	[smem:$0x3FB6] =	sst s8  }
0x11: {  	[smem:$0x3FB7] =	sst s9;
	s0 =	simm.s32 @!p0 $0x0  }
0x12: {  	s1 =	sld [smem:$0x3F9D];
	s0 =	simm.s32 @p0 $0x1  }
0x13: {  	[smem:$0x3FB8] =	sst s0;
	s0 =	simm.s32 @!p1 $0x0  }
0x14: {  	s2 =	sld [smem:$0x3F9C];
	s0 =	simm.s32 @p1 $0x1  }
0x15: {  	[smem:$0x3FB9] =	sst s0;
	s0 =	simm.s32 @!p2 $0x0  }
0x16: {  	s3 =	sld [smem:$0x3FDB];
	s0 =	simm.s32 @p2 $0x1  }
0x17: {  	s4 =	simm.s32 $0x1BF5;
	[smem:$0x3FBB] =	sst s0  }
0x18: {  	s0 =	sld [smem:$0x3F9E];
	_ =	swait.ge [sflag:s4], $0x0  }
0x19: {  	s7 =	sld [smem:$0x3F9F]  }
0x1a: {  	s8 =	sadd.s32 $0xFFFFE003, lr  }
0x1b: {  	s9 =	sadd.s32 $0xFFFFFEF7, lr;
	s5 =	simm.s32 $0xFFFFFFFF;
	p2 =	slt.u32 s8, $0xFFFFF086  }
0x1c: {  	p1 =	slt.u32 s9, $0xF7A;
	s5 =	simm.s32 @!p2 $0x0  }
0x1d: {  	s5 =	simm.s32 @p1 $0x1;
	p0 =	seq.s32 s7, s2  }
0x1e: {  	s7 =	smul.u32 @!p0 $0xF7A, s2;
	p2 =	seq.s32 @!p0 s5, $0x0  }
0x1f: {  	s9 =	smul.u32 $0xF7A, s1;
	s8 =	simm.s32 @!p0 $0x1BF5;
	p2 =	por !p2, p0  }
0x20: {  	[sflag:s8] =	ssyncset.s32 @!p0 $0xFFFFF086;
	s6 =	sadd.s32 @!p0 s3, s7;
	s7 =	simm.s32 @!p0 $0x108  }
0x21: {  	s3 =	sadd.s32 s3, s9;
	s6 =	sadd.s32 @!p0 $0x88, s6;
	s7 =	simm.s32 @p2 $0x1082  }
0x22: {  	[simem:s7], [sflag:s8] =	dma.local @!p0 [hbm:s6], $0xF7A  }
0x23: {  	s9 =	sor.u32 $0xD0000000, s2;
	s6 =	simm.s32 $0x108;
	_ =	swait.ge @!p0 [sflag:s8], $0x0  }
0x24: {  	s3 =	sadd.s32 $0x88, s3;
	s6 =	simm.s32 @!p1 $0x1082;
	[sflag:s4] =	ssyncset.s32 $0xFFFFF086  }
0x25: {  	[simem:s6], [sflag:s4] =	dma.local [hbm:s3], $0xF7A  }
0x26: {  	[smem:$0x3F9F] =	sst s1;
	(tag) =	ssettag s2;
	_ =	strace s9  }
0x27: {  	s1 =	sld [smem:$0x3FAF]  }
0x28: {  	s2 =	sld [smem:$0x3FB0]  }
0x29: {  	s4 =	sld [smem:$0x3FB2]  }
0x2a: {  	p0 =	seq.s32 s5, $0x0;
	s5 =	sld [smem:$0x3FB3]  }
0x2b: {  	s6 =	sld [smem:$0x3FB4]  }
0x2c: {  	s7 =	sld [smem:$0x3FB5]  }
0x2d: {  	s3 =	simm.s32 $0x108;
	s8 =	sld [smem:$0x3FB6]  }
0x2e: {  	s3 =	simm.s32 @!p0 $0x1082;
	s9 =	sld [smem:$0x3FB7]  }
0x2f: {  	lr =	sadd.s32 s0, s3;
	s0 =	sld [smem:$0x3FAE]  }
0x30: {  	s3 =	sld [smem:$0x3FB1]  }
0x31: {  	[smem:$0x3FBA] =	sst s10  }
0x32: {  	s10 =	sld [smem:$0x3FB8];
	_ =	sdelay $0x3  }
0x33: {  	p0 =	seq.s32 s10, $0x1;
	s10 =	sld [smem:$0x3FBA];
	_ =	sdelay $0x3  }
0x34: {  	[smem:$0x3FBA] =	sst s10  }
0x35: {  	s10 =	sld [smem:$0x3FB9];
	_ =	sdelay $0x3  }
0x36: {  	p1 =	seq.s32 s10, $0x1;
	s10 =	sld [smem:$0x3FBA];
	_ =	sdelay $0x3  }
0x37: {  	[smem:$0x3FBA] =	sst s10  }
0x38: {  	s10 =	sld [smem:$0x3FBB]  }
0x39: {  	_ = 	snop;
	(pc) =	sbr.ind lr, $3  }
0x3a: {  	_ = 	snop  }
0x3b: {  	_ = 	snop  }
0x3c: {  	p2 =	seq.s32 s10, $0x1;
	s10 =	sld [smem:$0x3FBA]  }
0x3d: {  	_ =	shalt  }
0x3e: {  	_ =	shalt  }
0x3f: {  	_ =	shalt  }
0x40: {  	_ =	shalt  }
0x41: {  	_ =	shalt  }
0x42: {  	_ =	shalt  }
0x43: {  	_ =	shalt  }
0x44: {  	_ =	shalt  }
0x45: {  	_ =	shalt  }
0x46: {  	_ =	shalt  }
0x47: {  	_ =	shalt  }
0x48: {  	_ =	shalt  }
0x49: {  	_ =	shalt  }
0x4a: {  	_ =	shalt  }
0x4b: {  	_ =	shalt  }
0x4c: {  	_ =	shalt  }
0x4d: {  	_ =	shalt  }
0x4e: {  	_ =	shalt  }
0x4f: {  	_ =	shalt  }
0x50: {  	_ =	shalt  }
0x51: {  	_ =	shalt  }
0x52: {  	_ =	shalt  }
0x53: {  	_ =	shalt  }
0x54: {  	_ =	shalt  }
0x55: {  	_ =	shalt  }
0x56: {  	_ =	shalt  }
0x57: {  	_ =	shalt  }
0x58: {  	_ =	shalt  }
0x59: {  	_ =	shalt  }
0x5a: {  	_ =	shalt  }
0x5b: {  	_ =	shalt  }
0x5c: {  	_ =	shalt  }
0x5d: {  	_ =	shalt  }
0x5e: {  	_ =	shalt  }
0x5f: {  	_ =	shalt  }
0x60: {  	_ =	shalt  }
0x61: {  	_ =	shalt  }
0x62: {  	_ =	shalt  }
0x63: {  	_ =	shalt  }
0x64: {  	_ =	shalt  }
0x65: {  	_ =	shalt  }
0x66: {  	_ =	shalt  }
0x67: {  	_ =	shalt  }
0x68: {  	_ =	shalt  }
0x69: {  	_ =	shalt  }
0x6a: {  	_ =	shalt  }
0x6b: {  	_ =	shalt  }
0x6c: {  	_ =	shalt  }
0x6d: {  	_ =	shalt  }
0x6e: {  	_ =	shalt  }
0x6f: {  	_ =	shalt  }
0x70: {  	_ =	shalt  }
0x71: {  	_ =	shalt  }
0x72: {  	_ =	shalt  }
0x73: {  	_ =	shalt  }
0x74: {  	_ =	shalt  }
0x75: {  	_ =	shalt  }
0x76: {  	_ =	shalt  }
0x77: {  	_ =	shalt  }
0x78: {  	_ =	shalt  }
0x79: {  	_ =	shalt  }
0x7a: {  	_ =	shalt  }
0x7b: {  	_ =	shalt  }
0x7c: {  	_ =	shalt  }
0x7d: {  	_ =	shalt  }
0x7e: {  	_ =	shalt  }
0x7f: {  	_ =	shalt  }
0x80: {  	_ =	shalt  }
0x81: {  	_ =	shalt  }
0x82: {  	_ =	shalt  }
0x83: {  	_ =	shalt  }
0x84: {  	_ =	shalt  }
0x85: {  	_ =	shalt  }
0x86: {  	_ =	shalt  }
0x87: {  	_ =	shalt  }
.Lfunc_end0:
.L_simem_size_0:
called_computation_lowered:
.L_overlay_start_0:
0x88: {  	s2 =	sld [smem:$0x3FD9]  }
0x89: {  	s3 =	sld [smem:$0x3FFE];
	_ =	sdelay $0x1  }
0x8a: {  	s1 =	srdreg.scid  }
0x8b: {  	s0 =	sand.u32 $0x1, s1  }
0x8c: {  	s17 =	sshll.u32 s0, $0xA;
	s2 =	sadd.s32 s3, s2  }
0x8d: {  	s2 =	sadd.s32 s2, s17  }
0x8e: {  	[smem:$0x3FC6] =	sst s2  }
0x8f: {  	_ = 	snop  }
0x90: {  	s2 =	sld [smem:$0x3FC8]  }
0x91: {  	s18 =	sld [smem:$0x3FD0];
	(tm) =	ssettm $0x1  }
0x92: {  	s4 =	sld [smem:$0x3FFB];
	_ =	sdelay $0x3  }
0x93: {  	_ =	strace s4  }
0x94: {  	s4 =	sld [smem:$0x3FFC];
	_ =	sdelay $0x3  }
0x95: {  	_ =	strace s4  }
0x96: {  	s4 =	sld [smem:$0x3FFD];
	_ =	sdelay $0x3  }
0x97: {  	_ =	strace s4  }
0x98: {  	_ =	strace $0x8FFFFFFF  }
0x99: {  	s19 =	sld [smem:$0x3FDB];
	_ =	sdelay $0x1  }
0x9a: {  	s5 =	simm.s32 $_scs_section_size  }
0x9b: {  	s6 =	simm.s32 $_size__tile_overlayer_lowered;
	s7 =	simm.s32 $_tile_overlayer_lowered  }
0x9c: {  	s22 =	simm.s32 $0x1BFF;
	s21 =	sshll.u32 s7, $0x1;
	s4 =	sadd.s32 s5, s19  }
0x9d: {  	s8 =	simm.s32 $0x0;
	s20 =	sshll.u32 s6, $0x1;
	s6 =	sadd.s32 s21, s4  }
0x9e: {  	[timem:s8], [sflag:s22] =	dma.local [hbm:s6], s20  }
0x9f: {  	_ =	swait.ge [sflag:s22], s20  }
0xa0: {  	s5 =	ssub.s32 $0x0, s20;
	[sflag:s22] =	ssyncset.done $0x0  }
0xa1: {  	[sflag:s22] =	ssyncadd.s32 s5;
	_ =	sdelay $0x1  }
0xa2: {  	s23 =	simm.s32 $0x1B8B  }
0xa3: {  	_ =	swait.ge [sflag:s23], $0x1  }
0xa4: {  	[sflag:s23] =	ssyncset.done $0x0  }
0xa5: {  	s25 =	simm.s32 $0x1B8E;
	s24 =	sld [smem:$0x3FFE];
	[sflag:s23] =	ssyncadd.s32 $0xFFFFFFFF  }
0xa6: {  	s26 =	simm.s32 $execute0_lowered;
	[smem:$0x3FD2] =	sst s25  }
0xa7: {  	s6 =	sshll.u32 s26, $0x1;
	_ =	strace $0x80000046;
	[dreg:$0x1] =	wrdreg $0xFFFFFFFF  }
0xa8: {  	s28 =	simm.s32 $_size_execute0_lowered;
	s4 =	sadd.s32 s4, s6;
	[dreg:$0x0] =	wrdreg $0x0  }
0xa9: {  	s6 =	sshll.u32 s28, $0x1;
	[dreg:$0x2] =	wrdreg s4  }
0xaa: {  	[dreg:$0x3] =	wrdreg s6  }
0xab: {  	[dreg:$0x4] =	wrdreg $0xC0  }
0xac: {  	_ =	task [dreg:s8], $0x5FFFF  }
0xad: {  	[dreg:$0x1] =	wrdreg $0xFFFFFFFF  }
0xae: {  	[dreg:$0x0] =	wrdreg $0x60  }
0xaf: {  	[dreg:$0x2] =	wrdreg s24  }
0xb0: {  	[dreg:$0x3] =	wrdreg s2  }
0xb1: {  	[dreg:$0x4] =	wrdreg s18  }
0xb2: {  	[dreg:$0x5] =	wrdreg $0x9  }
0xb3: {  	_ =	task.clear_ibuf [dreg:s8], $0x6FFFF;
	_ =	strace $0x90000046  }
0xb4: {  	s29 =	simm.s32 $0x9;
	_ =	strace $0x80000048  }
0xb5: {  	_ =	swait.ge [sflag:s29], $0x1  }
0xb6: {  	[sflag:s29] =	ssyncadd.s32 $0xFFFFFFFF  }
0xb7: {  	_ =	strace $0x90000048  }
0xb8: {  	_ =	sfence  }
0xb9: {  	s30 =	sld [smem:$0x0];
	_ =	sdelay $0x2  }
0xba: {  	s31 =	sshll.u32 s1, $0xD;
	s1 =	sshrl.u32 s1, $0x2  }
0xbb: {  	s3 =	sand.u32 $0x4000, s31;
	s1 =	sadd.s32 s1, s30  }
0xbc: {  	s0 =	sor.u32 s3, s0;
	s1 =	sshll.u32 s1, $0x11  }
0xbd: {  	s0 =	sor.u32 s1, s0  }
0xbe: {  	s0 =	sadd.s32 $0x8F2B, s0  }
0xbf: {  	[sflag:s0] =	ssyncadd.remote.s32 $0x1  }
0xc0: {  	_ =	sfence.sel $0xFFFF  }
0xc1: {  	[dreg:$0x0] =	wrdreg $0xFFFFFFFF;
	(pc) =	sbr.abs _section_cstart, $3  }
0xc2: {  	[dreg:$0x1] =	wrdreg $0xFFFFFFFF  }
0xc3: {  	_ =	task.clear_ibuf [dreg:s8], $0x2FFFF;
	_ =	strace $0x9FFFFFFF  }
0xc4: {  	(tm) =	ssettm $0x7FFFFFFF  }
0xc5: {  	_ =	shalt  }
tec
execute0_lowered:
.L_overlay_start_1:
0x0: {  	(tag) =	ssettag $0x1  }
0x1: {  	v0 =	vimm.s32 $0xEFCDAB89  }
0x2: {  	vm0 =	vcmask $0xB08;
	vm1 =	vcmask $0x300;
	v1 =	vimm.s32 $0x67452301  }
0x3: {  	v2 =	vimm.s32 $0xDCFE98BA;
	v3 =	vimm.s32 $0x54761032;
	vm2 =	vcmask $0x700  }
0x4: {  	vm3 =	vcmask $0x3B38;
	v4 =	vimm.s32 $0xFEDCBA98;
	v5 =	vimm.s32 $0x76543210  }
0x5: {  	v0 =	vunpack.c.l.s4.s8 v0;
	vm0 =	vmor vm1, vm0;
	vm1 =	vcmask $0x1310  }
0x6: {  	v1 =	vunpack.c.l.s4.s8 v1;
	v2 =	vunpack.c.l.s4.s8 v2;
	v3 =	vunpack.c.l.s4.s8 v3  }
0x7: {  	v4 =	vunpack.c.l.s4.s8 v4;
	vm0 =	vmor vm0, vm1;
	vm1 =	vcmask $0x1B18  }
0x8: {  	s3 =	rddreg [dreg:$0x0];
	v0 =	vunpack.c.0.s8.s32 v0;
	vm0 =	vmor vm0, vm1;
	vm1 =	vcmask $0x2320  }
0x9: {  	s1 =	srdreg.scid;
	s4 =	rddreg [dreg:$0x1];
	v1 =	vunpack.c.0.s8.s32 v1;
	vm0 =	vmor vm0, vm1;
	vm1 =	vcmask $0x2B28  }
0xa: {  	s0 =	stileid.u32;
	s6 =	rddreg [dreg:$0x2];
	s10 =	simm.s32 $0x7000;
	v4 =	vunpack.c.0.s8.s32 v4;
	vm0 =	vmor vm0, vm1;
	vm1 =	vcmask $0x3330  }
0xb: {  	s11 =	simm.s32 $0x100;
	s12 =	simm.s32 $0x9000;
	s13 =	simm.s32 $0x180;
	v0 =	vcombine.low v1, v0;
	v1 =	vunpack.c.0.s8.s32 v2;
	v2 =	vunpack.c.0.s8.s32 v3  }
0xc: {  	s14 =	simm.s32 $0xB000;
	s15 =	simm.s32 $0x1;
	s16 =	simm.s32 $0x2;
	v3 =	vimm.s32 $0x32107654;
	vm0 =	vmor vm0, vm1;
	vm1 =	vcmask $0x1710  }
0xd: {  	s17 =	simm.s32 $0x3;
	s5 =	sand.u32 $0x1, s1;
	s2 =	sshll.u32 s0, $0x1;
	v3 =	vunpack.c.l.s4.s8 v3;
	v1 =	vcombine.low v2, v1;
	v2 =	vimm.s32 $0xBA98FEDC  }
0xe: {  	s18 =	simm.s32 $0x4;
	s19 =	simm.s32 $0xD000;
	s7 =	sor.u32 s5, s2;
	vm1 =	vmor vm2, vm1;
	vm2 =	vcmask $0x2720;
	v2 =	vunpack.c.l.s4.s8 v2  }
0xf: {  	s20 =	simm.s32 $0x0;
	s1 =	simm.s32 $0x0;
	v5 =	vunpack.c.l.s4.s8 v5;
	s8 =	smul.u32 $0xA00, s7;
	v4 =	vand.u32 $0xF, v4;
	vm1 =	vmor vm1, vm2  }
.Ltmp0:
0x10: {  	s3 =	sadd.s32 $0x400, s3;
	s5 =	ssub.s32 $0x2, s5;
	vm2 =	vcmask $0x3730;
	v3 =	vunpack.c.0.s8.s32 v3;
	v2 =	vunpack.c.0.s8.s32 v2;
	(pc) =	sbr.rel .LBB2_1-.Ltmp0, $4  }
0x11: {  	[smem:$0x7FF] =	sst s1;
	s7 =	smul.u32 $0x4E2, s7;
	s9 =	sshrl.u32 s5, $0x1;
	vm0 =	vmor vm0, vm3;
	vm3 =	vcmask $0xF00;
	vm1 =	vmor vm1, vm2  }
0x12: {  	s2 =	rddreg [dreg:$0x3];
	_ =	strace $0x80000047;
	s9 =	ssub.s32 s5, s9;
	vm2 =	vcmask $0x2F20;
	v2 =	vcombine.low v3, v2;
	v3 =	vunpack.c.0.s8.s32 v5  }
0x13: {  	s4 =	sadd.s32 s4, s8;
	s5 =	sadd.s32 s6, s7;
	s6 =	smax.u32 s9, $0x1;
	v0 =	vand.u32 $0xF, v0;
	v1 =	vand.u32 $0xF, v1;
	vm2 =	vmor vm3, vm2  }
0x14: {  	s7 =	simm.s32 $0x5;
	s8 =	simm.s32 $0x80;
	s9 =	simm.s32 $0x5000;
	vm3 =	vmmov $0xff;
	v2 =	vand.u32 $0xF, v2;
	v3 =	vcombine.low v4, v3  }
.LBB2_12:
0x15: {  	s20 =	sadd.s32 $0x1, s20  }
0x16: {  	p0 =	sne.s32 s20, s6  }
.Ltmp1:
0x17: {  	_ = 	snop;
	(pc) =	sbr.rel @!p0 .LBB2_13-.Ltmp1, $4  }
0x18: {  	[hbm4b:s5+s1] =	stream.linear.scatter [tilespmem:s19], [sflag:$0x5], $0x2710, $0x38;
	[tilespmem:$0xF800] =	vst v63  }
0x19: {  	_ =	swait.ge [sflag:s7], $0x2710  }
0x1a: {  	[sflag:s7] =	ssyncset.done $0x0  }
0x1b: {  	[sflag:s7] =	ssyncadd.s32 $0xFFFFD8F0  }
.LBB2_1:
0x1c: {  	[tilespmem:s1], [sflag:$0x5] =	stream.linear.gather [hbm4b:s4+s1], $0x5000, $0x38;
	[tilespmem:$0xF800] =	vst v63  }
0x1d: {  	_ =	swait.ge [sflag:s7], $0x5000  }
0x1e: {  	[sflag:s7] =	ssyncset.done $0x0  }
0x1f: {  	[sflag:s7] =	ssyncadd.s32 $0xFFFFB000  }
0x20: {  	[tilespmem:s9], [sflag:$0x1] =	stream.indirect.gather [hbm4b:s3+s8], $0x40, s1, s8, $0xb8;
	[tilespmem:$0xF800] =	vst v63  }
0x21: {  	_ = 	snop  }
0x22: {  	[tilespmem:s10], [sflag:$0x2] =	stream.indirect.gather [hbm4b:s3+s8], $0x40, s8, s8, $0xb8;
	[tilespmem:$0xF800] =	vst v63  }
0x23: {  	s21 =	simm.s32 $0xD040;
	s22 =	simm.s32 $0xD080  }
0x24: {  	[tilespmem:s12], [sflag:$0x3] =	stream.indirect.gather [hbm4b:s3+s8], $0x40, s11, s8, $0xb8;
	[tilespmem:$0xF800] =	vst v63  }
0x25: {  	s23 =	simm.s32 $0xD0C0;
	s24 =	simm.s32 $0xD000;
	s25 =	simm.s32 $0x0  }
0x26: {  	[tilespmem:s14], [sflag:$0x4] =	stream.indirect.gather [hbm4b:s3+s8], $0x40, s13, s8, $0xb8;
	[tilespmem:$0xF800] =	vst v63  }
.LBB2_2:
0x27: {  	_ =	swait.ge [sflag:s15], $0x2000  }
0x28: {  	[sflag:s15] =	ssyncset.done $0x0  }
0x29: {  	s26 =	simm.s32 $0x0;
	s28 =	simm.s32 $0x5400;
	v4 =	vmov s24;
	[sflag:s15] =	ssyncadd.s32 $0xFFFFE000  }
.LBB2_3:
0x2a: {  	v5 =	vld [tilespmem:s28+$0xFFFFFC00]  }
0x2b: {  	v6 =	vld [tilespmem:s28+$0xFFFFFC40]  }
0x2c: {  	v7 =	vld [tilespmem:s28+$0xFFFFFC10]  }
0x2d: {  	v8 =	vld [tilespmem:s28+$0xFFFFFC50]  }
0x2e: {  	v9 =	vld [tilespmem:s28+$0xFFFFFC20]  }
0x2f: {  	v10 =	vld [tilespmem:s28+$0xFFFFFC60]  }
0x30: {  	v11 =	vld [tilespmem:s28+$0xFFFFFC30]  }
0x31: {  	v12 =	vld [tilespmem:s28+$0xFFFFFC70]  }
0x32: {  	v13 =	vld [tilespmem:s28+$0xFFFFFC80]  }
0x33: {  	v14 =	vld [tilespmem:s28+$0xFFFFFCC0]  }
0x34: {  	v15 =	vld [tilespmem:s28+$0xFFFFFC90]  }
0x35: {  	v16 =	vld [tilespmem:s28+$0xFFFFFCD0]  }
0x36: {  	v17 =	vld [tilespmem:s28+$0xFFFFFCA0]  }
0x37: {  	v18 =	vld [tilespmem:s28+$0xFFFFFCE0]  }
0x38: {  	v19 =	vld [tilespmem:s28+$0xFFFFFCB0]  }
0x39: {  	v20 =	vld [tilespmem:s28+$0xFFFFFCF0]  }
0x3a: {  	v21 =	vld [tilespmem:s28+$0xFFFFFD00]  }
0x3b: {  	v22 =	vld [tilespmem:s28+$0xFFFFFD40]  }
0x3c: {  	v23 =	vld [tilespmem:s28+$0xFFFFFD10]  }
0x3d: {  	v24 =	vld [tilespmem:s28+$0xFFFFFD50]  }
0x3e: {  	v25 =	vld [tilespmem:s28+$0xFFFFFD20]  }
0x3f: {  	v26 =	vld [tilespmem:s28+$0xFFFFFD30]  }
0x40: {  	v28 =	vld [tilespmem:s28+$0xFFFFFD70]  }
0x41: {  	v29 =	vld [tilespmem:s28+$0xFFFFFD80]  }
0x42: {  	v61 =	vld [tilespmem:s28+$0xFFFFFDC0]  }
0x43: {  	v62 =	vld [tilespmem:s28+$0xFFFFFD90]  }
0x44: {  	v31 =	vld [tilespmem:s28+$0xFFFFFDD0]  }
0x45: {  	v63 =	vld [tilespmem:s28+$0xFFFFFDA0]  }
0x46: {  	v36 =	vld [tilespmem:s28+$0xFFFFFDE0]  }
0x47: {  	v33 =	vld [tilespmem:s28+$0xFFFFFDF0]  }
0x48: {  	v37 =	vld [tilespmem:s28+$0xFFFFFE00];
	v5 =	vmul.bf16 v6, v5  }
0x49: {  	v38 =	vld [tilespmem:s28+$0xFFFFFE40];
	v7 =	vmul.bf16 v8, v7;
	v13 =	vmul.bf16 v14, v13  }
0x4a: {  	v40 =	vld [tilespmem:s28+$0xFFFFFE10];
	v9 =	vmul.bf16 v10, v9;
	v15 =	vmul.bf16 v16, v15  }
0x4b: {  	v42 =	vld [tilespmem:s28+$0xFFFFFE50];
	v11 =	vmul.bf16 v12, v11;
	v17 =	vmul.bf16 v18, v17  }
0x4c: {  	v46 =	vld [tilespmem:s28+$0xFFFFFE80];
	v43 =	vmul.bf16 v22, v21;
	v19 =	vmul.bf16 v20, v19  }
0x4d: {  	v48 =	vld [tilespmem:s28+$0xFFFFFEC0];
	v8 =	vmul.bf16 v61, v29;
	v47 =	vmul.bf16 v24, v23  }
0x4e: {  	v51 =	vld [tilespmem:s28+$0xFFFFFE90];
	v53 =	vmul.bf16 v31, v62;
	v10 =	vmul.bf16 v36, v63  }
0x4f: {  	v34 =	vld [tilespmem:s28+$0xFFFFFED0];
	v59 =	vmul.bf16 v28, v26;
	v12 =	vmul.bf16 v38, v37  }
0x50: {  	v6 =	vld [tilespmem:s28+$0xFFFFFD60];
	v27 =	vunpack.i.l.bf16.f32 v5;
	v5 =	vunpack.i.u.bf16.f32 v5;
	v30 =	vunpack.i.l.bf16.f32 v7  }
0x51: {  	v18 =	vld [tilespmem:s28+$0xFFFFFE20];
	v7 =	vunpack.i.u.bf16.f32 v7;
	v32 =	vunpack.i.l.bf16.f32 v9;
	v9 =	vunpack.i.u.bf16.f32 v9  }
0x52: {  	v21 =	vld [tilespmem:s28+$0xFFFFFE60];
	v39 =	vunpack.i.l.bf16.f32 v15;
	v41 =	vunpack.i.l.bf16.f32 v11;
	v15 =	vunpack.i.u.bf16.f32 v15  }
0x53: {  	v62 =	vld [tilespmem:s28+$0xFFFFFF10];
	v11 =	vunpack.i.u.bf16.f32 v11;
	v44 =	vunpack.i.l.bf16.f32 v17;
	v27 =	vadd.f32 $0.0e+00, v27  }
0x54: {  	v63 =	vld [tilespmem:s28+$0xFFFFFF50];
	v17 =	vunpack.i.u.bf16.f32 v17;
	v45 =	vunpack.i.l.bf16.f32 v43;
	v49 =	vunpack.i.l.bf16.f32 v19  }
0x55: {  	v28 =	vld [tilespmem:s28+$0xFFFFFF20];
	v50 =	vunpack.i.l.bf16.f32 v8;
	v52 =	vunpack.i.l.bf16.f32 v47;
	v5 =	vadd.f32 v27, v5  }
0x56: {  	v38 =	vld [tilespmem:s28+$0xFFFFFF60];
	v8 =	vunpack.i.u.bf16.f32 v8;
	v55 =	vunpack.i.l.bf16.f32 v53;
	v56 =	vunpack.i.u.bf16.f32 v53  }
0x57: {  	v54 =	vld [tilespmem:s28+$0xFFFFFEE0];
	v61 =	vunpack.i.l.bf16.f32 v10;
	v26 =	vunpack.i.u.bf16.f32 v59;
	v5 =	vadd.f32 v30, v5  }
0x58: {  	v10 =	vunpack.i.u.bf16.f32 v10;
	v36 =	vunpack.i.l.bf16.f32 v12;
	v12 =	vunpack.i.u.bf16.f32 v12;
	v30 =	vld [tilespmem:s28+$0xFFFFFDB0]  }
0x59: {  	v57 =	vld [tilespmem:s28+$0xFFFFFF00];
	v25 =	vmul.bf16 v6, v25;
	v5 =	vadd.f32 v5, v7;
	v7 =	vunpack.i.l.bf16.f32 v13  }
0x5a: {  	v60 =	vld [tilespmem:s28+$0xFFFFFF40];
	v6 =	vunpack.i.u.bf16.f32 v19;
	v18 =	vmul.bf16 v21, v18;
	v7 =	vadd.f32 $0.0e+00, v7  }
0x5b: {  	v22 =	vld [tilespmem:s28+$0xFFFFFE30];
	v16 =	vmul.bf16 v63, v62;
	v38 =	vmul.bf16 v38, v28;
	v13 =	vunpack.i.u.bf16.f32 v13  }
0x5c: {  	v20 =	vld [tilespmem:s28+$0xFFFFFF30];
	v58 =	vunpack.i.u.bf16.f32 v25;
	v5 =	vadd.f32 v32, v5;
	v7 =	vadd.f32 v7, v13  }
0x5d: {  	v14 =	vld [tilespmem:s28+$0xFFFFFFB0];
	v62 =	vunpack.i.l.bf16.f32 v16;
	v16 =	vunpack.i.u.bf16.f32 v16;
	v37 =	vmul.bf16 v33, v30  }
0x5e: {  	v24 =	vld [tilespmem:s28+$0xB0];
	v5 =	vadd.f32 v5, v9;
	v9 =	vmul.bf16 v42, v40;
	v7 =	vadd.f32 v39, v7  }
0x5f: {  	v53 =	vld [tilespmem:s28+$0xFFFFFFE0];
	v39 =	vmul.bf16 v48, v46;
	v40 =	vunpack.i.l.bf16.f32 v37;
	v46 =	vmul.bf16 v34, v51  }
0x60: {  	v27 =	vld [tilespmem:s28+$0xFFFFFEA0];
	v5 =	vadd.f32 v41, v5;
	v41 =	vunpack.i.l.bf16.f32 v9;
	v9 =	vunpack.i.u.bf16.f32 v9  }
0x61: {  	v19 =	vld [tilespmem:s28+$0xFFFFFEB0];
	v7 =	vadd.f32 v7, v15;
	v15 =	vunpack.i.u.bf16.f32 v43;
	v42 =	vunpack.i.l.bf16.f32 v39  }
0x62: {  	v63 =	vld [tilespmem:s28+$0x20];
	v13 =	vunpack.i.u.bf16.f32 v39;
	v5 =	vadd.f32 v5, v11;
	v11 =	vadd.f32 $0.0e+00, v45  }
0x63: {  	v32 =	vld [tilespmem:s28+$0xFFFFFE70];
	v51 =	vunpack.i.l.bf16.f32 v46;
	v21 =	vunpack.i.u.bf16.f32 v46;
	v7 =	vadd.f32 v44, v7  }
0x64: {  	v33 =	vld [tilespmem:s28+$0xFFFFFFA0];
	v44 =	vadd.f32 $0.0e+00, v42;
	v42 =	vunpack.i.l.bf16.f32 v38;
	v11 =	vadd.f32 v11, v15  }
0x65: {  	v43 =	vld [tilespmem:s28+$0xFFFFFF80];
	v15 =	vadd.f32 $0.0e+00, v50;
	v50 =	vunpack.i.l.bf16.f32 v18;
	v7 =	vadd.f32 v7, v17  }
0x66: {  	v39 =	vld [tilespmem:s28+$0x30];
	v18 =	vunpack.i.u.bf16.f32 v18;
	v48 =	vadd.f32 v44, v13;
	v11 =	vadd.f32 v52, v11  }
0x67: {  	v46 =	vld [tilespmem:s28+$0x90];
	v17 =	vunpack.i.u.bf16.f32 v47;
	v8 =	vadd.f32 v15, v8;
	v7 =	vadd.f32 v49, v7  }
0x68: {  	v47 =	vld [tilespmem:s28+$0xFFFFFF90];
	v15 =	vmul.bf16 v54, v27;
	v54 =	vmul.bf16 v32, v22;
	v11 =	vadd.f32 v11, v17  }
0x69: {  	v49 =	vld [tilespmem:s28+$0xFFFFFFD0];
	v8 =	vadd.f32 v55, v8;
	v6 =	vadd.f32 v7, v6;
	v7 =	vunpack.i.l.bf16.f32 v25  }
0x6a: {  	v52 =	vadd.f32 v51, v48;
	v17 =	vld [tilespmem:s28+$0xFFFFFEF0];
	v55 =	vunpack.i.l.bf16.f32 v15;
	v7 =	vadd.f32 v7, v11  }
0x6b: {  	v45 =	vld [tilespmem:s28+$0xFFFFFFC0];
	v32 =	vunpack.i.u.bf16.f32 v54;
	v8 =	vadd.f32 v8, v56;
	v11 =	vmul.bf16 v60, v57  }
0x6c: {  	v15 =	vunpack.i.u.bf16.f32 v15;
	v25 =	vunpack.i.l.bf16.f32 v59;
	v59 =	vld [tilespmem:s28+$0x40];
	v7 =	vadd.f32 v7, v58  }
0x6d: {  	v57 =	vld [tilespmem:s28+$0x0];
	v8 =	vadd.f32 v61, v8;
	v56 =	vunpack.i.l.bf16.f32 v11;
	v11 =	vunpack.i.u.bf16.f32 v11  }
0x6e: {  	v60 =	vld [tilespmem:s28+$0x10];
	v13 =	vmul.bf16 v49, v47;
	v58 =	vadd.f32 $0.0e+00, v56;
	v7 =	vadd.f32 v25, v7  }
0x6f: {  	v61 =	vld [tilespmem:s28+$0x50];
	v17 =	vmul.bf16 v17, v19;
	v8 =	vadd.f32 v8, v10;
	v25 =	vadd.f32 $0.0e+00, v36  }
0x70: {  	v47 =	vld [tilespmem:s28+$0xD0];
	v10 =	vunpack.i.u.bf16.f32 v37;
	v51 =	vunpack.i.l.bf16.f32 v13;
	v13 =	vunpack.i.u.bf16.f32 v13  }
0x71: {  	v56 =	vld [tilespmem:s28+$0x140];
	v11 =	vadd.f32 v58, v11;
	v36 =	vunpack.i.l.bf16.f32 v17;
	v17 =	vunpack.i.u.bf16.f32 v17  }
0x72: {  	v37 =	vld [tilespmem:s28+$0x60];
	v23 =	vmul.bf16 v59, v57;
	v7 =	vadd.f32 v7, v26;
	v12 =	vadd.f32 v25, v12  }
0x73: {  	v25 =	vld [tilespmem:s28+$0xFFFFFF70];
	v8 =	vadd.f32 v40, v8;
	v40 =	vmul.bf16 v45, v43;
	v11 =	vadd.f32 v62, v11  }
0x74: {  	v43 =	vld [tilespmem:s28+$0x80];
	v49 =	vunpack.i.l.bf16.f32 v23;
	v23 =	vunpack.i.u.bf16.f32 v23;
	v12 =	vadd.f32 v41, v12  }
0x75: {  	v45 =	vld [tilespmem:s28+$0xC0];
	v19 =	vmul.bf16 v61, v60;
	v8 =	vadd.f32 v8, v10;
	v10 =	vadd.f32 v52, v21  }
0x76: {  	v57 =	vld [tilespmem:s28+$0x110];
	v21 =	vunpack.i.l.bf16.f32 v54;
	v44 =	vunpack.i.l.bf16.f32 v40;
	v30 =	vperm.xlane v7, v0  }
0x77: {  	v58 =	vld [tilespmem:s28+$0x150];
	v11 =	vadd.f32 v11, v16;
	v16 =	vunpack.i.u.bf16.f32 v40;
	v9 =	vadd.f32 v12, v9  }
0x78: {  	v41 =	vld [tilespmem:s28+$0x70];
	v10 =	vadd.f32 v55, v10;
	v12 =	vmul.bf16 v53, v33;
	v53 =	vunpack.i.l.bf16.f32 v19  }
0x79: {  	v61 =	vld [tilespmem:s28+$0x120];
	v19 =	vunpack.i.u.bf16.f32 v19;
	v11 =	vadd.f32 v42, v11;
	v20 =	vmul.bf16 v25, v20  }
0x7a: {  	v52 =	vld [tilespmem:s28+$0xE0];
	v60 =	vmul.bf16 v45, v43;
	v9 =	vadd.f32 v50, v9;
	v10 =	vadd.f32 v10, v15  }
0x7b: {  	v54 =	vld [tilespmem:s28+$0x100];
	v55 =	vunpack.i.l.bf16.f32 v12;
	v15 =	vmul.bf16 v37, v63;
	v12 =	vunpack.i.u.bf16.f32 v12  }
0x7c: {  	v50 =	vld [tilespmem:s28+$0xA0];
	v48 =	vunpack.i.l.bf16.f32 v20;
	v20 =	vunpack.i.u.bf16.f32 v20;
	v37 =	vunpack.i.l.bf16.f32 v60  }
0x7d: {  	v40 =	vld [tilespmem:s28+$0x170];
	v39 =	vmul.bf16 v41, v39;
	v9 =	vadd.f32 v9, v18;
	v10 =	vadd.f32 v36, v10  }
0x7e: {  	v18 =	vld [tilespmem:s28+$0xFFFFFFF0];
	v59 =	vunpack.i.l.bf16.f32 v15;
	v36 =	vunpack.i.u.bf16.f32 v15;
	v15 =	vadd.f32 $0.0e+00, v37  }
0x7f: {  	v43 =	vld [tilespmem:s28+$0x1C0];
	v9 =	vadd.f32 v21, v9;
	v10 =	vadd.f32 v10, v17;
	v21 =	vunpack.i.u.bf16.f32 v38  }
0x80: {  	v63 =	vld [tilespmem:s28+$0x160];
	v42 =	vunpack.i.l.bf16.f32 v39;
	v17 =	vadd.f32 $0.0e+00, v44;
	v11 =	vadd.f32 v11, v21  }
0x81: {  	v41 =	vld [tilespmem:s28+$0x180];
	v21 =	vmul.bf16 v47, v46;
	v29 =	vmul.bf16 v52, v50;
	v9 =	vadd.f32 v9, v32  }
0x82: {  	v38 =	vld [tilespmem:s28+$0x130];
	v16 =	vadd.f32 v17, v16;
	v17 =	vadd.f32 $0.0e+00, v49;
	v31 =	vperm.xlane v10, v0  }
0x83: {  	v50 =	vld [tilespmem:s28+$0x1E0];
	v11 =	vadd.f32 v48, v11;
	v14 =	vmul.bf16 v18, v14;
	v44 =	vunpack.i.l.bf16.f32 v21  }
0x84: {  	v49 =	vld [tilespmem:s28+$0x1A0];
	v21 =	vunpack.i.u.bf16.f32 v21;
	v18 =	vmul.bf16 v58, v57;
	v16 =	vadd.f32 v51, v16  }
0x85: {  	v37 =	vld [tilespmem:s28+$0x280];
	v17 =	vadd.f32 v17, v23;
	v51 =	vunpack.i.l.bf16.f32 v29;
	v29 =	vunpack.i.u.bf16.f32 v29  }
0x86: {  	v46 =	vld [tilespmem:s28+$0x190];
	v32 =	vperm.xlane v9, v0;
	v11 =	vadd.f32 v11, v20;
	v62 =	vunpack.i.u.bf16.f32 v14  }
0x87: {  	v48 =	vld [tilespmem:s28+$0x1D0];
	v14 =	vunpack.i.l.bf16.f32 v14;
	v52 =	vunpack.i.l.bf16.f32 v18;
	v26 =	vmul.bf16 v40, v38  }
0x88: {  	v23 =	vld [tilespmem:s28+$0xF0];
	v18 =	vunpack.i.u.bf16.f32 v18;
	v13 =	vadd.f32 v16, v13;
	v16 =	vadd.f32 v53, v17  }
0x89: {  	v38 =	vld [tilespmem:s28+$0x2C0];
	v17 =	vmul.bf16 v56, v54;
	v35 =	vunpack.i.l.bf16.f32 v26;
	v20 =	vmul.bf16 v50, v49  }
0x8a: {  	v40 =	vunpack.i.u.bf16.f32 v26;
	v13 =	vadd.f32 v55, v13;
	v16 =	vadd.f32 v16, v19  }
0x8b: {  	v34 =	vld [tilespmem:s28+$0x260];
	v19 =	vunpack.i.u.bf16.f32 v60;
	v45 =	vunpack.i.l.bf16.f32 v17;
	v17 =	vunpack.i.u.bf16.f32 v17  }
0x8c: {  	v57 =	vld [tilespmem:s28+$0x240];
	v28 =	vmul.bf16 v48, v46;
	v15 =	vadd.f32 v15, v19;
	v47 =	vadd.f32 $0.0e+00, v45  }
0x8d: {  	v53 =	vld [tilespmem:s28+$0x1B0];
	v19 =	vmul.bf16 v43, v41;
	v23 =	vmul.bf16 v23, v24;
	v12 =	vadd.f32 v13, v12  }
0x8e: {  	v56 =	vld [tilespmem:s28+$0x200];
	v13 =	vadd.f32 v59, v16;
	v16 =	vmul.bf16 v63, v61;
	v24 =	vmul.bf16 v38, v37  }
0x8f: {  	v55 =	vld [tilespmem:s28+$0x1F0];
	v15 =	vadd.f32 v44, v15;
	v17 =	vadd.f32 v47, v17;
	v25 =	vunpack.i.l.bf16.f32 v19  }
0x90: {  	v46 =	vld [tilespmem:s28+$0x2D0];
	v19 =	vunpack.i.u.bf16.f32 v19;
	v63 =	vunpack.i.l.bf16.f32 v23;
	v23 =	vunpack.i.u.bf16.f32 v23  }
0x91: {  	v59 =	vld [tilespmem:s28+$0x210];
	v12 =	vadd.f32 v14, v12;
	v13 =	vadd.f32 v13, v36;
	v14 =	vunpack.i.u.bf16.f32 v39  }
0x92: {  	v61 =	vld [tilespmem:s28+$0x250];
	v58 =	vunpack.i.l.bf16.f32 v16;
	v16 =	vunpack.i.u.bf16.f32 v16;
	v60 =	vadd.f32 $0.0e+00, v25  }
0x93: {  	v48 =	vld [tilespmem:s28+$0x2E0];
	v36 =	vunpack.i.l.bf16.f32 v28;
	v28 =	vunpack.i.u.bf16.f32 v28;
	v50 =	vunpack.i.l.bf16.f32 v24  }
0x94: {  	v41 =	vld [tilespmem:s28+$0x270];
	v24 =	vunpack.i.u.bf16.f32 v24;
	v15 =	vadd.f32 v15, v21;
	v54 =	vadd.f32 v52, v17  }
0x95: {  	v44 =	vld [tilespmem:s28+$0x290];
	v17 =	vmul.bf16 v55, v53;
	v52 =	vadd.f32 $0.0e+00, v50;
	v12 =	vadd.f32 v12, v62  }
0x96: {  	v39 =	vld [tilespmem:s28+$0x230];
	v13 =	vadd.f32 v42, v13;
	v33 =	vadd.f32 v60, v19;
	v42 =	vunpack.i.l.bf16.f32 v20  }
0x97: {  	v47 =	vld [tilespmem:s28+$0x2A0];
	v20 =	vunpack.i.u.bf16.f32 v20;
	v25 =	vmul.bf16 v61, v59;
	v55 =	vunpack.i.l.bf16.f32 v17  }
0x98: {  	v62 =	vld [tilespmem:s28+$0x220];
	v22 =	vadd.f32 v52, v24;
	v17 =	vunpack.i.u.bf16.f32 v17;
	v13 =	vadd.f32 v13, v14  }
0x99: {  	v53 =	vld [tilespmem:s28+$0x2F0];
	v14 =	vadd.f32 v51, v15;
	v15 =	vadd.f32 v54, v18;
	v18 =	vmul.bf16 v57, v56  }
0x9a: {  	v60 =	vld [tilespmem:s28+$0x3C0];
	v26 =	vmul.bf16 v46, v44;
	v49 =	vunpack.i.l.bf16.f32 v25;
	v25 =	vunpack.i.u.bf16.f32 v25  }
0x9b: {  	v54 =	vld [tilespmem:s28+$0x300];
	v21 =	vmul.bf16 v41, v39;
	v14 =	vadd.f32 v14, v29;
	v15 =	vadd.f32 v58, v15  }
0x9c: {  	v56 =	vld [tilespmem:s28+$0x340];
	v43 =	vunpack.i.l.bf16.f32 v18;
	v18 =	vunpack.i.u.bf16.f32 v18;
	v58 =	vunpack.i.l.bf16.f32 v26  }
0x9d: {  	v59 =	vld [tilespmem:s28+$0x380];
	v61 =	vunpack.i.u.bf16.f32 v26;
	v45 =	vadd.f32 $0.0e+00, v43;
	v19 =	vmul.bf16 v34, v62  }
0x9e: {  	v51 =	vld [tilespmem:s28+$0x2B0];
	v22 =	vadd.f32 v58, v22;
	v34 =	vunpack.i.l.bf16.f32 v21;
	v15 =	vadd.f32 v15, v16  }
0x9f: {  	v62 =	vld [tilespmem:s28+$0x310];
	v21 =	vunpack.i.u.bf16.f32 v21;
	v14 =	vadd.f32 v63, v14;
	v16 =	vadd.f32 v36, v33  }
0xa0: {  	v33 =	vld [tilespmem:s28+$0x350];
	v18 =	vadd.f32 v45, v18;
	v57 =	vunpack.i.l.bf16.f32 v19;
	v63 =	vadd.f32 v22, v61  }
0xa1: {  	v44 =	vld [tilespmem:s28+$0x3A0];
	v39 =	vmul.bf16 v56, v54;
	v15 =	vadd.f32 v35, v15;
	v14 =	vadd.f32 v14, v23  }
0xa2: {  	v19 =	vunpack.i.u.bf16.f32 v19;
	v45 =	vld [tilespmem:s28+$0x3E0];
	v16 =	vadd.f32 v16, v28;
	v18 =	vadd.f32 v49, v18  }
0xa3: {  	v28 =	vunpack.i.l.bf16.f32 v39;
	v23 =	vunpack.i.u.bf16.f32 v39;
	v15 =	vadd.f32 v15, v40  }
0xa4: {  	v16 =	vadd.f32 v42, v16;
	v42 =	vmul.bf16 v53, v51;
	v28 =	vadd.f32 $0.0e+00, v28  }
0xa5: {  	v18 =	vadd.f32 v18, v25;
	v25 =	vmul.bf16 v60, v59;
	v22 =	vmul.bf16 v33, v62  }
0xa6: {  	v38 =	vld [tilespmem:s28+$0x3D0];
	v62 =	vperm.xlane v6, v0;
	v33 =	vsel vm0, v9, v31;
	v16 =	vadd.f32 v16, v20  }
0xa7: {  	v36 =	vld [tilespmem:s28+$0x390];
	v20 =	vmul.bf16 v48, v47;
	v47 =	vunpack.i.l.bf16.f32 v42;
	v54 =	vmul.bf16 v45, v44  }
0xa8: {  	v51 =	vld [tilespmem:s28+$0x3B0];
	v23 =	vadd.f32 v28, v23;
	v28 =	vperm.xlane v5, v0;
	v39 =	vperm.xlane v15, v0  }
0xa9: {  	v53 =	vld [tilespmem:s28+$0x3F0];
	v18 =	vadd.f32 v57, v18;
	v43 =	vunpack.i.l.bf16.f32 v25;
	v25 =	vunpack.i.u.bf16.f32 v25  }
0xaa: {  	v49 =	vunpack.i.l.bf16.f32 v22;
	v22 =	vunpack.i.u.bf16.f32 v22;
	v5 =	vsel vm0, v5, v62  }
0xab: {  	v46 =	vld [tilespmem:s28+$0x330];
	v16 =	vadd.f32 v55, v16;
	v35 =	vunpack.i.l.bf16.f32 v20;
	v20 =	vunpack.i.u.bf16.f32 v20  }
0xac: {  	v41 =	vld [tilespmem:s28+$0x360];
	v29 =	vadd.f32 $0.0e+00, v43;
	v23 =	vadd.f32 v49, v23;
	v56 =	vunpack.i.l.bf16.f32 v54  }
0xad: {  	v40 =	vld [tilespmem:s28+$0x320];
	v58 =	vunpack.i.u.bf16.f32 v54;
	v6 =	vsel vm0, v28, v6;
	v18 =	vadd.f32 v18, v19  }
0xae: {  	v48 =	vld [tilespmem:s28+$0x370];
	v37 =	vadd.f32 v35, v63;
	v19 =	vmul.bf16 v38, v36;
	v59 =	vmul.bf16 v53, v51  }
0xaf: {  	v5 =	vadd.f32 v6, v5;
	v35 =	vperm.xlane v11, v0;
	v16 =	vadd.f32 v16, v17  }
0xb0: {  	v36 =	vperm.xlane v14, v0;
	v25 =	vadd.f32 v29, v25;
	v22 =	vadd.f32 v23, v22  }
0xb1: {  	v29 =	vperm.xlane v8, v0;
	v8 =	vsel vm0, v30, v8;
	v17 =	vadd.f32 v34, v18  }
0xb2: {  	v18 =	vadd.f32 v37, v20;
	v50 =	vunpack.i.l.bf16.f32 v19;
	v20 =	vmul.bf16 v41, v40  }
0xb3: {  	v19 =	vunpack.i.u.bf16.f32 v19;
	v57 =	vmul.bf16 v48, v46;
	v61 =	vunpack.i.l.bf16.f32 v59  }
0xb4: {  	v63 =	vunpack.i.u.bf16.f32 v59;
	v34 =	vsel vm0, v32, v10;
	v10 =	vsel vm0, v35, v12  }
0xb5: {  	v37 =	vperm.xlane v13, v0;
	v9 =	vsel vm0, v13, v36;
	v52 =	vadd.f32 v50, v25  }
0xb6: {  	v48 =	vperm.xlane v5, v1;
	v7 =	vsel vm0, v7, v29;
	v18 =	vadd.f32 v47, v18  }
0xb7: {  	v17 =	vadd.f32 v17, v21;
	v21 =	vunpack.i.u.bf16.f32 v42;
	v19 =	vadd.f32 v52, v19  }
0xb8: {  	v38 =	vperm.xlane v16, v0;
	v55 =	vunpack.i.l.bf16.f32 v20;
	v18 =	vadd.f32 v18, v21  }
0xb9: {  	v20 =	vunpack.i.u.bf16.f32 v20;
	v21 =	vadd.f32 v55, v22;
	v19 =	vadd.f32 v56, v19  }
0xba: {  	v6 =	vadd.f32 v8, v7;
	v7 =	vperm.xlane v12, v0;
	v8 =	vadd.f32 v34, v33  }
0xbb: {  	v60 =	vunpack.i.u.bf16.f32 v57;
	v20 =	vadd.f32 v21, v20;
	v19 =	vadd.f32 v19, v58  }
0xbc: {  	v12 =	vsel vm0, v15, v38;
	v22 =	vunpack.i.l.bf16.f32 v57;
	v7 =	vsel vm0, v11, v7  }
0xbd: {  	v11 =	vsel vm0, v37, v14;
	v20 =	vadd.f32 v22, v20;
	v19 =	vadd.f32 v61, v19  }
0xbe: {  	v41 =	vperm.xlane v17, v0;
	v47 =	vperm.xlane v6, v1;
	v6 =	vsel vm1, v48, v6  }
0xbf: {  	v50 =	vperm.xlane v8, v1;
	v20 =	vadd.f32 v20, v60;
	v19 =	vadd.f32 v19, v63  }
0xc0: {  	v7 =	vadd.f32 v10, v7;
	v10 =	vsel vm0, v39, v16;
	v40 =	vperm.xlane v18, v0  }
0xc1: {  	v9 =	vadd.f32 v11, v9;
	v43 =	vperm.xlane v20, v0;
	v42 =	vperm.xlane v19, v0  }
0xc2: {  	v10 =	vadd.f32 v10, v12;
	v45 =	vsel vm0, v41, v18;
	v5 =	vsel vm1, v5, v47  }
0xc3: {  	v44 =	vsel vm0, v17, v40;
	v11 =	vsel vm0, v43, v19;
	v46 =	vsel vm0, v20, v42  }
0xc4: {  	v49 =	vperm.xlane v7, v1;
	v12 =	vadd.f32 v45, v44;
	v11 =	vadd.f32 v11, v46  }
0xc5: {  	v52 =	vperm.xlane v9, v1;
	v7 =	vsel vm1, v50, v7;
	v51 =	vperm.xlane v10, v1  }
0xc6: {  	v8 =	vsel vm1, v8, v49;
	v54 =	vperm.xlane v12, v1;
	v53 =	vperm.xlane v11, v1  }
0xc7: {  	v5 =	vadd.f32 v6, v5;
	v55 =	vsel vm1, v52, v10;
	v6 =	vadd.f32 v7, v8  }
0xc8: {  	v7 =	vsel vm1, v9, v51;
	v57 =	vsel vm1, v54, v11;
	v56 =	vsel vm1, v12, v53  }
0xc9: {  	v7 =	vadd.f32 v55, v7;
	v58 =	vadd.f32 v57, v56  }
0xca: {  	v60 =	vperm.xlane v5, v2;
	v59 =	vperm.xlane v6, v2  }
0xcb: {  	v62 =	vperm.xlane v7, v2;
	v61 =	vperm.xlane v58, v2  }
0xcc: {  	v6 =	vsel vm2, v60, v6  }
0xcd: {  	v5 =	vsel vm2, v5, v59;
	v8 =	vsel vm2, v62, v58;
	v7 =	vsel vm2, v7, v61  }
0xce: {  	v5 =	vadd.f32 v6, v5;
	v6 =	vadd.f32 v8, v7;
	_ =	sdelay $0x1  }
0xcf: {  	v63 =	vperm.xlane v5, v3;
	v7 =	vperm.xlane v6, v3;
	_ =	sdelay $0x1  }
0xd0: {  	v6 =	vsel vm3, v63, v6;
	v5 =	vsel vm3, v5, v7  }
0xd1: {  	v5 =	vadd.f32 v6, v5;
	_ =	sdelay $0x1  }
0xd2: {  	v5 =	vsub.f32 $0.0e+00, v5;
	_ =	sdelay $0x1  }
0xd3: {  	v5 =	vmul.f32 $1.442695020e+00, v5;
	_ =	sdelay $0x1  }
0xd4: {  	(erf) = vpow2.f32 v5;
	_ =	sdelay $0x8  }
0xd5: {  	v5 =	vpop (erf)  }
0xd6: {  	v5 =	vadd.f32 $1.000000000e+00, v5;
	_ =	sdelay $0x1  }
0xd7: {  	(erf) = vrcp.f32 v5;
	_ =	sdelay $0x4  }
0xd8: {  	p0 =	sne.s32 s26, $0xC0  }
.Ltmp2:
0xd9: {  	_ = 	snop;
	(pc) =	sbr.rel @p0 .LBB2_3-.Ltmp2, $3  }
0xda: {  	_ =	sdelay $0x1  }
0xdb: {  	s29 =	sshra.s32 s26, $0x2;
	v5 =	vpop (erf)  }
0xdc: {  	s26 =	sadd.s32 $0x40, s26;
	s28 =	sadd.s32 $0x800, s28;
	[tilespmem:v4+s29+$0x0 ss:$0x1] =	vst.idx.msk $0xffff, v5  }
0xdd: {  	s26 =	sshll.u32 s25, $0xB;
	p0 =	seq.s32 s25, $0x27  }
0xde: {  	s28 =	sshrl.u32 @!p0 s26, $0x2  }
0xdf: {  	s30 =	simm.s32 @!p0 $0x80;
	s31 =	simm.s32 @!p0 $0x5000;
	s29 =	sadd.s32 @!p0 $0x200, s28  }
0xe0: {  	[tilespmem:s31], [sflag:$0x1] =	stream.indirect.gather @!p0 [hbm4b:s3+s30], $0x40, s29, s30, $0xb8;
	[tilespmem:$0xF800] =	vst v63  }
0xe1: {  	_ =	swait.ge [sflag:s16], $0x2000  }
0xe2: {  	[sflag:s16] =	ssyncset.done $0x0  }
0xe3: {  	v4 =	vmov s21;
	s29 =	simm.s32 $0x0;
	s30 =	simm.s32 $0x7400;
	[sflag:s16] =	ssyncadd.s32 $0xFFFFE000  }
.LBB2_5:
0xe4: {  	v5 =	vld [tilespmem:s30+$0xFFFFFC00]  }
0xe5: {  	v6 =	vld [tilespmem:s30+$0xFFFFFC40]  }
0xe6: {  	v7 =	vld [tilespmem:s30+$0xFFFFFC10]  }
0xe7: {  	v8 =	vld [tilespmem:s30+$0xFFFFFC50]  }
0xe8: {  	v9 =	vld [tilespmem:s30+$0xFFFFFC20]  }
0xe9: {  	v10 =	vld [tilespmem:s30+$0xFFFFFC60]  }
0xea: {  	v11 =	vld [tilespmem:s30+$0xFFFFFC30]  }
0xeb: {  	v12 =	vld [tilespmem:s30+$0xFFFFFC70]  }
0xec: {  	v13 =	vld [tilespmem:s30+$0xFFFFFC80]  }
0xed: {  	v14 =	vld [tilespmem:s30+$0xFFFFFCC0]  }
0xee: {  	v15 =	vld [tilespmem:s30+$0xFFFFFC90]  }
0xef: {  	v16 =	vld [tilespmem:s30+$0xFFFFFCD0]  }
0xf0: {  	v17 =	vld [tilespmem:s30+$0xFFFFFCA0]  }
0xf1: {  	v18 =	vld [tilespmem:s30+$0xFFFFFCE0]  }
0xf2: {  	v19 =	vld [tilespmem:s30+$0xFFFFFCB0]  }
0xf3: {  	v20 =	vld [tilespmem:s30+$0xFFFFFCF0]  }
0xf4: {  	v21 =	vld [tilespmem:s30+$0xFFFFFD00]  }
0xf5: {  	v22 =	vld [tilespmem:s30+$0xFFFFFD40]  }
0xf6: {  	v23 =	vld [tilespmem:s30+$0xFFFFFD10]  }
0xf7: {  	v24 =	vld [tilespmem:s30+$0xFFFFFD50]  }
0xf8: {  	v25 =	vld [tilespmem:s30+$0xFFFFFD20]  }
0xf9: {  	v26 =	vld [tilespmem:s30+$0xFFFFFD30]  }
0xfa: {  	v28 =	vld [tilespmem:s30+$0xFFFFFD70]  }
0xfb: {  	v29 =	vld [tilespmem:s30+$0xFFFFFD80]  }
0xfc: {  	v61 =	vld [tilespmem:s30+$0xFFFFFDC0]  }
0xfd: {  	v62 =	vld [tilespmem:s30+$0xFFFFFD90]  }
0xfe: {  	v31 =	vld [tilespmem:s30+$0xFFFFFDD0]  }
0xff: {  	v63 =	vld [tilespmem:s30+$0xFFFFFDA0]  }
0x100: {  	v36 =	vld [tilespmem:s30+$0xFFFFFDE0]  }
0x101: {  	v33 =	vld [tilespmem:s30+$0xFFFFFDF0]  }
0x102: {  	v37 =	vld [tilespmem:s30+$0xFFFFFE00];
	v5 =	vmul.bf16 v6, v5  }
0x103: {  	v38 =	vld [tilespmem:s30+$0xFFFFFE40];
	v7 =	vmul.bf16 v8, v7;
	v13 =	vmul.bf16 v14, v13  }
0x104: {  	v40 =	vld [tilespmem:s30+$0xFFFFFE10];
	v9 =	vmul.bf16 v10, v9;
	v15 =	vmul.bf16 v16, v15  }
0x105: {  	v42 =	vld [tilespmem:s30+$0xFFFFFE50];
	v11 =	vmul.bf16 v12, v11;
	v17 =	vmul.bf16 v18, v17  }
0x106: {  	v46 =	vld [tilespmem:s30+$0xFFFFFE80];
	v43 =	vmul.bf16 v22, v21;
	v19 =	vmul.bf16 v20, v19  }
0x107: {  	v48 =	vld [tilespmem:s30+$0xFFFFFEC0];
	v8 =	vmul.bf16 v61, v29;
	v47 =	vmul.bf16 v24, v23  }
0x108: {  	v51 =	vld [tilespmem:s30+$0xFFFFFE90];
	v53 =	vmul.bf16 v31, v62;
	v10 =	vmul.bf16 v36, v63  }
0x109: {  	v34 =	vld [tilespmem:s30+$0xFFFFFED0];
	v59 =	vmul.bf16 v28, v26;
	v12 =	vmul.bf16 v38, v37  }
0x10a: {  	v6 =	vld [tilespmem:s30+$0xFFFFFD60];
	v27 =	vunpack.i.l.bf16.f32 v5;
	v5 =	vunpack.i.u.bf16.f32 v5;
	v30 =	vunpack.i.l.bf16.f32 v7  }
0x10b: {  	v18 =	vld [tilespmem:s30+$0xFFFFFE20];
	v7 =	vunpack.i.u.bf16.f32 v7;
	v32 =	vunpack.i.l.bf16.f32 v9;
	v9 =	vunpack.i.u.bf16.f32 v9  }
0x10c: {  	v21 =	vld [tilespmem:s30+$0xFFFFFE60];
	v39 =	vunpack.i.l.bf16.f32 v15;
	v41 =	vunpack.i.l.bf16.f32 v11;
	v15 =	vunpack.i.u.bf16.f32 v15  }
0x10d: {  	v62 =	vld [tilespmem:s30+$0xFFFFFF10];
	v11 =	vunpack.i.u.bf16.f32 v11;
	v44 =	vunpack.i.l.bf16.f32 v17;
	v27 =	vadd.f32 $0.0e+00, v27  }
0x10e: {  	v63 =	vld [tilespmem:s30+$0xFFFFFF50];
	v17 =	vunpack.i.u.bf16.f32 v17;
	v45 =	vunpack.i.l.bf16.f32 v43;
	v49 =	vunpack.i.l.bf16.f32 v19  }
0x10f: {  	v28 =	vld [tilespmem:s30+$0xFFFFFF20];
	v50 =	vunpack.i.l.bf16.f32 v8;
	v52 =	vunpack.i.l.bf16.f32 v47;
	v5 =	vadd.f32 v27, v5  }
0x110: {  	v38 =	vld [tilespmem:s30+$0xFFFFFF60];
	v8 =	vunpack.i.u.bf16.f32 v8;
	v55 =	vunpack.i.l.bf16.f32 v53;
	v56 =	vunpack.i.u.bf16.f32 v53  }
0x111: {  	v54 =	vld [tilespmem:s30+$0xFFFFFEE0];
	v61 =	vunpack.i.l.bf16.f32 v10;
	v26 =	vunpack.i.u.bf16.f32 v59;
	v5 =	vadd.f32 v30, v5  }
0x112: {  	v10 =	vunpack.i.u.bf16.f32 v10;
	v36 =	vunpack.i.l.bf16.f32 v12;
	v12 =	vunpack.i.u.bf16.f32 v12;
	v30 =	vld [tilespmem:s30+$0xFFFFFDB0]  }
0x113: {  	v57 =	vld [tilespmem:s30+$0xFFFFFF00];
	v25 =	vmul.bf16 v6, v25;
	v5 =	vadd.f32 v5, v7;
	v7 =	vunpack.i.l.bf16.f32 v13  }
0x114: {  	v60 =	vld [tilespmem:s30+$0xFFFFFF40];
	v6 =	vunpack.i.u.bf16.f32 v19;
	v18 =	vmul.bf16 v21, v18;
	v7 =	vadd.f32 $0.0e+00, v7  }
0x115: {  	v22 =	vld [tilespmem:s30+$0xFFFFFE30];
	v16 =	vmul.bf16 v63, v62;
	v38 =	vmul.bf16 v38, v28;
	v13 =	vunpack.i.u.bf16.f32 v13  }
0x116: {  	v20 =	vld [tilespmem:s30+$0xFFFFFF30];
	v58 =	vunpack.i.u.bf16.f32 v25;
	v5 =	vadd.f32 v32, v5;
	v7 =	vadd.f32 v7, v13  }
0x117: {  	v14 =	vld [tilespmem:s30+$0xFFFFFFB0];
	v62 =	vunpack.i.l.bf16.f32 v16;
	v16 =	vunpack.i.u.bf16.f32 v16;
	v37 =	vmul.bf16 v33, v30  }
0x118: {  	v24 =	vld [tilespmem:s30+$0xB0];
	v5 =	vadd.f32 v5, v9;
	v9 =	vmul.bf16 v42, v40;
	v7 =	vadd.f32 v39, v7  }
0x119: {  	v53 =	vld [tilespmem:s30+$0xFFFFFFE0];
	v39 =	vmul.bf16 v48, v46;
	v40 =	vunpack.i.l.bf16.f32 v37;
	v46 =	vmul.bf16 v34, v51  }
0x11a: {  	v27 =	vld [tilespmem:s30+$0xFFFFFEA0];
	v5 =	vadd.f32 v41, v5;
	v41 =	vunpack.i.l.bf16.f32 v9;
	v9 =	vunpack.i.u.bf16.f32 v9  }
0x11b: {  	v19 =	vld [tilespmem:s30+$0xFFFFFEB0];
	v7 =	vadd.f32 v7, v15;
	v15 =	vunpack.i.u.bf16.f32 v43;
	v42 =	vunpack.i.l.bf16.f32 v39  }
0x11c: {  	v63 =	vld [tilespmem:s30+$0x20];
	v13 =	vunpack.i.u.bf16.f32 v39;
	v5 =	vadd.f32 v5, v11;
	v11 =	vadd.f32 $0.0e+00, v45  }
0x11d: {  	v32 =	vld [tilespmem:s30+$0xFFFFFE70];
	v51 =	vunpack.i.l.bf16.f32 v46;
	v21 =	vunpack.i.u.bf16.f32 v46;
	v7 =	vadd.f32 v44, v7  }
0x11e: {  	v33 =	vld [tilespmem:s30+$0xFFFFFFA0];
	v44 =	vadd.f32 $0.0e+00, v42;
	v42 =	vunpack.i.l.bf16.f32 v38;
	v11 =	vadd.f32 v11, v15  }
0x11f: {  	v43 =	vld [tilespmem:s30+$0xFFFFFF80];
	v15 =	vadd.f32 $0.0e+00, v50;
	v50 =	vunpack.i.l.bf16.f32 v18;
	v7 =	vadd.f32 v7, v17  }
0x120: {  	v39 =	vld [tilespmem:s30+$0x30];
	v18 =	vunpack.i.u.bf16.f32 v18;
	v48 =	vadd.f32 v44, v13;
	v11 =	vadd.f32 v52, v11  }
0x121: {  	v46 =	vld [tilespmem:s30+$0x90];
	v17 =	vunpack.i.u.bf16.f32 v47;
	v8 =	vadd.f32 v15, v8;
	v7 =	vadd.f32 v49, v7  }
0x122: {  	v47 =	vld [tilespmem:s30+$0xFFFFFF90];
	v15 =	vmul.bf16 v54, v27;
	v54 =	vmul.bf16 v32, v22;
	v11 =	vadd.f32 v11, v17  }
0x123: {  	v49 =	vld [tilespmem:s30+$0xFFFFFFD0];
	v8 =	vadd.f32 v55, v8;
	v6 =	vadd.f32 v7, v6;
	v7 =	vunpack.i.l.bf16.f32 v25  }
0x124: {  	v52 =	vadd.f32 v51, v48;
	v17 =	vld [tilespmem:s30+$0xFFFFFEF0];
	v55 =	vunpack.i.l.bf16.f32 v15;
	v7 =	vadd.f32 v7, v11  }
0x125: {  	v45 =	vld [tilespmem:s30+$0xFFFFFFC0];
	v32 =	vunpack.i.u.bf16.f32 v54;
	v8 =	vadd.f32 v8, v56;
	v11 =	vmul.bf16 v60, v57  }
0x126: {  	v15 =	vunpack.i.u.bf16.f32 v15;
	v25 =	vunpack.i.l.bf16.f32 v59;
	v59 =	vld [tilespmem:s30+$0x40];
	v7 =	vadd.f32 v7, v58  }
0x127: {  	v57 =	vld [tilespmem:s30+$0x0];
	v8 =	vadd.f32 v61, v8;
	v56 =	vunpack.i.l.bf16.f32 v11;
	v11 =	vunpack.i.u.bf16.f32 v11  }
0x128: {  	v60 =	vld [tilespmem:s30+$0x10];
	v13 =	vmul.bf16 v49, v47;
	v58 =	vadd.f32 $0.0e+00, v56;
	v7 =	vadd.f32 v25, v7  }
0x129: {  	v61 =	vld [tilespmem:s30+$0x50];
	v17 =	vmul.bf16 v17, v19;
	v8 =	vadd.f32 v8, v10;
	v25 =	vadd.f32 $0.0e+00, v36  }
0x12a: {  	v47 =	vld [tilespmem:s30+$0xD0];
	v10 =	vunpack.i.u.bf16.f32 v37;
	v51 =	vunpack.i.l.bf16.f32 v13;
	v13 =	vunpack.i.u.bf16.f32 v13  }
0x12b: {  	v56 =	vld [tilespmem:s30+$0x140];
	v11 =	vadd.f32 v58, v11;
	v36 =	vunpack.i.l.bf16.f32 v17;
	v17 =	vunpack.i.u.bf16.f32 v17  }
0x12c: {  	v37 =	vld [tilespmem:s30+$0x60];
	v23 =	vmul.bf16 v59, v57;
	v7 =	vadd.f32 v7, v26;
	v12 =	vadd.f32 v25, v12  }
0x12d: {  	v25 =	vld [tilespmem:s30+$0xFFFFFF70];
	v8 =	vadd.f32 v40, v8;
	v40 =	vmul.bf16 v45, v43;
	v11 =	vadd.f32 v62, v11  }
0x12e: {  	v43 =	vld [tilespmem:s30+$0x80];
	v49 =	vunpack.i.l.bf16.f32 v23;
	v23 =	vunpack.i.u.bf16.f32 v23;
	v12 =	vadd.f32 v41, v12  }
0x12f: {  	v45 =	vld [tilespmem:s30+$0xC0];
	v19 =	vmul.bf16 v61, v60;
	v8 =	vadd.f32 v8, v10;
	v10 =	vadd.f32 v52, v21  }
0x130: {  	v57 =	vld [tilespmem:s30+$0x110];
	v21 =	vunpack.i.l.bf16.f32 v54;
	v44 =	vunpack.i.l.bf16.f32 v40;
	v30 =	vperm.xlane v7, v0  }
0x131: {  	v58 =	vld [tilespmem:s30+$0x150];
	v11 =	vadd.f32 v11, v16;
	v16 =	vunpack.i.u.bf16.f32 v40;
	v9 =	vadd.f32 v12, v9  }
0x132: {  	v41 =	vld [tilespmem:s30+$0x70];
	v10 =	vadd.f32 v55, v10;
	v12 =	vmul.bf16 v53, v33;
	v53 =	vunpack.i.l.bf16.f32 v19  }
0x133: {  	v61 =	vld [tilespmem:s30+$0x120];
	v19 =	vunpack.i.u.bf16.f32 v19;
	v11 =	vadd.f32 v42, v11;
	v20 =	vmul.bf16 v25, v20  }
0x134: {  	v52 =	vld [tilespmem:s30+$0xE0];
	v60 =	vmul.bf16 v45, v43;
	v9 =	vadd.f32 v50, v9;
	v10 =	vadd.f32 v10, v15  }
0x135: {  	v54 =	vld [tilespmem:s30+$0x100];
	v55 =	vunpack.i.l.bf16.f32 v12;
	v15 =	vmul.bf16 v37, v63;
	v12 =	vunpack.i.u.bf16.f32 v12  }
0x136: {  	v50 =	vld [tilespmem:s30+$0xA0];
	v48 =	vunpack.i.l.bf16.f32 v20;
	v20 =	vunpack.i.u.bf16.f32 v20;
	v37 =	vunpack.i.l.bf16.f32 v60  }
0x137: {  	v40 =	vld [tilespmem:s30+$0x170];
	v39 =	vmul.bf16 v41, v39;
	v9 =	vadd.f32 v9, v18;
	v10 =	vadd.f32 v36, v10  }
0x138: {  	v18 =	vld [tilespmem:s30+$0xFFFFFFF0];
	v59 =	vunpack.i.l.bf16.f32 v15;
	v36 =	vunpack.i.u.bf16.f32 v15;
	v15 =	vadd.f32 $0.0e+00, v37  }
0x139: {  	v43 =	vld [tilespmem:s30+$0x1C0];
	v9 =	vadd.f32 v21, v9;
	v10 =	vadd.f32 v10, v17;
	v21 =	vunpack.i.u.bf16.f32 v38  }
0x13a: {  	v63 =	vld [tilespmem:s30+$0x160];
	v42 =	vunpack.i.l.bf16.f32 v39;
	v17 =	vadd.f32 $0.0e+00, v44;
	v11 =	vadd.f32 v11, v21  }
0x13b: {  	v41 =	vld [tilespmem:s30+$0x180];
	v21 =	vmul.bf16 v47, v46;
	v29 =	vmul.bf16 v52, v50;
	v9 =	vadd.f32 v9, v32  }
0x13c: {  	v38 =	vld [tilespmem:s30+$0x130];
	v16 =	vadd.f32 v17, v16;
	v17 =	vadd.f32 $0.0e+00, v49;
	v31 =	vperm.xlane v10, v0  }
0x13d: {  	v50 =	vld [tilespmem:s30+$0x1E0];
	v11 =	vadd.f32 v48, v11;
	v14 =	vmul.bf16 v18, v14;
	v44 =	vunpack.i.l.bf16.f32 v21  }
0x13e: {  	v49 =	vld [tilespmem:s30+$0x1A0];
	v21 =	vunpack.i.u.bf16.f32 v21;
	v18 =	vmul.bf16 v58, v57;
	v16 =	vadd.f32 v51, v16  }
0x13f: {  	v37 =	vld [tilespmem:s30+$0x280];
	v17 =	vadd.f32 v17, v23;
	v51 =	vunpack.i.l.bf16.f32 v29;
	v29 =	vunpack.i.u.bf16.f32 v29  }
0x140: {  	v46 =	vld [tilespmem:s30+$0x190];
	v32 =	vperm.xlane v9, v0;
	v11 =	vadd.f32 v11, v20;
	v62 =	vunpack.i.u.bf16.f32 v14  }
0x141: {  	v48 =	vld [tilespmem:s30+$0x1D0];
	v14 =	vunpack.i.l.bf16.f32 v14;
	v52 =	vunpack.i.l.bf16.f32 v18;
	v26 =	vmul.bf16 v40, v38  }
0x142: {  	v23 =	vld [tilespmem:s30+$0xF0];
	v18 =	vunpack.i.u.bf16.f32 v18;
	v13 =	vadd.f32 v16, v13;
	v16 =	vadd.f32 v53, v17  }
0x143: {  	v38 =	vld [tilespmem:s30+$0x2C0];
	v17 =	vmul.bf16 v56, v54;
	v35 =	vunpack.i.l.bf16.f32 v26;
	v20 =	vmul.bf16 v50, v49  }
0x144: {  	v40 =	vunpack.i.u.bf16.f32 v26;
	v13 =	vadd.f32 v55, v13;
	v16 =	vadd.f32 v16, v19  }
0x145: {  	v34 =	vld [tilespmem:s30+$0x260];
	v19 =	vunpack.i.u.bf16.f32 v60;
	v45 =	vunpack.i.l.bf16.f32 v17;
	v17 =	vunpack.i.u.bf16.f32 v17  }
0x146: {  	v57 =	vld [tilespmem:s30+$0x240];
	v28 =	vmul.bf16 v48, v46;
	v15 =	vadd.f32 v15, v19;
	v47 =	vadd.f32 $0.0e+00, v45  }
0x147: {  	v53 =	vld [tilespmem:s30+$0x1B0];
	v19 =	vmul.bf16 v43, v41;
	v23 =	vmul.bf16 v23, v24;
	v12 =	vadd.f32 v13, v12  }
0x148: {  	v56 =	vld [tilespmem:s30+$0x200];
	v13 =	vadd.f32 v59, v16;
	v16 =	vmul.bf16 v63, v61;
	v24 =	vmul.bf16 v38, v37  }
0x149: {  	v55 =	vld [tilespmem:s30+$0x1F0];
	v15 =	vadd.f32 v44, v15;
	v17 =	vadd.f32 v47, v17;
	v25 =	vunpack.i.l.bf16.f32 v19  }
0x14a: {  	v46 =	vld [tilespmem:s30+$0x2D0];
	v19 =	vunpack.i.u.bf16.f32 v19;
	v63 =	vunpack.i.l.bf16.f32 v23;
	v23 =	vunpack.i.u.bf16.f32 v23  }
0x14b: {  	v59 =	vld [tilespmem:s30+$0x210];
	v12 =	vadd.f32 v14, v12;
	v13 =	vadd.f32 v13, v36;
	v14 =	vunpack.i.u.bf16.f32 v39  }
0x14c: {  	v61 =	vld [tilespmem:s30+$0x250];
	v58 =	vunpack.i.l.bf16.f32 v16;
	v16 =	vunpack.i.u.bf16.f32 v16;
	v60 =	vadd.f32 $0.0e+00, v25  }
0x14d: {  	v48 =	vld [tilespmem:s30+$0x2E0];
	v36 =	vunpack.i.l.bf16.f32 v28;
	v28 =	vunpack.i.u.bf16.f32 v28;
	v50 =	vunpack.i.l.bf16.f32 v24  }
0x14e: {  	v41 =	vld [tilespmem:s30+$0x270];
	v24 =	vunpack.i.u.bf16.f32 v24;
	v15 =	vadd.f32 v15, v21;
	v54 =	vadd.f32 v52, v17  }
0x14f: {  	v44 =	vld [tilespmem:s30+$0x290];
	v17 =	vmul.bf16 v55, v53;
	v52 =	vadd.f32 $0.0e+00, v50;
	v12 =	vadd.f32 v12, v62  }
0x150: {  	v39 =	vld [tilespmem:s30+$0x230];
	v13 =	vadd.f32 v42, v13;
	v33 =	vadd.f32 v60, v19;
	v42 =	vunpack.i.l.bf16.f32 v20  }
0x151: {  	v47 =	vld [tilespmem:s30+$0x2A0];
	v20 =	vunpack.i.u.bf16.f32 v20;
	v25 =	vmul.bf16 v61, v59;
	v55 =	vunpack.i.l.bf16.f32 v17  }
0x152: {  	v62 =	vld [tilespmem:s30+$0x220];
	v22 =	vadd.f32 v52, v24;
	v17 =	vunpack.i.u.bf16.f32 v17;
	v13 =	vadd.f32 v13, v14  }
0x153: {  	v53 =	vld [tilespmem:s30+$0x2F0];
	v14 =	vadd.f32 v51, v15;
	v15 =	vadd.f32 v54, v18;
	v18 =	vmul.bf16 v57, v56  }
0x154: {  	v60 =	vld [tilespmem:s30+$0x3C0];
	v26 =	vmul.bf16 v46, v44;
	v49 =	vunpack.i.l.bf16.f32 v25;
	v25 =	vunpack.i.u.bf16.f32 v25  }
0x155: {  	v54 =	vld [tilespmem:s30+$0x300];
	v21 =	vmul.bf16 v41, v39;
	v14 =	vadd.f32 v14, v29;
	v15 =	vadd.f32 v58, v15  }
0x156: {  	v56 =	vld [tilespmem:s30+$0x340];
	v43 =	vunpack.i.l.bf16.f32 v18;
	v18 =	vunpack.i.u.bf16.f32 v18;
	v58 =	vunpack.i.l.bf16.f32 v26  }
0x157: {  	v59 =	vld [tilespmem:s30+$0x380];
	v61 =	vunpack.i.u.bf16.f32 v26;
	v45 =	vadd.f32 $0.0e+00, v43;
	v19 =	vmul.bf16 v34, v62  }
0x158: {  	v51 =	vld [tilespmem:s30+$0x2B0];
	v22 =	vadd.f32 v58, v22;
	v34 =	vunpack.i.l.bf16.f32 v21;
	v15 =	vadd.f32 v15, v16  }
0x159: {  	v62 =	vld [tilespmem:s30+$0x310];
	v21 =	vunpack.i.u.bf16.f32 v21;
	v14 =	vadd.f32 v63, v14;
	v16 =	vadd.f32 v36, v33  }
0x15a: {  	v33 =	vld [tilespmem:s30+$0x350];
	v18 =	vadd.f32 v45, v18;
	v57 =	vunpack.i.l.bf16.f32 v19;
	v63 =	vadd.f32 v22, v61  }
0x15b: {  	v44 =	vld [tilespmem:s30+$0x3A0];
	v39 =	vmul.bf16 v56, v54;
	v15 =	vadd.f32 v35, v15;
	v14 =	vadd.f32 v14, v23  }
0x15c: {  	v19 =	vunpack.i.u.bf16.f32 v19;
	v45 =	vld [tilespmem:s30+$0x3E0];
	v16 =	vadd.f32 v16, v28;
	v18 =	vadd.f32 v49, v18  }
0x15d: {  	v28 =	vunpack.i.l.bf16.f32 v39;
	v23 =	vunpack.i.u.bf16.f32 v39;
	v15 =	vadd.f32 v15, v40  }
0x15e: {  	v16 =	vadd.f32 v42, v16;
	v42 =	vmul.bf16 v53, v51;
	v28 =	vadd.f32 $0.0e+00, v28  }
0x15f: {  	v18 =	vadd.f32 v18, v25;
	v25 =	vmul.bf16 v60, v59;
	v22 =	vmul.bf16 v33, v62  }
0x160: {  	v38 =	vld [tilespmem:s30+$0x3D0];
	v62 =	vperm.xlane v6, v0;
	v33 =	vsel vm0, v9, v31;
	v16 =	vadd.f32 v16, v20  }
0x161: {  	v36 =	vld [tilespmem:s30+$0x390];
	v20 =	vmul.bf16 v48, v47;
	v47 =	vunpack.i.l.bf16.f32 v42;
	v54 =	vmul.bf16 v45, v44  }
0x162: {  	v51 =	vld [tilespmem:s30+$0x3B0];
	v23 =	vadd.f32 v28, v23;
	v28 =	vperm.xlane v5, v0;
	v39 =	vperm.xlane v15, v0  }
0x163: {  	v53 =	vld [tilespmem:s30+$0x3F0];
	v18 =	vadd.f32 v57, v18;
	v43 =	vunpack.i.l.bf16.f32 v25;
	v25 =	vunpack.i.u.bf16.f32 v25  }
0x164: {  	v49 =	vunpack.i.l.bf16.f32 v22;
	v22 =	vunpack.i.u.bf16.f32 v22;
	v5 =	vsel vm0, v5, v62  }
0x165: {  	v46 =	vld [tilespmem:s30+$0x330];
	v16 =	vadd.f32 v55, v16;
	v35 =	vunpack.i.l.bf16.f32 v20;
	v20 =	vunpack.i.u.bf16.f32 v20  }
0x166: {  	v41 =	vld [tilespmem:s30+$0x360];
	v29 =	vadd.f32 $0.0e+00, v43;
	v23 =	vadd.f32 v49, v23;
	v56 =	vunpack.i.l.bf16.f32 v54  }
0x167: {  	v40 =	vld [tilespmem:s30+$0x320];
	v58 =	vunpack.i.u.bf16.f32 v54;
	v6 =	vsel vm0, v28, v6;
	v18 =	vadd.f32 v18, v19  }
0x168: {  	v48 =	vld [tilespmem:s30+$0x370];
	v37 =	vadd.f32 v35, v63;
	v19 =	vmul.bf16 v38, v36;
	v59 =	vmul.bf16 v53, v51  }
0x169: {  	v5 =	vadd.f32 v6, v5;
	v35 =	vperm.xlane v11, v0;
	v16 =	vadd.f32 v16, v17  }
0x16a: {  	v36 =	vperm.xlane v14, v0;
	v25 =	vadd.f32 v29, v25;
	v22 =	vadd.f32 v23, v22  }
0x16b: {  	v29 =	vperm.xlane v8, v0;
	v8 =	vsel vm0, v30, v8;
	v17 =	vadd.f32 v34, v18  }
0x16c: {  	v18 =	vadd.f32 v37, v20;
	v50 =	vunpack.i.l.bf16.f32 v19;
	v20 =	vmul.bf16 v41, v40  }
0x16d: {  	v19 =	vunpack.i.u.bf16.f32 v19;
	v57 =	vmul.bf16 v48, v46;
	v61 =	vunpack.i.l.bf16.f32 v59  }
0x16e: {  	v63 =	vunpack.i.u.bf16.f32 v59;
	v34 =	vsel vm0, v32, v10;
	v10 =	vsel vm0, v35, v12  }
0x16f: {  	v37 =	vperm.xlane v13, v0;
	v9 =	vsel vm0, v13, v36;
	v52 =	vadd.f32 v50, v25  }
0x170: {  	v48 =	vperm.xlane v5, v1;
	v7 =	vsel vm0, v7, v29;
	v18 =	vadd.f32 v47, v18  }
0x171: {  	v17 =	vadd.f32 v17, v21;
	v21 =	vunpack.i.u.bf16.f32 v42;
	v19 =	vadd.f32 v52, v19  }
0x172: {  	v38 =	vperm.xlane v16, v0;
	v55 =	vunpack.i.l.bf16.f32 v20;
	v18 =	vadd.f32 v18, v21  }
0x173: {  	v20 =	vunpack.i.u.bf16.f32 v20;
	v21 =	vadd.f32 v55, v22;
	v19 =	vadd.f32 v56, v19  }
0x174: {  	v6 =	vadd.f32 v8, v7;
	v7 =	vperm.xlane v12, v0;
	v8 =	vadd.f32 v34, v33  }
0x175: {  	v60 =	vunpack.i.u.bf16.f32 v57;
	v20 =	vadd.f32 v21, v20;
	v19 =	vadd.f32 v19, v58  }
0x176: {  	v12 =	vsel vm0, v15, v38;
	v22 =	vunpack.i.l.bf16.f32 v57;
	v7 =	vsel vm0, v11, v7  }
0x177: {  	v11 =	vsel vm0, v37, v14;
	v20 =	vadd.f32 v22, v20;
	v19 =	vadd.f32 v61, v19  }
0x178: {  	v41 =	vperm.xlane v17, v0;
	v47 =	vperm.xlane v6, v1;
	v6 =	vsel vm1, v48, v6  }
0x179: {  	v50 =	vperm.xlane v8, v1;
	v20 =	vadd.f32 v20, v60;
	v19 =	vadd.f32 v19, v63  }
0x17a: {  	v7 =	vadd.f32 v10, v7;
	v10 =	vsel vm0, v39, v16;
	v40 =	vperm.xlane v18, v0  }
0x17b: {  	v9 =	vadd.f32 v11, v9;
	v43 =	vperm.xlane v20, v0;
	v42 =	vperm.xlane v19, v0  }
0x17c: {  	v10 =	vadd.f32 v10, v12;
	v45 =	vsel vm0, v41, v18;
	v5 =	vsel vm1, v5, v47  }
0x17d: {  	v44 =	vsel vm0, v17, v40;
	v11 =	vsel vm0, v43, v19;
	v46 =	vsel vm0, v20, v42  }
0x17e: {  	v49 =	vperm.xlane v7, v1;
	v12 =	vadd.f32 v45, v44;
	v11 =	vadd.f32 v11, v46  }
0x17f: {  	v52 =	vperm.xlane v9, v1;
	v7 =	vsel vm1, v50, v7;
	v51 =	vperm.xlane v10, v1  }
0x180: {  	v8 =	vsel vm1, v8, v49;
	v54 =	vperm.xlane v12, v1;
	v53 =	vperm.xlane v11, v1  }
0x181: {  	v5 =	vadd.f32 v6, v5;
	v55 =	vsel vm1, v52, v10;
	v6 =	vadd.f32 v7, v8  }
0x182: {  	v7 =	vsel vm1, v9, v51;
	v57 =	vsel vm1, v54, v11;
	v56 =	vsel vm1, v12, v53  }
0x183: {  	v7 =	vadd.f32 v55, v7;
	v58 =	vadd.f32 v57, v56  }
0x184: {  	v60 =	vperm.xlane v5, v2;
	v59 =	vperm.xlane v6, v2  }
0x185: {  	v62 =	vperm.xlane v7, v2;
	v61 =	vperm.xlane v58, v2  }
0x186: {  	v6 =	vsel vm2, v60, v6  }
0x187: {  	v5 =	vsel vm2, v5, v59;
	v8 =	vsel vm2, v62, v58;
	v7 =	vsel vm2, v7, v61  }
0x188: {  	v5 =	vadd.f32 v6, v5;
	v6 =	vadd.f32 v8, v7;
	_ =	sdelay $0x1  }
0x189: {  	v63 =	vperm.xlane v5, v3;
	v7 =	vperm.xlane v6, v3;
	_ =	sdelay $0x1  }
0x18a: {  	v6 =	vsel vm3, v63, v6;
	v5 =	vsel vm3, v5, v7  }
0x18b: {  	v5 =	vadd.f32 v6, v5;
	_ =	sdelay $0x1  }
0x18c: {  	v5 =	vsub.f32 $0.0e+00, v5;
	_ =	sdelay $0x1  }
0x18d: {  	v5 =	vmul.f32 $1.442695020e+00, v5;
	_ =	sdelay $0x1  }
0x18e: {  	(erf) = vpow2.f32 v5;
	_ =	sdelay $0x8  }
0x18f: {  	v5 =	vpop (erf)  }
0x190: {  	v5 =	vadd.f32 $1.000000000e+00, v5;
	_ =	sdelay $0x1  }
0x191: {  	(erf) = vrcp.f32 v5;
	_ =	sdelay $0x4  }
0x192: {  	p1 =	sne.s32 s29, $0xC0  }
.Ltmp3:
0x193: {  	_ = 	snop;
	(pc) =	sbr.rel @p1 .LBB2_5-.Ltmp3, $3  }
0x194: {  	_ =	sdelay $0x1  }
0x195: {  	s31 =	sshra.s32 s29, $0x2;
	v5 =	vpop (erf)  }
0x196: {  	s29 =	sadd.s32 $0x40, s29;
	s30 =	sadd.s32 $0x800, s30;
	[tilespmem:v4+s31+$0x0 ss:$0x1] =	vst.idx.msk $0xffff, v5  }
0x197: {  	s29 =	sadd.s32 @!p0 $0x280, s28;
	s30 =	simm.s32 @!p0 $0x80;
	s31 =	simm.s32 @!p0 $0x7000  }
0x198: {  	[tilespmem:s31], [sflag:$0x2] =	stream.indirect.gather @!p0 [hbm4b:s3+s30], $0x40, s29, s30, $0xb8;
	[tilespmem:$0xF800] =	vst v63  }
0x199: {  	_ =	swait.ge [sflag:s17], $0x2000  }
0x19a: {  	[sflag:s17] =	ssyncset.done $0x0  }
0x19b: {  	v4 =	vmov s22;
	s29 =	simm.s32 $0x0;
	s30 =	simm.s32 $0x9400;
	[sflag:s17] =	ssyncadd.s32 $0xFFFFE000  }
.LBB2_7:
0x19c: {  	v5 =	vld [tilespmem:s30+$0xFFFFFC00]  }
0x19d: {  	v6 =	vld [tilespmem:s30+$0xFFFFFC40]  }
0x19e: {  	v7 =	vld [tilespmem:s30+$0xFFFFFC10]  }
0x19f: {  	v8 =	vld [tilespmem:s30+$0xFFFFFC50]  }
0x1a0: {  	v9 =	vld [tilespmem:s30+$0xFFFFFC20]  }
0x1a1: {  	v10 =	vld [tilespmem:s30+$0xFFFFFC60]  }
0x1a2: {  	v11 =	vld [tilespmem:s30+$0xFFFFFC30]  }
0x1a3: {  	v12 =	vld [tilespmem:s30+$0xFFFFFC70]  }
0x1a4: {  	v13 =	vld [tilespmem:s30+$0xFFFFFC80]  }
0x1a5: {  	v14 =	vld [tilespmem:s30+$0xFFFFFCC0]  }
0x1a6: {  	v15 =	vld [tilespmem:s30+$0xFFFFFC90]  }
0x1a7: {  	v16 =	vld [tilespmem:s30+$0xFFFFFCD0]  }
0x1a8: {  	v17 =	vld [tilespmem:s30+$0xFFFFFCA0]  }
0x1a9: {  	v18 =	vld [tilespmem:s30+$0xFFFFFCE0]  }
0x1aa: {  	v19 =	vld [tilespmem:s30+$0xFFFFFCB0]  }
0x1ab: {  	v20 =	vld [tilespmem:s30+$0xFFFFFCF0]  }
0x1ac: {  	v21 =	vld [tilespmem:s30+$0xFFFFFD00]  }
0x1ad: {  	v22 =	vld [tilespmem:s30+$0xFFFFFD40]  }
0x1ae: {  	v23 =	vld [tilespmem:s30+$0xFFFFFD10]  }
0x1af: {  	v24 =	vld [tilespmem:s30+$0xFFFFFD50]  }
0x1b0: {  	v25 =	vld [tilespmem:s30+$0xFFFFFD20]  }
0x1b1: {  	v26 =	vld [tilespmem:s30+$0xFFFFFD30]  }
0x1b2: {  	v28 =	vld [tilespmem:s30+$0xFFFFFD70]  }
0x1b3: {  	v29 =	vld [tilespmem:s30+$0xFFFFFD80]  }
0x1b4: {  	v61 =	vld [tilespmem:s30+$0xFFFFFDC0]  }
0x1b5: {  	v62 =	vld [tilespmem:s30+$0xFFFFFD90]  }
0x1b6: {  	v31 =	vld [tilespmem:s30+$0xFFFFFDD0]  }
0x1b7: {  	v63 =	vld [tilespmem:s30+$0xFFFFFDA0]  }
0x1b8: {  	v36 =	vld [tilespmem:s30+$0xFFFFFDE0]  }
0x1b9: {  	v33 =	vld [tilespmem:s30+$0xFFFFFDF0]  }
0x1ba: {  	v37 =	vld [tilespmem:s30+$0xFFFFFE00];
	v5 =	vmul.bf16 v6, v5  }
0x1bb: {  	v38 =	vld [tilespmem:s30+$0xFFFFFE40];
	v7 =	vmul.bf16 v8, v7;
	v13 =	vmul.bf16 v14, v13  }
0x1bc: {  	v40 =	vld [tilespmem:s30+$0xFFFFFE10];
	v9 =	vmul.bf16 v10, v9;
	v15 =	vmul.bf16 v16, v15  }
0x1bd: {  	v42 =	vld [tilespmem:s30+$0xFFFFFE50];
	v11 =	vmul.bf16 v12, v11;
	v17 =	vmul.bf16 v18, v17  }
0x1be: {  	v46 =	vld [tilespmem:s30+$0xFFFFFE80];
	v43 =	vmul.bf16 v22, v21;
	v19 =	vmul.bf16 v20, v19  }
0x1bf: {  	v48 =	vld [tilespmem:s30+$0xFFFFFEC0];
	v8 =	vmul.bf16 v61, v29;
	v47 =	vmul.bf16 v24, v23  }
0x1c0: {  	v51 =	vld [tilespmem:s30+$0xFFFFFE90];
	v53 =	vmul.bf16 v31, v62;
	v10 =	vmul.bf16 v36, v63  }
0x1c1: {  	v34 =	vld [tilespmem:s30+$0xFFFFFED0];
	v59 =	vmul.bf16 v28, v26;
	v12 =	vmul.bf16 v38, v37  }
0x1c2: {  	v6 =	vld [tilespmem:s30+$0xFFFFFD60];
	v27 =	vunpack.i.l.bf16.f32 v5;
	v5 =	vunpack.i.u.bf16.f32 v5;
	v30 =	vunpack.i.l.bf16.f32 v7  }
0x1c3: {  	v18 =	vld [tilespmem:s30+$0xFFFFFE20];
	v7 =	vunpack.i.u.bf16.f32 v7;
	v32 =	vunpack.i.l.bf16.f32 v9;
	v9 =	vunpack.i.u.bf16.f32 v9  }
0x1c4: {  	v21 =	vld [tilespmem:s30+$0xFFFFFE60];
	v39 =	vunpack.i.l.bf16.f32 v15;
	v41 =	vunpack.i.l.bf16.f32 v11;
	v15 =	vunpack.i.u.bf16.f32 v15  }
0x1c5: {  	v62 =	vld [tilespmem:s30+$0xFFFFFF10];
	v11 =	vunpack.i.u.bf16.f32 v11;
	v44 =	vunpack.i.l.bf16.f32 v17;
	v27 =	vadd.f32 $0.0e+00, v27  }
0x1c6: {  	v63 =	vld [tilespmem:s30+$0xFFFFFF50];
	v17 =	vunpack.i.u.bf16.f32 v17;
	v45 =	vunpack.i.l.bf16.f32 v43;
	v49 =	vunpack.i.l.bf16.f32 v19  }
0x1c7: {  	v28 =	vld [tilespmem:s30+$0xFFFFFF20];
	v50 =	vunpack.i.l.bf16.f32 v8;
	v52 =	vunpack.i.l.bf16.f32 v47;
	v5 =	vadd.f32 v27, v5  }
0x1c8: {  	v38 =	vld [tilespmem:s30+$0xFFFFFF60];
	v8 =	vunpack.i.u.bf16.f32 v8;
	v55 =	vunpack.i.l.bf16.f32 v53;
	v56 =	vunpack.i.u.bf16.f32 v53  }
0x1c9: {  	v54 =	vld [tilespmem:s30+$0xFFFFFEE0];
	v61 =	vunpack.i.l.bf16.f32 v10;
	v26 =	vunpack.i.u.bf16.f32 v59;
	v5 =	vadd.f32 v30, v5  }
0x1ca: {  	v10 =	vunpack.i.u.bf16.f32 v10;
	v36 =	vunpack.i.l.bf16.f32 v12;
	v12 =	vunpack.i.u.bf16.f32 v12;
	v30 =	vld [tilespmem:s30+$0xFFFFFDB0]  }
0x1cb: {  	v57 =	vld [tilespmem:s30+$0xFFFFFF00];
	v25 =	vmul.bf16 v6, v25;
	v5 =	vadd.f32 v5, v7;
	v7 =	vunpack.i.l.bf16.f32 v13  }
0x1cc: {  	v60 =	vld [tilespmem:s30+$0xFFFFFF40];
	v6 =	vunpack.i.u.bf16.f32 v19;
	v18 =	vmul.bf16 v21, v18;
	v7 =	vadd.f32 $0.0e+00, v7  }
0x1cd: {  	v22 =	vld [tilespmem:s30+$0xFFFFFE30];
	v16 =	vmul.bf16 v63, v62;
	v38 =	vmul.bf16 v38, v28;
	v13 =	vunpack.i.u.bf16.f32 v13  }
0x1ce: {  	v20 =	vld [tilespmem:s30+$0xFFFFFF30];
	v58 =	vunpack.i.u.bf16.f32 v25;
	v5 =	vadd.f32 v32, v5;
	v7 =	vadd.f32 v7, v13  }
0x1cf: {  	v14 =	vld [tilespmem:s30+$0xFFFFFFB0];
	v62 =	vunpack.i.l.bf16.f32 v16;
	v16 =	vunpack.i.u.bf16.f32 v16;
	v37 =	vmul.bf16 v33, v30  }
0x1d0: {  	v24 =	vld [tilespmem:s30+$0xB0];
	v5 =	vadd.f32 v5, v9;
	v9 =	vmul.bf16 v42, v40;
	v7 =	vadd.f32 v39, v7  }
0x1d1: {  	v53 =	vld [tilespmem:s30+$0xFFFFFFE0];
	v39 =	vmul.bf16 v48, v46;
	v40 =	vunpack.i.l.bf16.f32 v37;
	v46 =	vmul.bf16 v34, v51  }
0x1d2: {  	v27 =	vld [tilespmem:s30+$0xFFFFFEA0];
	v5 =	vadd.f32 v41, v5;
	v41 =	vunpack.i.l.bf16.f32 v9;
	v9 =	vunpack.i.u.bf16.f32 v9  }
0x1d3: {  	v19 =	vld [tilespmem:s30+$0xFFFFFEB0];
	v7 =	vadd.f32 v7, v15;
	v15 =	vunpack.i.u.bf16.f32 v43;
	v42 =	vunpack.i.l.bf16.f32 v39  }
0x1d4: {  	v63 =	vld [tilespmem:s30+$0x20];
	v13 =	vunpack.i.u.bf16.f32 v39;
	v5 =	vadd.f32 v5, v11;
	v11 =	vadd.f32 $0.0e+00, v45  }
0x1d5: {  	v32 =	vld [tilespmem:s30+$0xFFFFFE70];
	v51 =	vunpack.i.l.bf16.f32 v46;
	v21 =	vunpack.i.u.bf16.f32 v46;
	v7 =	vadd.f32 v44, v7  }
0x1d6: {  	v33 =	vld [tilespmem:s30+$0xFFFFFFA0];
	v44 =	vadd.f32 $0.0e+00, v42;
	v42 =	vunpack.i.l.bf16.f32 v38;
	v11 =	vadd.f32 v11, v15  }
0x1d7: {  	v43 =	vld [tilespmem:s30+$0xFFFFFF80];
	v15 =	vadd.f32 $0.0e+00, v50;
	v50 =	vunpack.i.l.bf16.f32 v18;
	v7 =	vadd.f32 v7, v17  }
0x1d8: {  	v39 =	vld [tilespmem:s30+$0x30];
	v18 =	vunpack.i.u.bf16.f32 v18;
	v48 =	vadd.f32 v44, v13;
	v11 =	vadd.f32 v52, v11  }
0x1d9: {  	v46 =	vld [tilespmem:s30+$0x90];
	v17 =	vunpack.i.u.bf16.f32 v47;
	v8 =	vadd.f32 v15, v8;
	v7 =	vadd.f32 v49, v7  }
0x1da: {  	v47 =	vld [tilespmem:s30+$0xFFFFFF90];
	v15 =	vmul.bf16 v54, v27;
	v54 =	vmul.bf16 v32, v22;
	v11 =	vadd.f32 v11, v17  }
0x1db: {  	v49 =	vld [tilespmem:s30+$0xFFFFFFD0];
	v8 =	vadd.f32 v55, v8;
	v6 =	vadd.f32 v7, v6;
	v7 =	vunpack.i.l.bf16.f32 v25  }
0x1dc: {  	v52 =	vadd.f32 v51, v48;
	v17 =	vld [tilespmem:s30+$0xFFFFFEF0];
	v55 =	vunpack.i.l.bf16.f32 v15;
	v7 =	vadd.f32 v7, v11  }
0x1dd: {  	v45 =	vld [tilespmem:s30+$0xFFFFFFC0];
	v32 =	vunpack.i.u.bf16.f32 v54;
	v8 =	vadd.f32 v8, v56;
	v11 =	vmul.bf16 v60, v57  }
0x1de: {  	v15 =	vunpack.i.u.bf16.f32 v15;
	v25 =	vunpack.i.l.bf16.f32 v59;
	v59 =	vld [tilespmem:s30+$0x40];
	v7 =	vadd.f32 v7, v58  }
0x1df: {  	v57 =	vld [tilespmem:s30+$0x0];
	v8 =	vadd.f32 v61, v8;
	v56 =	vunpack.i.l.bf16.f32 v11;
	v11 =	vunpack.i.u.bf16.f32 v11  }
0x1e0: {  	v60 =	vld [tilespmem:s30+$0x10];
	v13 =	vmul.bf16 v49, v47;
	v58 =	vadd.f32 $0.0e+00, v56;
	v7 =	vadd.f32 v25, v7  }
0x1e1: {  	v61 =	vld [tilespmem:s30+$0x50];
	v17 =	vmul.bf16 v17, v19;
	v8 =	vadd.f32 v8, v10;
	v25 =	vadd.f32 $0.0e+00, v36  }
0x1e2: {  	v47 =	vld [tilespmem:s30+$0xD0];
	v10 =	vunpack.i.u.bf16.f32 v37;
	v51 =	vunpack.i.l.bf16.f32 v13;
	v13 =	vunpack.i.u.bf16.f32 v13  }
0x1e3: {  	v56 =	vld [tilespmem:s30+$0x140];
	v11 =	vadd.f32 v58, v11;
	v36 =	vunpack.i.l.bf16.f32 v17;
	v17 =	vunpack.i.u.bf16.f32 v17  }
0x1e4: {  	v37 =	vld [tilespmem:s30+$0x60];
	v23 =	vmul.bf16 v59, v57;
	v7 =	vadd.f32 v7, v26;
	v12 =	vadd.f32 v25, v12  }
0x1e5: {  	v25 =	vld [tilespmem:s30+$0xFFFFFF70];
	v8 =	vadd.f32 v40, v8;
	v40 =	vmul.bf16 v45, v43;
	v11 =	vadd.f32 v62, v11  }
0x1e6: {  	v43 =	vld [tilespmem:s30+$0x80];
	v49 =	vunpack.i.l.bf16.f32 v23;
	v23 =	vunpack.i.u.bf16.f32 v23;
	v12 =	vadd.f32 v41, v12  }
0x1e7: {  	v45 =	vld [tilespmem:s30+$0xC0];
	v19 =	vmul.bf16 v61, v60;
	v8 =	vadd.f32 v8, v10;
	v10 =	vadd.f32 v52, v21  }
0x1e8: {  	v57 =	vld [tilespmem:s30+$0x110];
	v21 =	vunpack.i.l.bf16.f32 v54;
	v44 =	vunpack.i.l.bf16.f32 v40;
	v30 =	vperm.xlane v7, v0  }
0x1e9: {  	v58 =	vld [tilespmem:s30+$0x150];
	v11 =	vadd.f32 v11, v16;
	v16 =	vunpack.i.u.bf16.f32 v40;
	v9 =	vadd.f32 v12, v9  }
0x1ea: {  	v41 =	vld [tilespmem:s30+$0x70];
	v10 =	vadd.f32 v55, v10;
	v12 =	vmul.bf16 v53, v33;
	v53 =	vunpack.i.l.bf16.f32 v19  }
0x1eb: {  	v61 =	vld [tilespmem:s30+$0x120];
	v19 =	vunpack.i.u.bf16.f32 v19;
	v11 =	vadd.f32 v42, v11;
	v20 =	vmul.bf16 v25, v20  }
0x1ec: {  	v52 =	vld [tilespmem:s30+$0xE0];
	v60 =	vmul.bf16 v45, v43;
	v9 =	vadd.f32 v50, v9;
	v10 =	vadd.f32 v10, v15  }
0x1ed: {  	v54 =	vld [tilespmem:s30+$0x100];
	v55 =	vunpack.i.l.bf16.f32 v12;
	v15 =	vmul.bf16 v37, v63;
	v12 =	vunpack.i.u.bf16.f32 v12  }
0x1ee: {  	v50 =	vld [tilespmem:s30+$0xA0];
	v48 =	vunpack.i.l.bf16.f32 v20;
	v20 =	vunpack.i.u.bf16.f32 v20;
	v37 =	vunpack.i.l.bf16.f32 v60  }
0x1ef: {  	v40 =	vld [tilespmem:s30+$0x170];
	v39 =	vmul.bf16 v41, v39;
	v9 =	vadd.f32 v9, v18;
	v10 =	vadd.f32 v36, v10  }
0x1f0: {  	v18 =	vld [tilespmem:s30+$0xFFFFFFF0];
	v59 =	vunpack.i.l.bf16.f32 v15;
	v36 =	vunpack.i.u.bf16.f32 v15;
	v15 =	vadd.f32 $0.0e+00, v37  }
0x1f1: {  	v43 =	vld [tilespmem:s30+$0x1C0];
	v9 =	vadd.f32 v21, v9;
	v10 =	vadd.f32 v10, v17;
	v21 =	vunpack.i.u.bf16.f32 v38  }
0x1f2: {  	v63 =	vld [tilespmem:s30+$0x160];
	v42 =	vunpack.i.l.bf16.f32 v39;
	v17 =	vadd.f32 $0.0e+00, v44;
	v11 =	vadd.f32 v11, v21  }
0x1f3: {  	v41 =	vld [tilespmem:s30+$0x180];
	v21 =	vmul.bf16 v47, v46;
	v29 =	vmul.bf16 v52, v50;
	v9 =	vadd.f32 v9, v32  }
0x1f4: {  	v38 =	vld [tilespmem:s30+$0x130];
	v16 =	vadd.f32 v17, v16;
	v17 =	vadd.f32 $0.0e+00, v49;
	v31 =	vperm.xlane v10, v0  }
0x1f5: {  	v50 =	vld [tilespmem:s30+$0x1E0];
	v11 =	vadd.f32 v48, v11;
	v14 =	vmul.bf16 v18, v14;
	v44 =	vunpack.i.l.bf16.f32 v21  }
0x1f6: {  	v49 =	vld [tilespmem:s30+$0x1A0];
	v21 =	vunpack.i.u.bf16.f32 v21;
	v18 =	vmul.bf16 v58, v57;
	v16 =	vadd.f32 v51, v16  }
0x1f7: {  	v37 =	vld [tilespmem:s30+$0x280];
	v17 =	vadd.f32 v17, v23;
	v51 =	vunpack.i.l.bf16.f32 v29;
	v29 =	vunpack.i.u.bf16.f32 v29  }
0x1f8: {  	v46 =	vld [tilespmem:s30+$0x190];
	v32 =	vperm.xlane v9, v0;
	v11 =	vadd.f32 v11, v20;
	v62 =	vunpack.i.u.bf16.f32 v14  }
0x1f9: {  	v48 =	vld [tilespmem:s30+$0x1D0];
	v14 =	vunpack.i.l.bf16.f32 v14;
	v52 =	vunpack.i.l.bf16.f32 v18;
	v26 =	vmul.bf16 v40, v38  }
0x1fa: {  	v23 =	vld [tilespmem:s30+$0xF0];
	v18 =	vunpack.i.u.bf16.f32 v18;
	v13 =	vadd.f32 v16, v13;
	v16 =	vadd.f32 v53, v17  }
0x1fb: {  	v38 =	vld [tilespmem:s30+$0x2C0];
	v17 =	vmul.bf16 v56, v54;
	v35 =	vunpack.i.l.bf16.f32 v26;
	v20 =	vmul.bf16 v50, v49  }
0x1fc: {  	v40 =	vunpack.i.u.bf16.f32 v26;
	v13 =	vadd.f32 v55, v13;
	v16 =	vadd.f32 v16, v19  }
0x1fd: {  	v34 =	vld [tilespmem:s30+$0x260];
	v19 =	vunpack.i.u.bf16.f32 v60;
	v45 =	vunpack.i.l.bf16.f32 v17;
	v17 =	vunpack.i.u.bf16.f32 v17  }
0x1fe: {  	v57 =	vld [tilespmem:s30+$0x240];
	v28 =	vmul.bf16 v48, v46;
	v15 =	vadd.f32 v15, v19;
	v47 =	vadd.f32 $0.0e+00, v45  }
0x1ff: {  	v53 =	vld [tilespmem:s30+$0x1B0];
	v19 =	vmul.bf16 v43, v41;
	v23 =	vmul.bf16 v23, v24;
	v12 =	vadd.f32 v13, v12  }
0x200: {  	v56 =	vld [tilespmem:s30+$0x200];
	v13 =	vadd.f32 v59, v16;
	v16 =	vmul.bf16 v63, v61;
	v24 =	vmul.bf16 v38, v37  }
0x201: {  	v55 =	vld [tilespmem:s30+$0x1F0];
	v15 =	vadd.f32 v44, v15;
	v17 =	vadd.f32 v47, v17;
	v25 =	vunpack.i.l.bf16.f32 v19  }
0x202: {  	v46 =	vld [tilespmem:s30+$0x2D0];
	v19 =	vunpack.i.u.bf16.f32 v19;
	v63 =	vunpack.i.l.bf16.f32 v23;
	v23 =	vunpack.i.u.bf16.f32 v23  }
0x203: {  	v59 =	vld [tilespmem:s30+$0x210];
	v12 =	vadd.f32 v14, v12;
	v13 =	vadd.f32 v13, v36;
	v14 =	vunpack.i.u.bf16.f32 v39  }
0x204: {  	v61 =	vld [tilespmem:s30+$0x250];
	v58 =	vunpack.i.l.bf16.f32 v16;
	v16 =	vunpack.i.u.bf16.f32 v16;
	v60 =	vadd.f32 $0.0e+00, v25  }
0x205: {  	v48 =	vld [tilespmem:s30+$0x2E0];
	v36 =	vunpack.i.l.bf16.f32 v28;
	v28 =	vunpack.i.u.bf16.f32 v28;
	v50 =	vunpack.i.l.bf16.f32 v24  }
0x206: {  	v41 =	vld [tilespmem:s30+$0x270];
	v24 =	vunpack.i.u.bf16.f32 v24;
	v15 =	vadd.f32 v15, v21;
	v54 =	vadd.f32 v52, v17  }
0x207: {  	v44 =	vld [tilespmem:s30+$0x290];
	v17 =	vmul.bf16 v55, v53;
	v52 =	vadd.f32 $0.0e+00, v50;
	v12 =	vadd.f32 v12, v62  }
0x208: {  	v39 =	vld [tilespmem:s30+$0x230];
	v13 =	vadd.f32 v42, v13;
	v33 =	vadd.f32 v60, v19;
	v42 =	vunpack.i.l.bf16.f32 v20  }
0x209: {  	v47 =	vld [tilespmem:s30+$0x2A0];
	v20 =	vunpack.i.u.bf16.f32 v20;
	v25 =	vmul.bf16 v61, v59;
	v55 =	vunpack.i.l.bf16.f32 v17  }
0x20a: {  	v62 =	vld [tilespmem:s30+$0x220];
	v22 =	vadd.f32 v52, v24;
	v17 =	vunpack.i.u.bf16.f32 v17;
	v13 =	vadd.f32 v13, v14  }
0x20b: {  	v53 =	vld [tilespmem:s30+$0x2F0];
	v14 =	vadd.f32 v51, v15;
	v15 =	vadd.f32 v54, v18;
	v18 =	vmul.bf16 v57, v56  }
0x20c: {  	v60 =	vld [tilespmem:s30+$0x3C0];
	v26 =	vmul.bf16 v46, v44;
	v49 =	vunpack.i.l.bf16.f32 v25;
	v25 =	vunpack.i.u.bf16.f32 v25  }
0x20d: {  	v54 =	vld [tilespmem:s30+$0x300];
	v21 =	vmul.bf16 v41, v39;
	v14 =	vadd.f32 v14, v29;
	v15 =	vadd.f32 v58, v15  }
0x20e: {  	v56 =	vld [tilespmem:s30+$0x340];
	v43 =	vunpack.i.l.bf16.f32 v18;
	v18 =	vunpack.i.u.bf16.f32 v18;
	v58 =	vunpack.i.l.bf16.f32 v26  }
0x20f: {  	v59 =	vld [tilespmem:s30+$0x380];
	v61 =	vunpack.i.u.bf16.f32 v26;
	v45 =	vadd.f32 $0.0e+00, v43;
	v19 =	vmul.bf16 v34, v62  }
0x210: {  	v51 =	vld [tilespmem:s30+$0x2B0];
	v22 =	vadd.f32 v58, v22;
	v34 =	vunpack.i.l.bf16.f32 v21;
	v15 =	vadd.f32 v15, v16  }
0x211: {  	v62 =	vld [tilespmem:s30+$0x310];
	v21 =	vunpack.i.u.bf16.f32 v21;
	v14 =	vadd.f32 v63, v14;
	v16 =	vadd.f32 v36, v33  }
0x212: {  	v33 =	vld [tilespmem:s30+$0x350];
	v18 =	vadd.f32 v45, v18;
	v57 =	vunpack.i.l.bf16.f32 v19;
	v63 =	vadd.f32 v22, v61  }
0x213: {  	v44 =	vld [tilespmem:s30+$0x3A0];
	v39 =	vmul.bf16 v56, v54;
	v15 =	vadd.f32 v35, v15;
	v14 =	vadd.f32 v14, v23  }
0x214: {  	v19 =	vunpack.i.u.bf16.f32 v19;
	v45 =	vld [tilespmem:s30+$0x3E0];
	v16 =	vadd.f32 v16, v28;
	v18 =	vadd.f32 v49, v18  }
0x215: {  	v28 =	vunpack.i.l.bf16.f32 v39;
	v23 =	vunpack.i.u.bf16.f32 v39;
	v15 =	vadd.f32 v15, v40  }
0x216: {  	v16 =	vadd.f32 v42, v16;
	v42 =	vmul.bf16 v53, v51;
	v28 =	vadd.f32 $0.0e+00, v28  }
0x217: {  	v18 =	vadd.f32 v18, v25;
	v25 =	vmul.bf16 v60, v59;
	v22 =	vmul.bf16 v33, v62  }
0x218: {  	v38 =	vld [tilespmem:s30+$0x3D0];
	v62 =	vperm.xlane v6, v0;
	v33 =	vsel vm0, v9, v31;
	v16 =	vadd.f32 v16, v20  }
0x219: {  	v36 =	vld [tilespmem:s30+$0x390];
	v20 =	vmul.bf16 v48, v47;
	v47 =	vunpack.i.l.bf16.f32 v42;
	v54 =	vmul.bf16 v45, v44  }
0x21a: {  	v51 =	vld [tilespmem:s30+$0x3B0];
	v23 =	vadd.f32 v28, v23;
	v28 =	vperm.xlane v5, v0;
	v39 =	vperm.xlane v15, v0  }
0x21b: {  	v53 =	vld [tilespmem:s30+$0x3F0];
	v18 =	vadd.f32 v57, v18;
	v43 =	vunpack.i.l.bf16.f32 v25;
	v25 =	vunpack.i.u.bf16.f32 v25  }
0x21c: {  	v49 =	vunpack.i.l.bf16.f32 v22;
	v22 =	vunpack.i.u.bf16.f32 v22;
	v5 =	vsel vm0, v5, v62  }
0x21d: {  	v46 =	vld [tilespmem:s30+$0x330];
	v16 =	vadd.f32 v55, v16;
	v35 =	vunpack.i.l.bf16.f32 v20;
	v20 =	vunpack.i.u.bf16.f32 v20  }
0x21e: {  	v41 =	vld [tilespmem:s30+$0x360];
	v29 =	vadd.f32 $0.0e+00, v43;
	v23 =	vadd.f32 v49, v23;
	v56 =	vunpack.i.l.bf16.f32 v54  }
0x21f: {  	v40 =	vld [tilespmem:s30+$0x320];
	v58 =	vunpack.i.u.bf16.f32 v54;
	v6 =	vsel vm0, v28, v6;
	v18 =	vadd.f32 v18, v19  }
0x220: {  	v48 =	vld [tilespmem:s30+$0x370];
	v37 =	vadd.f32 v35, v63;
	v19 =	vmul.bf16 v38, v36;
	v59 =	vmul.bf16 v53, v51  }
0x221: {  	v5 =	vadd.f32 v6, v5;
	v35 =	vperm.xlane v11, v0;
	v16 =	vadd.f32 v16, v17  }
0x222: {  	v36 =	vperm.xlane v14, v0;
	v25 =	vadd.f32 v29, v25;
	v22 =	vadd.f32 v23, v22  }
0x223: {  	v29 =	vperm.xlane v8, v0;
	v8 =	vsel vm0, v30, v8;
	v17 =	vadd.f32 v34, v18  }
0x224: {  	v18 =	vadd.f32 v37, v20;
	v50 =	vunpack.i.l.bf16.f32 v19;
	v20 =	vmul.bf16 v41, v40  }
0x225: {  	v19 =	vunpack.i.u.bf16.f32 v19;
	v57 =	vmul.bf16 v48, v46;
	v61 =	vunpack.i.l.bf16.f32 v59  }
0x226: {  	v63 =	vunpack.i.u.bf16.f32 v59;
	v34 =	vsel vm0, v32, v10;
	v10 =	vsel vm0, v35, v12  }
0x227: {  	v37 =	vperm.xlane v13, v0;
	v9 =	vsel vm0, v13, v36;
	v52 =	vadd.f32 v50, v25  }
0x228: {  	v48 =	vperm.xlane v5, v1;
	v7 =	vsel vm0, v7, v29;
	v18 =	vadd.f32 v47, v18  }
0x229: {  	v17 =	vadd.f32 v17, v21;
	v21 =	vunpack.i.u.bf16.f32 v42;
	v19 =	vadd.f32 v52, v19  }
0x22a: {  	v38 =	vperm.xlane v16, v0;
	v55 =	vunpack.i.l.bf16.f32 v20;
	v18 =	vadd.f32 v18, v21  }
0x22b: {  	v20 =	vunpack.i.u.bf16.f32 v20;
	v21 =	vadd.f32 v55, v22;
	v19 =	vadd.f32 v56, v19  }
0x22c: {  	v6 =	vadd.f32 v8, v7;
	v7 =	vperm.xlane v12, v0;
	v8 =	vadd.f32 v34, v33  }
0x22d: {  	v60 =	vunpack.i.u.bf16.f32 v57;
	v20 =	vadd.f32 v21, v20;
	v19 =	vadd.f32 v19, v58  }
0x22e: {  	v12 =	vsel vm0, v15, v38;
	v22 =	vunpack.i.l.bf16.f32 v57;
	v7 =	vsel vm0, v11, v7  }
0x22f: {  	v11 =	vsel vm0, v37, v14;
	v20 =	vadd.f32 v22, v20;
	v19 =	vadd.f32 v61, v19  }
0x230: {  	v41 =	vperm.xlane v17, v0;
	v47 =	vperm.xlane v6, v1;
	v6 =	vsel vm1, v48, v6  }
0x231: {  	v50 =	vperm.xlane v8, v1;
	v20 =	vadd.f32 v20, v60;
	v19 =	vadd.f32 v19, v63  }
0x232: {  	v7 =	vadd.f32 v10, v7;
	v10 =	vsel vm0, v39, v16;
	v40 =	vperm.xlane v18, v0  }
0x233: {  	v9 =	vadd.f32 v11, v9;
	v43 =	vperm.xlane v20, v0;
	v42 =	vperm.xlane v19, v0  }
0x234: {  	v10 =	vadd.f32 v10, v12;
	v45 =	vsel vm0, v41, v18;
	v5 =	vsel vm1, v5, v47  }
0x235: {  	v44 =	vsel vm0, v17, v40;
	v11 =	vsel vm0, v43, v19;
	v46 =	vsel vm0, v20, v42  }
0x236: {  	v49 =	vperm.xlane v7, v1;
	v12 =	vadd.f32 v45, v44;
	v11 =	vadd.f32 v11, v46  }
0x237: {  	v52 =	vperm.xlane v9, v1;
	v7 =	vsel vm1, v50, v7;
	v51 =	vperm.xlane v10, v1  }
0x238: {  	v8 =	vsel vm1, v8, v49;
	v54 =	vperm.xlane v12, v1;
	v53 =	vperm.xlane v11, v1  }
0x239: {  	v5 =	vadd.f32 v6, v5;
	v55 =	vsel vm1, v52, v10;
	v6 =	vadd.f32 v7, v8  }
0x23a: {  	v7 =	vsel vm1, v9, v51;
	v57 =	vsel vm1, v54, v11;
	v56 =	vsel vm1, v12, v53  }
0x23b: {  	v7 =	vadd.f32 v55, v7;
	v58 =	vadd.f32 v57, v56  }
0x23c: {  	v60 =	vperm.xlane v5, v2;
	v59 =	vperm.xlane v6, v2  }
0x23d: {  	v62 =	vperm.xlane v7, v2;
	v61 =	vperm.xlane v58, v2  }
0x23e: {  	v6 =	vsel vm2, v60, v6  }
0x23f: {  	v5 =	vsel vm2, v5, v59;
	v8 =	vsel vm2, v62, v58;
	v7 =	vsel vm2, v7, v61  }
0x240: {  	v5 =	vadd.f32 v6, v5;
	v6 =	vadd.f32 v8, v7;
	_ =	sdelay $0x1  }
0x241: {  	v63 =	vperm.xlane v5, v3;
	v7 =	vperm.xlane v6, v3;
	_ =	sdelay $0x1  }
0x242: {  	v6 =	vsel vm3, v63, v6;
	v5 =	vsel vm3, v5, v7  }
0x243: {  	v5 =	vadd.f32 v6, v5;
	_ =	sdelay $0x1  }
0x244: {  	v5 =	vsub.f32 $0.0e+00, v5;
	_ =	sdelay $0x1  }
0x245: {  	v5 =	vmul.f32 $1.442695020e+00, v5;
	_ =	sdelay $0x1  }
0x246: {  	(erf) = vpow2.f32 v5;
	_ =	sdelay $0x8  }
0x247: {  	v5 =	vpop (erf)  }
0x248: {  	v5 =	vadd.f32 $1.000000000e+00, v5;
	_ =	sdelay $0x1  }
0x249: {  	(erf) = vrcp.f32 v5;
	_ =	sdelay $0x4  }
0x24a: {  	p1 =	sne.s32 s29, $0xC0  }
.Ltmp4:
0x24b: {  	_ = 	snop;
	(pc) =	sbr.rel @p1 .LBB2_7-.Ltmp4, $3  }
0x24c: {  	_ =	sdelay $0x1  }
0x24d: {  	s31 =	sshra.s32 s29, $0x2;
	v5 =	vpop (erf)  }
0x24e: {  	s29 =	sadd.s32 $0x40, s29;
	s30 =	sadd.s32 $0x800, s30;
	[tilespmem:v4+s31+$0x0 ss:$0x1] =	vst.idx.msk $0xffff, v5  }
0x24f: {  	s28 =	sadd.s32 @!p0 $0x300, s28;
	s29 =	simm.s32 @!p0 $0x80;
	s30 =	simm.s32 @!p0 $0x9000  }
0x250: {  	[tilespmem:s30], [sflag:$0x3] =	stream.indirect.gather @!p0 [hbm4b:s3+s29], $0x40, s28, s29, $0xb8;
	[tilespmem:$0xF800] =	vst v63  }
0x251: {  	_ =	swait.ge [sflag:s18], $0x2000  }
0x252: {  	[sflag:s18] =	ssyncset.done $0x0  }
0x253: {  	v4 =	vmov s23;
	s28 =	simm.s32 $0x0;
	s29 =	simm.s32 $0xB400;
	[sflag:s18] =	ssyncadd.s32 $0xFFFFE000  }
.LBB2_9:
0x254: {  	v5 =	vld [tilespmem:s29+$0xFFFFFC00]  }
0x255: {  	v6 =	vld [tilespmem:s29+$0xFFFFFC40]  }
0x256: {  	v7 =	vld [tilespmem:s29+$0xFFFFFC10]  }
0x257: {  	v8 =	vld [tilespmem:s29+$0xFFFFFC50]  }
0x258: {  	v9 =	vld [tilespmem:s29+$0xFFFFFC20]  }
0x259: {  	v10 =	vld [tilespmem:s29+$0xFFFFFC60]  }
0x25a: {  	v11 =	vld [tilespmem:s29+$0xFFFFFC30]  }
0x25b: {  	v12 =	vld [tilespmem:s29+$0xFFFFFC70]  }
0x25c: {  	v13 =	vld [tilespmem:s29+$0xFFFFFC80]  }
0x25d: {  	v14 =	vld [tilespmem:s29+$0xFFFFFCC0]  }
0x25e: {  	v15 =	vld [tilespmem:s29+$0xFFFFFC90]  }
0x25f: {  	v16 =	vld [tilespmem:s29+$0xFFFFFCD0]  }
0x260: {  	v17 =	vld [tilespmem:s29+$0xFFFFFCA0]  }
0x261: {  	v18 =	vld [tilespmem:s29+$0xFFFFFCE0]  }
0x262: {  	v19 =	vld [tilespmem:s29+$0xFFFFFCB0]  }
0x263: {  	v20 =	vld [tilespmem:s29+$0xFFFFFCF0]  }
0x264: {  	v21 =	vld [tilespmem:s29+$0xFFFFFD00]  }
0x265: {  	v22 =	vld [tilespmem:s29+$0xFFFFFD40]  }
0x266: {  	v23 =	vld [tilespmem:s29+$0xFFFFFD10]  }
0x267: {  	v24 =	vld [tilespmem:s29+$0xFFFFFD50]  }
0x268: {  	v25 =	vld [tilespmem:s29+$0xFFFFFD20]  }
0x269: {  	v26 =	vld [tilespmem:s29+$0xFFFFFD30]  }
0x26a: {  	v28 =	vld [tilespmem:s29+$0xFFFFFD70]  }
0x26b: {  	v29 =	vld [tilespmem:s29+$0xFFFFFD80]  }
0x26c: {  	v61 =	vld [tilespmem:s29+$0xFFFFFDC0]  }
0x26d: {  	v62 =	vld [tilespmem:s29+$0xFFFFFD90]  }
0x26e: {  	v31 =	vld [tilespmem:s29+$0xFFFFFDD0]  }
0x26f: {  	v63 =	vld [tilespmem:s29+$0xFFFFFDA0]  }
0x270: {  	v36 =	vld [tilespmem:s29+$0xFFFFFDE0]  }
0x271: {  	v33 =	vld [tilespmem:s29+$0xFFFFFDF0]  }
0x272: {  	v37 =	vld [tilespmem:s29+$0xFFFFFE00];
	v5 =	vmul.bf16 v6, v5  }
0x273: {  	v38 =	vld [tilespmem:s29+$0xFFFFFE40];
	v7 =	vmul.bf16 v8, v7;
	v13 =	vmul.bf16 v14, v13  }
0x274: {  	v40 =	vld [tilespmem:s29+$0xFFFFFE10];
	v9 =	vmul.bf16 v10, v9;
	v15 =	vmul.bf16 v16, v15  }
0x275: {  	v42 =	vld [tilespmem:s29+$0xFFFFFE50];
	v11 =	vmul.bf16 v12, v11;
	v17 =	vmul.bf16 v18, v17  }
0x276: {  	v46 =	vld [tilespmem:s29+$0xFFFFFE80];
	v43 =	vmul.bf16 v22, v21;
	v19 =	vmul.bf16 v20, v19  }
0x277: {  	v48 =	vld [tilespmem:s29+$0xFFFFFEC0];
	v8 =	vmul.bf16 v61, v29;
	v47 =	vmul.bf16 v24, v23  }
0x278: {  	v51 =	vld [tilespmem:s29+$0xFFFFFE90];
	v53 =	vmul.bf16 v31, v62;
	v10 =	vmul.bf16 v36, v63  }
0x279: {  	v34 =	vld [tilespmem:s29+$0xFFFFFED0];
	v59 =	vmul.bf16 v28, v26;
	v12 =	vmul.bf16 v38, v37  }
0x27a: {  	v6 =	vld [tilespmem:s29+$0xFFFFFD60];
	v27 =	vunpack.i.l.bf16.f32 v5;
	v5 =	vunpack.i.u.bf16.f32 v5;
	v30 =	vunpack.i.l.bf16.f32 v7  }
0x27b: {  	v18 =	vld [tilespmem:s29+$0xFFFFFE20];
	v7 =	vunpack.i.u.bf16.f32 v7;
	v32 =	vunpack.i.l.bf16.f32 v9;
	v9 =	vunpack.i.u.bf16.f32 v9  }
0x27c: {  	v21 =	vld [tilespmem:s29+$0xFFFFFE60];
	v39 =	vunpack.i.l.bf16.f32 v15;
	v41 =	vunpack.i.l.bf16.f32 v11;
	v15 =	vunpack.i.u.bf16.f32 v15  }
0x27d: {  	v62 =	vld [tilespmem:s29+$0xFFFFFF10];
	v11 =	vunpack.i.u.bf16.f32 v11;
	v44 =	vunpack.i.l.bf16.f32 v17;
	v27 =	vadd.f32 $0.0e+00, v27  }
0x27e: {  	v63 =	vld [tilespmem:s29+$0xFFFFFF50];
	v17 =	vunpack.i.u.bf16.f32 v17;
	v45 =	vunpack.i.l.bf16.f32 v43;
	v49 =	vunpack.i.l.bf16.f32 v19  }
0x27f: {  	v28 =	vld [tilespmem:s29+$0xFFFFFF20];
	v50 =	vunpack.i.l.bf16.f32 v8;
	v52 =	vunpack.i.l.bf16.f32 v47;
	v5 =	vadd.f32 v27, v5  }
0x280: {  	v38 =	vld [tilespmem:s29+$0xFFFFFF60];
	v8 =	vunpack.i.u.bf16.f32 v8;
	v55 =	vunpack.i.l.bf16.f32 v53;
	v56 =	vunpack.i.u.bf16.f32 v53  }
0x281: {  	v54 =	vld [tilespmem:s29+$0xFFFFFEE0];
	v61 =	vunpack.i.l.bf16.f32 v10;
	v26 =	vunpack.i.u.bf16.f32 v59;
	v5 =	vadd.f32 v30, v5  }
0x282: {  	v10 =	vunpack.i.u.bf16.f32 v10;
	v36 =	vunpack.i.l.bf16.f32 v12;
	v12 =	vunpack.i.u.bf16.f32 v12;
	v30 =	vld [tilespmem:s29+$0xFFFFFDB0]  }
0x283: {  	v57 =	vld [tilespmem:s29+$0xFFFFFF00];
	v25 =	vmul.bf16 v6, v25;
	v5 =	vadd.f32 v5, v7;
	v7 =	vunpack.i.l.bf16.f32 v13  }
0x284: {  	v60 =	vld [tilespmem:s29+$0xFFFFFF40];
	v6 =	vunpack.i.u.bf16.f32 v19;
	v18 =	vmul.bf16 v21, v18;
	v7 =	vadd.f32 $0.0e+00, v7  }
0x285: {  	v22 =	vld [tilespmem:s29+$0xFFFFFE30];
	v16 =	vmul.bf16 v63, v62;
	v38 =	vmul.bf16 v38, v28;
	v13 =	vunpack.i.u.bf16.f32 v13  }
0x286: {  	v20 =	vld [tilespmem:s29+$0xFFFFFF30];
	v58 =	vunpack.i.u.bf16.f32 v25;
	v5 =	vadd.f32 v32, v5;
	v7 =	vadd.f32 v7, v13  }
0x287: {  	v14 =	vld [tilespmem:s29+$0xFFFFFFB0];
	v62 =	vunpack.i.l.bf16.f32 v16;
	v16 =	vunpack.i.u.bf16.f32 v16;
	v37 =	vmul.bf16 v33, v30  }
0x288: {  	v24 =	vld [tilespmem:s29+$0xB0];
	v5 =	vadd.f32 v5, v9;
	v9 =	vmul.bf16 v42, v40;
	v7 =	vadd.f32 v39, v7  }
0x289: {  	v53 =	vld [tilespmem:s29+$0xFFFFFFE0];
	v39 =	vmul.bf16 v48, v46;
	v40 =	vunpack.i.l.bf16.f32 v37;
	v46 =	vmul.bf16 v34, v51  }
0x28a: {  	v27 =	vld [tilespmem:s29+$0xFFFFFEA0];
	v5 =	vadd.f32 v41, v5;
	v41 =	vunpack.i.l.bf16.f32 v9;
	v9 =	vunpack.i.u.bf16.f32 v9  }
0x28b: {  	v19 =	vld [tilespmem:s29+$0xFFFFFEB0];
	v7 =	vadd.f32 v7, v15;
	v15 =	vunpack.i.u.bf16.f32 v43;
	v42 =	vunpack.i.l.bf16.f32 v39  }
0x28c: {  	v63 =	vld [tilespmem:s29+$0x20];
	v13 =	vunpack.i.u.bf16.f32 v39;
	v5 =	vadd.f32 v5, v11;
	v11 =	vadd.f32 $0.0e+00, v45  }
0x28d: {  	v32 =	vld [tilespmem:s29+$0xFFFFFE70];
	v51 =	vunpack.i.l.bf16.f32 v46;
	v21 =	vunpack.i.u.bf16.f32 v46;
	v7 =	vadd.f32 v44, v7  }
0x28e: {  	v33 =	vld [tilespmem:s29+$0xFFFFFFA0];
	v44 =	vadd.f32 $0.0e+00, v42;
	v42 =	vunpack.i.l.bf16.f32 v38;
	v11 =	vadd.f32 v11, v15  }
0x28f: {  	v43 =	vld [tilespmem:s29+$0xFFFFFF80];
	v15 =	vadd.f32 $0.0e+00, v50;
	v50 =	vunpack.i.l.bf16.f32 v18;
	v7 =	vadd.f32 v7, v17  }
0x290: {  	v39 =	vld [tilespmem:s29+$0x30];
	v18 =	vunpack.i.u.bf16.f32 v18;
	v48 =	vadd.f32 v44, v13;
	v11 =	vadd.f32 v52, v11  }
0x291: {  	v46 =	vld [tilespmem:s29+$0x90];
	v17 =	vunpack.i.u.bf16.f32 v47;
	v8 =	vadd.f32 v15, v8;
	v7 =	vadd.f32 v49, v7  }
0x292: {  	v47 =	vld [tilespmem:s29+$0xFFFFFF90];
	v15 =	vmul.bf16 v54, v27;
	v54 =	vmul.bf16 v32, v22;
	v11 =	vadd.f32 v11, v17  }
0x293: {  	v49 =	vld [tilespmem:s29+$0xFFFFFFD0];
	v8 =	vadd.f32 v55, v8;
	v6 =	vadd.f32 v7, v6;
	v7 =	vunpack.i.l.bf16.f32 v25  }
0x294: {  	v52 =	vadd.f32 v51, v48;
	v17 =	vld [tilespmem:s29+$0xFFFFFEF0];
	v55 =	vunpack.i.l.bf16.f32 v15;
	v7 =	vadd.f32 v7, v11  }
0x295: {  	v45 =	vld [tilespmem:s29+$0xFFFFFFC0];
	v32 =	vunpack.i.u.bf16.f32 v54;
	v8 =	vadd.f32 v8, v56;
	v11 =	vmul.bf16 v60, v57  }
0x296: {  	v15 =	vunpack.i.u.bf16.f32 v15;
	v25 =	vunpack.i.l.bf16.f32 v59;
	v59 =	vld [tilespmem:s29+$0x40];
	v7 =	vadd.f32 v7, v58  }
0x297: {  	v57 =	vld [tilespmem:s29+$0x0];
	v8 =	vadd.f32 v61, v8;
	v56 =	vunpack.i.l.bf16.f32 v11;
	v11 =	vunpack.i.u.bf16.f32 v11  }
0x298: {  	v60 =	vld [tilespmem:s29+$0x10];
	v13 =	vmul.bf16 v49, v47;
	v58 =	vadd.f32 $0.0e+00, v56;
	v7 =	vadd.f32 v25, v7  }
0x299: {  	v61 =	vld [tilespmem:s29+$0x50];
	v17 =	vmul.bf16 v17, v19;
	v8 =	vadd.f32 v8, v10;
	v25 =	vadd.f32 $0.0e+00, v36  }
0x29a: {  	v47 =	vld [tilespmem:s29+$0xD0];
	v10 =	vunpack.i.u.bf16.f32 v37;
	v51 =	vunpack.i.l.bf16.f32 v13;
	v13 =	vunpack.i.u.bf16.f32 v13  }
0x29b: {  	v56 =	vld [tilespmem:s29+$0x140];
	v11 =	vadd.f32 v58, v11;
	v36 =	vunpack.i.l.bf16.f32 v17;
	v17 =	vunpack.i.u.bf16.f32 v17  }
0x29c: {  	v37 =	vld [tilespmem:s29+$0x60];
	v23 =	vmul.bf16 v59, v57;
	v7 =	vadd.f32 v7, v26;
	v12 =	vadd.f32 v25, v12  }
0x29d: {  	v25 =	vld [tilespmem:s29+$0xFFFFFF70];
	v8 =	vadd.f32 v40, v8;
	v40 =	vmul.bf16 v45, v43;
	v11 =	vadd.f32 v62, v11  }
0x29e: {  	v43 =	vld [tilespmem:s29+$0x80];
	v49 =	vunpack.i.l.bf16.f32 v23;
	v23 =	vunpack.i.u.bf16.f32 v23;
	v12 =	vadd.f32 v41, v12  }
0x29f: {  	v45 =	vld [tilespmem:s29+$0xC0];
	v19 =	vmul.bf16 v61, v60;
	v8 =	vadd.f32 v8, v10;
	v10 =	vadd.f32 v52, v21  }
0x2a0: {  	v57 =	vld [tilespmem:s29+$0x110];
	v21 =	vunpack.i.l.bf16.f32 v54;
	v44 =	vunpack.i.l.bf16.f32 v40;
	v30 =	vperm.xlane v7, v0  }
0x2a1: {  	v58 =	vld [tilespmem:s29+$0x150];
	v11 =	vadd.f32 v11, v16;
	v16 =	vunpack.i.u.bf16.f32 v40;
	v9 =	vadd.f32 v12, v9  }
0x2a2: {  	v41 =	vld [tilespmem:s29+$0x70];
	v10 =	vadd.f32 v55, v10;
	v12 =	vmul.bf16 v53, v33;
	v53 =	vunpack.i.l.bf16.f32 v19  }
0x2a3: {  	v61 =	vld [tilespmem:s29+$0x120];
	v19 =	vunpack.i.u.bf16.f32 v19;
	v11 =	vadd.f32 v42, v11;
	v20 =	vmul.bf16 v25, v20  }
0x2a4: {  	v52 =	vld [tilespmem:s29+$0xE0];
	v60 =	vmul.bf16 v45, v43;
	v9 =	vadd.f32 v50, v9;
	v10 =	vadd.f32 v10, v15  }
0x2a5: {  	v54 =	vld [tilespmem:s29+$0x100];
	v55 =	vunpack.i.l.bf16.f32 v12;
	v15 =	vmul.bf16 v37, v63;
	v12 =	vunpack.i.u.bf16.f32 v12  }
0x2a6: {  	v50 =	vld [tilespmem:s29+$0xA0];
	v48 =	vunpack.i.l.bf16.f32 v20;
	v20 =	vunpack.i.u.bf16.f32 v20;
	v37 =	vunpack.i.l.bf16.f32 v60  }
0x2a7: {  	v40 =	vld [tilespmem:s29+$0x170];
	v39 =	vmul.bf16 v41, v39;
	v9 =	vadd.f32 v9, v18;
	v10 =	vadd.f32 v36, v10  }
0x2a8: {  	v18 =	vld [tilespmem:s29+$0xFFFFFFF0];
	v59 =	vunpack.i.l.bf16.f32 v15;
	v36 =	vunpack.i.u.bf16.f32 v15;
	v15 =	vadd.f32 $0.0e+00, v37  }
0x2a9: {  	v43 =	vld [tilespmem:s29+$0x1C0];
	v9 =	vadd.f32 v21, v9;
	v10 =	vadd.f32 v10, v17;
	v21 =	vunpack.i.u.bf16.f32 v38  }
0x2aa: {  	v63 =	vld [tilespmem:s29+$0x160];
	v42 =	vunpack.i.l.bf16.f32 v39;
	v17 =	vadd.f32 $0.0e+00, v44;
	v11 =	vadd.f32 v11, v21  }
0x2ab: {  	v41 =	vld [tilespmem:s29+$0x180];
	v21 =	vmul.bf16 v47, v46;
	v29 =	vmul.bf16 v52, v50;
	v9 =	vadd.f32 v9, v32  }
0x2ac: {  	v38 =	vld [tilespmem:s29+$0x130];
	v16 =	vadd.f32 v17, v16;
	v17 =	vadd.f32 $0.0e+00, v49;
	v31 =	vperm.xlane v10, v0  }
0x2ad: {  	v50 =	vld [tilespmem:s29+$0x1E0];
	v11 =	vadd.f32 v48, v11;
	v14 =	vmul.bf16 v18, v14;
	v44 =	vunpack.i.l.bf16.f32 v21  }
0x2ae: {  	v49 =	vld [tilespmem:s29+$0x1A0];
	v21 =	vunpack.i.u.bf16.f32 v21;
	v18 =	vmul.bf16 v58, v57;
	v16 =	vadd.f32 v51, v16  }
0x2af: {  	v37 =	vld [tilespmem:s29+$0x280];
	v17 =	vadd.f32 v17, v23;
	v51 =	vunpack.i.l.bf16.f32 v29;
	v29 =	vunpack.i.u.bf16.f32 v29  }
0x2b0: {  	v46 =	vld [tilespmem:s29+$0x190];
	v32 =	vperm.xlane v9, v0;
	v11 =	vadd.f32 v11, v20;
	v62 =	vunpack.i.u.bf16.f32 v14  }
0x2b1: {  	v48 =	vld [tilespmem:s29+$0x1D0];
	v14 =	vunpack.i.l.bf16.f32 v14;
	v52 =	vunpack.i.l.bf16.f32 v18;
	v26 =	vmul.bf16 v40, v38  }
0x2b2: {  	v23 =	vld [tilespmem:s29+$0xF0];
	v18 =	vunpack.i.u.bf16.f32 v18;
	v13 =	vadd.f32 v16, v13;
	v16 =	vadd.f32 v53, v17  }
0x2b3: {  	v38 =	vld [tilespmem:s29+$0x2C0];
	v17 =	vmul.bf16 v56, v54;
	v35 =	vunpack.i.l.bf16.f32 v26;
	v20 =	vmul.bf16 v50, v49  }
0x2b4: {  	v40 =	vunpack.i.u.bf16.f32 v26;
	v13 =	vadd.f32 v55, v13;
	v16 =	vadd.f32 v16, v19  }
0x2b5: {  	v34 =	vld [tilespmem:s29+$0x260];
	v19 =	vunpack.i.u.bf16.f32 v60;
	v45 =	vunpack.i.l.bf16.f32 v17;
	v17 =	vunpack.i.u.bf16.f32 v17  }
0x2b6: {  	v57 =	vld [tilespmem:s29+$0x240];
	v28 =	vmul.bf16 v48, v46;
	v15 =	vadd.f32 v15, v19;
	v47 =	vadd.f32 $0.0e+00, v45  }
0x2b7: {  	v53 =	vld [tilespmem:s29+$0x1B0];
	v19 =	vmul.bf16 v43, v41;
	v23 =	vmul.bf16 v23, v24;
	v12 =	vadd.f32 v13, v12  }
0x2b8: {  	v56 =	vld [tilespmem:s29+$0x200];
	v13 =	vadd.f32 v59, v16;
	v16 =	vmul.bf16 v63, v61;
	v24 =	vmul.bf16 v38, v37  }
0x2b9: {  	v55 =	vld [tilespmem:s29+$0x1F0];
	v15 =	vadd.f32 v44, v15;
	v17 =	vadd.f32 v47, v17;
	v25 =	vunpack.i.l.bf16.f32 v19  }
0x2ba: {  	v46 =	vld [tilespmem:s29+$0x2D0];
	v19 =	vunpack.i.u.bf16.f32 v19;
	v63 =	vunpack.i.l.bf16.f32 v23;
	v23 =	vunpack.i.u.bf16.f32 v23  }
0x2bb: {  	v59 =	vld [tilespmem:s29+$0x210];
	v12 =	vadd.f32 v14, v12;
	v13 =	vadd.f32 v13, v36;
	v14 =	vunpack.i.u.bf16.f32 v39  }
0x2bc: {  	v61 =	vld [tilespmem:s29+$0x250];
	v58 =	vunpack.i.l.bf16.f32 v16;
	v16 =	vunpack.i.u.bf16.f32 v16;
	v60 =	vadd.f32 $0.0e+00, v25  }
0x2bd: {  	v48 =	vld [tilespmem:s29+$0x2E0];
	v36 =	vunpack.i.l.bf16.f32 v28;
	v28 =	vunpack.i.u.bf16.f32 v28;
	v50 =	vunpack.i.l.bf16.f32 v24  }
0x2be: {  	v41 =	vld [tilespmem:s29+$0x270];
	v24 =	vunpack.i.u.bf16.f32 v24;
	v15 =	vadd.f32 v15, v21;
	v54 =	vadd.f32 v52, v17  }
0x2bf: {  	v44 =	vld [tilespmem:s29+$0x290];
	v17 =	vmul.bf16 v55, v53;
	v52 =	vadd.f32 $0.0e+00, v50;
	v12 =	vadd.f32 v12, v62  }
0x2c0: {  	v39 =	vld [tilespmem:s29+$0x230];
	v13 =	vadd.f32 v42, v13;
	v33 =	vadd.f32 v60, v19;
	v42 =	vunpack.i.l.bf16.f32 v20  }
0x2c1: {  	v47 =	vld [tilespmem:s29+$0x2A0];
	v20 =	vunpack.i.u.bf16.f32 v20;
	v25 =	vmul.bf16 v61, v59;
	v55 =	vunpack.i.l.bf16.f32 v17  }
0x2c2: {  	v62 =	vld [tilespmem:s29+$0x220];
	v22 =	vadd.f32 v52, v24;
	v17 =	vunpack.i.u.bf16.f32 v17;
	v13 =	vadd.f32 v13, v14  }
0x2c3: {  	v53 =	vld [tilespmem:s29+$0x2F0];
	v14 =	vadd.f32 v51, v15;
	v15 =	vadd.f32 v54, v18;
	v18 =	vmul.bf16 v57, v56  }
0x2c4: {  	v60 =	vld [tilespmem:s29+$0x3C0];
	v26 =	vmul.bf16 v46, v44;
	v49 =	vunpack.i.l.bf16.f32 v25;
	v25 =	vunpack.i.u.bf16.f32 v25  }
0x2c5: {  	v54 =	vld [tilespmem:s29+$0x300];
	v21 =	vmul.bf16 v41, v39;
	v14 =	vadd.f32 v14, v29;
	v15 =	vadd.f32 v58, v15  }
0x2c6: {  	v56 =	vld [tilespmem:s29+$0x340];
	v43 =	vunpack.i.l.bf16.f32 v18;
	v18 =	vunpack.i.u.bf16.f32 v18;
	v58 =	vunpack.i.l.bf16.f32 v26  }
0x2c7: {  	v59 =	vld [tilespmem:s29+$0x380];
	v61 =	vunpack.i.u.bf16.f32 v26;
	v45 =	vadd.f32 $0.0e+00, v43;
	v19 =	vmul.bf16 v34, v62  }
0x2c8: {  	v51 =	vld [tilespmem:s29+$0x2B0];
	v22 =	vadd.f32 v58, v22;
	v34 =	vunpack.i.l.bf16.f32 v21;
	v15 =	vadd.f32 v15, v16  }
0x2c9: {  	v62 =	vld [tilespmem:s29+$0x310];
	v21 =	vunpack.i.u.bf16.f32 v21;
	v14 =	vadd.f32 v63, v14;
	v16 =	vadd.f32 v36, v33  }
0x2ca: {  	v33 =	vld [tilespmem:s29+$0x350];
	v18 =	vadd.f32 v45, v18;
	v57 =	vunpack.i.l.bf16.f32 v19;
	v63 =	vadd.f32 v22, v61  }
0x2cb: {  	v44 =	vld [tilespmem:s29+$0x3A0];
	v39 =	vmul.bf16 v56, v54;
	v15 =	vadd.f32 v35, v15;
	v14 =	vadd.f32 v14, v23  }
0x2cc: {  	v19 =	vunpack.i.u.bf16.f32 v19;
	v45 =	vld [tilespmem:s29+$0x3E0];
	v16 =	vadd.f32 v16, v28;
	v18 =	vadd.f32 v49, v18  }
0x2cd: {  	v28 =	vunpack.i.l.bf16.f32 v39;
	v23 =	vunpack.i.u.bf16.f32 v39;
	v15 =	vadd.f32 v15, v40  }
0x2ce: {  	v16 =	vadd.f32 v42, v16;
	v42 =	vmul.bf16 v53, v51;
	v28 =	vadd.f32 $0.0e+00, v28  }
0x2cf: {  	v18 =	vadd.f32 v18, v25;
	v25 =	vmul.bf16 v60, v59;
	v22 =	vmul.bf16 v33, v62  }
0x2d0: {  	v38 =	vld [tilespmem:s29+$0x3D0];
	v62 =	vperm.xlane v6, v0;
	v33 =	vsel vm0, v9, v31;
	v16 =	vadd.f32 v16, v20  }
0x2d1: {  	v36 =	vld [tilespmem:s29+$0x390];
	v20 =	vmul.bf16 v48, v47;
	v47 =	vunpack.i.l.bf16.f32 v42;
	v54 =	vmul.bf16 v45, v44  }
0x2d2: {  	v51 =	vld [tilespmem:s29+$0x3B0];
	v23 =	vadd.f32 v28, v23;
	v28 =	vperm.xlane v5, v0;
	v39 =	vperm.xlane v15, v0  }
0x2d3: {  	v53 =	vld [tilespmem:s29+$0x3F0];
	v18 =	vadd.f32 v57, v18;
	v43 =	vunpack.i.l.bf16.f32 v25;
	v25 =	vunpack.i.u.bf16.f32 v25  }
0x2d4: {  	v49 =	vunpack.i.l.bf16.f32 v22;
	v22 =	vunpack.i.u.bf16.f32 v22;
	v5 =	vsel vm0, v5, v62  }
0x2d5: {  	v46 =	vld [tilespmem:s29+$0x330];
	v16 =	vadd.f32 v55, v16;
	v35 =	vunpack.i.l.bf16.f32 v20;
	v20 =	vunpack.i.u.bf16.f32 v20  }
0x2d6: {  	v41 =	vld [tilespmem:s29+$0x360];
	v29 =	vadd.f32 $0.0e+00, v43;
	v23 =	vadd.f32 v49, v23;
	v56 =	vunpack.i.l.bf16.f32 v54  }
0x2d7: {  	v40 =	vld [tilespmem:s29+$0x320];
	v58 =	vunpack.i.u.bf16.f32 v54;
	v6 =	vsel vm0, v28, v6;
	v18 =	vadd.f32 v18, v19  }
0x2d8: {  	v48 =	vld [tilespmem:s29+$0x370];
	v37 =	vadd.f32 v35, v63;
	v19 =	vmul.bf16 v38, v36;
	v59 =	vmul.bf16 v53, v51  }
0x2d9: {  	v5 =	vadd.f32 v6, v5;
	v35 =	vperm.xlane v11, v0;
	v16 =	vadd.f32 v16, v17  }
0x2da: {  	v36 =	vperm.xlane v14, v0;
	v25 =	vadd.f32 v29, v25;
	v22 =	vadd.f32 v23, v22  }
0x2db: {  	v29 =	vperm.xlane v8, v0;
	v8 =	vsel vm0, v30, v8;
	v17 =	vadd.f32 v34, v18  }
0x2dc: {  	v18 =	vadd.f32 v37, v20;
	v50 =	vunpack.i.l.bf16.f32 v19;
	v20 =	vmul.bf16 v41, v40  }
0x2dd: {  	v19 =	vunpack.i.u.bf16.f32 v19;
	v57 =	vmul.bf16 v48, v46;
	v61 =	vunpack.i.l.bf16.f32 v59  }
0x2de: {  	v63 =	vunpack.i.u.bf16.f32 v59;
	v34 =	vsel vm0, v32, v10;
	v10 =	vsel vm0, v35, v12  }
0x2df: {  	v37 =	vperm.xlane v13, v0;
	v9 =	vsel vm0, v13, v36;
	v52 =	vadd.f32 v50, v25  }
0x2e0: {  	v48 =	vperm.xlane v5, v1;
	v7 =	vsel vm0, v7, v29;
	v18 =	vadd.f32 v47, v18  }
0x2e1: {  	v17 =	vadd.f32 v17, v21;
	v21 =	vunpack.i.u.bf16.f32 v42;
	v19 =	vadd.f32 v52, v19  }
0x2e2: {  	v38 =	vperm.xlane v16, v0;
	v55 =	vunpack.i.l.bf16.f32 v20;
	v18 =	vadd.f32 v18, v21  }
0x2e3: {  	v20 =	vunpack.i.u.bf16.f32 v20;
	v21 =	vadd.f32 v55, v22;
	v19 =	vadd.f32 v56, v19  }
0x2e4: {  	v6 =	vadd.f32 v8, v7;
	v7 =	vperm.xlane v12, v0;
	v8 =	vadd.f32 v34, v33  }
0x2e5: {  	v60 =	vunpack.i.u.bf16.f32 v57;
	v20 =	vadd.f32 v21, v20;
	v19 =	vadd.f32 v19, v58  }
0x2e6: {  	v12 =	vsel vm0, v15, v38;
	v22 =	vunpack.i.l.bf16.f32 v57;
	v7 =	vsel vm0, v11, v7  }
0x2e7: {  	v11 =	vsel vm0, v37, v14;
	v20 =	vadd.f32 v22, v20;
	v19 =	vadd.f32 v61, v19  }
0x2e8: {  	v41 =	vperm.xlane v17, v0;
	v47 =	vperm.xlane v6, v1;
	v6 =	vsel vm1, v48, v6  }
0x2e9: {  	v50 =	vperm.xlane v8, v1;
	v20 =	vadd.f32 v20, v60;
	v19 =	vadd.f32 v19, v63  }
0x2ea: {  	v7 =	vadd.f32 v10, v7;
	v10 =	vsel vm0, v39, v16;
	v40 =	vperm.xlane v18, v0  }
0x2eb: {  	v9 =	vadd.f32 v11, v9;
	v43 =	vperm.xlane v20, v0;
	v42 =	vperm.xlane v19, v0  }
0x2ec: {  	v10 =	vadd.f32 v10, v12;
	v45 =	vsel vm0, v41, v18;
	v5 =	vsel vm1, v5, v47  }
0x2ed: {  	v44 =	vsel vm0, v17, v40;
	v11 =	vsel vm0, v43, v19;
	v46 =	vsel vm0, v20, v42  }
0x2ee: {  	v49 =	vperm.xlane v7, v1;
	v12 =	vadd.f32 v45, v44;
	v11 =	vadd.f32 v11, v46  }
0x2ef: {  	v52 =	vperm.xlane v9, v1;
	v7 =	vsel vm1, v50, v7;
	v51 =	vperm.xlane v10, v1  }
0x2f0: {  	v8 =	vsel vm1, v8, v49;
	v54 =	vperm.xlane v12, v1;
	v53 =	vperm.xlane v11, v1  }
0x2f1: {  	v5 =	vadd.f32 v6, v5;
	v55 =	vsel vm1, v52, v10;
	v6 =	vadd.f32 v7, v8  }
0x2f2: {  	v7 =	vsel vm1, v9, v51;
	v57 =	vsel vm1, v54, v11;
	v56 =	vsel vm1, v12, v53  }
0x2f3: {  	v7 =	vadd.f32 v55, v7;
	v58 =	vadd.f32 v57, v56  }
0x2f4: {  	v60 =	vperm.xlane v5, v2;
	v59 =	vperm.xlane v6, v2  }
0x2f5: {  	v62 =	vperm.xlane v7, v2;
	v61 =	vperm.xlane v58, v2  }
0x2f6: {  	v6 =	vsel vm2, v60, v6  }
0x2f7: {  	v5 =	vsel vm2, v5, v59;
	v8 =	vsel vm2, v62, v58;
	v7 =	vsel vm2, v7, v61  }
0x2f8: {  	v5 =	vadd.f32 v6, v5;
	v6 =	vadd.f32 v8, v7;
	_ =	sdelay $0x1  }
0x2f9: {  	v63 =	vperm.xlane v5, v3;
	v7 =	vperm.xlane v6, v3;
	_ =	sdelay $0x1  }
0x2fa: {  	v6 =	vsel vm3, v63, v6;
	v5 =	vsel vm3, v5, v7  }
0x2fb: {  	v5 =	vadd.f32 v6, v5;
	_ =	sdelay $0x1  }
0x2fc: {  	v5 =	vsub.f32 $0.0e+00, v5;
	_ =	sdelay $0x1  }
0x2fd: {  	v5 =	vmul.f32 $1.442695020e+00, v5;
	_ =	sdelay $0x1  }
0x2fe: {  	(erf) = vpow2.f32 v5;
	_ =	sdelay $0x8  }
0x2ff: {  	v5 =	vpop (erf)  }
0x300: {  	v5 =	vadd.f32 $1.000000000e+00, v5;
	_ =	sdelay $0x1  }
0x301: {  	(erf) = vrcp.f32 v5;
	_ =	sdelay $0x4  }
0x302: {  	p1 =	sne.s32 s28, $0xC0  }
.Ltmp5:
0x303: {  	_ = 	snop;
	(pc) =	sbr.rel @p1 .LBB2_9-.Ltmp5, $3  }
0x304: {  	_ =	sdelay $0x1  }
0x305: {  	s30 =	sshra.s32 s28, $0x2;
	v5 =	vpop (erf)  }
0x306: {  	s28 =	sadd.s32 $0x40, s28;
	s29 =	sadd.s32 $0x800, s29;
	[tilespmem:v4+s30+$0x0 ss:$0x1] =	vst.idx.msk $0xffff, v5  }
.Ltmp6:
0x307: {  	(pc) =	sbr.rel @p0 .LBB2_12-.Ltmp6, $1  }
0x308: {  	_ =	sdelay $0x3  }
.Ltmp7:
0x309: {  	(pc) =	sbr.rel .LBB2_2-.Ltmp7, $4  }
0x30a: {  	s26 =	sshrl.u32 s26, $0x2  }
0x30b: {  	s25 =	sadd.s32 $0x1, s25;
	s24 =	sadd.s32 $0x100, s24;
	s21 =	sadd.s32 $0x100, s21  }
0x30c: {  	s22 =	sadd.s32 $0x100, s22;
	s23 =	sadd.s32 $0x100, s23;
	s26 =	sadd.s32 $0x380, s26  }
0x30d: {  	[tilespmem:s14], [sflag:$0x4] =	stream.indirect.gather [hbm4b:s3+s8], $0x40, s26, s8, $0xb8;
	[tilespmem:$0xF800] =	vst v63  }
.LBB2_13:
0x30e: {  	_ =	sfence.sel $0x180000  }
0x30f: {  	[bflag:$0x0] =	sbarrier.arrive $0xFFFF  }
0x310: {  	p0 =	sne.s32 s0, $0x0;
	_ =	strace $0x90000047  }
0x311: {  	s0 =	sadd.s32 @!p0 $0x100000, s2;
	[bflag:$0x2] =	sbarrier.arrive $0xFFFF  }
0x312: {  	[sflag:s0] =	ssyncadd.tile.s32 @!p0 $0x1;
	_ =	shalt  }
.Lfunc_end2:
_tile_overlayer_lowered:
.L_overlay_start_2:
0x313: {  	(tag) =	ssettag $0x2  }
0x314: {  	s0 =	rddreg [dreg:$0x0];
	s2 =	stileid.u32  }
0x315: {  	s1 =	rddreg [dreg:$0x1];
	p0 =	sne.s32 s2, $0x0  }
0x316: {  	s3 =	rddreg [dreg:$0x2];
	[bflag:$0x3] =	sbarrier.arrive $0xFFFF;
	s2 =	simm.s32 @!p0 $0x1C05  }
0x317: {  	[timem:s3], [sflag:s2] =	dma.local @!p0 [hbm:s0], s1  }
0x318: {  	s0 =	simm.s32 @!p0 $0x5  }
0x319: {  	_ =	swait.ge @!p0 [sflag:s0], s1  }
0x31a: {  	s1 =	ssub.s32 @!p0 $0x0, s1;
	[sflag:s0] =	ssyncset.done @!p0 $0x0  }
0x31b: {  	[sflag:s0] =	ssyncadd.s32 @!p0 s1  }
0x31c: {  	[bflag:$0x3] =	sbarrier.arrive $0xFFFF  }
0x31d: {  	_ =	shalt  }

</sc_bundles>
